<compile_context>
chip_gen: v7x
topology: tpu7x:2x2x1
jax: 0.10.2.dev20260603
libtpu: 0.0.44.dev20260713+nightly
codegen_flags: <defaults>
</compile_context>

<pallas_src>
import functools

import jax
import jax.numpy as jnp
from jax import lax
from jax.experimental import pallas as pl
from jax.experimental.pallas import tpu as pltpu
from jax.experimental.pallas import tpu_sc as plsc

N = 100000
NPAD = 102400
E = 3200000
NUM_TYPES = 5
DIM_TOK = 5
SMALL = 2
CH = NUM_TYPES + DIM_TOK + SMALL
CP = 16
LANES = 128
PACK = LANES // CP
R = NPAD * CP // LANES
BR = 1600
GRID = R // BR
LAYERS = 4
NET = 3

NC, NS = 2, 16
NW = NC * NS
EPT = E // NW
CHUNK = 625
NCHUNK = EPT // CHUNK
ZR = 400
RPS = NPAD // NS
NRB = 2
NIB = 4



def _prep_body(h_ref, e_ref, m_ref):
    h = h_ref[...]
    for t in range(NET):
        m_ref[t] = jnp.maximum(h + e_ref[t], 0.0)


def _b16(x):
    return x.astype(jnp.bfloat16).astype(jnp.float32)


def _dot(a, b):
    return jax.lax.dot(_b16(a), b, precision=jax.lax.Precision.HIGHEST,
                       preferred_element_type=jnp.float32)


def _mlp(h, a_ref, w1, b1, w2, b2, sc, bt):
    z = h + a_ref[0] + a_ref[1]
    y = jnp.maximum(_dot(z, w1) + b1, 0.0)
    z2 = _dot(y, w2) + b2
    return jnp.maximum(z2 * sc + bt, 0.0)


def _update_body(h_ref, a_ref, w1_ref, b1_ref, w2_ref, b2_ref, sc_ref, bt_ref,
                 e_ref, hn_ref, m_ref):
    hn = _mlp(h_ref[...], a_ref, w1_ref[...], b1_ref[...], w2_ref[...],
              b2_ref[...], sc_ref[...], bt_ref[...])
    hn_ref[...] = hn
    for t in range(NET):
        m_ref[t] = jnp.maximum(hn + e_ref[t], 0.0)


def _final_body(h_ref, a_ref, w1_ref, b1_ref, w2_ref, b2_ref, sc_ref, bt_ref,
                wh1_ref, bh1_ref, wh2_ref, bh2_ref, o_ref):
    hn = _mlp(h_ref[...], a_ref, w1_ref[...], b1_ref[...], w2_ref[...],
              b2_ref[...], sc_ref[...], bt_ref[...])
    y = jnp.maximum(_dot(hn, wh1_ref[...]) + bh1_ref[...], 0.0)
    o_ref[...] = _dot(y, wh2_ref[...]) + bh2_ref[...]


def _row_spec():
    return pl.BlockSpec((BR, LANES), lambda i: (i, 0))


def _full(shape):
    return pl.BlockSpec(shape, lambda i: tuple(0 for _ in shape))


_M_SPEC = pl.BlockSpec((NET, BR, LANES), lambda i: (0, i, 0))
_A_SPEC = pl.BlockSpec((2, BR, LANES), lambda i: (0, i, 0))
_W_SPEC = _full((LANES, LANES))
_V_SPEC = _full((1, LANES))
_E_SPEC = _full((NET, LANES))

_prep_call = pl.pallas_call(
    _prep_body,
    grid=(GRID,),
    in_specs=[_row_spec(), _E_SPEC],
    out_specs=_M_SPEC,
    out_shape=jax.ShapeDtypeStruct((NET, R, LANES), jnp.float32),
)

_update_call = pl.pallas_call(
    _update_body,
    grid=(GRID,),
    in_specs=[_row_spec(), _A_SPEC, _W_SPEC, _V_SPEC, _W_SPEC, _V_SPEC,
              _V_SPEC, _V_SPEC, _E_SPEC],
    out_specs=[_row_spec(), _M_SPEC],
    out_shape=[jax.ShapeDtypeStruct((R, LANES), jnp.float32),
               jax.ShapeDtypeStruct((NET, R, LANES), jnp.float32)],
)

_final_call = pl.pallas_call(
    _final_body,
    grid=(GRID,),
    in_specs=[_row_spec(), _A_SPEC, _W_SPEC, _V_SPEC, _W_SPEC, _V_SPEC,
              _V_SPEC, _V_SPEC, _W_SPEC, _V_SPEC, _W_SPEC, _V_SPEC],
    out_specs=_row_spec(),
    out_shape=jax.ShapeDtypeStruct((R, LANES), jnp.float32),
)


EB = 640000
EGRID = E // EB


def _eprep_body(ei_ref, et_ref, g_ref, d_ref):
    src = ei_ref[0]
    dst = ei_ref[1]
    g_ref[...] = et_ref[...] * NPAD + src
    d_ref[...] = dst


_eprep_call = pl.pallas_call(
    _eprep_body,
    grid=(EGRID,),
    in_specs=[pl.BlockSpec((2, EB), lambda i: (0, i)),
              pl.BlockSpec((EB,), lambda i: (i,))],
    out_specs=[pl.BlockSpec((EB,), lambda i: (i,)),
               pl.BlockSpec((EB,), lambda i: (i,))],
    out_shape=[jax.ShapeDtypeStruct((E,), jnp.int32),
               jax.ShapeDtypeStruct((E,), jnp.int32)],
)



def _sc_aggr_body(m_hbm, g_hbm, d_hbm, out_hbm, gsl, dsl, rows, aggr_sh,
                  semi, semg, sems, semz):
    cid = lax.axis_index("c")
    sid = lax.axis_index("s")
    wid = sid * NC + cid

    def _zrow(i, c):
        rows[0, i, :] = jnp.zeros((16,), jnp.float32)
        return c
    lax.fori_loop(0, ZR, _zrow, 0)
    rbase = sid * RPS

    def _zcopy(k, c):
        pltpu.async_copy(rows.at[0, pl.ds(0, ZR)],
                         aggr_sh.at[pl.ds(rbase + k * ZR, ZR)], semz)
        return c
    lax.fori_loop(0, RPS // ZR, _zcopy, 0)

    def _zdrain(k, c):
        pltpu.make_async_copy(rows.at[0, pl.ds(0, ZR)],
                              aggr_sh.at[pl.ds(rbase + k * ZR, ZR)],
                              semz).wait()
        return c
    lax.fori_loop(0, RPS // ZR, _zdrain, 0)
    plsc.subcore_barrier()

    cbase = wid * NCHUNK

    def idx_start(j, b):
        pltpu.async_copy(g_hbm.at[cbase + j], gsl.at[b], semi)
        pltpu.async_copy(d_hbm.at[cbase + j], dsl.at[b], semi)

    def idx_wait(b):
        pltpu.make_async_copy(g_hbm.at[0], gsl.at[b], semi).wait()
        pltpu.make_async_copy(d_hbm.at[0], dsl.at[b], semi).wait()

    def gather_start(b, bi):
        pltpu.async_copy(m_hbm.at[gsl.at[bi]], rows.at[b], semg)

    def gather_wait(b, bi):
        pltpu.make_async_copy(m_hbm.at[gsl.at[bi]], rows.at[b], semg).wait()

    def scat_start(b, bi):
        pltpu.async_copy(rows.at[b], aggr_sh.at[dsl.at[bi]], sems, add=True)

    def scat_wait(b, bi):
        pltpu.make_async_copy(rows.at[b], aggr_sh.at[dsl.at[bi]], sems).wait()

    idx_start(0, 0)
    idx_start(1, 1)
    idx_wait(0)
    gather_start(0, 0)

    def _quad(t, c):
        for k in range(4):
            j = t * 4 + k
            b = k % NRB
            bi = k % NIB



            @pl.when(j + 1 < NCHUNK)
            def _():
                idx_wait((bi + 1) % NIB)
                gather_start(1 - b, (bi + 1) % NIB)

            gather_wait(b, bi)

            @pl.when(j + 2 < NCHUNK)
            def _():
                idx_start(j + 2, (bi + 2) % NIB)
        return c
    lax.fori_loop(0, NCHUNK // 4, _quad, 0)
    plsc.subcore_barrier()

    ND = RPS // ZR

    def dA_start(k, b):
        pltpu.async_copy(aggr_sh.at[pl.ds(rbase + k * ZR, ZR)],
                         rows.at[b, pl.ds(0, ZR)], semz)

    def dA_wait(k, b):
        pltpu.make_async_copy(aggr_sh.at[pl.ds(rbase + k * ZR, ZR)],
                              rows.at[b, pl.ds(0, ZR)], semz).wait()

    def dB_start(k, b):
        pltpu.async_copy(rows.at[b, pl.ds(0, ZR)],
                         out_hbm.at[cid, pl.ds(rbase + k * ZR, ZR)], semg)

    def dB_wait(k, b):
        pltpu.make_async_copy(rows.at[b, pl.ds(0, ZR)],
                              out_hbm.at[cid, pl.ds(rbase + k * ZR, ZR)],
                              semg).wait()

    dA_start(0, 0)

    def _dump(t, c):
        for kk in range(2):
            k = t * 2 + kk
            dA_wait(k, kk)
            dB_start(k, kk)

            @pl.when(k >= 1)
            def _():
                dB_wait(k - 1, 1 - kk)

            @pl.when(k + 1 < ND)
            def _():
                dA_start(k + 1, 1 - kk)
        return c
    lax.fori_loop(0, ND // 2, _dump, 0)
    dB_wait(ND - 1, (ND - 1) % 2)


_sc_aggr_cache = []


def _sc_aggr(*args):
    if not _sc_aggr_cache:
        _sc_aggr_cache.append(functools.partial(
            pl.kernel,
            out_type=jax.ShapeDtypeStruct((2, NPAD, CP), jnp.float32),
            mesh=plsc.VectorSubcoreMesh(core_axis_name="c",
                                        subcore_axis_name="s",
                                        num_cores=NC, num_subcores=NS),
            scratch_types=[
                pltpu.VMEM((NIB, CHUNK), jnp.int32),
                pltpu.VMEM((NIB, CHUNK), jnp.int32),
                pltpu.VMEM((NRB, CHUNK, CP), jnp.float32),
                pltpu.VMEM_SHARED((NPAD, CP), jnp.float32),
                pltpu.SemaphoreType.DMA,
                pltpu.SemaphoreType.DMA,
                pltpu.SemaphoreType.DMA,
                pltpu.SemaphoreType.DMA,
            ],
            compiler_params=pltpu.CompilerParams(use_tc_tiling_on_sc=False),
        )(_sc_aggr_body))
    return _sc_aggr_cache[0](*args)



def _pad16(w):
    out = jnp.zeros(w.shape[:-1] + (CP,), jnp.float32)
    return lax.dynamic_update_slice(out, w, (0,) * w.ndim)


def _bdiag(w12):
    wp = jnp.zeros((CP, CP), jnp.float32).at[:w12.shape[0], :w12.shape[1]].set(w12)
    return jnp.kron(jnp.eye(PACK, dtype=jnp.float32), wp)


def _vtile(v):
    return jnp.tile(_pad16(v), PACK).reshape(1, LANES)


def kernel(x_type, x_tok, x_small, edge_type, edge_index, batch,
           W1, b1, W2, b2, We, be, gamma, beta, Wh1, bh1, Wh2, bh2):
    ch5 = jnp.arange(NUM_TYPES, dtype=x_type.dtype)[None, :]
    h_type = (x_type == ch5).astype(jnp.float32)
    xk = jnp.clip(x_tok, 0, DIM_TOK - 1)
    h_tok = (xk == ch5).astype(jnp.float32)
    h0 = jnp.concatenate([h_type, h_tok, x_small], axis=1)
    h = jnp.pad(_pad16(h0), ((0, NPAD - N), (0, 0))).reshape(R, LANES)

    gidx, dst = _eprep_call(edge_index.astype(jnp.int32),
                            edge_type.astype(jnp.int32))
    g2 = gidx.reshape(E // CHUNK, CHUNK)
    d2 = dst.reshape(E // CHUNK, CHUNK)

    bn_scale = gamma / jnp.sqrt(1.0 + 1e-5)
    w1t = [_bdiag(_b16(W1[l])) for l in range(LAYERS)]
    w2t = [_bdiag(_b16(W2[l])) for l in range(LAYERS)]
    b1t = [_vtile(b1[l]) for l in range(LAYERS)]
    b2t = [_vtile(b2[l]) for l in range(LAYERS)]
    sct = [_vtile(bn_scale[l]) for l in range(LAYERS)]
    btt = [_vtile(beta[l]) for l in range(LAYERS)]
    ett = [jnp.tile(_pad16(_b16(We[l]) + be[l][None, :]), (1, PACK))
           for l in range(LAYERS)]
    wh1t = _bdiag(_b16(Wh1))
    bh1t = _vtile(bh1)
    wh2t = _bdiag(_b16(Wh2))
    bh2t = _vtile(bh2)

    M = _prep_call(h, ett[0])
    for l in range(LAYERS):
        aggr = _sc_aggr(M.reshape(NET * NPAD, CP), g2, d2)
        af = aggr.reshape(2, R, LANES)
        if l + 1 < LAYERS:
            h, M = _update_call(h, af, w1t[l], b1t[l], w2t[l], b2t[l],
                                sct[l], btt[l], ett[l + 1])
        else:
            of = _final_call(h, af, w1t[l], b1t[l], w2t[l], b2t[l],
                             sct[l], btt[l], wh1t, bh1t, wh2t, bh2t)
    return of.reshape(NPAD, CP)[:N, :2]

# --- scband reference (transcript-rebuilt; emitter-appended) ---
"""Pipeline reference for scband-gineno-emb-66254165508839 (READ-ONLY COPY).

The authoritative reference and input builder live on the scoring server;
editing this copy changes nothing except your own understanding.
"""

import jax, jax.numpy as jnp
import numpy as np

N = 100000
E = 3200000
NUM_TYPES = 5
TOK_DIM = 4
DIM_TOK = TOK_DIM + 1
SMALL = 2
CH = NUM_TYPES + DIM_TOK + SMALL
LAYERS = 4
NUM_EDGE_TYPES = 3
NUM_GRAPHS = 64


def setup_inputs(seed: int = 0):
    key = jax.random.key(seed)
    ks = jax.random.split(key, 16)
    s = 1.0 / np.sqrt(CH)
    return {
        'x_type': jax.random.randint(ks[0], (N, 1), 0, NUM_TYPES),
        'x_tok': jax.random.randint(ks[1], (N, 1), 0, DIM_TOK),
        'x_small': jax.random.normal(ks[2], (N, SMALL), dtype=jnp.float32),
        'edge_type': jax.random.randint(ks[3], (E,), 0, NUM_EDGE_TYPES),
        'edge_index': jax.random.randint(ks[4], (2, E), 0, N),
        'batch': jnp.sort(jax.random.randint(ks[5], (N,), 0, NUM_GRAPHS)),
        'W1': jax.random.normal(ks[6], (LAYERS, CH, CH), dtype=jnp.float32) * s,
        'b1': jnp.zeros((LAYERS, CH), dtype=jnp.float32),
        'W2': jax.random.normal(ks[7], (LAYERS, CH, CH), dtype=jnp.float32) * s,
        'b2': jnp.zeros((LAYERS, CH), dtype=jnp.float32),
        'We': jax.random.normal(ks[8], (LAYERS, NUM_EDGE_TYPES, CH), dtype=jnp.float32) * s,
        'be': jnp.zeros((LAYERS, CH), dtype=jnp.float32),
        'gamma': jnp.ones((LAYERS, CH), dtype=jnp.float32),
        'beta': jnp.zeros((LAYERS, CH), dtype=jnp.float32),
        'Wh1': jax.random.normal(ks[9], (CH, CH), dtype=jnp.float32) * s,
        'bh1': jnp.zeros((CH,), dtype=jnp.float32),
        'Wh2': jax.random.normal(ks[10], (CH, 2), dtype=jnp.float32) * s,
        'bh2': jnp.zeros((2,), dtype=jnp.float32),
    }


def reference(x_type, x_tok, x_small, edge_type, edge_index, batch, W1, b1, W2, b2, We, be, gamma, beta, Wh1, bh1, Wh2, bh2):
    # build_features
    h_type = jax.nn.one_hot(x_type[:, 0], NUM_TYPES, dtype=jnp.float32)
    xk = jnp.clip(x_tok[:, 0], 0, DIM_TOK - 1)
    h_tok = jax.nn.one_hot(xk, DIM_TOK, dtype=jnp.float32)
    h = jnp.concatenate([h_type, h_tok, x_small], axis=1)
    eattr = jax.nn.one_hot(edge_type, NUM_EDGE_TYPES, dtype=jnp.float32)
    src, dst = edge_index[0], edge_index[1]
    for l in range(LAYERS):
        # GINEConv: message = relu(x_j + lin_e(edge_attr)), aggregate=sum, out = mlp((1+eps)*x + aggr), eps=0
        e = eattr @ We[l] + be[l]
        msg = jax.nn.relu(h[src] + e)
        aggr = jax.ops.segment_sum(msg, dst, num_segments=N)
        z = h + aggr
        z = jax.nn.relu(z @ W1[l] + b1[l]) @ W2[l] + b2[l]
        # BatchNorm1d in eval mode: running_mean=0, running_var=1
        z = z * (gamma[l] / jnp.sqrt(1.0 + 1e-5)) + beta[l]
        h = jax.nn.relu(z)  # dropout is identity in eval
    # global_mean_pool computed (but unused by the original head output)
    cnt = jax.ops.segment_sum(jnp.ones((N,), jnp.float32), batch, num_segments=NUM_GRAPHS)
    hg = jax.ops.segment_sum(h, batch, num_segments=NUM_GRAPHS) / jnp.maximum(cnt, 1.0)[:, None]
    out = jax.nn.relu(h @ Wh1 + bh1) @ Wh2 + bh2
    return out

if __name__ == "__main__":
    import jax
    _d = setup_inputs()
    print(jax.jit(kernel)(*tuple(_d.values())))

</pallas_src>

<mosaic_0001>
#map = affine_map<(d0, d1) -> (0, 0)>
#map1 = affine_map<(d0, d1) -> (0, 0, 0)>
module attributes {stable_mosaic.version = 14 : i64} {
  func.func @_sc_aggr_body(%arg0: i32, %arg1: i32, %arg2: memref<307200x16xf32, #tpu.memory_space<hbm>>, %arg3: memref<5120x625xi32, #tpu.memory_space<hbm>>, %arg4: memref<5120x625xi32, #tpu.memory_space<hbm>>, %arg5: memref<2x102400x16xf32, #tpu.memory_space<hbm>>, %arg6: memref<4x625xi32, #tpu.memory_space<vmem>>, %arg7: memref<4x625xi32, #tpu.memory_space<vmem>>, %arg8: memref<2x625x16xf32, #tpu.memory_space<vmem>>, %arg9: memref<102400x16xf32, #tpu.memory_space<vmem_shared>>, %arg10: memref<!tpu.dma_semaphore, #tpu.memory_space<semaphore_mem>>, %arg11: memref<!tpu.dma_semaphore, #tpu.memory_space<semaphore_mem>>, %arg12: memref<!tpu.dma_semaphore, #tpu.memory_space<semaphore_mem>>, %arg13: memref<!tpu.dma_semaphore, #tpu.memory_space<semaphore_mem>>) attributes {dimension_semantics = [#tpu.dimension_semantics<core_parallel>, #tpu.dimension_semantics<subcore_parallel>], iteration_bounds = array<i64: 2, 16>, scalar_prefetch = 0 : i64, scratch_operands = 8 : i64, tpu.core_type = #tpu.core_type<sc_vector_subcore>, window_params = [{transform_indices = #map}, {transform_indices = #map}, {transform_indices = #map}, {transform_indices = #map1}]} {
    %mul3A = arith.constant 2 : i32
    %mul3A_0 = arith.muli %arg1, %mul3A : i32
    %add3A = arith.addi %mul3A_0, %arg0 : i32
    %scan3A = arith.constant 0 : i32
    %scan3A_1 = arith.constant 0 : i32
    %scan3A_2 = arith.constant 400 : i32
    %scan3A_3 = arith.addi %scan3A_1, %scan3A_2 : i32
    %scan3A_4 = arith.constant 1 : i32
    scf.for %scan3A_165 = %scan3A_1 to %scan3A_3 step %scan3A_4  : i32 {
      %broadcast_in_dim3A = arith.constant 0.000000e+00 : f32
      %broadcast_in_dim3A_166 = vector.broadcast %broadcast_in_dim3A : f32 to vector<16xf32>
      %swap3A = arith.constant 0 : i32
      %swap3A_167 = arith.index_cast %swap3A : i32 to index
      %swap3A_168 = arith.index_cast %scan3A_165 : i32 to index
      %swap3A_169 = arith.constant 0 : index
      %swap3A_170 = tpu.vector_load %arg8[%swap3A_167, %swap3A_168, %swap3A_169] {strides = array<i32>} : memref<2x625x16xf32, #tpu.memory_space<vmem>>, vector<1x1x16xf32>,
      %swap3A_171 = vector.shape_cast %swap3A_170 : vector<1x1x16xf32> to vector<16xf32>
      %swap3A_172 = vector.shape_cast %broadcast_in_dim3A_166 : vector<16xf32> to vector<1x1x16xf32>
      tpu.vector_store %arg8[%swap3A_167, %swap3A_168, %swap3A_169], %swap3A_172 {strides = array<i32>} : memref<2x625x16xf32, #tpu.memory_space<vmem>>, vector<1x1x16xf32>,
    }
    %scan3A_5 = arith.constant 400 : i32
    %mul3A_6 = arith.constant 6400 : i32
    %mul3A_7 = arith.muli %arg1, %mul3A_6 : i32
    %scan3A_8 = arith.constant 0 : i32
    %scan3A_9 = arith.constant 0 : i32
    %scan3A_10 = arith.constant 16 : i32
    %scan3A_11 = arith.addi %scan3A_9, %scan3A_10 : i32
    %scan3A_12 = arith.constant 1 : i32
    scf.for %scan3A_165 = %scan3A_9 to %scan3A_11 step %scan3A_12  : i32 {
      %mul3A_166 = arith.constant 400 : i32
      %mul3A_167 = arith.muli %scan3A_165, %mul3A_166 : i32
      %add3A_168 = arith.addi %mul3A_7, %mul3A_167 : i32
      %dma_start3A_169 = arith.constant 0 : i32
      %dma_start3A_170 = arith.constant 0 : i32
      %dma_start3A_171 = arith.constant 0 : i32
      %dma_start3A_172 = tpu.memref_slice %arg8[%dma_start3A_169, %dma_start3A_170, %dma_start3A_171] : memref<2x625x16xf32, #tpu.memory_space<vmem>> -> memref<1x400x16xf32, #tpu.memory_space<vmem>>
      %dma_start3A_173 = tpu.memref_squeeze %dma_start3A_172 : memref<1x400x16xf32, #tpu.memory_space<vmem>> -> memref<400x16xf32, #tpu.memory_space<vmem>>
      %dma_start3A_174 = arith.constant 0 : i32
      %dma_start3A_175 = tpu.memref_slice %arg9[%add3A_168, %dma_start3A_174] : memref<102400x16xf32, #tpu.memory_space<vmem_shared>> -> memref<400x16xf32, #tpu.memory_space<vmem_shared>>
      %dma_start3A_176 = arith.constant 0 : i32
      %dma_start3A_177 = tpu.memref_slice %arg9[%add3A_168, %dma_start3A_176] : memref<102400x16xf32, #tpu.memory_space<vmem_shared>> -> memref<400x16xf32, #tpu.memory_space<vmem_shared>>
      %dma_start3A_178 = arith.constant 0 : i32
      %dma_start3A_179 = arith.constant 0 : i32
      %dma_start3A_180 = tpu.memref_slice %arg8[%dma_start3A_169, %dma_start3A_178, %dma_start3A_179] : memref<2x625x16xf32, #tpu.memory_space<vmem>> -> memref<1x400x16xf32, #tpu.memory_space<vmem>>
      %dma_start3A_181 = tpu.memref_squeeze %dma_start3A_180 : memref<1x400x16xf32, #tpu.memory_space<vmem>> -> memref<400x16xf32, #tpu.memory_space<vmem>>
      tpu.enqueue_dma source(%dma_start3A_181 : memref<400x16xf32, #tpu.memory_space<vmem>>) target(%dma_start3A_177 : memref<400x16xf32, #tpu.memory_space<vmem_shared>>) target_semaphore(%arg13 : memref<!tpu.dma_semaphore, #tpu.memory_space<semaphore_mem>>)
    }
    %scan3A_13 = arith.constant 16 : i32
    %scan3A_14 = arith.constant 0 : i32
    %scan3A_15 = arith.constant 0 : i32
    %scan3A_16 = arith.constant 16 : i32
    %scan3A_17 = arith.addi %scan3A_15, %scan3A_16 : i32
    %scan3A_18 = arith.constant 1 : i32
    scf.for %scan3A_165 = %scan3A_15 to %scan3A_17 step %scan3A_18  : i32 {
      %mul3A_166 = arith.constant 400 : i32
      %mul3A_167 = arith.muli %scan3A_165, %mul3A_166 : i32
      %add3A_168 = arith.addi %mul3A_7, %mul3A_167 : i32
      %dma_wait3A_169 = arith.constant 0 : i32
      %dma_wait3A_170 = arith.constant 0 : i32
      %dma_wait3A_171 = arith.constant 0 : i32
      %dma_wait3A_172 = tpu.memref_slice %arg8[%dma_wait3A_169, %dma_wait3A_170, %dma_wait3A_171] : memref<2x625x16xf32, #tpu.memory_space<vmem>> -> memref<1x400x16xf32, #tpu.memory_space<vmem>>
      %dma_wait3A_173 = tpu.memref_squeeze %dma_wait3A_172 : memref<1x400x16xf32, #tpu.memory_space<vmem>> -> memref<400x16xf32, #tpu.memory_space<vmem>>
      %dma_wait3A_174 = arith.constant 0 : i32
      %dma_wait3A_175 = tpu.memref_slice %arg9[%add3A_168, %dma_wait3A_174] : memref<102400x16xf32, #tpu.memory_space<vmem_shared>> -> memref<400x16xf32, #tpu.memory_space<vmem_shared>>
      %dma_wait3A_176 = arith.constant 0 : i32
      %dma_wait3A_177 = tpu.memref_slice %arg9[%add3A_168, %dma_wait3A_176] : memref<102400x16xf32, #tpu.memory_space<vmem_shared>> -> memref<400x16xf32, #tpu.memory_space<vmem_shared>>
      %dma_wait3A_178 = arith.constant 0 : i32
      %dma_wait3A_179 = arith.constant 0 : i32
      %dma_wait3A_180 = tpu.memref_slice %arg8[%dma_wait3A_169, %dma_wait3A_178, %dma_wait3A_179] : memref<2x625x16xf32, #tpu.memory_space<vmem>> -> memref<1x400x16xf32, #tpu.memory_space<vmem>>
      %dma_wait3A_181 = tpu.memref_squeeze %dma_wait3A_180 : memref<1x400x16xf32, #tpu.memory_space<vmem>> -> memref<400x16xf32, #tpu.memory_space<vmem>>
      tpu.wait_dma2 semaphore(%arg13 : memref<!tpu.dma_semaphore, #tpu.memory_space<semaphore_mem>>) src(%dma_wait3A_181 : memref<400x16xf32, #tpu.memory_space<vmem>>) dst(%dma_wait3A_177 : memref<400x16xf32, #tpu.memory_space<vmem_shared>>)
    }
    %scan3A_19 = arith.constant 16 : i32
    %barrier3A = arith.constant 0 : index
    tpu.barrier barrier_id(%barrier3A)
    %mul3A_20 = arith.constant 160 : i32
    %mul3A_21 = arith.muli %add3A, %mul3A_20 : i32
    %add3A_22 = arith.constant 0 : i32
    %add3A_23 = arith.addi %mul3A_21, %add3A_22 : i32
    %dma_start3A = arith.constant 0 : i32
    %dma_start3A_24 = arith.constant 0 : i32
    %dma_start3A_25 = tpu.memref_slice %arg6[%dma_start3A, %dma_start3A_24] : memref<4x625xi32, #tpu.memory_space<vmem>> -> memref<1x625xi32, #tpu.memory_space<vmem>>
    %dma_start3A_26 = tpu.memref_squeeze %dma_start3A_25 : memref<1x625xi32, #tpu.memory_space<vmem>> -> memref<625xi32, #tpu.memory_space<vmem>>
    %dma_start3A_27 = arith.constant 0 : i32
    %dma_start3A_28 = tpu.memref_slice %arg3[%add3A_23, %dma_start3A_27] : memref<5120x625xi32, #tpu.memory_space<hbm>> -> memref<1x625xi32, #tpu.memory_space<hbm>>
    %dma_start3A_29 = tpu.memref_squeeze %dma_start3A_28 : memref<1x625xi32, #tpu.memory_space<hbm>> -> memref<625xi32, #tpu.memory_space<hbm>>
    %dma_start3A_30 = arith.constant 0 : i32
    %dma_start3A_31 = tpu.memref_slice %arg6[%dma_start3A, %dma_start3A_30] : memref<4x625xi32, #tpu.memory_space<vmem>> -> memref<1x625xi32, #tpu.memory_space<vmem>>
    %dma_start3A_32 = tpu.memref_squeeze %dma_start3A_31 : memref<1x625xi32, #tpu.memory_space<vmem>> -> memref<625xi32, #tpu.memory_space<vmem>>
    %dma_start3A_33 = arith.constant 0 : i32
    %dma_start3A_34 = tpu.memref_slice %arg3[%add3A_23, %dma_start3A_33] : memref<5120x625xi32, #tpu.memory_space<hbm>> -> memref<1x625xi32, #tpu.memory_space<hbm>>
    %dma_start3A_35 = tpu.memref_squeeze %dma_start3A_34 : memref<1x625xi32, #tpu.memory_space<hbm>> -> memref<625xi32, #tpu.memory_space<hbm>>
    tpu.enqueue_dma source(%dma_start3A_35 : memref<625xi32, #tpu.memory_space<hbm>>) target(%dma_start3A_32 : memref<625xi32, #tpu.memory_space<vmem>>) target_semaphore(%arg10 : memref<!tpu.dma_semaphore, #tpu.memory_space<semaphore_mem>>)
    %add3A_36 = arith.constant 0 : i32
    %add3A_37 = arith.addi %mul3A_21, %add3A_36 : i32
    %dma_start3A_38 = arith.constant 0 : i32
    %dma_start3A_39 = arith.constant 0 : i32
    %dma_start3A_40 = tpu.memref_slice %arg7[%dma_start3A_38, %dma_start3A_39] : memref<4x625xi32, #tpu.memory_space<vmem>> -> memref<1x625xi32, #tpu.memory_space<vmem>>
    %dma_start3A_41 = tpu.memref_squeeze %dma_start3A_40 : memref<1x625xi32, #tpu.memory_space<vmem>> -> memref<625xi32, #tpu.memory_space<vmem>>
    %dma_start3A_42 = arith.constant 0 : i32
    %dma_start3A_43 = tpu.memref_slice %arg4[%add3A_37, %dma_start3A_42] : memref<5120x625xi32, #tpu.memory_space<hbm>> -> memref<1x625xi32, #tpu.memory_space<hbm>>
    %dma_start3A_44 = tpu.memref_squeeze %dma_start3A_43 : memref<1x625xi32, #tpu.memory_space<hbm>> -> memref<625xi32, #tpu.memory_space<hbm>>
    %dma_start3A_45 = arith.constant 0 : i32
    %dma_start3A_46 = tpu.memref_slice %arg7[%dma_start3A_38, %dma_start3A_45] : memref<4x625xi32, #tpu.memory_space<vmem>> -> memref<1x625xi32, #tpu.memory_space<vmem>>
    %dma_start3A_47 = tpu.memref_squeeze %dma_start3A_46 : memref<1x625xi32, #tpu.memory_space<vmem>> -> memref<625xi32, #tpu.memory_space<vmem>>
    %dma_start3A_48 = arith.constant 0 : i32
    %dma_start3A_49 = tpu.memref_slice %arg4[%add3A_37, %dma_start3A_48] : memref<5120x625xi32, #tpu.memory_space<hbm>> -> memref<1x625xi32, #tpu.memory_space<hbm>>
    %dma_start3A_50 = tpu.memref_squeeze %dma_start3A_49 : memref<1x625xi32, #tpu.memory_space<hbm>> -> memref<625xi32, #tpu.memory_space<hbm>>
    tpu.enqueue_dma source(%dma_start3A_50 : memref<625xi32, #tpu.memory_space<hbm>>) target(%dma_start3A_47 : memref<625xi32, #tpu.memory_space<vmem>>) target_semaphore(%arg10 : memref<!tpu.dma_semaphore, #tpu.memory_space<semaphore_mem>>)
    %add3A_51 = arith.constant 1 : i32
    %add3A_52 = arith.addi %mul3A_21, %add3A_51 : i32
    %dma_start3A_53 = arith.constant 1 : i32
    %dma_start3A_54 = arith.constant 0 : i32
    %dma_start3A_55 = tpu.memref_slice %arg6[%dma_start3A_53, %dma_start3A_54] : memref<4x625xi32, #tpu.memory_space<vmem>> -> memref<1x625xi32, #tpu.memory_space<vmem>>
    %dma_start3A_56 = tpu.memref_squeeze %dma_start3A_55 : memref<1x625xi32, #tpu.memory_space<vmem>> -> memref<625xi32, #tpu.memory_space<vmem>>
    %dma_start3A_57 = arith.constant 0 : i32
    %dma_start3A_58 = tpu.memref_slice %arg3[%add3A_52, %dma_start3A_57] : memref<5120x625xi32, #tpu.memory_space<hbm>> -> memref<1x625xi32, #tpu.memory_space<hbm>>
    %dma_start3A_59 = tpu.memref_squeeze %dma_start3A_58 : memref<1x625xi32, #tpu.memory_space<hbm>> -> memref<625xi32, #tpu.memory_space<hbm>>
    %dma_start3A_60 = arith.constant 0 : i32
    %dma_start3A_61 = tpu.memref_slice %arg6[%dma_start3A_53, %dma_start3A_60] : memref<4x625xi32, #tpu.memory_space<vmem>> -> memref<1x625xi32, #tpu.memory_space<vmem>>
    %dma_start3A_62 = tpu.memref_squeeze %dma_start3A_61 : memref<1x625xi32, #tpu.memory_space<vmem>> -> memref<625xi32, #tpu.memory_space<vmem>>
    %dma_start3A_63 = arith.constant 0 : i32
    %dma_start3A_64 = tpu.memref_slice %arg3[%add3A_52, %dma_start3A_63] : memref<5120x625xi32, #tpu.memory_space<hbm>> -> memref<1x625xi32, #tpu.memory_space<hbm>>
    %dma_start3A_65 = tpu.memref_squeeze %dma_start3A_64 : memref<1x625xi32, #tpu.memory_space<hbm>> -> memref<625xi32, #tpu.memory_space<hbm>>
    tpu.enqueue_dma source(%dma_start3A_65 : memref<625xi32, #tpu.memory_space<hbm>>) target(%dma_start3A_62 : memref<625xi32, #tpu.memory_space<vmem>>) target_semaphore(%arg10 : memref<!tpu.dma_semaphore, #tpu.memory_space<semaphore_mem>>)
    %add3A_66 = arith.constant 1 : i32
    %add3A_67 = arith.addi %mul3A_21, %add3A_66 : i32
    %dma_start3A_68 = arith.constant 1 : i32
    %dma_start3A_69 = arith.constant 0 : i32
    %dma_start3A_70 = tpu.memref_slice %arg7[%dma_start3A_68, %dma_start3A_69] : memref<4x625xi32, #tpu.memory_space<vmem>> -> memref<1x625xi32, #tpu.memory_space<vmem>>
    %dma_start3A_71 = tpu.memref_squeeze %dma_start3A_70 : memref<1x625xi32, #tpu.memory_space<vmem>> -> memref<625xi32, #tpu.memory_space<vmem>>
    %dma_start3A_72 = arith.constant 0 : i32
    %dma_start3A_73 = tpu.memref_slice %arg4[%add3A_67, %dma_start3A_72] : memref<5120x625xi32, #tpu.memory_space<hbm>> -> memref<1x625xi32, #tpu.memory_space<hbm>>
    %dma_start3A_74 = tpu.memref_squeeze %dma_start3A_73 : memref<1x625xi32, #tpu.memory_space<hbm>> -> memref<625xi32, #tpu.memory_space<hbm>>
    %dma_start3A_75 = arith.constant 0 : i32
    %dma_start3A_76 = tpu.memref_slice %arg7[%dma_start3A_68, %dma_start3A_75] : memref<4x625xi32, #tpu.memory_space<vmem>> -> memref<1x625xi32, #tpu.memory_space<vmem>>
    %dma_start3A_77 = tpu.memref_squeeze %dma_start3A_76 : memref<1x625xi32, #tpu.memory_space<vmem>> -> memref<625xi32, #tpu.memory_space<vmem>>
    %dma_start3A_78 = arith.constant 0 : i32
    %dma_start3A_79 = tpu.memref_slice %arg4[%add3A_67, %dma_start3A_78] : memref<5120x625xi32, #tpu.memory_space<hbm>> -> memref<1x625xi32, #tpu.memory_space<hbm>>
    %dma_start3A_80 = tpu.memref_squeeze %dma_start3A_79 : memref<1x625xi32, #tpu.memory_space<hbm>> -> memref<625xi32, #tpu.memory_space<hbm>>
    tpu.enqueue_dma source(%dma_start3A_80 : memref<625xi32, #tpu.memory_space<hbm>>) target(%dma_start3A_77 : memref<625xi32, #tpu.memory_space<vmem>>) target_semaphore(%arg10 : memref<!tpu.dma_semaphore, #tpu.memory_space<semaphore_mem>>)
    %dma_wait3A = arith.constant 0 : i32
    %dma_wait3A_81 = arith.constant 0 : i32
    %dma_wait3A_82 = arith.constant 0 : i32
    %dma_wait3A_83 = tpu.memref_slice %arg6[%dma_wait3A_81, %dma_wait3A_82] : memref<4x625xi32, #tpu.memory_space<vmem>> -> memref<1x625xi32, #tpu.memory_space<vmem>>
    %dma_wait3A_84 = tpu.memref_squeeze %dma_wait3A_83 : memref<1x625xi32, #tpu.memory_space<vmem>> -> memref<625xi32, #tpu.memory_space<vmem>>
    %dma_wait3A_85 = arith.constant 0 : i32
    %dma_wait3A_86 = tpu.memref_slice %arg3[%dma_wait3A, %dma_wait3A_85] : memref<5120x625xi32, #tpu.memory_space<hbm>> -> memref<1x625xi32, #tpu.memory_space<hbm>>
    %dma_wait3A_87 = tpu.memref_squeeze %dma_wait3A_86 : memref<1x625xi32, #tpu.memory_space<hbm>> -> memref<625xi32, #tpu.memory_space<hbm>>
    %dma_wait3A_88 = arith.constant 0 : i32
    %dma_wait3A_89 = tpu.memref_slice %arg6[%dma_wait3A_81, %dma_wait3A_88] : memref<4x625xi32, #tpu.memory_space<vmem>> -> memref<1x625xi32, #tpu.memory_space<vmem>>
    %dma_wait3A_90 = tpu.memref_squeeze %dma_wait3A_89 : memref<1x625xi32, #tpu.memory_space<vmem>> -> memref<625xi32, #tpu.memory_space<vmem>>
    %dma_wait3A_91 = arith.constant 0 : i32
    %dma_wait3A_92 = tpu.memref_slice %arg3[%dma_wait3A, %dma_wait3A_91] : memref<5120x625xi32, #tpu.memory_space<hbm>> -> memref<1x625xi32, #tpu.memory_space<hbm>>
    %dma_wait3A_93 = tpu.memref_squeeze %dma_wait3A_92 : memref<1x625xi32, #tpu.memory_space<hbm>> -> memref<625xi32, #tpu.memory_space<hbm>>
    tpu.wait_dma2 semaphore(%arg10 : memref<!tpu.dma_semaphore, #tpu.memory_space<semaphore_mem>>) src(%dma_wait3A_93 : memref<625xi32, #tpu.memory_space<hbm>>) dst(%dma_wait3A_90 : memref<625xi32, #tpu.memory_space<vmem>>)
    %dma_wait3A_94 = arith.constant 0 : i32
    %dma_wait3A_95 = arith.constant 0 : i32
    %dma_wait3A_96 = arith.constant 0 : i32
    %dma_wait3A_97 = tpu.memref_slice %arg7[%dma_wait3A_95, %dma_wait3A_96] : memref<4x625xi32, #tpu.memory_space<vmem>> -> memref<1x625xi32, #tpu.memory_space<vmem>>
    %dma_wait3A_98 = tpu.memref_squeeze %dma_wait3A_97 : memref<1x625xi32, #tpu.memory_space<vmem>> -> memref<625xi32, #tpu.memory_space<vmem>>
    %dma_wait3A_99 = arith.constant 0 : i32
    %dma_wait3A_100 = tpu.memref_slice %arg4[%dma_wait3A_94, %dma_wait3A_99] : memref<5120x625xi32, #tpu.memory_space<hbm>> -> memref<1x625xi32, #tpu.memory_space<hbm>>
    %dma_wait3A_101 = tpu.memref_squeeze %dma_wait3A_100 : memref<1x625xi32, #tpu.memory_space<hbm>> -> memref<625xi32, #tpu.memory_space<hbm>>
    %dma_wait3A_102 = arith.constant 0 : i32
    %dma_wait3A_103 = tpu.memref_slice %arg7[%dma_wait3A_95, %dma_wait3A_102] : memref<4x625xi32, #tpu.memory_space<vmem>> -> memref<1x625xi32, #tpu.memory_space<vmem>>
    %dma_wait3A_104 = tpu.memref_squeeze %dma_wait3A_103 : memref<1x625xi32, #tpu.memory_space<vmem>> -> memref<625xi32, #tpu.memory_space<vmem>>
    %dma_wait3A_105 = arith.constant 0 : i32
    %dma_wait3A_106 = tpu.memref_slice %arg4[%dma_wait3A_94, %dma_wait3A_105] : memref<5120x625xi32, #tpu.memory_space<hbm>> -> memref<1x625xi32, #tpu.memory_space<hbm>>
    %dma_wait3A_107 = tpu.memref_squeeze %dma_wait3A_106 : memref<1x625xi32, #tpu.memory_space<hbm>> -> memref<625xi32, #tpu.memory_space<hbm>>
    tpu.wait_dma2 semaphore(%arg10 : memref<!tpu.dma_semaphore, #tpu.memory_space<semaphore_mem>>) src(%dma_wait3A_107 : memref<625xi32, #tpu.memory_space<hbm>>) dst(%dma_wait3A_104 : memref<625xi32, #tpu.memory_space<vmem>>)
    %dma_start3A_108 = arith.constant 0 : i32
    %dma_start3A_109 = arith.constant 0 : i32
    %dma_start3A_110 = arith.constant 0 : i32
    %dma_start3A_111 = arith.constant 0 : i32
    %dma_start3A_112 = tpu.memref_slice %arg8[%dma_start3A_109, %dma_start3A_110, %dma_start3A_111] : memref<2x625x16xf32, #tpu.memory_space<vmem>> -> memref<1x625x16xf32, #tpu.memory_space<vmem>>
    %dma_start3A_113 = tpu.memref_squeeze %dma_start3A_112 : memref<1x625x16xf32, #tpu.memory_space<vmem>> -> memref<625x16xf32, #tpu.memory_space<vmem>>
    %dma_start3A_114 = arith.constant 0 : i32
    %dma_start3A_115 = tpu.memref_slice %arg6[%dma_start3A_108, %dma_start3A_114] : memref<4x625xi32, #tpu.memory_space<vmem>> -> memref<1x625xi32, #tpu.memory_space<vmem>>
    %dma_start3A_116 = tpu.memref_squeeze %dma_start3A_115 : memref<1x625xi32, #tpu.memory_space<vmem>> -> memref<625xi32, #tpu.memory_space<vmem>>
    %dma_start3A_117 = arith.constant 0 : i32
    %dma_start3A_118 = arith.constant 0 : i32
    %dma_start3A_119 = tpu.memref_slice %arg2[%dma_start3A_117, %dma_start3A_118] : memref<307200x16xf32, #tpu.memory_space<hbm>> -> memref<307200x16xf32, #tpu.memory_space<hbm>>
    tpu.enqueue_indirect_dma source(%dma_start3A_119 : memref<307200x16xf32, #tpu.memory_space<hbm>>) target(%dma_start3A_113 : memref<625x16xf32, #tpu.memory_space<vmem>>) offsets(%dma_start3A_116 : memref<625xi32, #tpu.memory_space<vmem>>) semaphore(%arg11 : memref<!tpu.dma_semaphore, #tpu.memory_space<semaphore_mem>>)
    %scan3A_120 = arith.constant 0 : i32
    %scan3A_121 = arith.constant 0 : i32
    %scan3A_122 = arith.constant 40 : i32
    %scan3A_123 = arith.addi %scan3A_121, %scan3A_122 : i32
    %scan3A_124 = arith.constant 1 : i32
    scf.for %scan3A_165 = %scan3A_121 to %scan3A_123 step %scan3A_124  : i32 {
      %mul3A_166 = arith.constant 4 : i32
      %mul3A_167 = arith.muli %scan3A_165, %mul3A_166 : i32
      %add3A_168 = arith.constant 0 : i32
      %add3A_169 = arith.addi %mul3A_167, %add3A_168 : i32
      %add3A_170 = arith.constant 1 : i32
      %add3A_171 = arith.addi %add3A_169, %add3A_170 : i32
      %lt3A = arith.constant 160 : i32
      %lt3A_172 = arith.cmpi slt, %add3A_171, %lt3A : i32
      %convert_element_type3A = arith.extui %lt3A_172 : i1 to i32
      %cond3A = arith.constant 0 : i32
      %cond3A_173 = arith.cmpi ne, %convert_element_type3A, %cond3A : i32
      scf.if %cond3A_173 {
        %dma_wait3A_283 = arith.constant 0 : i32
        %dma_wait3A_284 = arith.constant 1 : i32
        %dma_wait3A_285 = arith.constant 0 : i32
        %dma_wait3A_286 = tpu.memref_slice %arg6[%dma_wait3A_284, %dma_wait3A_285] : memref<4x625xi32, #tpu.memory_space<vmem>> -> memref<1x625xi32, #tpu.memory_space<vmem>>
        %dma_wait3A_287 = tpu.memref_squeeze %dma_wait3A_286 : memref<1x625xi32, #tpu.memory_space<vmem>> -> memref<625xi32, #tpu.memory_space<vmem>>
        %dma_wait3A_288 = arith.constant 0 : i32
        %dma_wait3A_289 = tpu.memref_slice %arg3[%dma_wait3A_283, %dma_wait3A_288] : memref<5120x625xi32, #tpu.memory_space<hbm>> -> memref<1x625xi32, #tpu.memory_space<hbm>>
        %dma_wait3A_290 = tpu.memref_squeeze %dma_wait3A_289 : memref<1x625xi32, #tpu.memory_space<hbm>> -> memref<625xi32, #tpu.memory_space<hbm>>
        %dma_wait3A_291 = arith.constant 0 : i32
        %dma_wait3A_292 = tpu.memref_slice %arg6[%dma_wait3A_284, %dma_wait3A_291] : memref<4x625xi32, #tpu.memory_space<vmem>> -> memref<1x625xi32, #tpu.memory_space<vmem>>
        %dma_wait3A_293 = tpu.memref_squeeze %dma_wait3A_292 : memref<1x625xi32, #tpu.memory_space<vmem>> -> memref<625xi32, #tpu.memory_space<vmem>>
        %dma_wait3A_294 = arith.constant 0 : i32
        %dma_wait3A_295 = tpu.memref_slice %arg3[%dma_wait3A_283, %dma_wait3A_294] : memref<5120x625xi32, #tpu.memory_space<hbm>> -> memref<1x625xi32, #tpu.memory_space<hbm>>
        %dma_wait3A_296 = tpu.memref_squeeze %dma_wait3A_295 : memref<1x625xi32, #tpu.memory_space<hbm>> -> memref<625xi32, #tpu.memory_space<hbm>>
        tpu.wait_dma2 semaphore(%arg10 : memref<!tpu.dma_semaphore, #tpu.memory_space<semaphore_mem>>) src(%dma_wait3A_296 : memref<625xi32, #tpu.memory_space<hbm>>) dst(%dma_wait3A_293 : memref<625xi32, #tpu.memory_space<vmem>>)
        %dma_wait3A_297 = arith.constant 0 : i32
        %dma_wait3A_298 = arith.constant 1 : i32
        %dma_wait3A_299 = arith.constant 0 : i32
        %dma_wait3A_300 = tpu.memref_slice %arg7[%dma_wait3A_298, %dma_wait3A_299] : memref<4x625xi32, #tpu.memory_space<vmem>> -> memref<1x625xi32, #tpu.memory_space<vmem>>
        %dma_wait3A_301 = tpu.memref_squeeze %dma_wait3A_300 : memref<1x625xi32, #tpu.memory_space<vmem>> -> memref<625xi32, #tpu.memory_space<vmem>>
        %dma_wait3A_302 = arith.constant 0 : i32
        %dma_wait3A_303 = tpu.memref_slice %arg4[%dma_wait3A_297, %dma_wait3A_302] : memref<5120x625xi32, #tpu.memory_space<hbm>> -> memref<1x625xi32, #tpu.memory_space<hbm>>
        %dma_wait3A_304 = tpu.memref_squeeze %dma_wait3A_303 : memref<1x625xi32, #tpu.memory_space<hbm>> -> memref<625xi32, #tpu.memory_space<hbm>>
        %dma_wait3A_305 = arith.constant 0 : i32
        %dma_wait3A_306 = tpu.memref_slice %arg7[%dma_wait3A_298, %dma_wait3A_305] : memref<4x625xi32, #tpu.memory_space<vmem>> -> memref<1x625xi32, #tpu.memory_space<vmem>>
        %dma_wait3A_307 = tpu.memref_squeeze %dma_wait3A_306 : memref<1x625xi32, #tpu.memory_space<vmem>> -> memref<625xi32, #tpu.memory_space<vmem>>
        %dma_wait3A_308 = arith.constant 0 : i32
        %dma_wait3A_309 = tpu.memref_slice %arg4[%dma_wait3A_297, %dma_wait3A_308] : memref<5120x625xi32, #tpu.memory_space<hbm>> -> memref<1x625xi32, #tpu.memory_space<hbm>>
        %dma_wait3A_310 = tpu.memref_squeeze %dma_wait3A_309 : memref<1x625xi32, #tpu.memory_space<hbm>> -> memref<625xi32, #tpu.memory_space<hbm>>
        tpu.wait_dma2 semaphore(%arg10 : memref<!tpu.dma_semaphore, #tpu.memory_space<semaphore_mem>>) src(%dma_wait3A_310 : memref<625xi32, #tpu.memory_space<hbm>>) dst(%dma_wait3A_307 : memref<625xi32, #tpu.memory_space<vmem>>)
        %dma_start3A_311 = arith.constant 1 : i32
        %dma_start3A_312 = arith.constant 1 : i32
        %dma_start3A_313 = arith.constant 0 : i32
        %dma_start3A_314 = arith.constant 0 : i32
        %dma_start3A_315 = tpu.memref_slice %arg8[%dma_start3A_312, %dma_start3A_313, %dma_start3A_314] : memref<2x625x16xf32, #tpu.memory_space<vmem>> -> memref<1x625x16xf32, #tpu.memory_space<vmem>>
        %dma_start3A_316 = tpu.memref_squeeze %dma_start3A_315 : memref<1x625x16xf32, #tpu.memory_space<vmem>> -> memref<625x16xf32, #tpu.memory_space<vmem>>
        %dma_start3A_317 = arith.constant 0 : i32
        %dma_start3A_318 = tpu.memref_slice %arg6[%dma_start3A_311, %dma_start3A_317] : memref<4x625xi32, #tpu.memory_space<vmem>> -> memref<1x625xi32, #tpu.memory_space<vmem>>
        %dma_start3A_319 = tpu.memref_squeeze %dma_start3A_318 : memref<1x625xi32, #tpu.memory_space<vmem>> -> memref<625xi32, #tpu.memory_space<vmem>>
        %dma_start3A_320 = arith.constant 0 : i32
        %dma_start3A_321 = arith.constant 0 : i32
        %dma_start3A_322 = tpu.memref_slice %arg2[%dma_start3A_320, %dma_start3A_321] : memref<307200x16xf32, #tpu.memory_space<hbm>> -> memref<307200x16xf32, #tpu.memory_space<hbm>>
        tpu.enqueue_indirect_dma source(%dma_start3A_322 : memref<307200x16xf32, #tpu.memory_space<hbm>>) target(%dma_start3A_316 : memref<625x16xf32, #tpu.memory_space<vmem>>) offsets(%dma_start3A_319 : memref<625xi32, #tpu.memory_space<vmem>>) semaphore(%arg11 : memref<!tpu.dma_semaphore, #tpu.memory_space<semaphore_mem>>)
      } else {
      }
      %dma_wait3A_174 = arith.constant 0 : i32
      %dma_wait3A_175 = arith.constant 0 : i32
      %dma_wait3A_176 = arith.constant 0 : i32
      %dma_wait3A_177 = arith.constant 0 : i32
      %dma_wait3A_178 = tpu.memref_slice %arg8[%dma_wait3A_175, %dma_wait3A_176, %dma_wait3A_177] : memref<2x625x16xf32, #tpu.memory_space<vmem>> -> memref<1x625x16xf32, #tpu.memory_space<vmem>>
      %dma_wait3A_179 = tpu.memref_squeeze %dma_wait3A_178 : memref<1x625x16xf32, #tpu.memory_space<vmem>> -> memref<625x16xf32, #tpu.memory_space<vmem>>
      %dma_wait3A_180 = arith.constant 0 : i32
      %dma_wait3A_181 = tpu.memref_slice %arg6[%dma_wait3A_174, %dma_wait3A_180] : memref<4x625xi32, #tpu.memory_space<vmem>> -> memref<1x625xi32, #tpu.memory_space<vmem>>
      %dma_wait3A_182 = tpu.memref_squeeze %dma_wait3A_181 : memref<1x625xi32, #tpu.memory_space<vmem>> -> memref<625xi32, #tpu.memory_space<vmem>>
      %dma_wait3A_183 = arith.constant 0 : i32
      %dma_wait3A_184 = arith.constant 0 : i32
      %dma_wait3A_185 = tpu.memref_slice %arg2[%dma_wait3A_183, %dma_wait3A_184] : memref<307200x16xf32, #tpu.memory_space<hbm>> -> memref<307200x16xf32, #tpu.memory_space<hbm>>
      tpu.wait_indirect_dma semaphore(%arg11 : memref<!tpu.dma_semaphore, #tpu.memory_space<semaphore_mem>>) src(%dma_wait3A_185 : memref<307200x16xf32, #tpu.memory_space<hbm>>) dst(%dma_wait3A_179 : memref<625x16xf32, #tpu.memory_space<vmem>>)
      %add3A_186 = arith.constant 2 : i32
      %add3A_187 = arith.addi %add3A_169, %add3A_186 : i32
      %lt3A_188 = arith.constant 160 : i32
      %lt3A_189 = arith.cmpi slt, %add3A_187, %lt3A_188 : i32
      %convert_element_type3A_190 = arith.extui %lt3A_189 : i1 to i32
      %cond3A_191 = arith.constant 0 : i32
      %cond3A_192 = arith.cmpi ne, %convert_element_type3A_190, %cond3A_191 : i32
      scf.if %cond3A_192 {
        %add3A_283 = arith.constant 2 : i32
        %add3A_284 = arith.addi %add3A_169, %add3A_283 : i32
        %add3A_285 = arith.addi %mul3A_21, %add3A_284 : i32
        %dma_start3A_286 = arith.constant 2 : i32
        %dma_start3A_287 = arith.constant 0 : i32
        %dma_start3A_288 = tpu.memref_slice %arg6[%dma_start3A_286, %dma_start3A_287] : memref<4x625xi32, #tpu.memory_space<vmem>> -> memref<1x625xi32, #tpu.memory_space<vmem>>
        %dma_start3A_289 = tpu.memref_squeeze %dma_start3A_288 : memref<1x625xi32, #tpu.memory_space<vmem>> -> memref<625xi32, #tpu.memory_space<vmem>>
        %dma_start3A_290 = arith.constant 0 : i32
        %dma_start3A_291 = tpu.memref_slice %arg3[%add3A_285, %dma_start3A_290] : memref<5120x625xi32, #tpu.memory_space<hbm>> -> memref<1x625xi32, #tpu.memory_space<hbm>>
        %dma_start3A_292 = tpu.memref_squeeze %dma_start3A_291 : memref<1x625xi32, #tpu.memory_space<hbm>> -> memref<625xi32, #tpu.memory_space<hbm>>
        %dma_start3A_293 = arith.constant 0 : i32
        %dma_start3A_294 = tpu.memref_slice %arg6[%dma_start3A_286, %dma_start3A_293] : memref<4x625xi32, #tpu.memory_space<vmem>> -> memref<1x625xi32, #tpu.memory_space<vmem>>
        %dma_start3A_295 = tpu.memref_squeeze %dma_start3A_294 : memref<1x625xi32, #tpu.memory_space<vmem>> -> memref<625xi32, #tpu.memory_space<vmem>>
        %dma_start3A_296 = arith.constant 0 : i32
        %dma_start3A_297 = tpu.memref_slice %arg3[%add3A_285, %dma_start3A_296] : memref<5120x625xi32, #tpu.memory_space<hbm>> -> memref<1x625xi32, #tpu.memory_space<hbm>>
        %dma_start3A_298 = tpu.memref_squeeze %dma_start3A_297 : memref<1x625xi32, #tpu.memory_space<hbm>> -> memref<625xi32, #tpu.memory_space<hbm>>
        tpu.enqueue_dma source(%dma_start3A_298 : memref<625xi32, #tpu.memory_space<hbm>>) target(%dma_start3A_295 : memref<625xi32, #tpu.memory_space<vmem>>) target_semaphore(%arg10 : memref<!tpu.dma_semaphore, #tpu.memory_space<semaphore_mem>>)
        %add3A_299 = arith.addi %mul3A_21, %add3A_284 : i32
        %dma_start3A_300 = arith.constant 2 : i32
        %dma_start3A_301 = arith.constant 0 : i32
        %dma_start3A_302 = tpu.memref_slice %arg7[%dma_start3A_300, %dma_start3A_301] : memref<4x625xi32, #tpu.memory_space<vmem>> -> memref<1x625xi32, #tpu.memory_space<vmem>>
        %dma_start3A_303 = tpu.memref_squeeze %dma_start3A_302 : memref<1x625xi32, #tpu.memory_space<vmem>> -> memref<625xi32, #tpu.memory_space<vmem>>
        %dma_start3A_304 = arith.constant 0 : i32
        %dma_start3A_305 = tpu.memref_slice %arg4[%add3A_299, %dma_start3A_304] : memref<5120x625xi32, #tpu.memory_space<hbm>> -> memref<1x625xi32, #tpu.memory_space<hbm>>
        %dma_start3A_306 = tpu.memref_squeeze %dma_start3A_305 : memref<1x625xi32, #tpu.memory_space<hbm>> -> memref<625xi32, #tpu.memory_space<hbm>>
        %dma_start3A_307 = arith.constant 0 : i32
        %dma_start3A_308 = tpu.memref_slice %arg7[%dma_start3A_300, %dma_start3A_307] : memref<4x625xi32, #tpu.memory_space<vmem>> -> memref<1x625xi32, #tpu.memory_space<vmem>>
        %dma_start3A_309 = tpu.memref_squeeze %dma_start3A_308 : memref<1x625xi32, #tpu.memory_space<vmem>> -> memref<625xi32, #tpu.memory_space<vmem>>
        %dma_start3A_310 = arith.constant 0 : i32
        %dma_start3A_311 = tpu.memref_slice %arg4[%add3A_299, %dma_start3A_310] : memref<5120x625xi32, #tpu.memory_space<hbm>> -> memref<1x625xi32, #tpu.memory_space<hbm>>
        %dma_start3A_312 = tpu.memref_squeeze %dma_start3A_311 : memref<1x625xi32, #tpu.memory_space<hbm>> -> memref<625xi32, #tpu.memory_space<hbm>>
        tpu.enqueue_dma source(%dma_start3A_312 : memref<625xi32, #tpu.memory_space<hbm>>) target(%dma_start3A_309 : memref<625xi32, #tpu.memory_space<vmem>>) target_semaphore(%arg10 : memref<!tpu.dma_semaphore, #tpu.memory_space<semaphore_mem>>)
      } else {
      }
      %mul3A_193 = arith.constant 4 : i32
      %mul3A_194 = arith.muli %scan3A_165, %mul3A_193 : i32
      %add3A_195 = arith.constant 1 : i32
      %add3A_196 = arith.addi %mul3A_194, %add3A_195 : i32
      %add3A_197 = arith.constant 1 : i32
      %add3A_198 = arith.addi %add3A_196, %add3A_197 : i32
      %lt3A_199 = arith.constant 160 : i32
      %lt3A_200 = arith.cmpi slt, %add3A_198, %lt3A_199 : i32
      %convert_element_type3A_201 = arith.extui %lt3A_200 : i1 to i32
      %cond3A_202 = arith.constant 0 : i32
      %cond3A_203 = arith.cmpi ne, %convert_element_type3A_201, %cond3A_202 : i32
      scf.if %cond3A_203 {
        %dma_wait3A_283 = arith.constant 0 : i32
        %dma_wait3A_284 = arith.constant 2 : i32
        %dma_wait3A_285 = arith.constant 0 : i32
        %dma_wait3A_286 = tpu.memref_slice %arg6[%dma_wait3A_284, %dma_wait3A_285] : memref<4x625xi32, #tpu.memory_space<vmem>> -> memref<1x625xi32, #tpu.memory_space<vmem>>
        %dma_wait3A_287 = tpu.memref_squeeze %dma_wait3A_286 : memref<1x625xi32, #tpu.memory_space<vmem>> -> memref<625xi32, #tpu.memory_space<vmem>>
        %dma_wait3A_288 = arith.constant 0 : i32
        %dma_wait3A_289 = tpu.memref_slice %arg3[%dma_wait3A_283, %dma_wait3A_288] : memref<5120x625xi32, #tpu.memory_space<hbm>> -> memref<1x625xi32, #tpu.memory_space<hbm>>
        %dma_wait3A_290 = tpu.memref_squeeze %dma_wait3A_289 : memref<1x625xi32, #tpu.memory_space<hbm>> -> memref<625xi32, #tpu.memory_space<hbm>>
        %dma_wait3A_291 = arith.constant 0 : i32
        %dma_wait3A_292 = tpu.memref_slice %arg6[%dma_wait3A_284, %dma_wait3A_291] : memref<4x625xi32, #tpu.memory_space<vmem>> -> memref<1x625xi32, #tpu.memory_space<vmem>>
        %dma_wait3A_293 = tpu.memref_squeeze %dma_wait3A_292 : memref<1x625xi32, #tpu.memory_space<vmem>> -> memref<625xi32, #tpu.memory_space<vmem>>
        %dma_wait3A_294 = arith.constant 0 : i32
        %dma_wait3A_295 = tpu.memref_slice %arg3[%dma_wait3A_283, %dma_wait3A_294] : memref<5120x625xi32, #tpu.memory_space<hbm>> -> memref<1x625xi32, #tpu.memory_space<hbm>>
        %dma_wait3A_296 = tpu.memref_squeeze %dma_wait3A_295 : memref<1x625xi32, #tpu.memory_space<hbm>> -> memref<625xi32, #tpu.memory_space<hbm>>
        tpu.wait_dma2 semaphore(%arg10 : memref<!tpu.dma_semaphore, #tpu.memory_space<semaphore_mem>>) src(%dma_wait3A_296 : memref<625xi32, #tpu.memory_space<hbm>>) dst(%dma_wait3A_293 : memref<625xi32, #tpu.memory_space<vmem>>)
        %dma_wait3A_297 = arith.constant 0 : i32
        %dma_wait3A_298 = arith.constant 2 : i32
        %dma_wait3A_299 = arith.constant 0 : i32
        %dma_wait3A_300 = tpu.memref_slice %arg7[%dma_wait3A_298, %dma_wait3A_299] : memref<4x625xi32, #tpu.memory_space<vmem>> -> memref<1x625xi32, #tpu.memory_space<vmem>>
        %dma_wait3A_301 = tpu.memref_squeeze %dma_wait3A_300 : memref<1x625xi32, #tpu.memory_space<vmem>> -> memref<625xi32, #tpu.memory_space<vmem>>
        %dma_wait3A_302 = arith.constant 0 : i32
        %dma_wait3A_303 = tpu.memref_slice %arg4[%dma_wait3A_297, %dma_wait3A_302] : memref<5120x625xi32, #tpu.memory_space<hbm>> -> memref<1x625xi32, #tpu.memory_space<hbm>>
        %dma_wait3A_304 = tpu.memref_squeeze %dma_wait3A_303 : memref<1x625xi32, #tpu.memory_space<hbm>> -> memref<625xi32, #tpu.memory_space<hbm>>
        %dma_wait3A_305 = arith.constant 0 : i32
        %dma_wait3A_306 = tpu.memref_slice %arg7[%dma_wait3A_298, %dma_wait3A_305] : memref<4x625xi32, #tpu.memory_space<vmem>> -> memref<1x625xi32, #tpu.memory_space<vmem>>
        %dma_wait3A_307 = tpu.memref_squeeze %dma_wait3A_306 : memref<1x625xi32, #tpu.memory_space<vmem>> -> memref<625xi32, #tpu.memory_space<vmem>>
        %dma_wait3A_308 = arith.constant 0 : i32
        %dma_wait3A_309 = tpu.memref_slice %arg4[%dma_wait3A_297, %dma_wait3A_308] : memref<5120x625xi32, #tpu.memory_space<hbm>> -> memref<1x625xi32, #tpu.memory_space<hbm>>
        %dma_wait3A_310 = tpu.memref_squeeze %dma_wait3A_309 : memref<1x625xi32, #tpu.memory_space<hbm>> -> memref<625xi32, #tpu.memory_space<hbm>>
        tpu.wait_dma2 semaphore(%arg10 : memref<!tpu.dma_semaphore, #tpu.memory_space<semaphore_mem>>) src(%dma_wait3A_310 : memref<625xi32, #tpu.memory_space<hbm>>) dst(%dma_wait3A_307 : memref<625xi32, #tpu.memory_space<vmem>>)
        %dma_start3A_311 = arith.constant 2 : i32
        %dma_start3A_312 = arith.constant 0 : i32
        %dma_start3A_313 = arith.constant 0 : i32
        %dma_start3A_314 = arith.constant 0 : i32
        %dma_start3A_315 = tpu.memref_slice %arg8[%dma_start3A_312, %dma_start3A_313, %dma_start3A_314] : memref<2x625x16xf32, #tpu.memory_space<vmem>> -> memref<1x625x16xf32, #tpu.memory_space<vmem>>
        %dma_start3A_316 = tpu.memref_squeeze %dma_start3A_315 : memref<1x625x16xf32, #tpu.memory_space<vmem>> -> memref<625x16xf32, #tpu.memory_space<vmem>>
        %dma_start3A_317 = arith.constant 0 : i32
        %dma_start3A_318 = tpu.memref_slice %arg6[%dma_start3A_311, %dma_start3A_317] : memref<4x625xi32, #tpu.memory_space<vmem>> -> memref<1x625xi32, #tpu.memory_space<vmem>>
        %dma_start3A_319 = tpu.memref_squeeze %dma_start3A_318 : memref<1x625xi32, #tpu.memory_space<vmem>> -> memref<625xi32, #tpu.memory_space<vmem>>
        %dma_start3A_320 = arith.constant 0 : i32
        %dma_start3A_321 = arith.constant 0 : i32
        %dma_start3A_322 = tpu.memref_slice %arg2[%dma_start3A_320, %dma_start3A_321] : memref<307200x16xf32, #tpu.memory_space<hbm>> -> memref<307200x16xf32, #tpu.memory_space<hbm>>
        tpu.enqueue_indirect_dma source(%dma_start3A_322 : memref<307200x16xf32, #tpu.memory_space<hbm>>) target(%dma_start3A_316 : memref<625x16xf32, #tpu.memory_space<vmem>>) offsets(%dma_start3A_319 : memref<625xi32, #tpu.memory_space<vmem>>) semaphore(%arg11 : memref<!tpu.dma_semaphore, #tpu.memory_space<semaphore_mem>>)
      } else {
      }
      %dma_wait3A_204 = arith.constant 1 : i32
      %dma_wait3A_205 = arith.constant 1 : i32
      %dma_wait3A_206 = arith.constant 0 : i32
      %dma_wait3A_207 = arith.constant 0 : i32
      %dma_wait3A_208 = tpu.memref_slice %arg8[%dma_wait3A_205, %dma_wait3A_206, %dma_wait3A_207] : memref<2x625x16xf32, #tpu.memory_space<vmem>> -> memref<1x625x16xf32, #tpu.memory_space<vmem>>
      %dma_wait3A_209 = tpu.memref_squeeze %dma_wait3A_208 : memref<1x625x16xf32, #tpu.memory_space<vmem>> -> memref<625x16xf32, #tpu.memory_space<vmem>>
      %dma_wait3A_210 = arith.constant 0 : i32
      %dma_wait3A_211 = tpu.memref_slice %arg6[%dma_wait3A_204, %dma_wait3A_210] : memref<4x625xi32, #tpu.memory_space<vmem>> -> memref<1x625xi32, #tpu.memory_space<vmem>>
      %dma_wait3A_212 = tpu.memref_squeeze %dma_wait3A_211 : memref<1x625xi32, #tpu.memory_space<vmem>> -> memref<625xi32, #tpu.memory_space<vmem>>
      %dma_wait3A_213 = arith.constant 0 : i32
      %dma_wait3A_214 = arith.constant 0 : i32
      %dma_wait3A_215 = tpu.memref_slice %arg2[%dma_wait3A_213, %dma_wait3A_214] : memref<307200x16xf32, #tpu.memory_space<hbm>> -> memref<307200x16xf32, #tpu.memory_space<hbm>>
      tpu.wait_indirect_dma semaphore(%arg11 : memref<!tpu.dma_semaphore, #tpu.memory_space<semaphore_mem>>) src(%dma_wait3A_215 : memref<307200x16xf32, #tpu.memory_space<hbm>>) dst(%dma_wait3A_209 : memref<625x16xf32, #tpu.memory_space<vmem>>)
      %add3A_216 = arith.constant 2 : i32
      %add3A_217 = arith.addi %add3A_196, %add3A_216 : i32
      %lt3A_218 = arith.constant 160 : i32
      %lt3A_219 = arith.cmpi slt, %add3A_217, %lt3A_218 : i32
      %convert_element_type3A_220 = arith.extui %lt3A_219 : i1 to i32
      %cond3A_221 = arith.constant 0 : i32
      %cond3A_222 = arith.cmpi ne, %convert_element_type3A_220, %cond3A_221 : i32
      scf.if %cond3A_222 {
        %add3A_283 = arith.constant 2 : i32
        %add3A_284 = arith.addi %add3A_196, %add3A_283 : i32
        %add3A_285 = arith.addi %mul3A_21, %add3A_284 : i32
        %dma_start3A_286 = arith.constant 3 : i32
        %dma_start3A_287 = arith.constant 0 : i32
        %dma_start3A_288 = tpu.memref_slice %arg6[%dma_start3A_286, %dma_start3A_287] : memref<4x625xi32, #tpu.memory_space<vmem>> -> memref<1x625xi32, #tpu.memory_space<vmem>>
        %dma_start3A_289 = tpu.memref_squeeze %dma_start3A_288 : memref<1x625xi32, #tpu.memory_space<vmem>> -> memref<625xi32, #tpu.memory_space<vmem>>
        %dma_start3A_290 = arith.constant 0 : i32
        %dma_start3A_291 = tpu.memref_slice %arg3[%add3A_285, %dma_start3A_290] : memref<5120x625xi32, #tpu.memory_space<hbm>> -> memref<1x625xi32, #tpu.memory_space<hbm>>
        %dma_start3A_292 = tpu.memref_squeeze %dma_start3A_291 : memref<1x625xi32, #tpu.memory_space<hbm>> -> memref<625xi32, #tpu.memory_space<hbm>>
        %dma_start3A_293 = arith.constant 0 : i32
        %dma_start3A_294 = tpu.memref_slice %arg6[%dma_start3A_286, %dma_start3A_293] : memref<4x625xi32, #tpu.memory_space<vmem>> -> memref<1x625xi32, #tpu.memory_space<vmem>>
        %dma_start3A_295 = tpu.memref_squeeze %dma_start3A_294 : memref<1x625xi32, #tpu.memory_space<vmem>> -> memref<625xi32, #tpu.memory_space<vmem>>
        %dma_start3A_296 = arith.constant 0 : i32
        %dma_start3A_297 = tpu.memref_slice %arg3[%add3A_285, %dma_start3A_296] : memref<5120x625xi32, #tpu.memory_space<hbm>> -> memref<1x625xi32, #tpu.memory_space<hbm>>
        %dma_start3A_298 = tpu.memref_squeeze %dma_start3A_297 : memref<1x625xi32, #tpu.memory_space<hbm>> -> memref<625xi32, #tpu.memory_space<hbm>>
        tpu.enqueue_dma source(%dma_start3A_298 : memref<625xi32, #tpu.memory_space<hbm>>) target(%dma_start3A_295 : memref<625xi32, #tpu.memory_space<vmem>>) target_semaphore(%arg10 : memref<!tpu.dma_semaphore, #tpu.memory_space<semaphore_mem>>)
        %add3A_299 = arith.addi %mul3A_21, %add3A_284 : i32
        %dma_start3A_300 = arith.constant 3 : i32
        %dma_start3A_301 = arith.constant 0 : i32
        %dma_start3A_302 = tpu.memref_slice %arg7[%dma_start3A_300, %dma_start3A_301] : memref<4x625xi32, #tpu.memory_space<vmem>> -> memref<1x625xi32, #tpu.memory_space<vmem>>
        %dma_start3A_303 = tpu.memref_squeeze %dma_start3A_302 : memref<1x625xi32, #tpu.memory_space<vmem>> -> memref<625xi32, #tpu.memory_space<vmem>>
        %dma_start3A_304 = arith.constant 0 : i32
        %dma_start3A_305 = tpu.memref_slice %arg4[%add3A_299, %dma_start3A_304] : memref<5120x625xi32, #tpu.memory_space<hbm>> -> memref<1x625xi32, #tpu.memory_space<hbm>>
        %dma_start3A_306 = tpu.memref_squeeze %dma_start3A_305 : memref<1x625xi32, #tpu.memory_space<hbm>> -> memref<625xi32, #tpu.memory_space<hbm>>
        %dma_start3A_307 = arith.constant 0 : i32
        %dma_start3A_308 = tpu.memref_slice %arg7[%dma_start3A_300, %dma_start3A_307] : memref<4x625xi32, #tpu.memory_space<vmem>> -> memref<1x625xi32, #tpu.memory_space<vmem>>
        %dma_start3A_309 = tpu.memref_squeeze %dma_start3A_308 : memref<1x625xi32, #tpu.memory_space<vmem>> -> memref<625xi32, #tpu.memory_space<vmem>>
        %dma_start3A_310 = arith.constant 0 : i32
        %dma_start3A_311 = tpu.memref_slice %arg4[%add3A_299, %dma_start3A_310] : memref<5120x625xi32, #tpu.memory_space<hbm>> -> memref<1x625xi32, #tpu.memory_space<hbm>>
        %dma_start3A_312 = tpu.memref_squeeze %dma_start3A_311 : memref<1x625xi32, #tpu.memory_space<hbm>> -> memref<625xi32, #tpu.memory_space<hbm>>
        tpu.enqueue_dma source(%dma_start3A_312 : memref<625xi32, #tpu.memory_space<hbm>>) target(%dma_start3A_309 : memref<625xi32, #tpu.memory_space<vmem>>) target_semaphore(%arg10 : memref<!tpu.dma_semaphore, #tpu.memory_space<semaphore_mem>>)
      } else {
      }
      %mul3A_223 = arith.constant 4 : i32
      %mul3A_224 = arith.muli %scan3A_165, %mul3A_223 : i32
      %add3A_225 = arith.constant 2 : i32
      %add3A_226 = arith.addi %mul3A_224, %add3A_225 : i32
      %add3A_227 = arith.constant 1 : i32
      %add3A_228 = arith.addi %add3A_226, %add3A_227 : i32
      %lt3A_229 = arith.constant 160 : i32
      %lt3A_230 = arith.cmpi slt, %add3A_228, %lt3A_229 : i32
      %convert_element_type3A_231 = arith.extui %lt3A_230 : i1 to i32
      %cond3A_232 = arith.constant 0 : i32
      %cond3A_233 = arith.cmpi ne, %convert_element_type3A_231, %cond3A_232 : i32
      scf.if %cond3A_233 {
        %dma_wait3A_283 = arith.constant 0 : i32
        %dma_wait3A_284 = arith.constant 3 : i32
        %dma_wait3A_285 = arith.constant 0 : i32
        %dma_wait3A_286 = tpu.memref_slice %arg6[%dma_wait3A_284, %dma_wait3A_285] : memref<4x625xi32, #tpu.memory_space<vmem>> -> memref<1x625xi32, #tpu.memory_space<vmem>>
        %dma_wait3A_287 = tpu.memref_squeeze %dma_wait3A_286 : memref<1x625xi32, #tpu.memory_space<vmem>> -> memref<625xi32, #tpu.memory_space<vmem>>
        %dma_wait3A_288 = arith.constant 0 : i32
        %dma_wait3A_289 = tpu.memref_slice %arg3[%dma_wait3A_283, %dma_wait3A_288] : memref<5120x625xi32, #tpu.memory_space<hbm>> -> memref<1x625xi32, #tpu.memory_space<hbm>>
        %dma_wait3A_290 = tpu.memref_squeeze %dma_wait3A_289 : memref<1x625xi32, #tpu.memory_space<hbm>> -> memref<625xi32, #tpu.memory_space<hbm>>
        %dma_wait3A_291 = arith.constant 0 : i32
        %dma_wait3A_292 = tpu.memref_slice %arg6[%dma_wait3A_284, %dma_wait3A_291] : memref<4x625xi32, #tpu.memory_space<vmem>> -> memref<1x625xi32, #tpu.memory_space<vmem>>
        %dma_wait3A_293 = tpu.memref_squeeze %dma_wait3A_292 : memref<1x625xi32, #tpu.memory_space<vmem>> -> memref<625xi32, #tpu.memory_space<vmem>>
        %dma_wait3A_294 = arith.constant 0 : i32
        %dma_wait3A_295 = tpu.memref_slice %arg3[%dma_wait3A_283, %dma_wait3A_294] : memref<5120x625xi32, #tpu.memory_space<hbm>> -> memref<1x625xi32, #tpu.memory_space<hbm>>
        %dma_wait3A_296 = tpu.memref_squeeze %dma_wait3A_295 : memref<1x625xi32, #tpu.memory_space<hbm>> -> memref<625xi32, #tpu.memory_space<hbm>>
        tpu.wait_dma2 semaphore(%arg10 : memref<!tpu.dma_semaphore, #tpu.memory_space<semaphore_mem>>) src(%dma_wait3A_296 : memref<625xi32, #tpu.memory_space<hbm>>) dst(%dma_wait3A_293 : memref<625xi32, #tpu.memory_space<vmem>>)
        %dma_wait3A_297 = arith.constant 0 : i32
        %dma_wait3A_298 = arith.constant 3 : i32
        %dma_wait3A_299 = arith.constant 0 : i32
        %dma_wait3A_300 = tpu.memref_slice %arg7[%dma_wait3A_298, %dma_wait3A_299] : memref<4x625xi32, #tpu.memory_space<vmem>> -> memref<1x625xi32, #tpu.memory_space<vmem>>
        %dma_wait3A_301 = tpu.memref_squeeze %dma_wait3A_300 : memref<1x625xi32, #tpu.memory_space<vmem>> -> memref<625xi32, #tpu.memory_space<vmem>>
        %dma_wait3A_302 = arith.constant 0 : i32
        %dma_wait3A_303 = tpu.memref_slice %arg4[%dma_wait3A_297, %dma_wait3A_302] : memref<5120x625xi32, #tpu.memory_space<hbm>> -> memref<1x625xi32, #tpu.memory_space<hbm>>
        %dma_wait3A_304 = tpu.memref_squeeze %dma_wait3A_303 : memref<1x625xi32, #tpu.memory_space<hbm>> -> memref<625xi32, #tpu.memory_space<hbm>>
        %dma_wait3A_305 = arith.constant 0 : i32
        %dma_wait3A_306 = tpu.memref_slice %arg7[%dma_wait3A_298, %dma_wait3A_305] : memref<4x625xi32, #tpu.memory_space<vmem>> -> memref<1x625xi32, #tpu.memory_space<vmem>>
        %dma_wait3A_307 = tpu.memref_squeeze %dma_wait3A_306 : memref<1x625xi32, #tpu.memory_space<vmem>> -> memref<625xi32, #tpu.memory_space<vmem>>
        %dma_wait3A_308 = arith.constant 0 : i32
        %dma_wait3A_309 = tpu.memref_slice %arg4[%dma_wait3A_297, %dma_wait3A_308] : memref<5120x625xi32, #tpu.memory_space<hbm>> -> memref<1x625xi32, #tpu.memory_space<hbm>>
        %dma_wait3A_310 = tpu.memref_squeeze %dma_wait3A_309 : memref<1x625xi32, #tpu.memory_space<hbm>> -> memref<625xi32, #tpu.memory_space<hbm>>
        tpu.wait_dma2 semaphore(%arg10 : memref<!tpu.dma_semaphore, #tpu.memory_space<semaphore_mem>>) src(%dma_wait3A_310 : memref<625xi32, #tpu.memory_space<hbm>>) dst(%dma_wait3A_307 : memref<625xi32, #tpu.memory_space<vmem>>)
        %dma_start3A_311 = arith.constant 3 : i32
        %dma_start3A_312 = arith.constant 1 : i32
        %dma_start3A_313 = arith.constant 0 : i32
        %dma_start3A_314 = arith.constant 0 : i32
        %dma_start3A_315 = tpu.memref_slice %arg8[%dma_start3A_312, %dma_start3A_313, %dma_start3A_314] : memref<2x625x16xf32, #tpu.memory_space<vmem>> -> memref<1x625x16xf32, #tpu.memory_space<vmem>>
        %dma_start3A_316 = tpu.memref_squeeze %dma_start3A_315 : memref<1x625x16xf32, #tpu.memory_space<vmem>> -> memref<625x16xf32, #tpu.memory_space<vmem>>
        %dma_start3A_317 = arith.constant 0 : i32
        %dma_start3A_318 = tpu.memref_slice %arg6[%dma_start3A_311, %dma_start3A_317] : memref<4x625xi32, #tpu.memory_space<vmem>> -> memref<1x625xi32, #tpu.memory_space<vmem>>
        %dma_start3A_319 = tpu.memref_squeeze %dma_start3A_318 : memref<1x625xi32, #tpu.memory_space<vmem>> -> memref<625xi32, #tpu.memory_space<vmem>>
        %dma_start3A_320 = arith.constant 0 : i32
        %dma_start3A_321 = arith.constant 0 : i32
        %dma_start3A_322 = tpu.memref_slice %arg2[%dma_start3A_320, %dma_start3A_321] : memref<307200x16xf32, #tpu.memory_space<hbm>> -> memref<307200x16xf32, #tpu.memory_space<hbm>>
        tpu.enqueue_indirect_dma source(%dma_start3A_322 : memref<307200x16xf32, #tpu.memory_space<hbm>>) target(%dma_start3A_316 : memref<625x16xf32, #tpu.memory_space<vmem>>) offsets(%dma_start3A_319 : memref<625xi32, #tpu.memory_space<vmem>>) semaphore(%arg11 : memref<!tpu.dma_semaphore, #tpu.memory_space<semaphore_mem>>)
      } else {
      }
      %dma_wait3A_234 = arith.constant 2 : i32
      %dma_wait3A_235 = arith.constant 0 : i32
      %dma_wait3A_236 = arith.constant 0 : i32
      %dma_wait3A_237 = arith.constant 0 : i32
      %dma_wait3A_238 = tpu.memref_slice %arg8[%dma_wait3A_235, %dma_wait3A_236, %dma_wait3A_237] : memref<2x625x16xf32, #tpu.memory_space<vmem>> -> memref<1x625x16xf32, #tpu.memory_space<vmem>>
      %dma_wait3A_239 = tpu.memref_squeeze %dma_wait3A_238 : memref<1x625x16xf32, #tpu.memory_space<vmem>> -> memref<625x16xf32, #tpu.memory_space<vmem>>
      %dma_wait3A_240 = arith.constant 0 : i32
      %dma_wait3A_241 = tpu.memref_slice %arg6[%dma_wait3A_234, %dma_wait3A_240] : memref<4x625xi32, #tpu.memory_space<vmem>> -> memref<1x625xi32, #tpu.memory_space<vmem>>
      %dma_wait3A_242 = tpu.memref_squeeze %dma_wait3A_241 : memref<1x625xi32, #tpu.memory_space<vmem>> -> memref<625xi32, #tpu.memory_space<vmem>>
      %dma_wait3A_243 = arith.constant 0 : i32
      %dma_wait3A_244 = arith.constant 0 : i32
      %dma_wait3A_245 = tpu.memref_slice %arg2[%dma_wait3A_243, %dma_wait3A_244] : memref<307200x16xf32, #tpu.memory_space<hbm>> -> memref<307200x16xf32, #tpu.memory_space<hbm>>
      tpu.wait_indirect_dma semaphore(%arg11 : memref<!tpu.dma_semaphore, #tpu.memory_space<semaphore_mem>>) src(%dma_wait3A_245 : memref<307200x16xf32, #tpu.memory_space<hbm>>) dst(%dma_wait3A_239 : memref<625x16xf32, #tpu.memory_space<vmem>>)
      %add3A_246 = arith.constant 2 : i32
      %add3A_247 = arith.addi %add3A_226, %add3A_246 : i32
      %lt3A_248 = arith.constant 160 : i32
      %lt3A_249 = arith.cmpi slt, %add3A_247, %lt3A_248 : i32
      %convert_element_type3A_250 = arith.extui %lt3A_249 : i1 to i32
      %cond3A_251 = arith.constant 0 : i32
      %cond3A_252 = arith.cmpi ne, %convert_element_type3A_250, %cond3A_251 : i32
      scf.if %cond3A_252 {
        %add3A_283 = arith.constant 2 : i32
        %add3A_284 = arith.addi %add3A_226, %add3A_283 : i32
        %add3A_285 = arith.addi %mul3A_21, %add3A_284 : i32
        %dma_start3A_286 = arith.constant 0 : i32
        %dma_start3A_287 = arith.constant 0 : i32
        %dma_start3A_288 = tpu.memref_slice %arg6[%dma_start3A_286, %dma_start3A_287] : memref<4x625xi32, #tpu.memory_space<vmem>> -> memref<1x625xi32, #tpu.memory_space<vmem>>
        %dma_start3A_289 = tpu.memref_squeeze %dma_start3A_288 : memref<1x625xi32, #tpu.memory_space<vmem>> -> memref<625xi32, #tpu.memory_space<vmem>>
        %dma_start3A_290 = arith.constant 0 : i32
        %dma_start3A_291 = tpu.memref_slice %arg3[%add3A_285, %dma_start3A_290] : memref<5120x625xi32, #tpu.memory_space<hbm>> -> memref<1x625xi32, #tpu.memory_space<hbm>>
        %dma_start3A_292 = tpu.memref_squeeze %dma_start3A_291 : memref<1x625xi32, #tpu.memory_space<hbm>> -> memref<625xi32, #tpu.memory_space<hbm>>
        %dma_start3A_293 = arith.constant 0 : i32
        %dma_start3A_294 = tpu.memref_slice %arg6[%dma_start3A_286, %dma_start3A_293] : memref<4x625xi32, #tpu.memory_space<vmem>> -> memref<1x625xi32, #tpu.memory_space<vmem>>
        %dma_start3A_295 = tpu.memref_squeeze %dma_start3A_294 : memref<1x625xi32, #tpu.memory_space<vmem>> -> memref<625xi32, #tpu.memory_space<vmem>>
        %dma_start3A_296 = arith.constant 0 : i32
        %dma_start3A_297 = tpu.memref_slice %arg3[%add3A_285, %dma_start3A_296] : memref<5120x625xi32, #tpu.memory_space<hbm>> -> memref<1x625xi32, #tpu.memory_space<hbm>>
        %dma_start3A_298 = tpu.memref_squeeze %dma_start3A_297 : memref<1x625xi32, #tpu.memory_space<hbm>> -> memref<625xi32, #tpu.memory_space<hbm>>
        tpu.enqueue_dma source(%dma_start3A_298 : memref<625xi32, #tpu.memory_space<hbm>>) target(%dma_start3A_295 : memref<625xi32, #tpu.memory_space<vmem>>) target_semaphore(%arg10 : memref<!tpu.dma_semaphore, #tpu.memory_space<semaphore_mem>>)
        %add3A_299 = arith.addi %mul3A_21, %add3A_284 : i32
        %dma_start3A_300 = arith.constant 0 : i32
        %dma_start3A_301 = arith.constant 0 : i32
        %dma_start3A_302 = tpu.memref_slice %arg7[%dma_start3A_300, %dma_start3A_301] : memref<4x625xi32, #tpu.memory_space<vmem>> -> memref<1x625xi32, #tpu.memory_space<vmem>>
        %dma_start3A_303 = tpu.memref_squeeze %dma_start3A_302 : memref<1x625xi32, #tpu.memory_space<vmem>> -> memref<625xi32, #tpu.memory_space<vmem>>
        %dma_start3A_304 = arith.constant 0 : i32
        %dma_start3A_305 = tpu.memref_slice %arg4[%add3A_299, %dma_start3A_304] : memref<5120x625xi32, #tpu.memory_space<hbm>> -> memref<1x625xi32, #tpu.memory_space<hbm>>
        %dma_start3A_306 = tpu.memref_squeeze %dma_start3A_305 : memref<1x625xi32, #tpu.memory_space<hbm>> -> memref<625xi32, #tpu.memory_space<hbm>>
        %dma_start3A_307 = arith.constant 0 : i32
        %dma_start3A_308 = tpu.memref_slice %arg7[%dma_start3A_300, %dma_start3A_307] : memref<4x625xi32, #tpu.memory_space<vmem>> -> memref<1x625xi32, #tpu.memory_space<vmem>>
        %dma_start3A_309 = tpu.memref_squeeze %dma_start3A_308 : memref<1x625xi32, #tpu.memory_space<vmem>> -> memref<625xi32, #tpu.memory_space<vmem>>
        %dma_start3A_310 = arith.constant 0 : i32
        %dma_start3A_311 = tpu.memref_slice %arg4[%add3A_299, %dma_start3A_310] : memref<5120x625xi32, #tpu.memory_space<hbm>> -> memref<1x625xi32, #tpu.memory_space<hbm>>
        %dma_start3A_312 = tpu.memref_squeeze %dma_start3A_311 : memref<1x625xi32, #tpu.memory_space<hbm>> -> memref<625xi32, #tpu.memory_space<hbm>>
        tpu.enqueue_dma source(%dma_start3A_312 : memref<625xi32, #tpu.memory_space<hbm>>) target(%dma_start3A_309 : memref<625xi32, #tpu.memory_space<vmem>>) target_semaphore(%arg10 : memref<!tpu.dma_semaphore, #tpu.memory_space<semaphore_mem>>)
      } else {
      }
      %mul3A_253 = arith.constant 4 : i32
      %mul3A_254 = arith.muli %scan3A_165, %mul3A_253 : i32
      %add3A_255 = arith.constant 3 : i32
      %add3A_256 = arith.addi %mul3A_254, %add3A_255 : i32
      %add3A_257 = arith.constant 1 : i32
      %add3A_258 = arith.addi %add3A_256, %add3A_257 : i32
      %lt3A_259 = arith.constant 160 : i32
      %lt3A_260 = arith.cmpi slt, %add3A_258, %lt3A_259 : i32
      %convert_element_type3A_261 = arith.extui %lt3A_260 : i1 to i32
      %cond3A_262 = arith.constant 0 : i32
      %cond3A_263 = arith.cmpi ne, %convert_element_type3A_261, %cond3A_262 : i32
      scf.if %cond3A_263 {
        %dma_wait3A_283 = arith.constant 0 : i32
        %dma_wait3A_284 = arith.constant 0 : i32
        %dma_wait3A_285 = arith.constant 0 : i32
        %dma_wait3A_286 = tpu.memref_slice %arg6[%dma_wait3A_284, %dma_wait3A_285] : memref<4x625xi32, #tpu.memory_space<vmem>> -> memref<1x625xi32, #tpu.memory_space<vmem>>
        %dma_wait3A_287 = tpu.memref_squeeze %dma_wait3A_286 : memref<1x625xi32, #tpu.memory_space<vmem>> -> memref<625xi32, #tpu.memory_space<vmem>>
        %dma_wait3A_288 = arith.constant 0 : i32
        %dma_wait3A_289 = tpu.memref_slice %arg3[%dma_wait3A_283, %dma_wait3A_288] : memref<5120x625xi32, #tpu.memory_space<hbm>> -> memref<1x625xi32, #tpu.memory_space<hbm>>
        %dma_wait3A_290 = tpu.memref_squeeze %dma_wait3A_289 : memref<1x625xi32, #tpu.memory_space<hbm>> -> memref<625xi32, #tpu.memory_space<hbm>>
        %dma_wait3A_291 = arith.constant 0 : i32
        %dma_wait3A_292 = tpu.memref_slice %arg6[%dma_wait3A_284, %dma_wait3A_291] : memref<4x625xi32, #tpu.memory_space<vmem>> -> memref<1x625xi32, #tpu.memory_space<vmem>>
        %dma_wait3A_293 = tpu.memref_squeeze %dma_wait3A_292 : memref<1x625xi32, #tpu.memory_space<vmem>> -> memref<625xi32, #tpu.memory_space<vmem>>
        %dma_wait3A_294 = arith.constant 0 : i32
        %dma_wait3A_295 = tpu.memref_slice %arg3[%dma_wait3A_283, %dma_wait3A_294] : memref<5120x625xi32, #tpu.memory_space<hbm>> -> memref<1x625xi32, #tpu.memory_space<hbm>>
        %dma_wait3A_296 = tpu.memref_squeeze %dma_wait3A_295 : memref<1x625xi32, #tpu.memory_space<hbm>> -> memref<625xi32, #tpu.memory_space<hbm>>
        tpu.wait_dma2 semaphore(%arg10 : memref<!tpu.dma_semaphore, #tpu.memory_space<semaphore_mem>>) src(%dma_wait3A_296 : memref<625xi32, #tpu.memory_space<hbm>>) dst(%dma_wait3A_293 : memref<625xi32, #tpu.memory_space<vmem>>)
        %dma_wait3A_297 = arith.constant 0 : i32
        %dma_wait3A_298 = arith.constant 0 : i32
        %dma_wait3A_299 = arith.constant 0 : i32
        %dma_wait3A_300 = tpu.memref_slice %arg7[%dma_wait3A_298, %dma_wait3A_299] : memref<4x625xi32, #tpu.memory_space<vmem>> -> memref<1x625xi32, #tpu.memory_space<vmem>>
        %dma_wait3A_301 = tpu.memref_squeeze %dma_wait3A_300 : memref<1x625xi32, #tpu.memory_space<vmem>> -> memref<625xi32, #tpu.memory_space<vmem>>
        %dma_wait3A_302 = arith.constant 0 : i32
        %dma_wait3A_303 = tpu.memref_slice %arg4[%dma_wait3A_297, %dma_wait3A_302] : memref<5120x625xi32, #tpu.memory_space<hbm>> -> memref<1x625xi32, #tpu.memory_space<hbm>>
        %dma_wait3A_304 = tpu.memref_squeeze %dma_wait3A_303 : memref<1x625xi32, #tpu.memory_space<hbm>> -> memref<625xi32, #tpu.memory_space<hbm>>
        %dma_wait3A_305 = arith.constant 0 : i32
        %dma_wait3A_306 = tpu.memref_slice %arg7[%dma_wait3A_298, %dma_wait3A_305] : memref<4x625xi32, #tpu.memory_space<vmem>> -> memref<1x625xi32, #tpu.memory_space<vmem>>
        %dma_wait3A_307 = tpu.memref_squeeze %dma_wait3A_306 : memref<1x625xi32, #tpu.memory_space<vmem>> -> memref<625xi32, #tpu.memory_space<vmem>>
        %dma_wait3A_308 = arith.constant 0 : i32
        %dma_wait3A_309 = tpu.memref_slice %arg4[%dma_wait3A_297, %dma_wait3A_308] : memref<5120x625xi32, #tpu.memory_space<hbm>> -> memref<1x625xi32, #tpu.memory_space<hbm>>
        %dma_wait3A_310 = tpu.memref_squeeze %dma_wait3A_309 : memref<1x625xi32, #tpu.memory_space<hbm>> -> memref<625xi32, #tpu.memory_space<hbm>>
        tpu.wait_dma2 semaphore(%arg10 : memref<!tpu.dma_semaphore, #tpu.memory_space<semaphore_mem>>) src(%dma_wait3A_310 : memref<625xi32, #tpu.memory_space<hbm>>) dst(%dma_wait3A_307 : memref<625xi32, #tpu.memory_space<vmem>>)
        %dma_start3A_311 = arith.constant 0 : i32
        %dma_start3A_312 = arith.constant 0 : i32
        %dma_start3A_313 = arith.constant 0 : i32
        %dma_start3A_314 = arith.constant 0 : i32
        %dma_start3A_315 = tpu.memref_slice %arg8[%dma_start3A_312, %dma_start3A_313, %dma_start3A_314] : memref<2x625x16xf32, #tpu.memory_space<vmem>> -> memref<1x625x16xf32, #tpu.memory_space<vmem>>
        %dma_start3A_316 = tpu.memref_squeeze %dma_start3A_315 : memref<1x625x16xf32, #tpu.memory_space<vmem>> -> memref<625x16xf32, #tpu.memory_space<vmem>>
        %dma_start3A_317 = arith.constant 0 : i32
        %dma_start3A_318 = tpu.memref_slice %arg6[%dma_start3A_311, %dma_start3A_317] : memref<4x625xi32, #tpu.memory_space<vmem>> -> memref<1x625xi32, #tpu.memory_space<vmem>>
        %dma_start3A_319 = tpu.memref_squeeze %dma_start3A_318 : memref<1x625xi32, #tpu.memory_space<vmem>> -> memref<625xi32, #tpu.memory_space<vmem>>
        %dma_start3A_320 = arith.constant 0 : i32
        %dma_start3A_321 = arith.constant 0 : i32
        %dma_start3A_322 = tpu.memref_slice %arg2[%dma_start3A_320, %dma_start3A_321] : memref<307200x16xf32, #tpu.memory_space<hbm>> -> memref<307200x16xf32, #tpu.memory_space<hbm>>
        tpu.enqueue_indirect_dma source(%dma_start3A_322 : memref<307200x16xf32, #tpu.memory_space<hbm>>) target(%dma_start3A_316 : memref<625x16xf32, #tpu.memory_space<vmem>>) offsets(%dma_start3A_319 : memref<625xi32, #tpu.memory_space<vmem>>) semaphore(%arg11 : memref<!tpu.dma_semaphore, #tpu.memory_space<semaphore_mem>>)
      } else {
      }
      %dma_wait3A_264 = arith.constant 3 : i32
      %dma_wait3A_265 = arith.constant 1 : i32
      %dma_wait3A_266 = arith.constant 0 : i32
      %dma_wait3A_267 = arith.constant 0 : i32
      %dma_wait3A_268 = tpu.memref_slice %arg8[%dma_wait3A_265, %dma_wait3A_266, %dma_wait3A_267] : memref<2x625x16xf32, #tpu.memory_space<vmem>> -> memref<1x625x16xf32, #tpu.memory_space<vmem>>
      %dma_wait3A_269 = tpu.memref_squeeze %dma_wait3A_268 : memref<1x625x16xf32, #tpu.memory_space<vmem>> -> memref<625x16xf32, #tpu.memory_space<vmem>>
      %dma_wait3A_270 = arith.constant 0 : i32
      %dma_wait3A_271 = tpu.memref_slice %arg6[%dma_wait3A_264, %dma_wait3A_270] : memref<4x625xi32, #tpu.memory_space<vmem>> -> memref<1x625xi32, #tpu.memory_space<vmem>>
      %dma_wait3A_272 = tpu.memref_squeeze %dma_wait3A_271 : memref<1x625xi32, #tpu.memory_space<vmem>> -> memref<625xi32, #tpu.memory_space<vmem>>
      %dma_wait3A_273 = arith.constant 0 : i32
      %dma_wait3A_274 = arith.constant 0 : i32
      %dma_wait3A_275 = tpu.memref_slice %arg2[%dma_wait3A_273, %dma_wait3A_274] : memref<307200x16xf32, #tpu.memory_space<hbm>> -> memref<307200x16xf32, #tpu.memory_space<hbm>>
      tpu.wait_indirect_dma semaphore(%arg11 : memref<!tpu.dma_semaphore, #tpu.memory_space<semaphore_mem>>) src(%dma_wait3A_275 : memref<307200x16xf32, #tpu.memory_space<hbm>>) dst(%dma_wait3A_269 : memref<625x16xf32, #tpu.memory_space<vmem>>)
      %add3A_276 = arith.constant 2 : i32
      %add3A_277 = arith.addi %add3A_256, %add3A_276 : i32
      %lt3A_278 = arith.constant 160 : i32
      %lt3A_279 = arith.cmpi slt, %add3A_277, %lt3A_278 : i32
      %convert_element_type3A_280 = arith.extui %lt3A_279 : i1 to i32
      %cond3A_281 = arith.constant 0 : i32
      %cond3A_282 = arith.cmpi ne, %convert_element_type3A_280, %cond3A_281 : i32
      scf.if %cond3A_282 {
        %add3A_283 = arith.constant 2 : i32
        %add3A_284 = arith.addi %add3A_256, %add3A_283 : i32
        %add3A_285 = arith.addi %mul3A_21, %add3A_284 : i32
        %dma_start3A_286 = arith.constant 1 : i32
        %dma_start3A_287 = arith.constant 0 : i32
        %dma_start3A_288 = tpu.memref_slice %arg6[%dma_start3A_286, %dma_start3A_287] : memref<4x625xi32, #tpu.memory_space<vmem>> -> memref<1x625xi32, #tpu.memory_space<vmem>>
        %dma_start3A_289 = tpu.memref_squeeze %dma_start3A_288 : memref<1x625xi32, #tpu.memory_space<vmem>> -> memref<625xi32, #tpu.memory_space<vmem>>
        %dma_start3A_290 = arith.constant 0 : i32
        %dma_start3A_291 = tpu.memref_slice %arg3[%add3A_285, %dma_start3A_290] : memref<5120x625xi32, #tpu.memory_space<hbm>> -> memref<1x625xi32, #tpu.memory_space<hbm>>
        %dma_start3A_292 = tpu.memref_squeeze %dma_start3A_291 : memref<1x625xi32, #tpu.memory_space<hbm>> -> memref<625xi32, #tpu.memory_space<hbm>>
        %dma_start3A_293 = arith.constant 0 : i32
        %dma_start3A_294 = tpu.memref_slice %arg6[%dma_start3A_286, %dma_start3A_293] : memref<4x625xi32, #tpu.memory_space<vmem>> -> memref<1x625xi32, #tpu.memory_space<vmem>>
        %dma_start3A_295 = tpu.memref_squeeze %dma_start3A_294 : memref<1x625xi32, #tpu.memory_space<vmem>> -> memref<625xi32, #tpu.memory_space<vmem>>
        %dma_start3A_296 = arith.constant 0 : i32
        %dma_start3A_297 = tpu.memref_slice %arg3[%add3A_285, %dma_start3A_296] : memref<5120x625xi32, #tpu.memory_space<hbm>> -> memref<1x625xi32, #tpu.memory_space<hbm>>
        %dma_start3A_298 = tpu.memref_squeeze %dma_start3A_297 : memref<1x625xi32, #tpu.memory_space<hbm>> -> memref<625xi32, #tpu.memory_space<hbm>>
        tpu.enqueue_dma source(%dma_start3A_298 : memref<625xi32, #tpu.memory_space<hbm>>) target(%dma_start3A_295 : memref<625xi32, #tpu.memory_space<vmem>>) target_semaphore(%arg10 : memref<!tpu.dma_semaphore, #tpu.memory_space<semaphore_mem>>)
        %add3A_299 = arith.addi %mul3A_21, %add3A_284 : i32
        %dma_start3A_300 = arith.constant 1 : i32
        %dma_start3A_301 = arith.constant 0 : i32
        %dma_start3A_302 = tpu.memref_slice %arg7[%dma_start3A_300, %dma_start3A_301] : memref<4x625xi32, #tpu.memory_space<vmem>> -> memref<1x625xi32, #tpu.memory_space<vmem>>
        %dma_start3A_303 = tpu.memref_squeeze %dma_start3A_302 : memref<1x625xi32, #tpu.memory_space<vmem>> -> memref<625xi32, #tpu.memory_space<vmem>>
        %dma_start3A_304 = arith.constant 0 : i32
        %dma_start3A_305 = tpu.memref_slice %arg4[%add3A_299, %dma_start3A_304] : memref<5120x625xi32, #tpu.memory_space<hbm>> -> memref<1x625xi32, #tpu.memory_space<hbm>>
        %dma_start3A_306 = tpu.memref_squeeze %dma_start3A_305 : memref<1x625xi32, #tpu.memory_space<hbm>> -> memref<625xi32, #tpu.memory_space<hbm>>
        %dma_start3A_307 = arith.constant 0 : i32
        %dma_start3A_308 = tpu.memref_slice %arg7[%dma_start3A_300, %dma_start3A_307] : memref<4x625xi32, #tpu.memory_space<vmem>> -> memref<1x625xi32, #tpu.memory_space<vmem>>
        %dma_start3A_309 = tpu.memref_squeeze %dma_start3A_308 : memref<1x625xi32, #tpu.memory_space<vmem>> -> memref<625xi32, #tpu.memory_space<vmem>>
        %dma_start3A_310 = arith.constant 0 : i32
        %dma_start3A_311 = tpu.memref_slice %arg4[%add3A_299, %dma_start3A_310] : memref<5120x625xi32, #tpu.memory_space<hbm>> -> memref<1x625xi32, #tpu.memory_space<hbm>>
        %dma_start3A_312 = tpu.memref_squeeze %dma_start3A_311 : memref<1x625xi32, #tpu.memory_space<hbm>> -> memref<625xi32, #tpu.memory_space<hbm>>
        tpu.enqueue_dma source(%dma_start3A_312 : memref<625xi32, #tpu.memory_space<hbm>>) target(%dma_start3A_309 : memref<625xi32, #tpu.memory_space<vmem>>) target_semaphore(%arg10 : memref<!tpu.dma_semaphore, #tpu.memory_space<semaphore_mem>>)
      } else {
      }
    }
    %scan3A_125 = arith.constant 40 : i32
    %barrier3A_126 = arith.constant 0 : index
    tpu.barrier barrier_id(%barrier3A_126)
    %add3A_127 = arith.constant 0 : i32
    %add3A_128 = arith.addi %mul3A_7, %add3A_127 : i32
    %dma_start3A_129 = arith.constant 0 : i32
    %dma_start3A_130 = arith.constant 0 : i32
    %dma_start3A_131 = arith.constant 0 : i32
    %dma_start3A_132 = tpu.memref_slice %arg8[%dma_start3A_129, %dma_start3A_130, %dma_start3A_131] : memref<2x625x16xf32, #tpu.memory_space<vmem>> -> memref<1x400x16xf32, #tpu.memory_space<vmem>>
    %dma_start3A_133 = tpu.memref_squeeze %dma_start3A_132 : memref<1x400x16xf32, #tpu.memory_space<vmem>> -> memref<400x16xf32, #tpu.memory_space<vmem>>
    %dma_start3A_134 = arith.constant 0 : i32
    %dma_start3A_135 = tpu.memref_slice %arg9[%add3A_128, %dma_start3A_134] : memref<102400x16xf32, #tpu.memory_space<vmem_shared>> -> memref<400x16xf32, #tpu.memory_space<vmem_shared>>
    %dma_start3A_136 = arith.constant 0 : i32
    %dma_start3A_137 = arith.constant 0 : i32
    %dma_start3A_138 = tpu.memref_slice %arg8[%dma_start3A_129, %dma_start3A_136, %dma_start3A_137] : memref<2x625x16xf32, #tpu.memory_space<vmem>> -> memref<1x400x16xf32, #tpu.memory_space<vmem>>
    %dma_start3A_139 = tpu.memref_squeeze %dma_start3A_138 : memref<1x400x16xf32, #tpu.memory_space<vmem>> -> memref<400x16xf32, #tpu.memory_space<vmem>>
    %dma_start3A_140 = arith.constant 0 : i32
    %dma_start3A_141 = tpu.memref_slice %arg9[%add3A_128, %dma_start3A_140] : memref<102400x16xf32, #tpu.memory_space<vmem_shared>> -> memref<400x16xf32, #tpu.memory_space<vmem_shared>>
    tpu.enqueue_dma source(%dma_start3A_141 : memref<400x16xf32, #tpu.memory_space<vmem_shared>>) target(%dma_start3A_139 : memref<400x16xf32, #tpu.memory_space<vmem>>) target_semaphore(%arg13 : memref<!tpu.dma_semaphore, #tpu.memory_space<semaphore_mem>>)
    %scan3A_142 = arith.constant 0 : i32
    %scan3A_143 = arith.constant 0 : i32
    %scan3A_144 = arith.constant 8 : i32
    %scan3A_145 = arith.addi %scan3A_143, %scan3A_144 : i32
    %scan3A_146 = arith.constant 1 : i32
    scf.for %scan3A_165 = %scan3A_143 to %scan3A_145 step %scan3A_146  : i32 {
      %mul3A_166 = arith.constant 2 : i32
      %mul3A_167 = arith.muli %scan3A_165, %mul3A_166 : i32
      %add3A_168 = arith.constant 0 : i32
      %add3A_169 = arith.addi %mul3A_167, %add3A_168 : i32
      %mul3A_170 = arith.constant 400 : i32
      %mul3A_171 = arith.muli %add3A_169, %mul3A_170 : i32
      %add3A_172 = arith.addi %mul3A_7, %mul3A_171 : i32
      %dma_wait3A_173 = arith.constant 0 : i32
      %dma_wait3A_174 = arith.constant 0 : i32
      %dma_wait3A_175 = arith.constant 0 : i32
      %dma_wait3A_176 = tpu.memref_slice %arg8[%dma_wait3A_173, %dma_wait3A_174, %dma_wait3A_175] : memref<2x625x16xf32, #tpu.memory_space<vmem>> -> memref<1x400x16xf32, #tpu.memory_space<vmem>>
      %dma_wait3A_177 = tpu.memref_squeeze %dma_wait3A_176 : memref<1x400x16xf32, #tpu.memory_space<vmem>> -> memref<400x16xf32, #tpu.memory_space<vmem>>
      %dma_wait3A_178 = arith.constant 0 : i32
      %dma_wait3A_179 = tpu.memref_slice %arg9[%add3A_172, %dma_wait3A_178] : memref<102400x16xf32, #tpu.memory_space<vmem_shared>> -> memref<400x16xf32, #tpu.memory_space<vmem_shared>>
      %dma_wait3A_180 = arith.constant 0 : i32
      %dma_wait3A_181 = arith.constant 0 : i32
      %dma_wait3A_182 = tpu.memref_slice %arg8[%dma_wait3A_173, %dma_wait3A_180, %dma_wait3A_181] : memref<2x625x16xf32, #tpu.memory_space<vmem>> -> memref<1x400x16xf32, #tpu.memory_space<vmem>>
      %dma_wait3A_183 = tpu.memref_squeeze %dma_wait3A_182 : memref<1x400x16xf32, #tpu.memory_space<vmem>> -> memref<400x16xf32, #tpu.memory_space<vmem>>
      %dma_wait3A_184 = arith.constant 0 : i32
      %dma_wait3A_185 = tpu.memref_slice %arg9[%add3A_172, %dma_wait3A_184] : memref<102400x16xf32, #tpu.memory_space<vmem_shared>> -> memref<400x16xf32, #tpu.memory_space<vmem_shared>>
      tpu.wait_dma2 semaphore(%arg13 : memref<!tpu.dma_semaphore, #tpu.memory_space<semaphore_mem>>) src(%dma_wait3A_185 : memref<400x16xf32, #tpu.memory_space<vmem_shared>>) dst(%dma_wait3A_183 : memref<400x16xf32, #tpu.memory_space<vmem>>)
      %mul3A_186 = arith.constant 400 : i32
      %mul3A_187 = arith.muli %add3A_169, %mul3A_186 : i32
      %add3A_188 = arith.addi %mul3A_7, %mul3A_187 : i32
      %dma_start3A_189 = arith.constant 0 : i32
      %dma_start3A_190 = arith.constant 0 : i32
      %dma_start3A_191 = arith.constant 0 : i32
      %dma_start3A_192 = tpu.memref_slice %arg8[%dma_start3A_189, %dma_start3A_190, %dma_start3A_191] : memref<2x625x16xf32, #tpu.memory_space<vmem>> -> memref<1x400x16xf32, #tpu.memory_space<vmem>>
      %dma_start3A_193 = tpu.memref_squeeze %dma_start3A_192 : memref<1x400x16xf32, #tpu.memory_space<vmem>> -> memref<400x16xf32, #tpu.memory_space<vmem>>
      %dma_start3A_194 = arith.constant 0 : i32
      %dma_start3A_195 = tpu.memref_slice %arg5[%arg0, %add3A_188, %dma_start3A_194] : memref<2x102400x16xf32, #tpu.memory_space<hbm>> -> memref<1x400x16xf32, #tpu.memory_space<hbm>>
      %dma_start3A_196 = tpu.memref_squeeze %dma_start3A_195 : memref<1x400x16xf32, #tpu.memory_space<hbm>> -> memref<400x16xf32, #tpu.memory_space<hbm>>
      %dma_start3A_197 = arith.constant 0 : i32
      %dma_start3A_198 = tpu.memref_slice %arg5[%arg0, %add3A_188, %dma_start3A_197] : memref<2x102400x16xf32, #tpu.memory_space<hbm>> -> memref<1x400x16xf32, #tpu.memory_space<hbm>>
      %dma_start3A_199 = tpu.memref_squeeze %dma_start3A_198 : memref<1x400x16xf32, #tpu.memory_space<hbm>> -> memref<400x16xf32, #tpu.memory_space<hbm>>
      %dma_start3A_200 = arith.constant 0 : i32
      %dma_start3A_201 = arith.constant 0 : i32
      %dma_start3A_202 = tpu.memref_slice %arg8[%dma_start3A_189, %dma_start3A_200, %dma_start3A_201] : memref<2x625x16xf32, #tpu.memory_space<vmem>> -> memref<1x400x16xf32, #tpu.memory_space<vmem>>
      %dma_start3A_203 = tpu.memref_squeeze %dma_start3A_202 : memref<1x400x16xf32, #tpu.memory_space<vmem>> -> memref<400x16xf32, #tpu.memory_space<vmem>>
      tpu.enqueue_dma source(%dma_start3A_203 : memref<400x16xf32, #tpu.memory_space<vmem>>) target(%dma_start3A_199 : memref<400x16xf32, #tpu.memory_space<hbm>>) target_semaphore(%arg11 : memref<!tpu.dma_semaphore, #tpu.memory_space<semaphore_mem>>)
      %ge3A = arith.constant 1 : i32
      %ge3A_204 = arith.cmpi sge, %add3A_169, %ge3A : i32
      %convert_element_type3A = arith.extui %ge3A_204 : i1 to i32
      %cond3A = arith.constant 0 : i32
      %cond3A_205 = arith.cmpi ne, %convert_element_type3A, %cond3A : i32
      scf.if %cond3A_205 {
        %sub3A = arith.constant 1 : i32
        %sub3A_262 = arith.subi %add3A_169, %sub3A : i32
        %mul3A_263 = arith.constant 400 : i32
        %mul3A_264 = arith.muli %sub3A_262, %mul3A_263 : i32
        %add3A_265 = arith.addi %mul3A_7, %mul3A_264 : i32
        %dma_wait3A_266 = arith.constant 1 : i32
        %dma_wait3A_267 = arith.constant 0 : i32
        %dma_wait3A_268 = arith.constant 0 : i32
        %dma_wait3A_269 = tpu.memref_slice %arg8[%dma_wait3A_266, %dma_wait3A_267, %dma_wait3A_268] : memref<2x625x16xf32, #tpu.memory_space<vmem>> -> memref<1x400x16xf32, #tpu.memory_space<vmem>>
        %dma_wait3A_270 = tpu.memref_squeeze %dma_wait3A_269 : memref<1x400x16xf32, #tpu.memory_space<vmem>> -> memref<400x16xf32, #tpu.memory_space<vmem>>
        %dma_wait3A_271 = arith.constant 0 : i32
        %dma_wait3A_272 = tpu.memref_slice %arg5[%arg0, %add3A_265, %dma_wait3A_271] : memref<2x102400x16xf32, #tpu.memory_space<hbm>> -> memref<1x400x16xf32, #tpu.memory_space<hbm>>
        %dma_wait3A_273 = tpu.memref_squeeze %dma_wait3A_272 : memref<1x400x16xf32, #tpu.memory_space<hbm>> -> memref<400x16xf32, #tpu.memory_space<hbm>>
        %dma_wait3A_274 = arith.constant 0 : i32
        %dma_wait3A_275 = tpu.memref_slice %arg5[%arg0, %add3A_265, %dma_wait3A_274] : memref<2x102400x16xf32, #tpu.memory_space<hbm>> -> memref<1x400x16xf32, #tpu.memory_space<hbm>>
        %dma_wait3A_276 = tpu.memref_squeeze %dma_wait3A_275 : memref<1x400x16xf32, #tpu.memory_space<hbm>> -> memref<400x16xf32, #tpu.memory_space<hbm>>
        %dma_wait3A_277 = arith.constant 0 : i32
        %dma_wait3A_278 = arith.constant 0 : i32
        %dma_wait3A_279 = tpu.memref_slice %arg8[%dma_wait3A_266, %dma_wait3A_277, %dma_wait3A_278] : memref<2x625x16xf32, #tpu.memory_space<vmem>> -> memref<1x400x16xf32, #tpu.memory_space<vmem>>
        %dma_wait3A_280 = tpu.memref_squeeze %dma_wait3A_279 : memref<1x400x16xf32, #tpu.memory_space<vmem>> -> memref<400x16xf32, #tpu.memory_space<vmem>>
        tpu.wait_dma2 semaphore(%arg11 : memref<!tpu.dma_semaphore, #tpu.memory_space<semaphore_mem>>) src(%dma_wait3A_280 : memref<400x16xf32, #tpu.memory_space<vmem>>) dst(%dma_wait3A_276 : memref<400x16xf32, #tpu.memory_space<hbm>>)
      } else {
      }
      %add3A_206 = arith.constant 1 : i32
      %add3A_207 = arith.addi %add3A_169, %add3A_206 : i32
      %lt3A = arith.constant 16 : i32
      %lt3A_208 = arith.cmpi slt, %add3A_207, %lt3A : i32
      %convert_element_type3A_209 = arith.extui %lt3A_208 : i1 to i32
      %cond3A_210 = arith.constant 0 : i32
      %cond3A_211 = arith.cmpi ne, %convert_element_type3A_209, %cond3A_210 : i32
      scf.if %cond3A_211 {
        %add3A_262 = arith.constant 1 : i32
        %add3A_263 = arith.addi %add3A_169, %add3A_262 : i32
        %mul3A_264 = arith.constant 400 : i32
        %mul3A_265 = arith.muli %add3A_263, %mul3A_264 : i32
        %add3A_266 = arith.addi %mul3A_7, %mul3A_265 : i32
        %dma_start3A_267 = arith.constant 1 : i32
        %dma_start3A_268 = arith.constant 0 : i32
        %dma_start3A_269 = arith.constant 0 : i32
        %dma_start3A_270 = tpu.memref_slice %arg8[%dma_start3A_267, %dma_start3A_268, %dma_start3A_269] : memref<2x625x16xf32, #tpu.memory_space<vmem>> -> memref<1x400x16xf32, #tpu.memory_space<vmem>>
        %dma_start3A_271 = tpu.memref_squeeze %dma_start3A_270 : memref<1x400x16xf32, #tpu.memory_space<vmem>> -> memref<400x16xf32, #tpu.memory_space<vmem>>
        %dma_start3A_272 = arith.constant 0 : i32
        %dma_start3A_273 = tpu.memref_slice %arg9[%add3A_266, %dma_start3A_272] : memref<102400x16xf32, #tpu.memory_space<vmem_shared>> -> memref<400x16xf32, #tpu.memory_space<vmem_shared>>
        %dma_start3A_274 = arith.constant 0 : i32
        %dma_start3A_275 = arith.constant 0 : i32
        %dma_start3A_276 = tpu.memref_slice %arg8[%dma_start3A_267, %dma_start3A_274, %dma_start3A_275] : memref<2x625x16xf32, #tpu.memory_space<vmem>> -> memref<1x400x16xf32, #tpu.memory_space<vmem>>
        %dma_start3A_277 = tpu.memref_squeeze %dma_start3A_276 : memref<1x400x16xf32, #tpu.memory_space<vmem>> -> memref<400x16xf32, #tpu.memory_space<vmem>>
        %dma_start3A_278 = arith.constant 0 : i32
        %dma_start3A_279 = tpu.memref_slice %arg9[%add3A_266, %dma_start3A_278] : memref<102400x16xf32, #tpu.memory_space<vmem_shared>> -> memref<400x16xf32, #tpu.memory_space<vmem_shared>>
        tpu.enqueue_dma source(%dma_start3A_279 : memref<400x16xf32, #tpu.memory_space<vmem_shared>>) target(%dma_start3A_277 : memref<400x16xf32, #tpu.memory_space<vmem>>) target_semaphore(%arg13 : memref<!tpu.dma_semaphore, #tpu.memory_space<semaphore_mem>>)
      } else {
      }
      %mul3A_212 = arith.constant 2 : i32
      %mul3A_213 = arith.muli %scan3A_165, %mul3A_212 : i32
      %add3A_214 = arith.constant 1 : i32
      %add3A_215 = arith.addi %mul3A_213, %add3A_214 : i32
      %mul3A_216 = arith.constant 400 : i32
      %mul3A_217 = arith.muli %add3A_215, %mul3A_216 : i32
      %add3A_218 = arith.addi %mul3A_7, %mul3A_217 : i32
      %dma_wait3A_219 = arith.constant 1 : i32
      %dma_wait3A_220 = arith.constant 0 : i32
      %dma_wait3A_221 = arith.constant 0 : i32
      %dma_wait3A_222 = tpu.memref_slice %arg8[%dma_wait3A_219, %dma_wait3A_220, %dma_wait3A_221] : memref<2x625x16xf32, #tpu.memory_space<vmem>> -> memref<1x400x16xf32, #tpu.memory_space<vmem>>
      %dma_wait3A_223 = tpu.memref_squeeze %dma_wait3A_222 : memref<1x400x16xf32, #tpu.memory_space<vmem>> -> memref<400x16xf32, #tpu.memory_space<vmem>>
      %dma_wait3A_224 = arith.constant 0 : i32
      %dma_wait3A_225 = tpu.memref_slice %arg9[%add3A_218, %dma_wait3A_224] : memref<102400x16xf32, #tpu.memory_space<vmem_shared>> -> memref<400x16xf32, #tpu.memory_space<vmem_shared>>
      %dma_wait3A_226 = arith.constant 0 : i32
      %dma_wait3A_227 = arith.constant 0 : i32
      %dma_wait3A_228 = tpu.memref_slice %arg8[%dma_wait3A_219, %dma_wait3A_226, %dma_wait3A_227] : memref<2x625x16xf32, #tpu.memory_space<vmem>> -> memref<1x400x16xf32, #tpu.memory_space<vmem>>
      %dma_wait3A_229 = tpu.memref_squeeze %dma_wait3A_228 : memref<1x400x16xf32, #tpu.memory_space<vmem>> -> memref<400x16xf32, #tpu.memory_space<vmem>>
      %dma_wait3A_230 = arith.constant 0 : i32
      %dma_wait3A_231 = tpu.memref_slice %arg9[%add3A_218, %dma_wait3A_230] : memref<102400x16xf32, #tpu.memory_space<vmem_shared>> -> memref<400x16xf32, #tpu.memory_space<vmem_shared>>
      tpu.wait_dma2 semaphore(%arg13 : memref<!tpu.dma_semaphore, #tpu.memory_space<semaphore_mem>>) src(%dma_wait3A_231 : memref<400x16xf32, #tpu.memory_space<vmem_shared>>) dst(%dma_wait3A_229 : memref<400x16xf32, #tpu.memory_space<vmem>>)
      %mul3A_232 = arith.constant 400 : i32
      %mul3A_233 = arith.muli %add3A_215, %mul3A_232 : i32
      %add3A_234 = arith.addi %mul3A_7, %mul3A_233 : i32
      %dma_start3A_235 = arith.constant 1 : i32
      %dma_start3A_236 = arith.constant 0 : i32
      %dma_start3A_237 = arith.constant 0 : i32
      %dma_start3A_238 = tpu.memref_slice %arg8[%dma_start3A_235, %dma_start3A_236, %dma_start3A_237] : memref<2x625x16xf32, #tpu.memory_space<vmem>> -> memref<1x400x16xf32, #tpu.memory_space<vmem>>
      %dma_start3A_239 = tpu.memref_squeeze %dma_start3A_238 : memref<1x400x16xf32, #tpu.memory_space<vmem>> -> memref<400x16xf32, #tpu.memory_space<vmem>>
      %dma_start3A_240 = arith.constant 0 : i32
      %dma_start3A_241 = tpu.memref_slice %arg5[%arg0, %add3A_234, %dma_start3A_240] : memref<2x102400x16xf32, #tpu.memory_space<hbm>> -> memref<1x400x16xf32, #tpu.memory_space<hbm>>
      %dma_start3A_242 = tpu.memref_squeeze %dma_start3A_241 : memref<1x400x16xf32, #tpu.memory_space<hbm>> -> memref<400x16xf32, #tpu.memory_space<hbm>>
      %dma_start3A_243 = arith.constant 0 : i32
      %dma_start3A_244 = tpu.memref_slice %arg5[%arg0, %add3A_234, %dma_start3A_243] : memref<2x102400x16xf32, #tpu.memory_space<hbm>> -> memref<1x400x16xf32, #tpu.memory_space<hbm>>
      %dma_start3A_245 = tpu.memref_squeeze %dma_start3A_244 : memref<1x400x16xf32, #tpu.memory_space<hbm>> -> memref<400x16xf32, #tpu.memory_space<hbm>>
      %dma_start3A_246 = arith.constant 0 : i32
      %dma_start3A_247 = arith.constant 0 : i32
      %dma_start3A_248 = tpu.memref_slice %arg8[%dma_start3A_235, %dma_start3A_246, %dma_start3A_247] : memref<2x625x16xf32, #tpu.memory_space<vmem>> -> memref<1x400x16xf32, #tpu.memory_space<vmem>>
      %dma_start3A_249 = tpu.memref_squeeze %dma_start3A_248 : memref<1x400x16xf32, #tpu.memory_space<vmem>> -> memref<400x16xf32, #tpu.memory_space<vmem>>
      tpu.enqueue_dma source(%dma_start3A_249 : memref<400x16xf32, #tpu.memory_space<vmem>>) target(%dma_start3A_245 : memref<400x16xf32, #tpu.memory_space<hbm>>) target_semaphore(%arg11 : memref<!tpu.dma_semaphore, #tpu.memory_space<semaphore_mem>>)
      %ge3A_250 = arith.constant 1 : i32
      %ge3A_251 = arith.cmpi sge, %add3A_215, %ge3A_250 : i32
      %convert_element_type3A_252 = arith.extui %ge3A_251 : i1 to i32
      %cond3A_253 = arith.constant 0 : i32
      %cond3A_254 = arith.cmpi ne, %convert_element_type3A_252, %cond3A_253 : i32
      scf.if %cond3A_254 {
        %sub3A = arith.constant 1 : i32
        %sub3A_262 = arith.subi %add3A_215, %sub3A : i32
        %mul3A_263 = arith.constant 400 : i32
        %mul3A_264 = arith.muli %sub3A_262, %mul3A_263 : i32
        %add3A_265 = arith.addi %mul3A_7, %mul3A_264 : i32
        %dma_wait3A_266 = arith.constant 0 : i32
        %dma_wait3A_267 = arith.constant 0 : i32
        %dma_wait3A_268 = arith.constant 0 : i32
        %dma_wait3A_269 = tpu.memref_slice %arg8[%dma_wait3A_266, %dma_wait3A_267, %dma_wait3A_268] : memref<2x625x16xf32, #tpu.memory_space<vmem>> -> memref<1x400x16xf32, #tpu.memory_space<vmem>>
        %dma_wait3A_270 = tpu.memref_squeeze %dma_wait3A_269 : memref<1x400x16xf32, #tpu.memory_space<vmem>> -> memref<400x16xf32, #tpu.memory_space<vmem>>
        %dma_wait3A_271 = arith.constant 0 : i32
        %dma_wait3A_272 = tpu.memref_slice %arg5[%arg0, %add3A_265, %dma_wait3A_271] : memref<2x102400x16xf32, #tpu.memory_space<hbm>> -> memref<1x400x16xf32, #tpu.memory_space<hbm>>
        %dma_wait3A_273 = tpu.memref_squeeze %dma_wait3A_272 : memref<1x400x16xf32, #tpu.memory_space<hbm>> -> memref<400x16xf32, #tpu.memory_space<hbm>>
        %dma_wait3A_274 = arith.constant 0 : i32
        %dma_wait3A_275 = tpu.memref_slice %arg5[%arg0, %add3A_265, %dma_wait3A_274] : memref<2x102400x16xf32, #tpu.memory_space<hbm>> -> memref<1x400x16xf32, #tpu.memory_space<hbm>>
        %dma_wait3A_276 = tpu.memref_squeeze %dma_wait3A_275 : memref<1x400x16xf32, #tpu.memory_space<hbm>> -> memref<400x16xf32, #tpu.memory_space<hbm>>
        %dma_wait3A_277 = arith.constant 0 : i32
        %dma_wait3A_278 = arith.constant 0 : i32
        %dma_wait3A_279 = tpu.memref_slice %arg8[%dma_wait3A_266, %dma_wait3A_277, %dma_wait3A_278] : memref<2x625x16xf32, #tpu.memory_space<vmem>> -> memref<1x400x16xf32, #tpu.memory_space<vmem>>
        %dma_wait3A_280 = tpu.memref_squeeze %dma_wait3A_279 : memref<1x400x16xf32, #tpu.memory_space<vmem>> -> memref<400x16xf32, #tpu.memory_space<vmem>>
        tpu.wait_dma2 semaphore(%arg11 : memref<!tpu.dma_semaphore, #tpu.memory_space<semaphore_mem>>) src(%dma_wait3A_280 : memref<400x16xf32, #tpu.memory_space<vmem>>) dst(%dma_wait3A_276 : memref<400x16xf32, #tpu.memory_space<hbm>>)
      } else {
      }
      %add3A_255 = arith.constant 1 : i32
      %add3A_256 = arith.addi %add3A_215, %add3A_255 : i32
      %lt3A_257 = arith.constant 16 : i32
      %lt3A_258 = arith.cmpi slt, %add3A_256, %lt3A_257 : i32
      %convert_element_type3A_259 = arith.extui %lt3A_258 : i1 to i32
      %cond3A_260 = arith.constant 0 : i32
      %cond3A_261 = arith.cmpi ne, %convert_element_type3A_259, %cond3A_260 : i32
      scf.if %cond3A_261 {
        %add3A_262 = arith.constant 1 : i32
        %add3A_263 = arith.addi %add3A_215, %add3A_262 : i32
        %mul3A_264 = arith.constant 400 : i32
        %mul3A_265 = arith.muli %add3A_263, %mul3A_264 : i32
        %add3A_266 = arith.addi %mul3A_7, %mul3A_265 : i32
        %dma_start3A_267 = arith.constant 0 : i32
        %dma_start3A_268 = arith.constant 0 : i32
        %dma_start3A_269 = arith.constant 0 : i32
        %dma_start3A_270 = tpu.memref_slice %arg8[%dma_start3A_267, %dma_start3A_268, %dma_start3A_269] : memref<2x625x16xf32, #tpu.memory_space<vmem>> -> memref<1x400x16xf32, #tpu.memory_space<vmem>>
        %dma_start3A_271 = tpu.memref_squeeze %dma_start3A_270 : memref<1x400x16xf32, #tpu.memory_space<vmem>> -> memref<400x16xf32, #tpu.memory_space<vmem>>
        %dma_start3A_272 = arith.constant 0 : i32
        %dma_start3A_273 = tpu.memref_slice %arg9[%add3A_266, %dma_start3A_272] : memref<102400x16xf32, #tpu.memory_space<vmem_shared>> -> memref<400x16xf32, #tpu.memory_space<vmem_shared>>
        %dma_start3A_274 = arith.constant 0 : i32
        %dma_start3A_275 = arith.constant 0 : i32
        %dma_start3A_276 = tpu.memref_slice %arg8[%dma_start3A_267, %dma_start3A_274, %dma_start3A_275] : memref<2x625x16xf32, #tpu.memory_space<vmem>> -> memref<1x400x16xf32, #tpu.memory_space<vmem>>
        %dma_start3A_277 = tpu.memref_squeeze %dma_start3A_276 : memref<1x400x16xf32, #tpu.memory_space<vmem>> -> memref<400x16xf32, #tpu.memory_space<vmem>>
        %dma_start3A_278 = arith.constant 0 : i32
        %dma_start3A_279 = tpu.memref_slice %arg9[%add3A_266, %dma_start3A_278] : memref<102400x16xf32, #tpu.memory_space<vmem_shared>> -> memref<400x16xf32, #tpu.memory_space<vmem_shared>>
        tpu.enqueue_dma source(%dma_start3A_279 : memref<400x16xf32, #tpu.memory_space<vmem_shared>>) target(%dma_start3A_277 : memref<400x16xf32, #tpu.memory_space<vmem>>) target_semaphore(%arg13 : memref<!tpu.dma_semaphore, #tpu.memory_space<semaphore_mem>>)
      } else {
      }
    }
    %scan3A_147 = arith.constant 8 : i32
    %add3A_148 = arith.constant 6000 : i32
    %add3A_149 = arith.addi %mul3A_7, %add3A_148 : i32
    %dma_wait3A_150 = arith.constant 1 : i32
    %dma_wait3A_151 = arith.constant 0 : i32
    %dma_wait3A_152 = arith.constant 0 : i32
    %dma_wait3A_153 = tpu.memref_slice %arg8[%dma_wait3A_150, %dma_wait3A_151, %dma_wait3A_152] : memref<2x625x16xf32, #tpu.memory_space<vmem>> -> memref<1x400x16xf32, #tpu.memory_space<vmem>>
    %dma_wait3A_154 = tpu.memref_squeeze %dma_wait3A_153 : memref<1x400x16xf32, #tpu.memory_space<vmem>> -> memref<400x16xf32, #tpu.memory_space<vmem>>
    %dma_wait3A_155 = arith.constant 0 : i32
    %dma_wait3A_156 = tpu.memref_slice %arg5[%arg0, %add3A_149, %dma_wait3A_155] : memref<2x102400x16xf32, #tpu.memory_space<hbm>> -> memref<1x400x16xf32, #tpu.memory_space<hbm>>
    %dma_wait3A_157 = tpu.memref_squeeze %dma_wait3A_156 : memref<1x400x16xf32, #tpu.memory_space<hbm>> -> memref<400x16xf32, #tpu.memory_space<hbm>>
    %dma_wait3A_158 = arith.constant 0 : i32
    %dma_wait3A_159 = tpu.memref_slice %arg5[%arg0, %add3A_149, %dma_wait3A_158] : memref<2x102400x16xf32, #tpu.memory_space<hbm>> -> memref<1x400x16xf32, #tpu.memory_space<hbm>>
    %dma_wait3A_160 = tpu.memref_squeeze %dma_wait3A_159 : memref<1x400x16xf32, #tpu.memory_space<hbm>> -> memref<400x16xf32, #tpu.memory_space<hbm>>
    %dma_wait3A_161 = arith.constant 0 : i32
    %dma_wait3A_162 = arith.constant 0 : i32
    %dma_wait3A_163 = tpu.memref_slice %arg8[%dma_wait3A_150, %dma_wait3A_161, %dma_wait3A_162] : memref<2x625x16xf32, #tpu.memory_space<vmem>> -> memref<1x400x16xf32, #tpu.memory_space<vmem>>
    %dma_wait3A_164 = tpu.memref_squeeze %dma_wait3A_163 : memref<1x400x16xf32, #tpu.memory_space<vmem>> -> memref<400x16xf32, #tpu.memory_space<vmem>>
    tpu.wait_dma2 semaphore(%arg11 : memref<!tpu.dma_semaphore, #tpu.memory_space<semaphore_mem>>) src(%dma_wait3A_164 : memref<400x16xf32, #tpu.memory_space<vmem>>) dst(%dma_wait3A_160 : memref<400x16xf32, #tpu.memory_space<hbm>>)
    return
  }
}

#map = affine_map<(d0, d1) -> (0, 0)>
#map1 = affine_map<(d0, d1) -> (0, 0, 0)>
module attributes {stable_mosaic.version = 14 : i64} {
  func.func @_sc_aggr_body(%arg0: i32, %arg1: i32, %arg2: memref<307200x16xf32, #tpu.memory_space<hbm>>, %arg3: memref<5120x625xi32, #tpu.memory_space<hbm>>, %arg4: memref<5120x625xi32, #tpu.memory_space<hbm>>, %arg5: memref<2x102400x16xf32, #tpu.memory_space<hbm>>, %arg6: memref<4x625xi32, #tpu.memory_space<vmem>>, %arg7: memref<4x625xi32, #tpu.memory_space<vmem>>, %arg8: memref<2x625x16xf32, #tpu.memory_space<vmem>>, %arg9: memref<102400x16xf32, #tpu.memory_space<vmem_shared>>, %arg10: memref<!tpu.dma_semaphore, #tpu.memory_space<semaphore_mem>>, %arg11: memref<!tpu.dma_semaphore, #tpu.memory_space<semaphore_mem>>, %arg12: memref<!tpu.dma_semaphore, #tpu.memory_space<semaphore_mem>>, %arg13: memref<!tpu.dma_semaphore, #tpu.memory_space<semaphore_mem>>) attributes {dimension_semantics = [#tpu.dimension_semantics<core_parallel>, #tpu.dimension_semantics<subcore_parallel>], iteration_bounds = array<i64: 2, 16>, scalar_prefetch = 0 : i64, scratch_operands = 8 : i64, tpu.core_type = #tpu.core_type<sc_vector_subcore>, window_params = [{transform_indices = #map}, {transform_indices = #map}, {transform_indices = #map}, {transform_indices = #map1}]} {
    %mul3A = arith.constant 2 : i32
    %mul3A_0 = arith.muli %arg1, %mul3A : i32
    %add3A = arith.addi %mul3A_0, %arg0 : i32
    %scan3A = arith.constant 0 : i32
    %scan3A_1 = arith.constant 0 : i32
    %scan3A_2 = arith.constant 400 : i32
    %scan3A_3 = arith.addi %scan3A_1, %scan3A_2 : i32
    %scan3A_4 = arith.constant 1 : i32
    scf.for %scan3A_165 = %scan3A_1 to %scan3A_3 step %scan3A_4  : i32 {
      %broadcast_in_dim3A = arith.constant 0.000000e+00 : f32
      %broadcast_in_dim3A_166 = vector.broadcast %broadcast_in_dim3A : f32 to vector<16xf32>
      %swap3A = arith.constant 0 : i32
      %swap3A_167 = arith.index_cast %swap3A : i32 to index
      %swap3A_168 = arith.index_cast %scan3A_165 : i32 to index
      %swap3A_169 = arith.constant 0 : index
      %swap3A_170 = tpu.vector_load %arg8[%swap3A_167, %swap3A_168, %swap3A_169] {strides = array<i32>} : memref<2x625x16xf32, #tpu.memory_space<vmem>>, vector<1x1x16xf32>,
      %swap3A_171 = vector.shape_cast %swap3A_170 : vector<1x1x16xf32> to vector<16xf32>
      %swap3A_172 = vector.shape_cast %broadcast_in_dim3A_166 : vector<16xf32> to vector<1x1x16xf32>
      tpu.vector_store %arg8[%swap3A_167, %swap3A_168, %swap3A_169], %swap3A_172 {strides = array<i32>} : memref<2x625x16xf32, #tpu.memory_space<vmem>>, vector<1x1x16xf32>,
    }
    %scan3A_5 = arith.constant 400 : i32
    %mul3A_6 = arith.constant 6400 : i32
    %mul3A_7 = arith.muli %arg1, %mul3A_6 : i32
    %scan3A_8 = arith.constant 0 : i32
    %scan3A_9 = arith.constant 0 : i32
    %scan3A_10 = arith.constant 16 : i32
    %scan3A_11 = arith.addi %scan3A_9, %scan3A_10 : i32
    %scan3A_12 = arith.constant 1 : i32
    scf.for %scan3A_165 = %scan3A_9 to %scan3A_11 step %scan3A_12  : i32 {
      %mul3A_166 = arith.constant 400 : i32
      %mul3A_167 = arith.muli %scan3A_165, %mul3A_166 : i32
      %add3A_168 = arith.addi %mul3A_7, %mul3A_167 : i32
      %dma_start3A_169 = arith.constant 0 : i32
      %dma_start3A_170 = arith.constant 0 : i32
      %dma_start3A_171 = arith.constant 0 : i32
      %dma_start3A_172 = tpu.memref_slice %arg8[%dma_start3A_169, %dma_start3A_170, %dma_start3A_171] : memref<2x625x16xf32, #tpu.memory_space<vmem>> -> memref<1x400x16xf32, #tpu.memory_space<vmem>>
      %dma_start3A_173 = tpu.memref_squeeze %dma_start3A_172 : memref<1x400x16xf32, #tpu.memory_space<vmem>> -> memref<400x16xf32, #tpu.memory_space<vmem>>
      %dma_start3A_174 = arith.constant 0 : i32
      %dma_start3A_175 = tpu.memref_slice %arg9[%add3A_168, %dma_start3A_174] : memref<102400x16xf32, #tpu.memory_space<vmem_shared>> -> memref<400x16xf32, #tpu.memory_space<vmem_shared>>
      %dma_start3A_176 = arith.constant 0 : i32
      %dma_start3A_177 = tpu.memref_slice %arg9[%add3A_168, %dma_start3A_176] : memref<102400x16xf32, #tpu.memory_space<vmem_shared>> -> memref<400x16xf32, #tpu.memory_space<vmem_shared>>
      %dma_start3A_178 = arith.constant 0 : i32
      %dma_start3A_179 = arith.constant 0 : i32
      %dma_start3A_180 = tpu.memref_slice %arg8[%dma_start3A_169, %dma_start3A_178, %dma_start3A_179] : memref<2x625x16xf32, #tpu.memory_space<vmem>> -> memref<1x400x16xf32, #tpu.memory_space<vmem>>
      %dma_start3A_181 = tpu.memref_squeeze %dma_start3A_180 : memref<1x400x16xf32, #tpu.memory_space<vmem>> -> memref<400x16xf32, #tpu.memory_space<vmem>>
      tpu.enqueue_dma source(%dma_start3A_181 : memref<400x16xf32, #tpu.memory_space<vmem>>) target(%dma_start3A_177 : memref<400x16xf32, #tpu.memory_space<vmem_shared>>) target_semaphore(%arg13 : memref<!tpu.dma_semaphore, #tpu.memory_space<semaphore_mem>>)
    }
    %scan3A_13 = arith.constant 16 : i32
    %scan3A_14 = arith.constant 0 : i32
    %scan3A_15 = arith.constant 0 : i32
    %scan3A_16 = arith.constant 16 : i32
    %scan3A_17 = arith.addi %scan3A_15, %scan3A_16 : i32
    %scan3A_18 = arith.constant 1 : i32
    scf.for %scan3A_165 = %scan3A_15 to %scan3A_17 step %scan3A_18  : i32 {
      %mul3A_166 = arith.constant 400 : i32
      %mul3A_167 = arith.muli %scan3A_165, %mul3A_166 : i32
      %add3A_168 = arith.addi %mul3A_7, %mul3A_167 : i32
      %dma_wait3A_169 = arith.constant 0 : i32
      %dma_wait3A_170 = arith.constant 0 : i32
      %dma_wait3A_171 = arith.constant 0 : i32
      %dma_wait3A_172 = tpu.memref_slice %arg8[%dma_wait3A_169, %dma_wait3A_170, %dma_wait3A_171] : memref<2x625x16xf32, #tpu.memory_space<vmem>> -> memref<1x400x16xf32, #tpu.memory_space<vmem>>
      %dma_wait3A_173 = tpu.memref_squeeze %dma_wait3A_172 : memref<1x400x16xf32, #tpu.memory_space<vmem>> -> memref<400x16xf32, #tpu.memory_space<vmem>>
      %dma_wait3A_174 = arith.constant 0 : i32
      %dma_wait3A_175 = tpu.memref_slice %arg9[%add3A_168, %dma_wait3A_174] : memref<102400x16xf32, #tpu.memory_space<vmem_shared>> -> memref<400x16xf32, #tpu.memory_space<vmem_shared>>
      %dma_wait3A_176 = arith.constant 0 : i32
      %dma_wait3A_177 = tpu.memref_slice %arg9[%add3A_168, %dma_wait3A_176] : memref<102400x16xf32, #tpu.memory_space<vmem_shared>> -> memref<400x16xf32, #tpu.memory_space<vmem_shared>>
      %dma_wait3A_178 = arith.constant 0 : i32
      %dma_wait3A_179 = arith.constant 0 : i32
      %dma_wait3A_180 = tpu.memref_slice %arg8[%dma_wait3A_169, %dma_wait3A_178, %dma_wait3A_179] : memref<2x625x16xf32, #tpu.memory_space<vmem>> -> memref<1x400x16xf32, #tpu.memory_space<vmem>>
      %dma_wait3A_181 = tpu.memref_squeeze %dma_wait3A_180 : memref<1x400x16xf32, #tpu.memory_space<vmem>> -> memref<400x16xf32, #tpu.memory_space<vmem>>
      tpu.wait_dma2 semaphore(%arg13 : memref<!tpu.dma_semaphore, #tpu.memory_space<semaphore_mem>>) src(%dma_wait3A_181 : memref<400x16xf32, #tpu.memory_space<vmem>>) dst(%dma_wait3A_177 : memref<400x16xf32, #tpu.memory_space<vmem_shared>>)
    }
    %scan3A_19 = arith.constant 16 : i32
    %barrier3A = arith.constant 0 : index
    tpu.barrier barrier_id(%barrier3A)
    %mul3A_20 = arith.constant 160 : i32
    %mul3A_21 = arith.muli %add3A, %mul3A_20 : i32
    %add3A_22 = arith.constant 0 : i32
    %add3A_23 = arith.addi %mul3A_21, %add3A_22 : i32
    %dma_start3A = arith.constant 0 : i32
    %dma_start3A_24 = arith.constant 0 : i32
    %dma_start3A_25 = tpu.memref_slice %arg6[%dma_start3A, %dma_start3A_24] : memref<4x625xi32, #tpu.memory_space<vmem>> -> memref<1x625xi32, #tpu.memory_space<vmem>>
    %dma_start3A_26 = tpu.memref_squeeze %dma_start3A_25 : memref<1x625xi32, #tpu.memory_space<vmem>> -> memref<625xi32, #tpu.memory_space<vmem>>
    %dma_start3A_27 = arith.constant 0 : i32
    %dma_start3A_28 = tpu.memref_slice %arg3[%add3A_23, %dma_start3A_27] : memref<5120x625xi32, #tpu.memory_space<hbm>> -> memref<1x625xi32, #tpu.memory_space<hbm>>
    %dma_start3A_29 = tpu.memref_squeeze %dma_start3A_28 : memref<1x625xi32, #tpu.memory_space<hbm>> -> memref<625xi32, #tpu.memory_space<hbm>>
    %dma_start3A_30 = arith.constant 0 : i32
    %dma_start3A_31 = tpu.memref_slice %arg6[%dma_start3A, %dma_start3A_30] : memref<4x625xi32, #tpu.memory_space<vmem>> -> memref<1x625xi32, #tpu.memory_space<vmem>>
    %dma_start3A_32 = tpu.memref_squeeze %dma_start3A_31 : memref<1x625xi32, #tpu.memory_space<vmem>> -> memref<625xi32, #tpu.memory_space<vmem>>
    %dma_start3A_33 = arith.constant 0 : i32
    %dma_start3A_34 = tpu.memref_slice %arg3[%add3A_23, %dma_start3A_33] : memref<5120x625xi32, #tpu.memory_space<hbm>> -> memref<1x625xi32, #tpu.memory_space<hbm>>
    %dma_start3A_35 = tpu.memref_squeeze %dma_start3A_34 : memref<1x625xi32, #tpu.memory_space<hbm>> -> memref<625xi32, #tpu.memory_space<hbm>>
    tpu.enqueue_dma source(%dma_start3A_35 : memref<625xi32, #tpu.memory_space<hbm>>) target(%dma_start3A_32 : memref<625xi32, #tpu.memory_space<vmem>>) target_semaphore(%arg10 : memref<!tpu.dma_semaphore, #tpu.memory_space<semaphore_mem>>)
    %add3A_36 = arith.constant 0 : i32
    %add3A_37 = arith.addi %mul3A_21, %add3A_36 : i32
    %dma_start3A_38 = arith.constant 0 : i32
    %dma_start3A_39 = arith.constant 0 : i32
    %dma_start3A_40 = tpu.memref_slice %arg7[%dma_start3A_38, %dma_start3A_39] : memref<4x625xi32, #tpu.memory_space<vmem>> -> memref<1x625xi32, #tpu.memory_space<vmem>>
    %dma_start3A_41 = tpu.memref_squeeze %dma_start3A_40 : memref<1x625xi32, #tpu.memory_space<vmem>> -> memref<625xi32, #tpu.memory_space<vmem>>
    %dma_start3A_42 = arith.constant 0 : i32
    %dma_start3A_43 = tpu.memref_slice %arg4[%add3A_37, %dma_start3A_42] : memref<5120x625xi32, #tpu.memory_space<hbm>> -> memref<1x625xi32, #tpu.memory_space<hbm>>
    %dma_start3A_44 = tpu.memref_squeeze %dma_start3A_43 : memref<1x625xi32, #tpu.memory_space<hbm>> -> memref<625xi32, #tpu.memory_space<hbm>>
    %dma_start3A_45 = arith.constant 0 : i32
    %dma_start3A_46 = tpu.memref_slice %arg7[%dma_start3A_38, %dma_start3A_45] : memref<4x625xi32, #tpu.memory_space<vmem>> -> memref<1x625xi32, #tpu.memory_space<vmem>>
    %dma_start3A_47 = tpu.memref_squeeze %dma_start3A_46 : memref<1x625xi32, #tpu.memory_space<vmem>> -> memref<625xi32, #tpu.memory_space<vmem>>
    %dma_start3A_48 = arith.constant 0 : i32
    %dma_start3A_49 = tpu.memref_slice %arg4[%add3A_37, %dma_start3A_48] : memref<5120x625xi32, #tpu.memory_space<hbm>> -> memref<1x625xi32, #tpu.memory_space<hbm>>
    %dma_start3A_50 = tpu.memref_squeeze %dma_start3A_49 : memref<1x625xi32, #tpu.memory_space<hbm>> -> memref<625xi32, #tpu.memory_space<hbm>>
    tpu.enqueue_dma source(%dma_start3A_50 : memref<625xi32, #tpu.memory_space<hbm>>) target(%dma_start3A_47 : memref<625xi32, #tpu.memory_space<vmem>>) target_semaphore(%arg10 : memref<!tpu.dma_semaphore, #tpu.memory_space<semaphore_mem>>)
    %add3A_51 = arith.constant 1 : i32
    %add3A_52 = arith.addi %mul3A_21, %add3A_51 : i32
    %dma_start3A_53 = arith.constant 1 : i32
    %dma_start3A_54 = arith.constant 0 : i32
    %dma_start3A_55 = tpu.memref_slice %arg6[%dma_start3A_53, %dma_start3A_54] : memref<4x625xi32, #tpu.memory_space<vmem>> -> memref<1x625xi32, #tpu.memory_space<vmem>>
    %dma_start3A_56 = tpu.memref_squeeze %dma_start3A_55 : memref<1x625xi32, #tpu.memory_space<vmem>> -> memref<625xi32, #tpu.memory_space<vmem>>
    %dma_start3A_57 = arith.constant 0 : i32
    %dma_start3A_58 = tpu.memref_slice %arg3[%add3A_52, %dma_start3A_57] : memref<5120x625xi32, #tpu.memory_space<hbm>> -> memref<1x625xi32, #tpu.memory_space<hbm>>
    %dma_start3A_59 = tpu.memref_squeeze %dma_start3A_58 : memref<1x625xi32, #tpu.memory_space<hbm>> -> memref<625xi32, #tpu.memory_space<hbm>>
    %dma_start3A_60 = arith.constant 0 : i32
    %dma_start3A_61 = tpu.memref_slice %arg6[%dma_start3A_53, %dma_start3A_60] : memref<4x625xi32, #tpu.memory_space<vmem>> -> memref<1x625xi32, #tpu.memory_space<vmem>>
    %dma_start3A_62 = tpu.memref_squeeze %dma_start3A_61 : memref<1x625xi32, #tpu.memory_space<vmem>> -> memref<625xi32, #tpu.memory_space<vmem>>
    %dma_start3A_63 = arith.constant 0 : i32
    %dma_start3A_64 = tpu.memref_slice %arg3[%add3A_52, %dma_start3A_63] : memref<5120x625xi32, #tpu.memory_space<hbm>> -> memref<1x625xi32, #tpu.memory_space<hbm>>
    %dma_start3A_65 = tpu.memref_squeeze %dma_start3A_64 : memref<1x625xi32, #tpu.memory_space<hbm>> -> memref<625xi32, #tpu.memory_space<hbm>>
    tpu.enqueue_dma source(%dma_start3A_65 : memref<625xi32, #tpu.memory_space<hbm>>) target(%dma_start3A_62 : memref<625xi32, #tpu.memory_space<vmem>>) target_semaphore(%arg10 : memref<!tpu.dma_semaphore, #tpu.memory_space<semaphore_mem>>)
    %add3A_66 = arith.constant 1 : i32
    %add3A_67 = arith.addi %mul3A_21, %add3A_66 : i32
    %dma_start3A_68 = arith.constant 1 : i32
    %dma_start3A_69 = arith.constant 0 : i32
    %dma_start3A_70 = tpu.memref_slice %arg7[%dma_start3A_68, %dma_start3A_69] : memref<4x625xi32, #tpu.memory_space<vmem>> -> memref<1x625xi32, #tpu.memory_space<vmem>>
    %dma_start3A_71 = tpu.memref_squeeze %dma_start3A_70 : memref<1x625xi32, #tpu.memory_space<vmem>> -> memref<625xi32, #tpu.memory_space<vmem>>
    %dma_start3A_72 = arith.constant 0 : i32
    %dma_start3A_73 = tpu.memref_slice %arg4[%add3A_67, %dma_start3A_72] : memref<5120x625xi32, #tpu.memory_space<hbm>> -> memref<1x625xi32, #tpu.memory_space<hbm>>
    %dma_start3A_74 = tpu.memref_squeeze %dma_start3A_73 : memref<1x625xi32, #tpu.memory_space<hbm>> -> memref<625xi32, #tpu.memory_space<hbm>>
    %dma_start3A_75 = arith.constant 0 : i32
    %dma_start3A_76 = tpu.memref_slice %arg7[%dma_start3A_68, %dma_start3A_75] : memref<4x625xi32, #tpu.memory_space<vmem>> -> memref<1x625xi32, #tpu.memory_space<vmem>>
    %dma_start3A_77 = tpu.memref_squeeze %dma_start3A_76 : memref<1x625xi32, #tpu.memory_space<vmem>> -> memref<625xi32, #tpu.memory_space<vmem>>
    %dma_start3A_78 = arith.constant 0 : i32
    %dma_start3A_79 = tpu.memref_slice %arg4[%add3A_67, %dma_start3A_78] : memref<5120x625xi32, #tpu.memory_space<hbm>> -> memref<1x625xi32, #tpu.memory_space<hbm>>
    %dma_start3A_80 = tpu.memref_squeeze %dma_start3A_79 : memref<1x625xi32, #tpu.memory_space<hbm>> -> memref<625xi32, #tpu.memory_space<hbm>>
    tpu.enqueue_dma source(%dma_start3A_80 : memref<625xi32, #tpu.memory_space<hbm>>) target(%dma_start3A_77 : memref<625xi32, #tpu.memory_space<vmem>>) target_semaphore(%arg10 : memref<!tpu.dma_semaphore, #tpu.memory_space<semaphore_mem>>)
    %dma_wait3A = arith.constant 0 : i32
    %dma_wait3A_81 = arith.constant 0 : i32
    %dma_wait3A_82 = arith.constant 0 : i32
    %dma_wait3A_83 = tpu.memref_slice %arg6[%dma_wait3A_81, %dma_wait3A_82] : memref<4x625xi32, #tpu.memory_space<vmem>> -> memref<1x625xi32, #tpu.memory_space<vmem>>
    %dma_wait3A_84 = tpu.memref_squeeze %dma_wait3A_83 : memref<1x625xi32, #tpu.memory_space<vmem>> -> memref<625xi32, #tpu.memory_space<vmem>>
    %dma_wait3A_85 = arith.constant 0 : i32
    %dma_wait3A_86 = tpu.memref_slice %arg3[%dma_wait3A, %dma_wait3A_85] : memref<5120x625xi32, #tpu.memory_space<hbm>> -> memref<1x625xi32, #tpu.memory_space<hbm>>
    %dma_wait3A_87 = tpu.memref_squeeze %dma_wait3A_86 : memref<1x625xi32, #tpu.memory_space<hbm>> -> memref<625xi32, #tpu.memory_space<hbm>>
    %dma_wait3A_88 = arith.constant 0 : i32
    %dma_wait3A_89 = tpu.memref_slice %arg6[%dma_wait3A_81, %dma_wait3A_88] : memref<4x625xi32, #tpu.memory_space<vmem>> -> memref<1x625xi32, #tpu.memory_space<vmem>>
    %dma_wait3A_90 = tpu.memref_squeeze %dma_wait3A_89 : memref<1x625xi32, #tpu.memory_space<vmem>> -> memref<625xi32, #tpu.memory_space<vmem>>
    %dma_wait3A_91 = arith.constant 0 : i32
    %dma_wait3A_92 = tpu.memref_slice %arg3[%dma_wait3A, %dma_wait3A_91] : memref<5120x625xi32, #tpu.memory_space<hbm>> -> memref<1x625xi32, #tpu.memory_space<hbm>>
    %dma_wait3A_93 = tpu.memref_squeeze %dma_wait3A_92 : memref<1x625xi32, #tpu.memory_space<hbm>> -> memref<625xi32, #tpu.memory_space<hbm>>
    tpu.wait_dma2 semaphore(%arg10 : memref<!tpu.dma_semaphore, #tpu.memory_space<semaphore_mem>>) src(%dma_wait3A_93 : memref<625xi32, #tpu.memory_space<hbm>>) dst(%dma_wait3A_90 : memref<625xi32, #tpu.memory_space<vmem>>)
    %dma_wait3A_94 = arith.constant 0 : i32
    %dma_wait3A_95 = arith.constant 0 : i32
    %dma_wait3A_96 = arith.constant 0 : i32
    %dma_wait3A_97 = tpu.memref_slice %arg7[%dma_wait3A_95, %dma_wait3A_96] : memref<4x625xi32, #tpu.memory_space<vmem>> -> memref<1x625xi32, #tpu.memory_space<vmem>>
    %dma_wait3A_98 = tpu.memref_squeeze %dma_wait3A_97 : memref<1x625xi32, #tpu.memory_space<vmem>> -> memref<625xi32, #tpu.memory_space<vmem>>
    %dma_wait3A_99 = arith.constant 0 : i32
    %dma_wait3A_100 = tpu.memref_slice %arg4[%dma_wait3A_94, %dma_wait3A_99] : memref<5120x625xi32, #tpu.memory_space<hbm>> -> memref<1x625xi32, #tpu.memory_space<hbm>>
    %dma_wait3A_101 = tpu.memref_squeeze %dma_wait3A_100 : memref<1x625xi32, #tpu.memory_space<hbm>> -> memref<625xi32, #tpu.memory_space<hbm>>
    %dma_wait3A_102 = arith.constant 0 : i32
    %dma_wait3A_103 = tpu.memref_slice %arg7[%dma_wait3A_95, %dma_wait3A_102] : memref<4x625xi32, #tpu.memory_space<vmem>> -> memref<1x625xi32, #tpu.memory_space<vmem>>
    %dma_wait3A_104 = tpu.memref_squeeze %dma_wait3A_103 : memref<1x625xi32, #tpu.memory_space<vmem>> -> memref<625xi32, #tpu.memory_space<vmem>>
    %dma_wait3A_105 = arith.constant 0 : i32
    %dma_wait3A_106 = tpu.memref_slice %arg4[%dma_wait3A_94, %dma_wait3A_105] : memref<5120x625xi32, #tpu.memory_space<hbm>> -> memref<1x625xi32, #tpu.memory_space<hbm>>
    %dma_wait3A_107 = tpu.memref_squeeze %dma_wait3A_106 : memref<1x625xi32, #tpu.memory_space<hbm>> -> memref<625xi32, #tpu.memory_space<hbm>>
    tpu.wait_dma2 semaphore(%arg10 : memref<!tpu.dma_semaphore, #tpu.memory_space<semaphore_mem>>) src(%dma_wait3A_107 : memref<625xi32, #tpu.memory_space<hbm>>) dst(%dma_wait3A_104 : memref<625xi32, #tpu.memory_space<vmem>>)
    %dma_start3A_108 = arith.constant 0 : i32
    %dma_start3A_109 = arith.constant 0 : i32
    %dma_start3A_110 = arith.constant 0 : i32
    %dma_start3A_111 = arith.constant 0 : i32
    %dma_start3A_112 = tpu.memref_slice %arg8[%dma_start3A_109, %dma_start3A_110, %dma_start3A_111] : memref<2x625x16xf32, #tpu.memory_space<vmem>> -> memref<1x625x16xf32, #tpu.memory_space<vmem>>
    %dma_start3A_113 = tpu.memref_squeeze %dma_start3A_112 : memref<1x625x16xf32, #tpu.memory_space<vmem>> -> memref<625x16xf32, #tpu.memory_space<vmem>>
    %dma_start3A_114 = arith.constant 0 : i32
    %dma_start3A_115 = tpu.memref_slice %arg6[%dma_start3A_108, %dma_start3A_114] : memref<4x625xi32, #tpu.memory_space<vmem>> -> memref<1x625xi32, #tpu.memory_space<vmem>>
    %dma_start3A_116 = tpu.memref_squeeze %dma_start3A_115 : memref<1x625xi32, #tpu.memory_space<vmem>> -> memref<625xi32, #tpu.memory_space<vmem>>
    %dma_start3A_117 = arith.constant 0 : i32
    %dma_start3A_118 = arith.constant 0 : i32
    %dma_start3A_119 = tpu.memref_slice %arg2[%dma_start3A_117, %dma_start3A_118] : memref<307200x16xf32, #tpu.memory_space<hbm>> -> memref<307200x16xf32, #tpu.memory_space<hbm>>
    tpu.enqueue_indirect_dma source(%dma_start3A_119 : memref<307200x16xf32, #tpu.memory_space<hbm>>) target(%dma_start3A_113 : memref<625x16xf32, #tpu.memory_space<vmem>>) offsets(%dma_start3A_116 : memref<625xi32, #tpu.memory_space<vmem>>) semaphore(%arg11 : memref<!tpu.dma_semaphore, #tpu.memory_space<semaphore_mem>>)
    %scan3A_120 = arith.constant 0 : i32
    %scan3A_121 = arith.constant 0 : i32
    %scan3A_122 = arith.constant 40 : i32
    %scan3A_123 = arith.addi %scan3A_121, %scan3A_122 : i32
    %scan3A_124 = arith.constant 1 : i32
    scf.for %scan3A_165 = %scan3A_121 to %scan3A_123 step %scan3A_124  : i32 {
      %mul3A_166 = arith.constant 4 : i32
      %mul3A_167 = arith.muli %scan3A_165, %mul3A_166 : i32
      %add3A_168 = arith.constant 0 : i32
      %add3A_169 = arith.addi %mul3A_167, %add3A_168 : i32
      %add3A_170 = arith.constant 1 : i32
      %add3A_171 = arith.addi %add3A_169, %add3A_170 : i32
      %lt3A = arith.constant 160 : i32
      %lt3A_172 = arith.cmpi slt, %add3A_171, %lt3A : i32
      %convert_element_type3A = arith.extui %lt3A_172 : i1 to i32
      %cond3A = arith.constant 0 : i32
      %cond3A_173 = arith.cmpi ne, %convert_element_type3A, %cond3A : i32
      scf.if %cond3A_173 {
        %dma_wait3A_283 = arith.constant 0 : i32
        %dma_wait3A_284 = arith.constant 1 : i32
        %dma_wait3A_285 = arith.constant 0 : i32
        %dma_wait3A_286 = tpu.memref_slice %arg6[%dma_wait3A_284, %dma_wait3A_285] : memref<4x625xi32, #tpu.memory_space<vmem>> -> memref<1x625xi32, #tpu.memory_space<vmem>>
        %dma_wait3A_287 = tpu.memref_squeeze %dma_wait3A_286 : memref<1x625xi32, #tpu.memory_space<vmem>> -> memref<625xi32, #tpu.memory_space<vmem>>
        %dma_wait3A_288 = arith.constant 0 : i32
        %dma_wait3A_289 = tpu.memref_slice %arg3[%dma_wait3A_283, %dma_wait3A_288] : memref<5120x625xi32, #tpu.memory_space<hbm>> -> memref<1x625xi32, #tpu.memory_space<hbm>>
        %dma_wait3A_290 = tpu.memref_squeeze %dma_wait3A_289 : memref<1x625xi32, #tpu.memory_space<hbm>> -> memref<625xi32, #tpu.memory_space<hbm>>
        %dma_wait3A_291 = arith.constant 0 : i32
        %dma_wait3A_292 = tpu.memref_slice %arg6[%dma_wait3A_284, %dma_wait3A_291] : memref<4x625xi32, #tpu.memory_space<vmem>> -> memref<1x625xi32, #tpu.memory_space<vmem>>
        %dma_wait3A_293 = tpu.memref_squeeze %dma_wait3A_292 : memref<1x625xi32, #tpu.memory_space<vmem>> -> memref<625xi32, #tpu.memory_space<vmem>>
        %dma_wait3A_294 = arith.constant 0 : i32
        %dma_wait3A_295 = tpu.memref_slice %arg3[%dma_wait3A_283, %dma_wait3A_294] : memref<5120x625xi32, #tpu.memory_space<hbm>> -> memref<1x625xi32, #tpu.memory_space<hbm>>
        %dma_wait3A_296 = tpu.memref_squeeze %dma_wait3A_295 : memref<1x625xi32, #tpu.memory_space<hbm>> -> memref<625xi32, #tpu.memory_space<hbm>>
        tpu.wait_dma2 semaphore(%arg10 : memref<!tpu.dma_semaphore, #tpu.memory_space<semaphore_mem>>) src(%dma_wait3A_296 : memref<625xi32, #tpu.memory_space<hbm>>) dst(%dma_wait3A_293 : memref<625xi32, #tpu.memory_space<vmem>>)
        %dma_wait3A_297 = arith.constant 0 : i32
        %dma_wait3A_298 = arith.constant 1 : i32
        %dma_wait3A_299 = arith.constant 0 : i32
        %dma_wait3A_300 = tpu.memref_slice %arg7[%dma_wait3A_298, %dma_wait3A_299] : memref<4x625xi32, #tpu.memory_space<vmem>> -> memref<1x625xi32, #tpu.memory_space<vmem>>
        %dma_wait3A_301 = tpu.memref_squeeze %dma_wait3A_300 : memref<1x625xi32, #tpu.memory_space<vmem>> -> memref<625xi32, #tpu.memory_space<vmem>>
        %dma_wait3A_302 = arith.constant 0 : i32
        %dma_wait3A_303 = tpu.memref_slice %arg4[%dma_wait3A_297, %dma_wait3A_302] : memref<5120x625xi32, #tpu.memory_space<hbm>> -> memref<1x625xi32, #tpu.memory_space<hbm>>
        %dma_wait3A_304 = tpu.memref_squeeze %dma_wait3A_303 : memref<1x625xi32, #tpu.memory_space<hbm>> -> memref<625xi32, #tpu.memory_space<hbm>>
        %dma_wait3A_305 = arith.constant 0 : i32
        %dma_wait3A_306 = tpu.memref_slice %arg7[%dma_wait3A_298, %dma_wait3A_305] : memref<4x625xi32, #tpu.memory_space<vmem>> -> memref<1x625xi32, #tpu.memory_space<vmem>>
        %dma_wait3A_307 = tpu.memref_squeeze %dma_wait3A_306 : memref<1x625xi32, #tpu.memory_space<vmem>> -> memref<625xi32, #tpu.memory_space<vmem>>
        %dma_wait3A_308 = arith.constant 0 : i32
        %dma_wait3A_309 = tpu.memref_slice %arg4[%dma_wait3A_297, %dma_wait3A_308] : memref<5120x625xi32, #tpu.memory_space<hbm>> -> memref<1x625xi32, #tpu.memory_space<hbm>>
        %dma_wait3A_310 = tpu.memref_squeeze %dma_wait3A_309 : memref<1x625xi32, #tpu.memory_space<hbm>> -> memref<625xi32, #tpu.memory_space<hbm>>
        tpu.wait_dma2 semaphore(%arg10 : memref<!tpu.dma_semaphore, #tpu.memory_space<semaphore_mem>>) src(%dma_wait3A_310 : memref<625xi32, #tpu.memory_space<hbm>>) dst(%dma_wait3A_307 : memref<625xi32, #tpu.memory_space<vmem>>)
        %dma_start3A_311 = arith.constant 1 : i32
        %dma_start3A_312 = arith.constant 1 : i32
        %dma_start3A_313 = arith.constant 0 : i32
        %dma_start3A_314 = arith.constant 0 : i32
        %dma_start3A_315 = tpu.memref_slice %arg8[%dma_start3A_312, %dma_start3A_313, %dma_start3A_314] : memref<2x625x16xf32, #tpu.memory_space<vmem>> -> memref<1x625x16xf32, #tpu.memory_space<vmem>>
        %dma_start3A_316 = tpu.memref_squeeze %dma_start3A_315 : memref<1x625x16xf32, #tpu.memory_space<vmem>> -> memref<625x16xf32, #tpu.memory_space<vmem>>
        %dma_start3A_317 = arith.constant 0 : i32
        %dma_start3A_318 = tpu.memref_slice %arg6[%dma_start3A_311, %dma_start3A_317] : memref<4x625xi32, #tpu.memory_space<vmem>> -> memref<1x625xi32, #tpu.memory_space<vmem>>
        %dma_start3A_319 = tpu.memref_squeeze %dma_start3A_318 : memref<1x625xi32, #tpu.memory_space<vmem>> -> memref<625xi32, #tpu.memory_space<vmem>>
        %dma_start3A_320 = arith.constant 0 : i32
        %dma_start3A_321 = arith.constant 0 : i32
        %dma_start3A_322 = tpu.memref_slice %arg2[%dma_start3A_320, %dma_start3A_321] : memref<307200x16xf32, #tpu.memory_space<hbm>> -> memref<307200x16xf32, #tpu.memory_space<hbm>>
        tpu.enqueue_indirect_dma source(%dma_start3A_322 : memref<307200x16xf32, #tpu.memory_space<hbm>>) target(%dma_start3A_316 : memref<625x16xf32, #tpu.memory_space<vmem>>) offsets(%dma_start3A_319 : memref<625xi32, #tpu.memory_space<vmem>>) semaphore(%arg11 : memref<!tpu.dma_semaphore, #tpu.memory_space<semaphore_mem>>)
      } else {
      }
      %dma_wait3A_174 = arith.constant 0 : i32
      %dma_wait3A_175 = arith.constant 0 : i32
      %dma_wait3A_176 = arith.constant 0 : i32
      %dma_wait3A_177 = arith.constant 0 : i32
      %dma_wait3A_178 = tpu.memref_slice %arg8[%dma_wait3A_175, %dma_wait3A_176, %dma_wait3A_177] : memref<2x625x16xf32, #tpu.memory_space<vmem>> -> memref<1x625x16xf32, #tpu.memory_space<vmem>>
      %dma_wait3A_179 = tpu.memref_squeeze %dma_wait3A_178 : memref<1x625x16xf32, #tpu.memory_space<vmem>> -> memref<625x16xf32, #tpu.memory_space<vmem>>
      %dma_wait3A_180 = arith.constant 0 : i32
      %dma_wait3A_181 = tpu.memref_slice %arg6[%dma_wait3A_174, %dma_wait3A_180] : memref<4x625xi32, #tpu.memory_space<vmem>> -> memref<1x625xi32, #tpu.memory_space<vmem>>
      %dma_wait3A_182 = tpu.memref_squeeze %dma_wait3A_181 : memref<1x625xi32, #tpu.memory_space<vmem>> -> memref<625xi32, #tpu.memory_space<vmem>>
      %dma_wait3A_183 = arith.constant 0 : i32
      %dma_wait3A_184 = arith.constant 0 : i32
      %dma_wait3A_185 = tpu.memref_slice %arg2[%dma_wait3A_183, %dma_wait3A_184] : memref<307200x16xf32, #tpu.memory_space<hbm>> -> memref<307200x16xf32, #tpu.memory_space<hbm>>
      tpu.wait_indirect_dma semaphore(%arg11 : memref<!tpu.dma_semaphore, #tpu.memory_space<semaphore_mem>>) src(%dma_wait3A_185 : memref<307200x16xf32, #tpu.memory_space<hbm>>) dst(%dma_wait3A_179 : memref<625x16xf32, #tpu.memory_space<vmem>>)
      %add3A_186 = arith.constant 2 : i32
      %add3A_187 = arith.addi %add3A_169, %add3A_186 : i32
      %lt3A_188 = arith.constant 160 : i32
      %lt3A_189 = arith.cmpi slt, %add3A_187, %lt3A_188 : i32
      %convert_element_type3A_190 = arith.extui %lt3A_189 : i1 to i32
      %cond3A_191 = arith.constant 0 : i32
      %cond3A_192 = arith.cmpi ne, %convert_element_type3A_190, %cond3A_191 : i32
      scf.if %cond3A_192 {
        %add3A_283 = arith.constant 2 : i32
        %add3A_284 = arith.addi %add3A_169, %add3A_283 : i32
        %add3A_285 = arith.addi %mul3A_21, %add3A_284 : i32
        %dma_start3A_286 = arith.constant 2 : i32
        %dma_start3A_287 = arith.constant 0 : i32
        %dma_start3A_288 = tpu.memref_slice %arg6[%dma_start3A_286, %dma_start3A_287] : memref<4x625xi32, #tpu.memory_space<vmem>> -> memref<1x625xi32, #tpu.memory_space<vmem>>
        %dma_start3A_289 = tpu.memref_squeeze %dma_start3A_288 : memref<1x625xi32, #tpu.memory_space<vmem>> -> memref<625xi32, #tpu.memory_space<vmem>>
        %dma_start3A_290 = arith.constant 0 : i32
        %dma_start3A_291 = tpu.memref_slice %arg3[%add3A_285, %dma_start3A_290] : memref<5120x625xi32, #tpu.memory_space<hbm>> -> memref<1x625xi32, #tpu.memory_space<hbm>>
        %dma_start3A_292 = tpu.memref_squeeze %dma_start3A_291 : memref<1x625xi32, #tpu.memory_space<hbm>> -> memref<625xi32, #tpu.memory_space<hbm>>
        %dma_start3A_293 = arith.constant 0 : i32
        %dma_start3A_294 = tpu.memref_slice %arg6[%dma_start3A_286, %dma_start3A_293] : memref<4x625xi32, #tpu.memory_space<vmem>> -> memref<1x625xi32, #tpu.memory_space<vmem>>
        %dma_start3A_295 = tpu.memref_squeeze %dma_start3A_294 : memref<1x625xi32, #tpu.memory_space<vmem>> -> memref<625xi32, #tpu.memory_space<vmem>>
        %dma_start3A_296 = arith.constant 0 : i32
        %dma_start3A_297 = tpu.memref_slice %arg3[%add3A_285, %dma_start3A_296] : memref<5120x625xi32, #tpu.memory_space<hbm>> -> memref<1x625xi32, #tpu.memory_space<hbm>>
        %dma_start3A_298 = tpu.memref_squeeze %dma_start3A_297 : memref<1x625xi32, #tpu.memory_space<hbm>> -> memref<625xi32, #tpu.memory_space<hbm>>
        tpu.enqueue_dma source(%dma_start3A_298 : memref<625xi32, #tpu.memory_space<hbm>>) target(%dma_start3A_295 : memref<625xi32, #tpu.memory_space<vmem>>) target_semaphore(%arg10 : memref<!tpu.dma_semaphore, #tpu.memory_space<semaphore_mem>>)
        %add3A_299 = arith.addi %mul3A_21, %add3A_284 : i32
        %dma_start3A_300 = arith.constant 2 : i32
        %dma_start3A_301 = arith.constant 0 : i32
        %dma_start3A_302 = tpu.memref_slice %arg7[%dma_start3A_300, %dma_start3A_301] : memref<4x625xi32, #tpu.memory_space<vmem>> -> memref<1x625xi32, #tpu.memory_space<vmem>>
        %dma_start3A_303 = tpu.memref_squeeze %dma_start3A_302 : memref<1x625xi32, #tpu.memory_space<vmem>> -> memref<625xi32, #tpu.memory_space<vmem>>
        %dma_start3A_304 = arith.constant 0 : i32
        %dma_start3A_305 = tpu.memref_slice %arg4[%add3A_299, %dma_start3A_304] : memref<5120x625xi32, #tpu.memory_space<hbm>> -> memref<1x625xi32, #tpu.memory_space<hbm>>
        %dma_start3A_306 = tpu.memref_squeeze %dma_start3A_305 : memref<1x625xi32, #tpu.memory_space<hbm>> -> memref<625xi32, #tpu.memory_space<hbm>>
        %dma_start3A_307 = arith.constant 0 : i32
        %dma_start3A_308 = tpu.memref_slice %arg7[%dma_start3A_300, %dma_start3A_307] : memref<4x625xi32, #tpu.memory_space<vmem>> -> memref<1x625xi32, #tpu.memory_space<vmem>>
        %dma_start3A_309 = tpu.memref_squeeze %dma_start3A_308 : memref<1x625xi32, #tpu.memory_space<vmem>> -> memref<625xi32, #tpu.memory_space<vmem>>
        %dma_start3A_310 = arith.constant 0 : i32
        %dma_start3A_311 = tpu.memref_slice %arg4[%add3A_299, %dma_start3A_310] : memref<5120x625xi32, #tpu.memory_space<hbm>> -> memref<1x625xi32, #tpu.memory_space<hbm>>
        %dma_start3A_312 = tpu.memref_squeeze %dma_start3A_311 : memref<1x625xi32, #tpu.memory_space<hbm>> -> memref<625xi32, #tpu.memory_space<hbm>>
        tpu.enqueue_dma source(%dma_start3A_312 : memref<625xi32, #tpu.memory_space<hbm>>) target(%dma_start3A_309 : memref<625xi32, #tpu.memory_space<vmem>>) target_semaphore(%arg10 : memref<!tpu.dma_semaphore, #tpu.memory_space<semaphore_mem>>)
      } else {
      }
      %mul3A_193 = arith.constant 4 : i32
      %mul3A_194 = arith.muli %scan3A_165, %mul3A_193 : i32
      %add3A_195 = arith.constant 1 : i32
      %add3A_196 = arith.addi %mul3A_194, %add3A_195 : i32
      %add3A_197 = arith.constant 1 : i32
      %add3A_198 = arith.addi %add3A_196, %add3A_197 : i32
      %lt3A_199 = arith.constant 160 : i32
      %lt3A_200 = arith.cmpi slt, %add3A_198, %lt3A_199 : i32
      %convert_element_type3A_201 = arith.extui %lt3A_200 : i1 to i32
      %cond3A_202 = arith.constant 0 : i32
      %cond3A_203 = arith.cmpi ne, %convert_element_type3A_201, %cond3A_202 : i32
      scf.if %cond3A_203 {
        %dma_wait3A_283 = arith.constant 0 : i32
        %dma_wait3A_284 = arith.constant 2 : i32
        %dma_wait3A_285 = arith.constant 0 : i32
        %dma_wait3A_286 = tpu.memref_slice %arg6[%dma_wait3A_284, %dma_wait3A_285] : memref<4x625xi32, #tpu.memory_space<vmem>> -> memref<1x625xi32, #tpu.memory_space<vmem>>
        %dma_wait3A_287 = tpu.memref_squeeze %dma_wait3A_286 : memref<1x625xi32, #tpu.memory_space<vmem>> -> memref<625xi32, #tpu.memory_space<vmem>>
        %dma_wait3A_288 = arith.constant 0 : i32
        %dma_wait3A_289 = tpu.memref_slice %arg3[%dma_wait3A_283, %dma_wait3A_288] : memref<5120x625xi32, #tpu.memory_space<hbm>> -> memref<1x625xi32, #tpu.memory_space<hbm>>
        %dma_wait3A_290 = tpu.memref_squeeze %dma_wait3A_289 : memref<1x625xi32, #tpu.memory_space<hbm>> -> memref<625xi32, #tpu.memory_space<hbm>>
        %dma_wait3A_291 = arith.constant 0 : i32
        %dma_wait3A_292 = tpu.memref_slice %arg6[%dma_wait3A_284, %dma_wait3A_291] : memref<4x625xi32, #tpu.memory_space<vmem>> -> memref<1x625xi32, #tpu.memory_space<vmem>>
        %dma_wait3A_293 = tpu.memref_squeeze %dma_wait3A_292 : memref<1x625xi32, #tpu.memory_space<vmem>> -> memref<625xi32, #tpu.memory_space<vmem>>
        %dma_wait3A_294 = arith.constant 0 : i32
        %dma_wait3A_295 = tpu.memref_slice %arg3[%dma_wait3A_283, %dma_wait3A_294] : memref<5120x625xi32, #tpu.memory_space<hbm>> -> memref<1x625xi32, #tpu.memory_space<hbm>>
        %dma_wait3A_296 = tpu.memref_squeeze %dma_wait3A_295 : memref<1x625xi32, #tpu.memory_space<hbm>> -> memref<625xi32, #tpu.memory_space<hbm>>
        tpu.wait_dma2 semaphore(%arg10 : memref<!tpu.dma_semaphore, #tpu.memory_space<semaphore_mem>>) src(%dma_wait3A_296 : memref<625xi32, #tpu.memory_space<hbm>>) dst(%dma_wait3A_293 : memref<625xi32, #tpu.memory_space<vmem>>)
        %dma_wait3A_297 = arith.constant 0 : i32
        %dma_wait3A_298 = arith.constant 2 : i32
        %dma_wait3A_299 = arith.constant 0 : i32
        %dma_wait3A_300 = tpu.memref_slice %arg7[%dma_wait3A_298, %dma_wait3A_299] : memref<4x625xi32, #tpu.memory_space<vmem>> -> memref<1x625xi32, #tpu.memory_space<vmem>>
        %dma_wait3A_301 = tpu.memref_squeeze %dma_wait3A_300 : memref<1x625xi32, #tpu.memory_space<vmem>> -> memref<625xi32, #tpu.memory_space<vmem>>
        %dma_wait3A_302 = arith.constant 0 : i32
        %dma_wait3A_303 = tpu.memref_slice %arg4[%dma_wait3A_297, %dma_wait3A_302] : memref<5120x625xi32, #tpu.memory_space<hbm>> -> memref<1x625xi32, #tpu.memory_space<hbm>>
        %dma_wait3A_304 = tpu.memref_squeeze %dma_wait3A_303 : memref<1x625xi32, #tpu.memory_space<hbm>> -> memref<625xi32, #tpu.memory_space<hbm>>
        %dma_wait3A_305 = arith.constant 0 : i32
        %dma_wait3A_306 = tpu.memref_slice %arg7[%dma_wait3A_298, %dma_wait3A_305] : memref<4x625xi32, #tpu.memory_space<vmem>> -> memref<1x625xi32, #tpu.memory_space<vmem>>
        %dma_wait3A_307 = tpu.memref_squeeze %dma_wait3A_306 : memref<1x625xi32, #tpu.memory_space<vmem>> -> memref<625xi32, #tpu.memory_space<vmem>>
        %dma_wait3A_308 = arith.constant 0 : i32
        %dma_wait3A_309 = tpu.memref_slice %arg4[%dma_wait3A_297, %dma_wait3A_308] : memref<5120x625xi32, #tpu.memory_space<hbm>> -> memref<1x625xi32, #tpu.memory_space<hbm>>
        %dma_wait3A_310 = tpu.memref_squeeze %dma_wait3A_309 : memref<1x625xi32, #tpu.memory_space<hbm>> -> memref<625xi32, #tpu.memory_space<hbm>>
        tpu.wait_dma2 semaphore(%arg10 : memref<!tpu.dma_semaphore, #tpu.memory_space<semaphore_mem>>) src(%dma_wait3A_310 : memref<625xi32, #tpu.memory_space<hbm>>) dst(%dma_wait3A_307 : memref<625xi32, #tpu.memory_space<vmem>>)
        %dma_start3A_311 = arith.constant 2 : i32
        %dma_start3A_312 = arith.constant 0 : i32
        %dma_start3A_313 = arith.constant 0 : i32
        %dma_start3A_314 = arith.constant 0 : i32
        %dma_start3A_315 = tpu.memref_slice %arg8[%dma_start3A_312, %dma_start3A_313, %dma_start3A_314] : memref<2x625x16xf32, #tpu.memory_space<vmem>> -> memref<1x625x16xf32, #tpu.memory_space<vmem>>
        %dma_start3A_316 = tpu.memref_squeeze %dma_start3A_315 : memref<1x625x16xf32, #tpu.memory_space<vmem>> -> memref<625x16xf32, #tpu.memory_space<vmem>>
        %dma_start3A_317 = arith.constant 0 : i32
        %dma_start3A_318 = tpu.memref_slice %arg6[%dma_start3A_311, %dma_start3A_317] : memref<4x625xi32, #tpu.memory_space<vmem>> -> memref<1x625xi32, #tpu.memory_space<vmem>>
        %dma_start3A_319 = tpu.memref_squeeze %dma_start3A_318 : memref<1x625xi32, #tpu.memory_space<vmem>> -> memref<625xi32, #tpu.memory_space<vmem>>
        %dma_start3A_320 = arith.constant 0 : i32
        %dma_start3A_321 = arith.constant 0 : i32
        %dma_start3A_322 = tpu.memref_slice %arg2[%dma_start3A_320, %dma_start3A_321] : memref<307200x16xf32, #tpu.memory_space<hbm>> -> memref<307200x16xf32, #tpu.memory_space<hbm>>
        tpu.enqueue_indirect_dma source(%dma_start3A_322 : memref<307200x16xf32, #tpu.memory_space<hbm>>) target(%dma_start3A_316 : memref<625x16xf32, #tpu.memory_space<vmem>>) offsets(%dma_start3A_319 : memref<625xi32, #tpu.memory_space<vmem>>) semaphore(%arg11 : memref<!tpu.dma_semaphore, #tpu.memory_space<semaphore_mem>>)
      } else {
      }
      %dma_wait3A_204 = arith.constant 1 : i32
      %dma_wait3A_205 = arith.constant 1 : i32
      %dma_wait3A_206 = arith.constant 0 : i32
      %dma_wait3A_207 = arith.constant 0 : i32
      %dma_wait3A_208 = tpu.memref_slice %arg8[%dma_wait3A_205, %dma_wait3A_206, %dma_wait3A_207] : memref<2x625x16xf32, #tpu.memory_space<vmem>> -> memref<1x625x16xf32, #tpu.memory_space<vmem>>
      %dma_wait3A_209 = tpu.memref_squeeze %dma_wait3A_208 : memref<1x625x16xf32, #tpu.memory_space<vmem>> -> memref<625x16xf32, #tpu.memory_space<vmem>>
      %dma_wait3A_210 = arith.constant 0 : i32
      %dma_wait3A_211 = tpu.memref_slice %arg6[%dma_wait3A_204, %dma_wait3A_210] : memref<4x625xi32, #tpu.memory_space<vmem>> -> memref<1x625xi32, #tpu.memory_space<vmem>>
      %dma_wait3A_212 = tpu.memref_squeeze %dma_wait3A_211 : memref<1x625xi32, #tpu.memory_space<vmem>> -> memref<625xi32, #tpu.memory_space<vmem>>
      %dma_wait3A_213 = arith.constant 0 : i32
      %dma_wait3A_214 = arith.constant 0 : i32
      %dma_wait3A_215 = tpu.memref_slice %arg2[%dma_wait3A_213, %dma_wait3A_214] : memref<307200x16xf32, #tpu.memory_space<hbm>> -> memref<307200x16xf32, #tpu.memory_space<hbm>>
      tpu.wait_indirect_dma semaphore(%arg11 : memref<!tpu.dma_semaphore, #tpu.memory_space<semaphore_mem>>) src(%dma_wait3A_215 : memref<307200x16xf32, #tpu.memory_space<hbm>>) dst(%dma_wait3A_209 : memref<625x16xf32, #tpu.memory_space<vmem>>)
      %add3A_216 = arith.constant 2 : i32
      %add3A_217 = arith.addi %add3A_196, %add3A_216 : i32
      %lt3A_218 = arith.constant 160 : i32
      %lt3A_219 = arith.cmpi slt, %add3A_217, %lt3A_218 : i32
      %convert_element_type3A_220 = arith.extui %lt3A_219 : i1 to i32
      %cond3A_221 = arith.constant 0 : i32
      %cond3A_222 = arith.cmpi ne, %convert_element_type3A_220, %cond3A_221 : i32
      scf.if %cond3A_222 {
        %add3A_283 = arith.constant 2 : i32
        %add3A_284 = arith.addi %add3A_196, %add3A_283 : i32
        %add3A_285 = arith.addi %mul3A_21, %add3A_284 : i32
        %dma_start3A_286 = arith.constant 3 : i32
        %dma_start3A_287 = arith.constant 0 : i32
        %dma_start3A_288 = tpu.memref_slice %arg6[%dma_start3A_286, %dma_start3A_287] : memref<4x625xi32, #tpu.memory_space<vmem>> -> memref<1x625xi32, #tpu.memory_space<vmem>>
        %dma_start3A_289 = tpu.memref_squeeze %dma_start3A_288 : memref<1x625xi32, #tpu.memory_space<vmem>> -> memref<625xi32, #tpu.memory_space<vmem>>
        %dma_start3A_290 = arith.constant 0 : i32
        %dma_start3A_291 = tpu.memref_slice %arg3[%add3A_285, %dma_start3A_290] : memref<5120x625xi32, #tpu.memory_space<hbm>> -> memref<1x625xi32, #tpu.memory_space<hbm>>
        %dma_start3A_292 = tpu.memref_squeeze %dma_start3A_291 : memref<1x625xi32, #tpu.memory_space<hbm>> -> memref<625xi32, #tpu.memory_space<hbm>>
        %dma_start3A_293 = arith.constant 0 : i32
        %dma_start3A_294 = tpu.memref_slice %arg6[%dma_start3A_286, %dma_start3A_293] : memref<4x625xi32, #tpu.memory_space<vmem>> -> memref<1x625xi32, #tpu.memory_space<vmem>>
        %dma_start3A_295 = tpu.memref_squeeze %dma_start3A_294 : memref<1x625xi32, #tpu.memory_space<vmem>> -> memref<625xi32, #tpu.memory_space<vmem>>
        %dma_start3A_296 = arith.constant 0 : i32
        %dma_start3A_297 = tpu.memref_slice %arg3[%add3A_285, %dma_start3A_296] : memref<5120x625xi32, #tpu.memory_space<hbm>> -> memref<1x625xi32, #tpu.memory_space<hbm>>
        %dma_start3A_298 = tpu.memref_squeeze %dma_start3A_297 : memref<1x625xi32, #tpu.memory_space<hbm>> -> memref<625xi32, #tpu.memory_space<hbm>>
        tpu.enqueue_dma source(%dma_start3A_298 : memref<625xi32, #tpu.memory_space<hbm>>) target(%dma_start3A_295 : memref<625xi32, #tpu.memory_space<vmem>>) target_semaphore(%arg10 : memref<!tpu.dma_semaphore, #tpu.memory_space<semaphore_mem>>)
        %add3A_299 = arith.addi %mul3A_21, %add3A_284 : i32
        %dma_start3A_300 = arith.constant 3 : i32
        %dma_start3A_301 = arith.constant 0 : i32
        %dma_start3A_302 = tpu.memref_slice %arg7[%dma_start3A_300, %dma_start3A_301] : memref<4x625xi32, #tpu.memory_space<vmem>> -> memref<1x625xi32, #tpu.memory_space<vmem>>
        %dma_start3A_303 = tpu.memref_squeeze %dma_start3A_302 : memref<1x625xi32, #tpu.memory_space<vmem>> -> memref<625xi32, #tpu.memory_space<vmem>>
        %dma_start3A_304 = arith.constant 0 : i32
        %dma_start3A_305 = tpu.memref_slice %arg4[%add3A_299, %dma_start3A_304] : memref<5120x625xi32, #tpu.memory_space<hbm>> -> memref<1x625xi32, #tpu.memory_space<hbm>>
        %dma_start3A_306 = tpu.memref_squeeze %dma_start3A_305 : memref<1x625xi32, #tpu.memory_space<hbm>> -> memref<625xi32, #tpu.memory_space<hbm>>
        %dma_start3A_307 = arith.constant 0 : i32
        %dma_start3A_308 = tpu.memref_slice %arg7[%dma_start3A_300, %dma_start3A_307] : memref<4x625xi32, #tpu.memory_space<vmem>> -> memref<1x625xi32, #tpu.memory_space<vmem>>
        %dma_start3A_309 = tpu.memref_squeeze %dma_start3A_308 : memref<1x625xi32, #tpu.memory_space<vmem>> -> memref<625xi32, #tpu.memory_space<vmem>>
        %dma_start3A_310 = arith.constant 0 : i32
        %dma_start3A_311 = tpu.memref_slice %arg4[%add3A_299, %dma_start3A_310] : memref<5120x625xi32, #tpu.memory_space<hbm>> -> memref<1x625xi32, #tpu.memory_space<hbm>>
        %dma_start3A_312 = tpu.memref_squeeze %dma_start3A_311 : memref<1x625xi32, #tpu.memory_space<hbm>> -> memref<625xi32, #tpu.memory_space<hbm>>
        tpu.enqueue_dma source(%dma_start3A_312 : memref<625xi32, #tpu.memory_space<hbm>>) target(%dma_start3A_309 : memref<625xi32, #tpu.memory_space<vmem>>) target_semaphore(%arg10 : memref<!tpu.dma_semaphore, #tpu.memory_space<semaphore_mem>>)
      } else {
      }
      %mul3A_223 = arith.constant 4 : i32
      %mul3A_224 = arith.muli %scan3A_165, %mul3A_223 : i32
      %add3A_225 = arith.constant 2 : i32
      %add3A_226 = arith.addi %mul3A_224, %add3A_225 : i32
      %add3A_227 = arith.constant 1 : i32
      %add3A_228 = arith.addi %add3A_226, %add3A_227 : i32
      %lt3A_229 = arith.constant 160 : i32
      %lt3A_230 = arith.cmpi slt, %add3A_228, %lt3A_229 : i32
      %convert_element_type3A_231 = arith.extui %lt3A_230 : i1 to i32
      %cond3A_232 = arith.constant 0 : i32
      %cond3A_233 = arith.cmpi ne, %convert_element_type3A_231, %cond3A_232 : i32
      scf.if %cond3A_233 {
        %dma_wait3A_283 = arith.constant 0 : i32
        %dma_wait3A_284 = arith.constant 3 : i32
        %dma_wait3A_285 = arith.constant 0 : i32
        %dma_wait3A_286 = tpu.memref_slice %arg6[%dma_wait3A_284, %dma_wait3A_285] : memref<4x625xi32, #tpu.memory_space<vmem>> -> memref<1x625xi32, #tpu.memory_space<vmem>>
        %dma_wait3A_287 = tpu.memref_squeeze %dma_wait3A_286 : memref<1x625xi32, #tpu.memory_space<vmem>> -> memref<625xi32, #tpu.memory_space<vmem>>
        %dma_wait3A_288 = arith.constant 0 : i32
        %dma_wait3A_289 = tpu.memref_slice %arg3[%dma_wait3A_283, %dma_wait3A_288] : memref<5120x625xi32, #tpu.memory_space<hbm>> -> memref<1x625xi32, #tpu.memory_space<hbm>>
        %dma_wait3A_290 = tpu.memref_squeeze %dma_wait3A_289 : memref<1x625xi32, #tpu.memory_space<hbm>> -> memref<625xi32, #tpu.memory_space<hbm>>
        %dma_wait3A_291 = arith.constant 0 : i32
        %dma_wait3A_292 = tpu.memref_slice %arg6[%dma_wait3A_284, %dma_wait3A_291] : memref<4x625xi32, #tpu.memory_space<vmem>> -> memref<1x625xi32, #tpu.memory_space<vmem>>
        %dma_wait3A_293 = tpu.memref_squeeze %dma_wait3A_292 : memref<1x625xi32, #tpu.memory_space<vmem>> -> memref<625xi32, #tpu.memory_space<vmem>>
        %dma_wait3A_294 = arith.constant 0 : i32
        %dma_wait3A_295 = tpu.memref_slice %arg3[%dma_wait3A_283, %dma_wait3A_294] : memref<5120x625xi32, #tpu.memory_space<hbm>> -> memref<1x625xi32, #tpu.memory_space<hbm>>
        %dma_wait3A_296 = tpu.memref_squeeze %dma_wait3A_295 : memref<1x625xi32, #tpu.memory_space<hbm>> -> memref<625xi32, #tpu.memory_space<hbm>>
        tpu.wait_dma2 semaphore(%arg10 : memref<!tpu.dma_semaphore, #tpu.memory_space<semaphore_mem>>) src(%dma_wait3A_296 : memref<625xi32, #tpu.memory_space<hbm>>) dst(%dma_wait3A_293 : memref<625xi32, #tpu.memory_space<vmem>>)
        %dma_wait3A_297 = arith.constant 0 : i32
        %dma_wait3A_298 = arith.constant 3 : i32
        %dma_wait3A_299 = arith.constant 0 : i32
        %dma_wait3A_300 = tpu.memref_slice %arg7[%dma_wait3A_298, %dma_wait3A_299] : memref<4x625xi32, #tpu.memory_space<vmem>> -> memref<1x625xi32, #tpu.memory_space<vmem>>
        %dma_wait3A_301 = tpu.memref_squeeze %dma_wait3A_300 : memref<1x625xi32, #tpu.memory_space<vmem>> -> memref<625xi32, #tpu.memory_space<vmem>>
        %dma_wait3A_302 = arith.constant 0 : i32
        %dma_wait3A_303 = tpu.memref_slice %arg4[%dma_wait3A_297, %dma_wait3A_302] : memref<5120x625xi32, #tpu.memory_space<hbm>> -> memref<1x625xi32, #tpu.memory_space<hbm>>
        %dma_wait3A_304 = tpu.memref_squeeze %dma_wait3A_303 : memref<1x625xi32, #tpu.memory_space<hbm>> -> memref<625xi32, #tpu.memory_space<hbm>>
        %dma_wait3A_305 = arith.constant 0 : i32
        %dma_wait3A_306 = tpu.memref_slice %arg7[%dma_wait3A_298, %dma_wait3A_305] : memref<4x625xi32, #tpu.memory_space<vmem>> -> memref<1x625xi32, #tpu.memory_space<vmem>>
        %dma_wait3A_307 = tpu.memref_squeeze %dma_wait3A_306 : memref<1x625xi32, #tpu.memory_space<vmem>> -> memref<625xi32, #tpu.memory_space<vmem>>
        %dma_wait3A_308 = arith.constant 0 : i32
        %dma_wait3A_309 = tpu.memref_slice %arg4[%dma_wait3A_297, %dma_wait3A_308] : memref<5120x625xi32, #tpu.memory_space<hbm>> -> memref<1x625xi32, #tpu.memory_space<hbm>>
        %dma_wait3A_310 = tpu.memref_squeeze %dma_wait3A_309 : memref<1x625xi32, #tpu.memory_space<hbm>> -> memref<625xi32, #tpu.memory_space<hbm>>
        tpu.wait_dma2 semaphore(%arg10 : memref<!tpu.dma_semaphore, #tpu.memory_space<semaphore_mem>>) src(%dma_wait3A_310 : memref<625xi32, #tpu.memory_space<hbm>>) dst(%dma_wait3A_307 : memref<625xi32, #tpu.memory_space<vmem>>)
        %dma_start3A_311 = arith.constant 3 : i32
        %dma_start3A_312 = arith.constant 1 : i32
        %dma_start3A_313 = arith.constant 0 : i32
        %dma_start3A_314 = arith.constant 0 : i32
        %dma_start3A_315 = tpu.memref_slice %arg8[%dma_start3A_312, %dma_start3A_313, %dma_start3A_314] : memref<2x625x16xf32, #tpu.memory_space<vmem>> -> memref<1x625x16xf32, #tpu.memory_space<vmem>>
        %dma_start3A_316 = tpu.memref_squeeze %dma_start3A_315 : memref<1x625x16xf32, #tpu.memory_space<vmem>> -> memref<625x16xf32, #tpu.memory_space<vmem>>
        %dma_start3A_317 = arith.constant 0 : i32
        %dma_start3A_318 = tpu.memref_slice %arg6[%dma_start3A_311, %dma_start3A_317] : memref<4x625xi32, #tpu.memory_space<vmem>> -> memref<1x625xi32, #tpu.memory_space<vmem>>
        %dma_start3A_319 = tpu.memref_squeeze %dma_start3A_318 : memref<1x625xi32, #tpu.memory_space<vmem>> -> memref<625xi32, #tpu.memory_space<vmem>>
        %dma_start3A_320 = arith.constant 0 : i32
        %dma_start3A_321 = arith.constant 0 : i32
        %dma_start3A_322 = tpu.memref_slice %arg2[%dma_start3A_320, %dma_start3A_321] : memref<307200x16xf32, #tpu.memory_space<hbm>> -> memref<307200x16xf32, #tpu.memory_space<hbm>>
        tpu.enqueue_indirect_dma source(%dma_start3A_322 : memref<307200x16xf32, #tpu.memory_space<hbm>>) target(%dma_start3A_316 : memref<625x16xf32, #tpu.memory_space<vmem>>) offsets(%dma_start3A_319 : memref<625xi32, #tpu.memory_space<vmem>>) semaphore(%arg11 : memref<!tpu.dma_semaphore, #tpu.memory_space<semaphore_mem>>)
      } else {
      }
      %dma_wait3A_234 = arith.constant 2 : i32
      %dma_wait3A_235 = arith.constant 0 : i32
      %dma_wait3A_236 = arith.constant 0 : i32
      %dma_wait3A_237 = arith.constant 0 : i32
      %dma_wait3A_238 = tpu.memref_slice %arg8[%dma_wait3A_235, %dma_wait3A_236, %dma_wait3A_237] : memref<2x625x16xf32, #tpu.memory_space<vmem>> -> memref<1x625x16xf32, #tpu.memory_space<vmem>>
      %dma_wait3A_239 = tpu.memref_squeeze %dma_wait3A_238 : memref<1x625x16xf32, #tpu.memory_space<vmem>> -> memref<625x16xf32, #tpu.memory_space<vmem>>
      %dma_wait3A_240 = arith.constant 0 : i32
      %dma_wait3A_241 = tpu.memref_slice %arg6[%dma_wait3A_234, %dma_wait3A_240] : memref<4x625xi32, #tpu.memory_space<vmem>> -> memref<1x625xi32, #tpu.memory_space<vmem>>
      %dma_wait3A_242 = tpu.memref_squeeze %dma_wait3A_241 : memref<1x625xi32, #tpu.memory_space<vmem>> -> memref<625xi32, #tpu.memory_space<vmem>>
      %dma_wait3A_243 = arith.constant 0 : i32
      %dma_wait3A_244 = arith.constant 0 : i32
      %dma_wait3A_245 = tpu.memref_slice %arg2[%dma_wait3A_243, %dma_wait3A_244] : memref<307200x16xf32, #tpu.memory_space<hbm>> -> memref<307200x16xf32, #tpu.memory_space<hbm>>
      tpu.wait_indirect_dma semaphore(%arg11 : memref<!tpu.dma_semaphore, #tpu.memory_space<semaphore_mem>>) src(%dma_wait3A_245 : memref<307200x16xf32, #tpu.memory_space<hbm>>) dst(%dma_wait3A_239 : memref<625x16xf32, #tpu.memory_space<vmem>>)
      %add3A_246 = arith.constant 2 : i32
      %add3A_247 = arith.addi %add3A_226, %add3A_246 : i32
      %lt3A_248 = arith.constant 160 : i32
      %lt3A_249 = arith.cmpi slt, %add3A_247, %lt3A_248 : i32
      %convert_element_type3A_250 = arith.extui %lt3A_249 : i1 to i32
      %cond3A_251 = arith.constant 0 : i32
      %cond3A_252 = arith.cmpi ne, %convert_element_type3A_250, %cond3A_251 : i32
      scf.if %cond3A_252 {
        %add3A_283 = arith.constant 2 : i32
        %add3A_284 = arith.addi %add3A_226, %add3A_283 : i32
        %add3A_285 = arith.addi %mul3A_21, %add3A_284 : i32
        %dma_start3A_286 = arith.constant 0 : i32
        %dma_start3A_287 = arith.constant 0 : i32
        %dma_start3A_288 = tpu.memref_slice %arg6[%dma_start3A_286, %dma_start3A_287] : memref<4x625xi32, #tpu.memory_space<vmem>> -> memref<1x625xi32, #tpu.memory_space<vmem>>
        %dma_start3A_289 = tpu.memref_squeeze %dma_start3A_288 : memref<1x625xi32, #tpu.memory_space<vmem>> -> memref<625xi32, #tpu.memory_space<vmem>>
        %dma_start3A_290 = arith.constant 0 : i32
        %dma_start3A_291 = tpu.memref_slice %arg3[%add3A_285, %dma_start3A_290] : memref<5120x625xi32, #tpu.memory_space<hbm>> -> memref<1x625xi32, #tpu.memory_space<hbm>>
        %dma_start3A_292 = tpu.memref_squeeze %dma_start3A_291 : memref<1x625xi32, #tpu.memory_space<hbm>> -> memref<625xi32, #tpu.memory_space<hbm>>
        %dma_start3A_293 = arith.constant 0 : i32
        %dma_start3A_294 = tpu.memref_slice %arg6[%dma_start3A_286, %dma_start3A_293] : memref<4x625xi32, #tpu.memory_space<vmem>> -> memref<1x625xi32, #tpu.memory_space<vmem>>
        %dma_start3A_295 = tpu.memref_squeeze %dma_start3A_294 : memref<1x625xi32, #tpu.memory_space<vmem>> -> memref<625xi32, #tpu.memory_space<vmem>>
        %dma_start3A_296 = arith.constant 0 : i32
        %dma_start3A_297 = tpu.memref_slice %arg3[%add3A_285, %dma_start3A_296] : memref<5120x625xi32, #tpu.memory_space<hbm>> -> memref<1x625xi32, #tpu.memory_space<hbm>>
        %dma_start3A_298 = tpu.memref_squeeze %dma_start3A_297 : memref<1x625xi32, #tpu.memory_space<hbm>> -> memref<625xi32, #tpu.memory_space<hbm>>
        tpu.enqueue_dma source(%dma_start3A_298 : memref<625xi32, #tpu.memory_space<hbm>>) target(%dma_start3A_295 : memref<625xi32, #tpu.memory_space<vmem>>) target_semaphore(%arg10 : memref<!tpu.dma_semaphore, #tpu.memory_space<semaphore_mem>>)
        %add3A_299 = arith.addi %mul3A_21, %add3A_284 : i32
        %dma_start3A_300 = arith.constant 0 : i32
        %dma_start3A_301 = arith.constant 0 : i32
        %dma_start3A_302 = tpu.memref_slice %arg7[%dma_start3A_300, %dma_start3A_301] : memref<4x625xi32, #tpu.memory_space<vmem>> -> memref<1x625xi32, #tpu.memory_space<vmem>>
        %dma_start3A_303 = tpu.memref_squeeze %dma_start3A_302 : memref<1x625xi32, #tpu.memory_space<vmem>> -> memref<625xi32, #tpu.memory_space<vmem>>
        %dma_start3A_304 = arith.constant 0 : i32
        %dma_start3A_305 = tpu.memref_slice %arg4[%add3A_299, %dma_start3A_304] : memref<5120x625xi32, #tpu.memory_space<hbm>> -> memref<1x625xi32, #tpu.memory_space<hbm>>
        %dma_start3A_306 = tpu.memref_squeeze %dma_start3A_305 : memref<1x625xi32, #tpu.memory_space<hbm>> -> memref<625xi32, #tpu.memory_space<hbm>>
        %dma_start3A_307 = arith.constant 0 : i32
        %dma_start3A_308 = tpu.memref_slice %arg7[%dma_start3A_300, %dma_start3A_307] : memref<4x625xi32, #tpu.memory_space<vmem>> -> memref<1x625xi32, #tpu.memory_space<vmem>>
        %dma_start3A_309 = tpu.memref_squeeze %dma_start3A_308 : memref<1x625xi32, #tpu.memory_space<vmem>> -> memref<625xi32, #tpu.memory_space<vmem>>
        %dma_start3A_310 = arith.constant 0 : i32
        %dma_start3A_311 = tpu.memref_slice %arg4[%add3A_299, %dma_start3A_310] : memref<5120x625xi32, #tpu.memory_space<hbm>> -> memref<1x625xi32, #tpu.memory_space<hbm>>
        %dma_start3A_312 = tpu.memref_squeeze %dma_start3A_311 : memref<1x625xi32, #tpu.memory_space<hbm>> -> memref<625xi32, #tpu.memory_space<hbm>>
        tpu.enqueue_dma source(%dma_start3A_312 : memref<625xi32, #tpu.memory_space<hbm>>) target(%dma_start3A_309 : memref<625xi32, #tpu.memory_space<vmem>>) target_semaphore(%arg10 : memref<!tpu.dma_semaphore, #tpu.memory_space<semaphore_mem>>)
      } else {
      }
      %mul3A_253 = arith.constant 4 : i32
      %mul3A_254 = arith.muli %scan3A_165, %mul3A_253 : i32
      %add3A_255 = arith.constant 3 : i32
      %add3A_256 = arith.addi %mul3A_254, %add3A_255 : i32
      %add3A_257 = arith.constant 1 : i32
      %add3A_258 = arith.addi %add3A_256, %add3A_257 : i32
      %lt3A_259 = arith.constant 160 : i32
      %lt3A_260 = arith.cmpi slt, %add3A_258, %lt3A_259 : i32
      %convert_element_type3A_261 = arith.extui %lt3A_260 : i1 to i32
      %cond3A_262 = arith.constant 0 : i32
      %cond3A_263 = arith.cmpi ne, %convert_element_type3A_261, %cond3A_262 : i32
      scf.if %cond3A_263 {
        %dma_wait3A_283 = arith.constant 0 : i32
        %dma_wait3A_284 = arith.constant 0 : i32
        %dma_wait3A_285 = arith.constant 0 : i32
        %dma_wait3A_286 = tpu.memref_slice %arg6[%dma_wait3A_284, %dma_wait3A_285] : memref<4x625xi32, #tpu.memory_space<vmem>> -> memref<1x625xi32, #tpu.memory_space<vmem>>
        %dma_wait3A_287 = tpu.memref_squeeze %dma_wait3A_286 : memref<1x625xi32, #tpu.memory_space<vmem>> -> memref<625xi32, #tpu.memory_space<vmem>>
        %dma_wait3A_288 = arith.constant 0 : i32
        %dma_wait3A_289 = tpu.memref_slice %arg3[%dma_wait3A_283, %dma_wait3A_288] : memref<5120x625xi32, #tpu.memory_space<hbm>> -> memref<1x625xi32, #tpu.memory_space<hbm>>
        %dma_wait3A_290 = tpu.memref_squeeze %dma_wait3A_289 : memref<1x625xi32, #tpu.memory_space<hbm>> -> memref<625xi32, #tpu.memory_space<hbm>>
        %dma_wait3A_291 = arith.constant 0 : i32
        %dma_wait3A_292 = tpu.memref_slice %arg6[%dma_wait3A_284, %dma_wait3A_291] : memref<4x625xi32, #tpu.memory_space<vmem>> -> memref<1x625xi32, #tpu.memory_space<vmem>>
        %dma_wait3A_293 = tpu.memref_squeeze %dma_wait3A_292 : memref<1x625xi32, #tpu.memory_space<vmem>> -> memref<625xi32, #tpu.memory_space<vmem>>
        %dma_wait3A_294 = arith.constant 0 : i32
        %dma_wait3A_295 = tpu.memref_slice %arg3[%dma_wait3A_283, %dma_wait3A_294] : memref<5120x625xi32, #tpu.memory_space<hbm>> -> memref<1x625xi32, #tpu.memory_space<hbm>>
        %dma_wait3A_296 = tpu.memref_squeeze %dma_wait3A_295 : memref<1x625xi32, #tpu.memory_space<hbm>> -> memref<625xi32, #tpu.memory_space<hbm>>
        tpu.wait_dma2 semaphore(%arg10 : memref<!tpu.dma_semaphore, #tpu.memory_space<semaphore_mem>>) src(%dma_wait3A_296 : memref<625xi32, #tpu.memory_space<hbm>>) dst(%dma_wait3A_293 : memref<625xi32, #tpu.memory_space<vmem>>)
        %dma_wait3A_297 = arith.constant 0 : i32
        %dma_wait3A_298 = arith.constant 0 : i32
        %dma_wait3A_299 = arith.constant 0 : i32
        %dma_wait3A_300 = tpu.memref_slice %arg7[%dma_wait3A_298, %dma_wait3A_299] : memref<4x625xi32, #tpu.memory_space<vmem>> -> memref<1x625xi32, #tpu.memory_space<vmem>>
        %dma_wait3A_301 = tpu.memref_squeeze %dma_wait3A_300 : memref<1x625xi32, #tpu.memory_space<vmem>> -> memref<625xi32, #tpu.memory_space<vmem>>
        %dma_wait3A_302 = arith.constant 0 : i32
        %dma_wait3A_303 = tpu.memref_slice %arg4[%dma_wait3A_297, %dma_wait3A_302] : memref<5120x625xi32, #tpu.memory_space<hbm>> -> memref<1x625xi32, #tpu.memory_space<hbm>>
        %dma_wait3A_304 = tpu.memref_squeeze %dma_wait3A_303 : memref<1x625xi32, #tpu.memory_space<hbm>> -> memref<625xi32, #tpu.memory_space<hbm>>
        %dma_wait3A_305 = arith.constant 0 : i32
        %dma_wait3A_306 = tpu.memref_slice %arg7[%dma_wait3A_298, %dma_wait3A_305] : memref<4x625xi32, #tpu.memory_space<vmem>> -> memref<1x625xi32, #tpu.memory_space<vmem>>
        %dma_wait3A_307 = tpu.memref_squeeze %dma_wait3A_306 : memref<1x625xi32, #tpu.memory_space<vmem>> -> memref<625xi32, #tpu.memory_space<vmem>>
        %dma_wait3A_308 = arith.constant 0 : i32
        %dma_wait3A_309 = tpu.memref_slice %arg4[%dma_wait3A_297, %dma_wait3A_308] : memref<5120x625xi32, #tpu.memory_space<hbm>> -> memref<1x625xi32, #tpu.memory_space<hbm>>
        %dma_wait3A_310 = tpu.memref_squeeze %dma_wait3A_309 : memref<1x625xi32, #tpu.memory_space<hbm>> -> memref<625xi32, #tpu.memory_space<hbm>>
        tpu.wait_dma2 semaphore(%arg10 : memref<!tpu.dma_semaphore, #tpu.memory_space<semaphore_mem>>) src(%dma_wait3A_310 : memref<625xi32, #tpu.memory_space<hbm>>) dst(%dma_wait3A_307 : memref<625xi32, #tpu.memory_space<vmem>>)
        %dma_start3A_311 = arith.constant 0 : i32
        %dma_start3A_312 = arith.constant 0 : i32
        %dma_start3A_313 = arith.constant 0 : i32
        %dma_start3A_314 = arith.constant 0 : i32
        %dma_start3A_315 = tpu.memref_slice %arg8[%dma_start3A_312, %dma_start3A_313, %dma_start3A_314] : memref<2x625x16xf32, #tpu.memory_space<vmem>> -> memref<1x625x16xf32, #tpu.memory_space<vmem>>
        %dma_start3A_316 = tpu.memref_squeeze %dma_start3A_315 : memref<1x625x16xf32, #tpu.memory_space<vmem>> -> memref<625x16xf32, #tpu.memory_space<vmem>>
        %dma_start3A_317 = arith.constant 0 : i32
        %dma_start3A_318 = tpu.memref_slice %arg6[%dma_start3A_311, %dma_start3A_317] : memref<4x625xi32, #tpu.memory_space<vmem>> -> memref<1x625xi32, #tpu.memory_space<vmem>>
        %dma_start3A_319 = tpu.memref_squeeze %dma_start3A_318 : memref<1x625xi32, #tpu.memory_space<vmem>> -> memref<625xi32, #tpu.memory_space<vmem>>
        %dma_start3A_320 = arith.constant 0 : i32
        %dma_start3A_321 = arith.constant 0 : i32
        %dma_start3A_322 = tpu.memref_slice %arg2[%dma_start3A_320, %dma_start3A_321] : memref<307200x16xf32, #tpu.memory_space<hbm>> -> memref<307200x16xf32, #tpu.memory_space<hbm>>
        tpu.enqueue_indirect_dma source(%dma_start3A_322 : memref<307200x16xf32, #tpu.memory_space<hbm>>) target(%dma_start3A_316 : memref<625x16xf32, #tpu.memory_space<vmem>>) offsets(%dma_start3A_319 : memref<625xi32, #tpu.memory_space<vmem>>) semaphore(%arg11 : memref<!tpu.dma_semaphore, #tpu.memory_space<semaphore_mem>>)
      } else {
      }
      %dma_wait3A_264 = arith.constant 3 : i32
      %dma_wait3A_265 = arith.constant 1 : i32
      %dma_wait3A_266 = arith.constant 0 : i32
      %dma_wait3A_267 = arith.constant 0 : i32
      %dma_wait3A_268 = tpu.memref_slice %arg8[%dma_wait3A_265, %dma_wait3A_266, %dma_wait3A_267] : memref<2x625x16xf32, #tpu.memory_space<vmem>> -> memref<1x625x16xf32, #tpu.memory_space<vmem>>
      %dma_wait3A_269 = tpu.memref_squeeze %dma_wait3A_268 : memref<1x625x16xf32, #tpu.memory_space<vmem>> -> memref<625x16xf32, #tpu.memory_space<vmem>>
      %dma_wait3A_270 = arith.constant 0 : i32
      %dma_wait3A_271 = tpu.memref_slice %arg6[%dma_wait3A_264, %dma_wait3A_270] : memref<4x625xi32, #tpu.memory_space<vmem>> -> memref<1x625xi32, #tpu.memory_space<vmem>>
      %dma_wait3A_272 = tpu.memref_squeeze %dma_wait3A_271 : memref<1x625xi32, #tpu.memory_space<vmem>> -> memref<625xi32, #tpu.memory_space<vmem>>
      %dma_wait3A_273 = arith.constant 0 : i32
      %dma_wait3A_274 = arith.constant 0 : i32
      %dma_wait3A_275 = tpu.memref_slice %arg2[%dma_wait3A_273, %dma_wait3A_274] : memref<307200x16xf32, #tpu.memory_space<hbm>> -> memref<307200x16xf32, #tpu.memory_space<hbm>>
      tpu.wait_indirect_dma semaphore(%arg11 : memref<!tpu.dma_semaphore, #tpu.memory_space<semaphore_mem>>) src(%dma_wait3A_275 : memref<307200x16xf32, #tpu.memory_space<hbm>>) dst(%dma_wait3A_269 : memref<625x16xf32, #tpu.memory_space<vmem>>)
      %add3A_276 = arith.constant 2 : i32
      %add3A_277 = arith.addi %add3A_256, %add3A_276 : i32
      %lt3A_278 = arith.constant 160 : i32
      %lt3A_279 = arith.cmpi slt, %add3A_277, %lt3A_278 : i32
      %convert_element_type3A_280 = arith.extui %lt3A_279 : i1 to i32
      %cond3A_281 = arith.constant 0 : i32
      %cond3A_282 = arith.cmpi ne, %convert_element_type3A_280, %cond3A_281 : i32
      scf.if %cond3A_282 {
        %add3A_283 = arith.constant 2 : i32
        %add3A_284 = arith.addi %add3A_256, %add3A_283 : i32
        %add3A_285 = arith.addi %mul3A_21, %add3A_284 : i32
        %dma_start3A_286 = arith.constant 1 : i32
        %dma_start3A_287 = arith.constant 0 : i32
        %dma_start3A_288 = tpu.memref_slice %arg6[%dma_start3A_286, %dma_start3A_287] : memref<4x625xi32, #tpu.memory_space<vmem>> -> memref<1x625xi32, #tpu.memory_space<vmem>>
        %dma_start3A_289 = tpu.memref_squeeze %dma_start3A_288 : memref<1x625xi32, #tpu.memory_space<vmem>> -> memref<625xi32, #tpu.memory_space<vmem>>
        %dma_start3A_290 = arith.constant 0 : i32
        %dma_start3A_291 = tpu.memref_slice %arg3[%add3A_285, %dma_start3A_290] : memref<5120x625xi32, #tpu.memory_space<hbm>> -> memref<1x625xi32, #tpu.memory_space<hbm>>
        %dma_start3A_292 = tpu.memref_squeeze %dma_start3A_291 : memref<1x625xi32, #tpu.memory_space<hbm>> -> memref<625xi32, #tpu.memory_space<hbm>>
        %dma_start3A_293 = arith.constant 0 : i32
        %dma_start3A_294 = tpu.memref_slice %arg6[%dma_start3A_286, %dma_start3A_293] : memref<4x625xi32, #tpu.memory_space<vmem>> -> memref<1x625xi32, #tpu.memory_space<vmem>>
        %dma_start3A_295 = tpu.memref_squeeze %dma_start3A_294 : memref<1x625xi32, #tpu.memory_space<vmem>> -> memref<625xi32, #tpu.memory_space<vmem>>
        %dma_start3A_296 = arith.constant 0 : i32
        %dma_start3A_297 = tpu.memref_slice %arg3[%add3A_285, %dma_start3A_296] : memref<5120x625xi32, #tpu.memory_space<hbm>> -> memref<1x625xi32, #tpu.memory_space<hbm>>
        %dma_start3A_298 = tpu.memref_squeeze %dma_start3A_297 : memref<1x625xi32, #tpu.memory_space<hbm>> -> memref<625xi32, #tpu.memory_space<hbm>>
        tpu.enqueue_dma source(%dma_start3A_298 : memref<625xi32, #tpu.memory_space<hbm>>) target(%dma_start3A_295 : memref<625xi32, #tpu.memory_space<vmem>>) target_semaphore(%arg10 : memref<!tpu.dma_semaphore, #tpu.memory_space<semaphore_mem>>)
        %add3A_299 = arith.addi %mul3A_21, %add3A_284 : i32
        %dma_start3A_300 = arith.constant 1 : i32
        %dma_start3A_301 = arith.constant 0 : i32
        %dma_start3A_302 = tpu.memref_slice %arg7[%dma_start3A_300, %dma_start3A_301] : memref<4x625xi32, #tpu.memory_space<vmem>> -> memref<1x625xi32, #tpu.memory_space<vmem>>
        %dma_start3A_303 = tpu.memref_squeeze %dma_start3A_302 : memref<1x625xi32, #tpu.memory_space<vmem>> -> memref<625xi32, #tpu.memory_space<vmem>>
        %dma_start3A_304 = arith.constant 0 : i32
        %dma_start3A_305 = tpu.memref_slice %arg4[%add3A_299, %dma_start3A_304] : memref<5120x625xi32, #tpu.memory_space<hbm>> -> memref<1x625xi32, #tpu.memory_space<hbm>>
        %dma_start3A_306 = tpu.memref_squeeze %dma_start3A_305 : memref<1x625xi32, #tpu.memory_space<hbm>> -> memref<625xi32, #tpu.memory_space<hbm>>
        %dma_start3A_307 = arith.constant 0 : i32
        %dma_start3A_308 = tpu.memref_slice %arg7[%dma_start3A_300, %dma_start3A_307] : memref<4x625xi32, #tpu.memory_space<vmem>> -> memref<1x625xi32, #tpu.memory_space<vmem>>
        %dma_start3A_309 = tpu.memref_squeeze %dma_start3A_308 : memref<1x625xi32, #tpu.memory_space<vmem>> -> memref<625xi32, #tpu.memory_space<vmem>>
        %dma_start3A_310 = arith.constant 0 : i32
        %dma_start3A_311 = tpu.memref_slice %arg4[%add3A_299, %dma_start3A_310] : memref<5120x625xi32, #tpu.memory_space<hbm>> -> memref<1x625xi32, #tpu.memory_space<hbm>>
        %dma_start3A_312 = tpu.memref_squeeze %dma_start3A_311 : memref<1x625xi32, #tpu.memory_space<hbm>> -> memref<625xi32, #tpu.memory_space<hbm>>
        tpu.enqueue_dma source(%dma_start3A_312 : memref<625xi32, #tpu.memory_space<hbm>>) target(%dma_start3A_309 : memref<625xi32, #tpu.memory_space<vmem>>) target_semaphore(%arg10 : memref<!tpu.dma_semaphore, #tpu.memory_space<semaphore_mem>>)
      } else {
      }
    }
    %scan3A_125 = arith.constant 40 : i32
    %barrier3A_126 = arith.constant 0 : index
    tpu.barrier barrier_id(%barrier3A_126)
    %add3A_127 = arith.constant 0 : i32
    %add3A_128 = arith.addi %mul3A_7, %add3A_127 : i32
    %dma_start3A_129 = arith.constant 0 : i32
    %dma_start3A_130 = arith.constant 0 : i32
    %dma_start3A_131 = arith.constant 0 : i32
    %dma_start3A_132 = tpu.memref_slice %arg8[%dma_start3A_129, %dma_start3A_130, %dma_start3A_131] : memref<2x625x16xf32, #tpu.memory_space<vmem>> -> memref<1x400x16xf32, #tpu.memory_space<vmem>>
    %dma_start3A_133 = tpu.memref_squeeze %dma_start3A_132 : memref<1x400x16xf32, #tpu.memory_space<vmem>> -> memref<400x16xf32, #tpu.memory_space<vmem>>
    %dma_start3A_134 = arith.constant 0 : i32
    %dma_start3A_135 = tpu.memref_slice %arg9[%add3A_128, %dma_start3A_134] : memref<102400x16xf32, #tpu.memory_space<vmem_shared>> -> memref<400x16xf32, #tpu.memory_space<vmem_shared>>
    %dma_start3A_136 = arith.constant 0 : i32
    %dma_start3A_137 = arith.constant 0 : i32
    %dma_start3A_138 = tpu.memref_slice %arg8[%dma_start3A_129, %dma_start3A_136, %dma_start3A_137] : memref<2x625x16xf32, #tpu.memory_space<vmem>> -> memref<1x400x16xf32, #tpu.memory_space<vmem>>
    %dma_start3A_139 = tpu.memref_squeeze %dma_start3A_138 : memref<1x400x16xf32, #tpu.memory_space<vmem>> -> memref<400x16xf32, #tpu.memory_space<vmem>>
    %dma_start3A_140 = arith.constant 0 : i32
    %dma_start3A_141 = tpu.memref_slice %arg9[%add3A_128, %dma_start3A_140] : memref<102400x16xf32, #tpu.memory_space<vmem_shared>> -> memref<400x16xf32, #tpu.memory_space<vmem_shared>>
    tpu.enqueue_dma source(%dma_start3A_141 : memref<400x16xf32, #tpu.memory_space<vmem_shared>>) target(%dma_start3A_139 : memref<400x16xf32, #tpu.memory_space<vmem>>) target_semaphore(%arg13 : memref<!tpu.dma_semaphore, #tpu.memory_space<semaphore_mem>>)
    %scan3A_142 = arith.constant 0 : i32
    %scan3A_143 = arith.constant 0 : i32
    %scan3A_144 = arith.constant 8 : i32
    %scan3A_145 = arith.addi %scan3A_143, %scan3A_144 : i32
    %scan3A_146 = arith.constant 1 : i32
    scf.for %scan3A_165 = %scan3A_143 to %scan3A_145 step %scan3A_146  : i32 {
      %mul3A_166 = arith.constant 2 : i32
      %mul3A_167 = arith.muli %scan3A_165, %mul3A_166 : i32
      %add3A_168 = arith.constant 0 : i32
      %add3A_169 = arith.addi %mul3A_167, %add3A_168 : i32
      %mul3A_170 = arith.constant 400 : i32
      %mul3A_171 = arith.muli %add3A_169, %mul3A_170 : i32
      %add3A_172 = arith.addi %mul3A_7, %mul3A_171 : i32
      %dma_wait3A_173 = arith.constant 0 : i32
      %dma_wait3A_174 = arith.constant 0 : i32
      %dma_wait3A_175 = arith.constant 0 : i32
      %dma_wait3A_176 = tpu.memref_slice %arg8[%dma_wait3A_173, %dma_wait3A_174, %dma_wait3A_175] : memref<2x625x16xf32, #tpu.memory_space<vmem>> -> memref<1x400x16xf32, #tpu.memory_space<vmem>>
      %dma_wait3A_177 = tpu.memref_squeeze %dma_wait3A_176 : memref<1x400x16xf32, #tpu.memory_space<vmem>> -> memref<400x16xf32, #tpu.memory_space<vmem>>
      %dma_wait3A_178 = arith.constant 0 : i32
      %dma_wait3A_179 = tpu.memref_slice %arg9[%add3A_172, %dma_wait3A_178] : memref<102400x16xf32, #tpu.memory_space<vmem_shared>> -> memref<400x16xf32, #tpu.memory_space<vmem_shared>>
      %dma_wait3A_180 = arith.constant 0 : i32
      %dma_wait3A_181 = arith.constant 0 : i32
      %dma_wait3A_182 = tpu.memref_slice %arg8[%dma_wait3A_173, %dma_wait3A_180, %dma_wait3A_181] : memref<2x625x16xf32, #tpu.memory_space<vmem>> -> memref<1x400x16xf32, #tpu.memory_space<vmem>>
      %dma_wait3A_183 = tpu.memref_squeeze %dma_wait3A_182 : memref<1x400x16xf32, #tpu.memory_space<vmem>> -> memref<400x16xf32, #tpu.memory_space<vmem>>
      %dma_wait3A_184 = arith.constant 0 : i32
      %dma_wait3A_185 = tpu.memref_slice %arg9[%add3A_172, %dma_wait3A_184] : memref<102400x16xf32, #tpu.memory_space<vmem_shared>> -> memref<400x16xf32, #tpu.memory_space<vmem_shared>>
      tpu.wait_dma2 semaphore(%arg13 : memref<!tpu.dma_semaphore, #tpu.memory_space<semaphore_mem>>) src(%dma_wait3A_185 : memref<400x16xf32, #tpu.memory_space<vmem_shared>>) dst(%dma_wait3A_183 : memref<400x16xf32, #tpu.memory_space<vmem>>)
      %mul3A_186 = arith.constant 400 : i32
      %mul3A_187 = arith.muli %add3A_169, %mul3A_186 : i32
      %add3A_188 = arith.addi %mul3A_7, %mul3A_187 : i32
      %dma_start3A_189 = arith.constant 0 : i32
      %dma_start3A_190 = arith.constant 0 : i32
      %dma_start3A_191 = arith.constant 0 : i32
      %dma_start3A_192 = tpu.memref_slice %arg8[%dma_start3A_189, %dma_start3A_190, %dma_start3A_191] : memref<2x625x16xf32, #tpu.memory_space<vmem>> -> memref<1x400x16xf32, #tpu.memory_space<vmem>>
      %dma_start3A_193 = tpu.memref_squeeze %dma_start3A_192 : memref<1x400x16xf32, #tpu.memory_space<vmem>> -> memref<400x16xf32, #tpu.memory_space<vmem>>
      %dma_start3A_194 = arith.constant 0 : i32
      %dma_start3A_195 = tpu.memref_slice %arg5[%arg0, %add3A_188, %dma_start3A_194] : memref<2x102400x16xf32, #tpu.memory_space<hbm>> -> memref<1x400x16xf32, #tpu.memory_space<hbm>>
      %dma_start3A_196 = tpu.memref_squeeze %dma_start3A_195 : memref<1x400x16xf32, #tpu.memory_space<hbm>> -> memref<400x16xf32, #tpu.memory_space<hbm>>
      %dma_start3A_197 = arith.constant 0 : i32
      %dma_start3A_198 = tpu.memref_slice %arg5[%arg0, %add3A_188, %dma_start3A_197] : memref<2x102400x16xf32, #tpu.memory_space<hbm>> -> memref<1x400x16xf32, #tpu.memory_space<hbm>>
      %dma_start3A_199 = tpu.memref_squeeze %dma_start3A_198 : memref<1x400x16xf32, #tpu.memory_space<hbm>> -> memref<400x16xf32, #tpu.memory_space<hbm>>
      %dma_start3A_200 = arith.constant 0 : i32
      %dma_start3A_201 = arith.constant 0 : i32
      %dma_start3A_202 = tpu.memref_slice %arg8[%dma_start3A_189, %dma_start3A_200, %dma_start3A_201] : memref<2x625x16xf32, #tpu.memory_space<vmem>> -> memref<1x400x16xf32, #tpu.memory_space<vmem>>
      %dma_start3A_203 = tpu.memref_squeeze %dma_start3A_202 : memref<1x400x16xf32, #tpu.memory_space<vmem>> -> memref<400x16xf32, #tpu.memory_space<vmem>>
      tpu.enqueue_dma source(%dma_start3A_203 : memref<400x16xf32, #tpu.memory_space<vmem>>) target(%dma_start3A_199 : memref<400x16xf32, #tpu.memory_space<hbm>>) target_semaphore(%arg11 : memref<!tpu.dma_semaphore, #tpu.memory_space<semaphore_mem>>)
      %ge3A = arith.constant 1 : i32
      %ge3A_204 = arith.cmpi sge, %add3A_169, %ge3A : i32
      %convert_element_type3A = arith.extui %ge3A_204 : i1 to i32
      %cond3A = arith.constant 0 : i32
      %cond3A_205 = arith.cmpi ne, %convert_element_type3A, %cond3A : i32
      scf.if %cond3A_205 {
        %sub3A = arith.constant 1 : i32
        %sub3A_262 = arith.subi %add3A_169, %sub3A : i32
        %mul3A_263 = arith.constant 400 : i32
        %mul3A_264 = arith.muli %sub3A_262, %mul3A_263 : i32
        %add3A_265 = arith.addi %mul3A_7, %mul3A_264 : i32
        %dma_wait3A_266 = arith.constant 1 : i32
        %dma_wait3A_267 = arith.constant 0 : i32
        %dma_wait3A_268 = arith.constant 0 : i32
        %dma_wait3A_269 = tpu.memref_slice %arg8[%dma_wait3A_266, %dma_wait3A_267, %dma_wait3A_268] : memref<2x625x16xf32, #tpu.memory_space<vmem>> -> memref<1x400x16xf32, #tpu.memory_space<vmem>>
        %dma_wait3A_270 = tpu.memref_squeeze %dma_wait3A_269 : memref<1x400x16xf32, #tpu.memory_space<vmem>> -> memref<400x16xf32, #tpu.memory_space<vmem>>
        %dma_wait3A_271 = arith.constant 0 : i32
        %dma_wait3A_272 = tpu.memref_slice %arg5[%arg0, %add3A_265, %dma_wait3A_271] : memref<2x102400x16xf32, #tpu.memory_space<hbm>> -> memref<1x400x16xf32, #tpu.memory_space<hbm>>
        %dma_wait3A_273 = tpu.memref_squeeze %dma_wait3A_272 : memref<1x400x16xf32, #tpu.memory_space<hbm>> -> memref<400x16xf32, #tpu.memory_space<hbm>>
        %dma_wait3A_274 = arith.constant 0 : i32
        %dma_wait3A_275 = tpu.memref_slice %arg5[%arg0, %add3A_265, %dma_wait3A_274] : memref<2x102400x16xf32, #tpu.memory_space<hbm>> -> memref<1x400x16xf32, #tpu.memory_space<hbm>>
        %dma_wait3A_276 = tpu.memref_squeeze %dma_wait3A_275 : memref<1x400x16xf32, #tpu.memory_space<hbm>> -> memref<400x16xf32, #tpu.memory_space<hbm>>
        %dma_wait3A_277 = arith.constant 0 : i32
        %dma_wait3A_278 = arith.constant 0 : i32
        %dma_wait3A_279 = tpu.memref_slice %arg8[%dma_wait3A_266, %dma_wait3A_277, %dma_wait3A_278] : memref<2x625x16xf32, #tpu.memory_space<vmem>> -> memref<1x400x16xf32, #tpu.memory_space<vmem>>
        %dma_wait3A_280 = tpu.memref_squeeze %dma_wait3A_279 : memref<1x400x16xf32, #tpu.memory_space<vmem>> -> memref<400x16xf32, #tpu.memory_space<vmem>>
        tpu.wait_dma2 semaphore(%arg11 : memref<!tpu.dma_semaphore, #tpu.memory_space<semaphore_mem>>) src(%dma_wait3A_280 : memref<400x16xf32, #tpu.memory_space<vmem>>) dst(%dma_wait3A_276 : memref<400x16xf32, #tpu.memory_space<hbm>>)
      } else {
      }
      %add3A_206 = arith.constant 1 : i32
      %add3A_207 = arith.addi %add3A_169, %add3A_206 : i32
      %lt3A = arith.constant 16 : i32
      %lt3A_208 = arith.cmpi slt, %add3A_207, %lt3A : i32
      %convert_element_type3A_209 = arith.extui %lt3A_208 : i1 to i32
      %cond3A_210 = arith.constant 0 : i32
      %cond3A_211 = arith.cmpi ne, %convert_element_type3A_209, %cond3A_210 : i32
      scf.if %cond3A_211 {
        %add3A_262 = arith.constant 1 : i32
        %add3A_263 = arith.addi %add3A_169, %add3A_262 : i32
        %mul3A_264 = arith.constant 400 : i32
        %mul3A_265 = arith.muli %add3A_263, %mul3A_264 : i32
        %add3A_266 = arith.addi %mul3A_7, %mul3A_265 : i32
        %dma_start3A_267 = arith.constant 1 : i32
        %dma_start3A_268 = arith.constant 0 : i32
        %dma_start3A_269 = arith.constant 0 : i32
        %dma_start3A_270 = tpu.memref_slice %arg8[%dma_start3A_267, %dma_start3A_268, %dma_start3A_269] : memref<2x625x16xf32, #tpu.memory_space<vmem>> -> memref<1x400x16xf32, #tpu.memory_space<vmem>>
        %dma_start3A_271 = tpu.memref_squeeze %dma_start3A_270 : memref<1x400x16xf32, #tpu.memory_space<vmem>> -> memref<400x16xf32, #tpu.memory_space<vmem>>
        %dma_start3A_272 = arith.constant 0 : i32
        %dma_start3A_273 = tpu.memref_slice %arg9[%add3A_266, %dma_start3A_272] : memref<102400x16xf32, #tpu.memory_space<vmem_shared>> -> memref<400x16xf32, #tpu.memory_space<vmem_shared>>
        %dma_start3A_274 = arith.constant 0 : i32
        %dma_start3A_275 = arith.constant 0 : i32
        %dma_start3A_276 = tpu.memref_slice %arg8[%dma_start3A_267, %dma_start3A_274, %dma_start3A_275] : memref<2x625x16xf32, #tpu.memory_space<vmem>> -> memref<1x400x16xf32, #tpu.memory_space<vmem>>
        %dma_start3A_277 = tpu.memref_squeeze %dma_start3A_276 : memref<1x400x16xf32, #tpu.memory_space<vmem>> -> memref<400x16xf32, #tpu.memory_space<vmem>>
        %dma_start3A_278 = arith.constant 0 : i32
        %dma_start3A_279 = tpu.memref_slice %arg9[%add3A_266, %dma_start3A_278] : memref<102400x16xf32, #tpu.memory_space<vmem_shared>> -> memref<400x16xf32, #tpu.memory_space<vmem_shared>>
        tpu.enqueue_dma source(%dma_start3A_279 : memref<400x16xf32, #tpu.memory_space<vmem_shared>>) target(%dma_start3A_277 : memref<400x16xf32, #tpu.memory_space<vmem>>) target_semaphore(%arg13 : memref<!tpu.dma_semaphore, #tpu.memory_space<semaphore_mem>>)
      } else {
      }
      %mul3A_212 = arith.constant 2 : i32
      %mul3A_213 = arith.muli %scan3A_165, %mul3A_212 : i32
      %add3A_214 = arith.constant 1 : i32
      %add3A_215 = arith.addi %mul3A_213, %add3A_214 : i32
      %mul3A_216 = arith.constant 400 : i32
      %mul3A_217 = arith.muli %add3A_215, %mul3A_216 : i32
      %add3A_218 = arith.addi %mul3A_7, %mul3A_217 : i32
      %dma_wait3A_219 = arith.constant 1 : i32
      %dma_wait3A_220 = arith.constant 0 : i32
      %dma_wait3A_221 = arith.constant 0 : i32
      %dma_wait3A_222 = tpu.memref_slice %arg8[%dma_wait3A_219, %dma_wait3A_220, %dma_wait3A_221] : memref<2x625x16xf32, #tpu.memory_space<vmem>> -> memref<1x400x16xf32, #tpu.memory_space<vmem>>
      %dma_wait3A_223 = tpu.memref_squeeze %dma_wait3A_222 : memref<1x400x16xf32, #tpu.memory_space<vmem>> -> memref<400x16xf32, #tpu.memory_space<vmem>>
      %dma_wait3A_224 = arith.constant 0 : i32
      %dma_wait3A_225 = tpu.memref_slice %arg9[%add3A_218, %dma_wait3A_224] : memref<102400x16xf32, #tpu.memory_space<vmem_shared>> -> memref<400x16xf32, #tpu.memory_space<vmem_shared>>
      %dma_wait3A_226 = arith.constant 0 : i32
      %dma_wait3A_227 = arith.constant 0 : i32
      %dma_wait3A_228 = tpu.memref_slice %arg8[%dma_wait3A_219, %dma_wait3A_226, %dma_wait3A_227] : memref<2x625x16xf32, #tpu.memory_space<vmem>> -> memref<1x400x16xf32, #tpu.memory_space<vmem>>
      %dma_wait3A_229 = tpu.memref_squeeze %dma_wait3A_228 : memref<1x400x16xf32, #tpu.memory_space<vmem>> -> memref<400x16xf32, #tpu.memory_space<vmem>>
      %dma_wait3A_230 = arith.constant 0 : i32
      %dma_wait3A_231 = tpu.memref_slice %arg9[%add3A_218, %dma_wait3A_230] : memref<102400x16xf32, #tpu.memory_space<vmem_shared>> -> memref<400x16xf32, #tpu.memory_space<vmem_shared>>
      tpu.wait_dma2 semaphore(%arg13 : memref<!tpu.dma_semaphore, #tpu.memory_space<semaphore_mem>>) src(%dma_wait3A_231 : memref<400x16xf32, #tpu.memory_space<vmem_shared>>) dst(%dma_wait3A_229 : memref<400x16xf32, #tpu.memory_space<vmem>>)
      %mul3A_232 = arith.constant 400 : i32
      %mul3A_233 = arith.muli %add3A_215, %mul3A_232 : i32
      %add3A_234 = arith.addi %mul3A_7, %mul3A_233 : i32
      %dma_start3A_235 = arith.constant 1 : i32
      %dma_start3A_236 = arith.constant 0 : i32
      %dma_start3A_237 = arith.constant 0 : i32
      %dma_start3A_238 = tpu.memref_slice %arg8[%dma_start3A_235, %dma_start3A_236, %dma_start3A_237] : memref<2x625x16xf32, #tpu.memory_space<vmem>> -> memref<1x400x16xf32, #tpu.memory_space<vmem>>
      %dma_start3A_239 = tpu.memref_squeeze %dma_start3A_238 : memref<1x400x16xf32, #tpu.memory_space<vmem>> -> memref<400x16xf32, #tpu.memory_space<vmem>>
      %dma_start3A_240 = arith.constant 0 : i32
      %dma_start3A_241 = tpu.memref_slice %arg5[%arg0, %add3A_234, %dma_start3A_240] : memref<2x102400x16xf32, #tpu.memory_space<hbm>> -> memref<1x400x16xf32, #tpu.memory_space<hbm>>
      %dma_start3A_242 = tpu.memref_squeeze %dma_start3A_241 : memref<1x400x16xf32, #tpu.memory_space<hbm>> -> memref<400x16xf32, #tpu.memory_space<hbm>>
      %dma_start3A_243 = arith.constant 0 : i32
      %dma_start3A_244 = tpu.memref_slice %arg5[%arg0, %add3A_234, %dma_start3A_243] : memref<2x102400x16xf32, #tpu.memory_space<hbm>> -> memref<1x400x16xf32, #tpu.memory_space<hbm>>
      %dma_start3A_245 = tpu.memref_squeeze %dma_start3A_244 : memref<1x400x16xf32, #tpu.memory_space<hbm>> -> memref<400x16xf32, #tpu.memory_space<hbm>>
      %dma_start3A_246 = arith.constant 0 : i32
      %dma_start3A_247 = arith.constant 0 : i32
      %dma_start3A_248 = tpu.memref_slice %arg8[%dma_start3A_235, %dma_start3A_246, %dma_start3A_247] : memref<2x625x16xf32, #tpu.memory_space<vmem>> -> memref<1x400x16xf32, #tpu.memory_space<vmem>>
      %dma_start3A_249 = tpu.memref_squeeze %dma_start3A_248 : memref<1x400x16xf32, #tpu.memory_space<vmem>> -> memref<400x16xf32, #tpu.memory_space<vmem>>
      tpu.enqueue_dma source(%dma_start3A_249 : memref<400x16xf32, #tpu.memory_space<vmem>>) target(%dma_start3A_245 : memref<400x16xf32, #tpu.memory_space<hbm>>) target_semaphore(%arg11 : memref<!tpu.dma_semaphore, #tpu.memory_space<semaphore_mem>>)
      %ge3A_250 = arith.constant 1 : i32
      %ge3A_251 = arith.cmpi sge, %add3A_215, %ge3A_250 : i32
      %convert_element_type3A_252 = arith.extui %ge3A_251 : i1 to i32
      %cond3A_253 = arith.constant 0 : i32
      %cond3A_254 = arith.cmpi ne, %convert_element_type3A_252, %cond3A_253 : i32
      scf.if %cond3A_254 {
        %sub3A = arith.constant 1 : i32
        %sub3A_262 = arith.subi %add3A_215, %sub3A : i32
        %mul3A_263 = arith.constant 400 : i32
        %mul3A_264 = arith.muli %sub3A_262, %mul3A_263 : i32
        %add3A_265 = arith.addi %mul3A_7, %mul3A_264 : i32
        %dma_wait3A_266 = arith.constant 0 : i32
        %dma_wait3A_267 = arith.constant 0 : i32
        %dma_wait3A_268 = arith.constant 0 : i32
        %dma_wait3A_269 = tpu.memref_slice %arg8[%dma_wait3A_266, %dma_wait3A_267, %dma_wait3A_268] : memref<2x625x16xf32, #tpu.memory_space<vmem>> -> memref<1x400x16xf32, #tpu.memory_space<vmem>>
        %dma_wait3A_270 = tpu.memref_squeeze %dma_wait3A_269 : memref<1x400x16xf32, #tpu.memory_space<vmem>> -> memref<400x16xf32, #tpu.memory_space<vmem>>
        %dma_wait3A_271 = arith.constant 0 : i32
        %dma_wait3A_272 = tpu.memref_slice %arg5[%arg0, %add3A_265, %dma_wait3A_271] : memref<2x102400x16xf32, #tpu.memory_space<hbm>> -> memref<1x400x16xf32, #tpu.memory_space<hbm>>
        %dma_wait3A_273 = tpu.memref_squeeze %dma_wait3A_272 : memref<1x400x16xf32, #tpu.memory_space<hbm>> -> memref<400x16xf32, #tpu.memory_space<hbm>>
        %dma_wait3A_274 = arith.constant 0 : i32
        %dma_wait3A_275 = tpu.memref_slice %arg5[%arg0, %add3A_265, %dma_wait3A_274] : memref<2x102400x16xf32, #tpu.memory_space<hbm>> -> memref<1x400x16xf32, #tpu.memory_space<hbm>>
        %dma_wait3A_276 = tpu.memref_squeeze %dma_wait3A_275 : memref<1x400x16xf32, #tpu.memory_space<hbm>> -> memref<400x16xf32, #tpu.memory_space<hbm>>
        %dma_wait3A_277 = arith.constant 0 : i32
        %dma_wait3A_278 = arith.constant 0 : i32
        %dma_wait3A_279 = tpu.memref_slice %arg8[%dma_wait3A_266, %dma_wait3A_277, %dma_wait3A_278] : memref<2x625x16xf32, #tpu.memory_space<vmem>> -> memref<1x400x16xf32, #tpu.memory_space<vmem>>
        %dma_wait3A_280 = tpu.memref_squeeze %dma_wait3A_279 : memref<1x400x16xf32, #tpu.memory_space<vmem>> -> memref<400x16xf32, #tpu.memory_space<vmem>>
        tpu.wait_dma2 semaphore(%arg11 : memref<!tpu.dma_semaphore, #tpu.memory_space<semaphore_mem>>) src(%dma_wait3A_280 : memref<400x16xf32, #tpu.memory_space<vmem>>) dst(%dma_wait3A_276 : memref<400x16xf32, #tpu.memory_space<hbm>>)
      } else {
      }
      %add3A_255 = arith.constant 1 : i32
      %add3A_256 = arith.addi %add3A_215, %add3A_255 : i32
      %lt3A_257 = arith.constant 16 : i32
      %lt3A_258 = arith.cmpi slt, %add3A_256, %lt3A_257 : i32
      %convert_element_type3A_259 = arith.extui %lt3A_258 : i1 to i32
      %cond3A_260 = arith.constant 0 : i32
      %cond3A_261 = arith.cmpi ne, %convert_element_type3A_259, %cond3A_260 : i32
      scf.if %cond3A_261 {
        %add3A_262 = arith.constant 1 : i32
        %add3A_263 = arith.addi %add3A_215, %add3A_262 : i32
        %mul3A_264 = arith.constant 400 : i32
        %mul3A_265 = arith.muli %add3A_263, %mul3A_264 : i32
        %add3A_266 = arith.addi %mul3A_7, %mul3A_265 : i32
        %dma_start3A_267 = arith.constant 0 : i32
        %dma_start3A_268 = arith.constant 0 : i32
        %dma_start3A_269 = arith.constant 0 : i32
        %dma_start3A_270 = tpu.memref_slice %arg8[%dma_start3A_267, %dma_start3A_268, %dma_start3A_269] : memref<2x625x16xf32, #tpu.memory_space<vmem>> -> memref<1x400x16xf32, #tpu.memory_space<vmem>>
        %dma_start3A_271 = tpu.memref_squeeze %dma_start3A_270 : memref<1x400x16xf32, #tpu.memory_space<vmem>> -> memref<400x16xf32, #tpu.memory_space<vmem>>
        %dma_start3A_272 = arith.constant 0 : i32
        %dma_start3A_273 = tpu.memref_slice %arg9[%add3A_266, %dma_start3A_272] : memref<102400x16xf32, #tpu.memory_space<vmem_shared>> -> memref<400x16xf32, #tpu.memory_space<vmem_shared>>
        %dma_start3A_274 = arith.constant 0 : i32
        %dma_start3A_275 = arith.constant 0 : i32
        %dma_start3A_276 = tpu.memref_slice %arg8[%dma_start3A_267, %dma_start3A_274, %dma_start3A_275] : memref<2x625x16xf32, #tpu.memory_space<vmem>> -> memref<1x400x16xf32, #tpu.memory_space<vmem>>
        %dma_start3A_277 = tpu.memref_squeeze %dma_start3A_276 : memref<1x400x16xf32, #tpu.memory_space<vmem>> -> memref<400x16xf32, #tpu.memory_space<vmem>>
        %dma_start3A_278 = arith.constant 0 : i32
        %dma_start3A_279 = tpu.memref_slice %arg9[%add3A_266, %dma_start3A_278] : memref<102400x16xf32, #tpu.memory_space<vmem_shared>> -> memref<400x16xf32, #tpu.memory_space<vmem_shared>>
        tpu.enqueue_dma source(%dma_start3A_279 : memref<400x16xf32, #tpu.memory_space<vmem_shared>>) target(%dma_start3A_277 : memref<400x16xf32, #tpu.memory_space<vmem>>) target_semaphore(%arg13 : memref<!tpu.dma_semaphore, #tpu.memory_space<semaphore_mem>>)
      } else {
      }
    }
    %scan3A_147 = arith.constant 8 : i32
    %add3A_148 = arith.constant 6000 : i32
    %add3A_149 = arith.addi %mul3A_7, %add3A_148 : i32
    %dma_wait3A_150 = arith.constant 1 : i32
    %dma_wait3A_151 = arith.constant 0 : i32
    %dma_wait3A_152 = arith.constant 0 : i32
    %dma_wait3A_153 = tpu.memref_slice %arg8[%dma_wait3A_150, %dma_wait3A_151, %dma_wait3A_152] : memref<2x625x16xf32, #tpu.memory_space<vmem>> -> memref<1x400x16xf32, #tpu.memory_space<vmem>>
    %dma_wait3A_154 = tpu.memref_squeeze %dma_wait3A_153 : memref<1x400x16xf32, #tpu.memory_space<vmem>> -> memref<400x16xf32, #tpu.memory_space<vmem>>
    %dma_wait3A_155 = arith.constant 0 : i32
    %dma_wait3A_156 = tpu.memref_slice %arg5[%arg0, %add3A_149, %dma_wait3A_155] : memref<2x102400x16xf32, #tpu.memory_space<hbm>> -> memref<1x400x16xf32, #tpu.memory_space<hbm>>
    %dma_wait3A_157 = tpu.memref_squeeze %dma_wait3A_156 : memref<1x400x16xf32, #tpu.memory_space<hbm>> -> memref<400x16xf32, #tpu.memory_space<hbm>>
    %dma_wait3A_158 = arith.constant 0 : i32
    %dma_wait3A_159 = tpu.memref_slice %arg5[%arg0, %add3A_149, %dma_wait3A_158] : memref<2x102400x16xf32, #tpu.memory_space<hbm>> -> memref<1x400x16xf32, #tpu.memory_space<hbm>>
    %dma_wait3A_160 = tpu.memref_squeeze %dma_wait3A_159 : memref<1x400x16xf32, #tpu.memory_space<hbm>> -> memref<400x16xf32, #tpu.memory_space<hbm>>
    %dma_wait3A_161 = arith.constant 0 : i32
    %dma_wait3A_162 = arith.constant 0 : i32
    %dma_wait3A_163 = tpu.memref_slice %arg8[%dma_wait3A_150, %dma_wait3A_161, %dma_wait3A_162] : memref<2x625x16xf32, #tpu.memory_space<vmem>> -> memref<1x400x16xf32, #tpu.memory_space<vmem>>
    %dma_wait3A_164 = tpu.memref_squeeze %dma_wait3A_163 : memref<1x400x16xf32, #tpu.memory_space<vmem>> -> memref<400x16xf32, #tpu.memory_space<vmem>>
    tpu.wait_dma2 semaphore(%arg11 : memref<!tpu.dma_semaphore, #tpu.memory_space<semaphore_mem>>) src(%dma_wait3A_164 : memref<400x16xf32, #tpu.memory_space<vmem>>) dst(%dma_wait3A_160 : memref<400x16xf32, #tpu.memory_space<hbm>>)
    return
  }
}

#map = affine_map<(d0, d1) -> (0, 0)>
#map1 = affine_map<(d0, d1) -> (0, 0, 0)>
module attributes {stable_mosaic.version = 14 : i64} {
  func.func @_sc_aggr_body(%arg0: i32, %arg1: i32, %arg2: memref<307200x16xf32, #tpu.memory_space<hbm>>, %arg3: memref<5120x625xi32, #tpu.memory_space<hbm>>, %arg4: memref<5120x625xi32, #tpu.memory_space<hbm>>, %arg5: memref<2x102400x16xf32, #tpu.memory_space<hbm>>, %arg6: memref<4x625xi32, #tpu.memory_space<vmem>>, %arg7: memref<4x625xi32, #tpu.memory_space<vmem>>, %arg8: memref<2x625x16xf32, #tpu.memory_space<vmem>>, %arg9: memref<102400x16xf32, #tpu.memory_space<vmem_shared>>, %arg10: memref<!tpu.dma_semaphore, #tpu.memory_space<semaphore_mem>>, %arg11: memref<!tpu.dma_semaphore, #tpu.memory_space<semaphore_mem>>, %arg12: memref<!tpu.dma_semaphore, #tpu.memory_space<semaphore_mem>>, %arg13: memref<!tpu.dma_semaphore, #tpu.memory_space<semaphore_mem>>) attributes {dimension_semantics = [#tpu.dimension_semantics<core_parallel>, #tpu.dimension_semantics<subcore_parallel>], iteration_bounds = array<i64: 2, 16>, scalar_prefetch = 0 : i64, scratch_operands = 8 : i64, tpu.core_type = #tpu.core_type<sc_vector_subcore>, window_params = [{transform_indices = #map}, {transform_indices = #map}, {transform_indices = #map}, {transform_indices = #map1}]} {
    %mul3A = arith.constant 2 : i32
    %mul3A_0 = arith.muli %arg1, %mul3A : i32
    %add3A = arith.addi %mul3A_0, %arg0 : i32
    %scan3A = arith.constant 0 : i32
    %scan3A_1 = arith.constant 0 : i32
    %scan3A_2 = arith.constant 400 : i32
    %scan3A_3 = arith.addi %scan3A_1, %scan3A_2 : i32
    %scan3A_4 = arith.constant 1 : i32
    scf.for %scan3A_165 = %scan3A_1 to %scan3A_3 step %scan3A_4  : i32 {
      %broadcast_in_dim3A = arith.constant 0.000000e+00 : f32
      %broadcast_in_dim3A_166 = vector.broadcast %broadcast_in_dim3A : f32 to vector<16xf32>
      %swap3A = arith.constant 0 : i32
      %swap3A_167 = arith.index_cast %swap3A : i32 to index
      %swap3A_168 = arith.index_cast %scan3A_165 : i32 to index
      %swap3A_169 = arith.constant 0 : index
      %swap3A_170 = tpu.vector_load %arg8[%swap3A_167, %swap3A_168, %swap3A_169] {strides = array<i32>} : memref<2x625x16xf32, #tpu.memory_space<vmem>>, vector<1x1x16xf32>,
      %swap3A_171 = vector.shape_cast %swap3A_170 : vector<1x1x16xf32> to vector<16xf32>
      %swap3A_172 = vector.shape_cast %broadcast_in_dim3A_166 : vector<16xf32> to vector<1x1x16xf32>
      tpu.vector_store %arg8[%swap3A_167, %swap3A_168, %swap3A_169], %swap3A_172 {strides = array<i32>} : memref<2x625x16xf32, #tpu.memory_space<vmem>>, vector<1x1x16xf32>,
    }
    %scan3A_5 = arith.constant 400 : i32
    %mul3A_6 = arith.constant 6400 : i32
    %mul3A_7 = arith.muli %arg1, %mul3A_6 : i32
    %scan3A_8 = arith.constant 0 : i32
    %scan3A_9 = arith.constant 0 : i32
    %scan3A_10 = arith.constant 16 : i32
    %scan3A_11 = arith.addi %scan3A_9, %scan3A_10 : i32
    %scan3A_12 = arith.constant 1 : i32
    scf.for %scan3A_165 = %scan3A_9 to %scan3A_11 step %scan3A_12  : i32 {
      %mul3A_166 = arith.constant 400 : i32
      %mul3A_167 = arith.muli %scan3A_165, %mul3A_166 : i32
      %add3A_168 = arith.addi %mul3A_7, %mul3A_167 : i32
      %dma_start3A_169 = arith.constant 0 : i32
      %dma_start3A_170 = arith.constant 0 : i32
      %dma_start3A_171 = arith.constant 0 : i32
      %dma_start3A_172 = tpu.memref_slice %arg8[%dma_start3A_169, %dma_start3A_170, %dma_start3A_171] : memref<2x625x16xf32, #tpu.memory_space<vmem>> -> memref<1x400x16xf32, #tpu.memory_space<vmem>>
      %dma_start3A_173 = tpu.memref_squeeze %dma_start3A_172 : memref<1x400x16xf32, #tpu.memory_space<vmem>> -> memref<400x16xf32, #tpu.memory_space<vmem>>
      %dma_start3A_174 = arith.constant 0 : i32
      %dma_start3A_175 = tpu.memref_slice %arg9[%add3A_168, %dma_start3A_174] : memref<102400x16xf32, #tpu.memory_space<vmem_shared>> -> memref<400x16xf32, #tpu.memory_space<vmem_shared>>
      %dma_start3A_176 = arith.constant 0 : i32
      %dma_start3A_177 = tpu.memref_slice %arg9[%add3A_168, %dma_start3A_176] : memref<102400x16xf32, #tpu.memory_space<vmem_shared>> -> memref<400x16xf32, #tpu.memory_space<vmem_shared>>
      %dma_start3A_178 = arith.constant 0 : i32
      %dma_start3A_179 = arith.constant 0 : i32
      %dma_start3A_180 = tpu.memref_slice %arg8[%dma_start3A_169, %dma_start3A_178, %dma_start3A_179] : memref<2x625x16xf32, #tpu.memory_space<vmem>> -> memref<1x400x16xf32, #tpu.memory_space<vmem>>
      %dma_start3A_181 = tpu.memref_squeeze %dma_start3A_180 : memref<1x400x16xf32, #tpu.memory_space<vmem>> -> memref<400x16xf32, #tpu.memory_space<vmem>>
      tpu.enqueue_dma source(%dma_start3A_181 : memref<400x16xf32, #tpu.memory_space<vmem>>) target(%dma_start3A_177 : memref<400x16xf32, #tpu.memory_space<vmem_shared>>) target_semaphore(%arg13 : memref<!tpu.dma_semaphore, #tpu.memory_space<semaphore_mem>>)
    }
    %scan3A_13 = arith.constant 16 : i32
    %scan3A_14 = arith.constant 0 : i32
    %scan3A_15 = arith.constant 0 : i32
    %scan3A_16 = arith.constant 16 : i32
    %scan3A_17 = arith.addi %scan3A_15, %scan3A_16 : i32
    %scan3A_18 = arith.constant 1 : i32
    scf.for %scan3A_165 = %scan3A_15 to %scan3A_17 step %scan3A_18  : i32 {
      %mul3A_166 = arith.constant 400 : i32
      %mul3A_167 = arith.muli %scan3A_165, %mul3A_166 : i32
      %add3A_168 = arith.addi %mul3A_7, %mul3A_167 : i32
      %dma_wait3A_169 = arith.constant 0 : i32
      %dma_wait3A_170 = arith.constant 0 : i32
      %dma_wait3A_171 = arith.constant 0 : i32
      %dma_wait3A_172 = tpu.memref_slice %arg8[%dma_wait3A_169, %dma_wait3A_170, %dma_wait3A_171] : memref<2x625x16xf32, #tpu.memory_space<vmem>> -> memref<1x400x16xf32, #tpu.memory_space<vmem>>
      %dma_wait3A_173 = tpu.memref_squeeze %dma_wait3A_172 : memref<1x400x16xf32, #tpu.memory_space<vmem>> -> memref<400x16xf32, #tpu.memory_space<vmem>>
      %dma_wait3A_174 = arith.constant 0 : i32
      %dma_wait3A_175 = tpu.memref_slice %arg9[%add3A_168, %dma_wait3A_174] : memref<102400x16xf32, #tpu.memory_space<vmem_shared>> -> memref<400x16xf32, #tpu.memory_space<vmem_shared>>
      %dma_wait3A_176 = arith.constant 0 : i32
      %dma_wait3A_177 = tpu.memref_slice %arg9[%add3A_168, %dma_wait3A_176] : memref<102400x16xf32, #tpu.memory_space<vmem_shared>> -> memref<400x16xf32, #tpu.memory_space<vmem_shared>>
      %dma_wait3A_178 = arith.constant 0 : i32
      %dma_wait3A_179 = arith.constant 0 : i32
      %dma_wait3A_180 = tpu.memref_slice %arg8[%dma_wait3A_169, %dma_wait3A_178, %dma_wait3A_179] : memref<2x625x16xf32, #tpu.memory_space<vmem>> -> memref<1x400x16xf32, #tpu.memory_space<vmem>>
      %dma_wait3A_181 = tpu.memref_squeeze %dma_wait3A_180 : memref<1x400x16xf32, #tpu.memory_space<vmem>> -> memref<400x16xf32, #tpu.memory_space<vmem>>
      tpu.wait_dma2 semaphore(%arg13 : memref<!tpu.dma_semaphore, #tpu.memory_space<semaphore_mem>>) src(%dma_wait3A_181 : memref<400x16xf32, #tpu.memory_space<vmem>>) dst(%dma_wait3A_177 : memref<400x16xf32, #tpu.memory_space<vmem_shared>>)
    }
    %scan3A_19 = arith.constant 16 : i32
    %barrier3A = arith.constant 0 : index
    tpu.barrier barrier_id(%barrier3A)
    %mul3A_20 = arith.constant 160 : i32
    %mul3A_21 = arith.muli %add3A, %mul3A_20 : i32
    %add3A_22 = arith.constant 0 : i32
    %add3A_23 = arith.addi %mul3A_21, %add3A_22 : i32
    %dma_start3A = arith.constant 0 : i32
    %dma_start3A_24 = arith.constant 0 : i32
    %dma_start3A_25 = tpu.memref_slice %arg6[%dma_start3A, %dma_start3A_24] : memref<4x625xi32, #tpu.memory_space<vmem>> -> memref<1x625xi32, #tpu.memory_space<vmem>>
    %dma_start3A_26 = tpu.memref_squeeze %dma_start3A_25 : memref<1x625xi32, #tpu.memory_space<vmem>> -> memref<625xi32, #tpu.memory_space<vmem>>
    %dma_start3A_27 = arith.constant 0 : i32
    %dma_start3A_28 = tpu.memref_slice %arg3[%add3A_23, %dma_start3A_27] : memref<5120x625xi32, #tpu.memory_space<hbm>> -> memref<1x625xi32, #tpu.memory_space<hbm>>
    %dma_start3A_29 = tpu.memref_squeeze %dma_start3A_28 : memref<1x625xi32, #tpu.memory_space<hbm>> -> memref<625xi32, #tpu.memory_space<hbm>>
    %dma_start3A_30 = arith.constant 0 : i32
    %dma_start3A_31 = tpu.memref_slice %arg6[%dma_start3A, %dma_start3A_30] : memref<4x625xi32, #tpu.memory_space<vmem>> -> memref<1x625xi32, #tpu.memory_space<vmem>>
    %dma_start3A_32 = tpu.memref_squeeze %dma_start3A_31 : memref<1x625xi32, #tpu.memory_space<vmem>> -> memref<625xi32, #tpu.memory_space<vmem>>
    %dma_start3A_33 = arith.constant 0 : i32
    %dma_start3A_34 = tpu.memref_slice %arg3[%add3A_23, %dma_start3A_33] : memref<5120x625xi32, #tpu.memory_space<hbm>> -> memref<1x625xi32, #tpu.memory_space<hbm>>
    %dma_start3A_35 = tpu.memref_squeeze %dma_start3A_34 : memref<1x625xi32, #tpu.memory_space<hbm>> -> memref<625xi32, #tpu.memory_space<hbm>>
    tpu.enqueue_dma source(%dma_start3A_35 : memref<625xi32, #tpu.memory_space<hbm>>) target(%dma_start3A_32 : memref<625xi32, #tpu.memory_space<vmem>>) target_semaphore(%arg10 : memref<!tpu.dma_semaphore, #tpu.memory_space<semaphore_mem>>)
    %add3A_36 = arith.constant 0 : i32
    %add3A_37 = arith.addi %mul3A_21, %add3A_36 : i32
    %dma_start3A_38 = arith.constant 0 : i32
    %dma_start3A_39 = arith.constant 0 : i32
    %dma_start3A_40 = tpu.memref_slice %arg7[%dma_start3A_38, %dma_start3A_39] : memref<4x625xi32, #tpu.memory_space<vmem>> -> memref<1x625xi32, #tpu.memory_space<vmem>>
    %dma_start3A_41 = tpu.memref_squeeze %dma_start3A_40 : memref<1x625xi32, #tpu.memory_space<vmem>> -> memref<625xi32, #tpu.memory_space<vmem>>
    %dma_start3A_42 = arith.constant 0 : i32
    %dma_start3A_43 = tpu.memref_slice %arg4[%add3A_37, %dma_start3A_42] : memref<5120x625xi32, #tpu.memory_space<hbm>> -> memref<1x625xi32, #tpu.memory_space<hbm>>
    %dma_start3A_44 = tpu.memref_squeeze %dma_start3A_43 : memref<1x625xi32, #tpu.memory_space<hbm>> -> memref<625xi32, #tpu.memory_space<hbm>>
    %dma_start3A_45 = arith.constant 0 : i32
    %dma_start3A_46 = tpu.memref_slice %arg7[%dma_start3A_38, %dma_start3A_45] : memref<4x625xi32, #tpu.memory_space<vmem>> -> memref<1x625xi32, #tpu.memory_space<vmem>>
    %dma_start3A_47 = tpu.memref_squeeze %dma_start3A_46 : memref<1x625xi32, #tpu.memory_space<vmem>> -> memref<625xi32, #tpu.memory_space<vmem>>
    %dma_start3A_48 = arith.constant 0 : i32
    %dma_start3A_49 = tpu.memref_slice %arg4[%add3A_37, %dma_start3A_48] : memref<5120x625xi32, #tpu.memory_space<hbm>> -> memref<1x625xi32, #tpu.memory_space<hbm>>
    %dma_start3A_50 = tpu.memref_squeeze %dma_start3A_49 : memref<1x625xi32, #tpu.memory_space<hbm>> -> memref<625xi32, #tpu.memory_space<hbm>>
    tpu.enqueue_dma source(%dma_start3A_50 : memref<625xi32, #tpu.memory_space<hbm>>) target(%dma_start3A_47 : memref<625xi32, #tpu.memory_space<vmem>>) target_semaphore(%arg10 : memref<!tpu.dma_semaphore, #tpu.memory_space<semaphore_mem>>)
    %add3A_51 = arith.constant 1 : i32
    %add3A_52 = arith.addi %mul3A_21, %add3A_51 : i32
    %dma_start3A_53 = arith.constant 1 : i32
    %dma_start3A_54 = arith.constant 0 : i32
    %dma_start3A_55 = tpu.memref_slice %arg6[%dma_start3A_53, %dma_start3A_54] : memref<4x625xi32, #tpu.memory_space<vmem>> -> memref<1x625xi32, #tpu.memory_space<vmem>>
    %dma_start3A_56 = tpu.memref_squeeze %dma_start3A_55 : memref<1x625xi32, #tpu.memory_space<vmem>> -> memref<625xi32, #tpu.memory_space<vmem>>
    %dma_start3A_57 = arith.constant 0 : i32
    %dma_start3A_58 = tpu.memref_slice %arg3[%add3A_52, %dma_start3A_57] : memref<5120x625xi32, #tpu.memory_space<hbm>> -> memref<1x625xi32, #tpu.memory_space<hbm>>
    %dma_start3A_59 = tpu.memref_squeeze %dma_start3A_58 : memref<1x625xi32, #tpu.memory_space<hbm>> -> memref<625xi32, #tpu.memory_space<hbm>>
    %dma_start3A_60 = arith.constant 0 : i32
    %dma_start3A_61 = tpu.memref_slice %arg6[%dma_start3A_53, %dma_start3A_60] : memref<4x625xi32, #tpu.memory_space<vmem>> -> memref<1x625xi32, #tpu.memory_space<vmem>>
    %dma_start3A_62 = tpu.memref_squeeze %dma_start3A_61 : memref<1x625xi32, #tpu.memory_space<vmem>> -> memref<625xi32, #tpu.memory_space<vmem>>
    %dma_start3A_63 = arith.constant 0 : i32
    %dma_start3A_64 = tpu.memref_slice %arg3[%add3A_52, %dma_start3A_63] : memref<5120x625xi32, #tpu.memory_space<hbm>> -> memref<1x625xi32, #tpu.memory_space<hbm>>
    %dma_start3A_65 = tpu.memref_squeeze %dma_start3A_64 : memref<1x625xi32, #tpu.memory_space<hbm>> -> memref<625xi32, #tpu.memory_space<hbm>>
    tpu.enqueue_dma source(%dma_start3A_65 : memref<625xi32, #tpu.memory_space<hbm>>) target(%dma_start3A_62 : memref<625xi32, #tpu.memory_space<vmem>>) target_semaphore(%arg10 : memref<!tpu.dma_semaphore, #tpu.memory_space<semaphore_mem>>)
    %add3A_66 = arith.constant 1 : i32
    %add3A_67 = arith.addi %mul3A_21, %add3A_66 : i32
    %dma_start3A_68 = arith.constant 1 : i32
    %dma_start3A_69 = arith.constant 0 : i32
    %dma_start3A_70 = tpu.memref_slice %arg7[%dma_start3A_68, %dma_start3A_69] : memref<4x625xi32, #tpu.memory_space<vmem>> -> memref<1x625xi32, #tpu.memory_space<vmem>>
    %dma_start3A_71 = tpu.memref_squeeze %dma_start3A_70 : memref<1x625xi32, #tpu.memory_space<vmem>> -> memref<625xi32, #tpu.memory_space<vmem>>
    %dma_start3A_72 = arith.constant 0 : i32
    %dma_start3A_73 = tpu.memref_slice %arg4[%add3A_67, %dma_start3A_72] : memref<5120x625xi32, #tpu.memory_space<hbm>> -> memref<1x625xi32, #tpu.memory_space<hbm>>
    %dma_start3A_74 = tpu.memref_squeeze %dma_start3A_73 : memref<1x625xi32, #tpu.memory_space<hbm>> -> memref<625xi32, #tpu.memory_space<hbm>>
    %dma_start3A_75 = arith.constant 0 : i32
    %dma_start3A_76 = tpu.memref_slice %arg7[%dma_start3A_68, %dma_start3A_75] : memref<4x625xi32, #tpu.memory_space<vmem>> -> memref<1x625xi32, #tpu.memory_space<vmem>>
    %dma_start3A_77 = tpu.memref_squeeze %dma_start3A_76 : memref<1x625xi32, #tpu.memory_space<vmem>> -> memref<625xi32, #tpu.memory_space<vmem>>
    %dma_start3A_78 = arith.constant 0 : i32
    %dma_start3A_79 = tpu.memref_slice %arg4[%add3A_67, %dma_start3A_78] : memref<5120x625xi32, #tpu.memory_space<hbm>> -> memref<1x625xi32, #tpu.memory_space<hbm>>
    %dma_start3A_80 = tpu.memref_squeeze %dma_start3A_79 : memref<1x625xi32, #tpu.memory_space<hbm>> -> memref<625xi32, #tpu.memory_space<hbm>>
    tpu.enqueue_dma source(%dma_start3A_80 : memref<625xi32, #tpu.memory_space<hbm>>) target(%dma_start3A_77 : memref<625xi32, #tpu.memory_space<vmem>>) target_semaphore(%arg10 : memref<!tpu.dma_semaphore, #tpu.memory_space<semaphore_mem>>)
    %dma_wait3A = arith.constant 0 : i32
    %dma_wait3A_81 = arith.constant 0 : i32
    %dma_wait3A_82 = arith.constant 0 : i32
    %dma_wait3A_83 = tpu.memref_slice %arg6[%dma_wait3A_81, %dma_wait3A_82] : memref<4x625xi32, #tpu.memory_space<vmem>> -> memref<1x625xi32, #tpu.memory_space<vmem>>
    %dma_wait3A_84 = tpu.memref_squeeze %dma_wait3A_83 : memref<1x625xi32, #tpu.memory_space<vmem>> -> memref<625xi32, #tpu.memory_space<vmem>>
    %dma_wait3A_85 = arith.constant 0 : i32
    %dma_wait3A_86 = tpu.memref_slice %arg3[%dma_wait3A, %dma_wait3A_85] : memref<5120x625xi32, #tpu.memory_space<hbm>> -> memref<1x625xi32, #tpu.memory_space<hbm>>
    %dma_wait3A_87 = tpu.memref_squeeze %dma_wait3A_86 : memref<1x625xi32, #tpu.memory_space<hbm>> -> memref<625xi32, #tpu.memory_space<hbm>>
    %dma_wait3A_88 = arith.constant 0 : i32
    %dma_wait3A_89 = tpu.memref_slice %arg6[%dma_wait3A_81, %dma_wait3A_88] : memref<4x625xi32, #tpu.memory_space<vmem>> -> memref<1x625xi32, #tpu.memory_space<vmem>>
    %dma_wait3A_90 = tpu.memref_squeeze %dma_wait3A_89 : memref<1x625xi32, #tpu.memory_space<vmem>> -> memref<625xi32, #tpu.memory_space<vmem>>
    %dma_wait3A_91 = arith.constant 0 : i32
    %dma_wait3A_92 = tpu.memref_slice %arg3[%dma_wait3A, %dma_wait3A_91] : memref<5120x625xi32, #tpu.memory_space<hbm>> -> memref<1x625xi32, #tpu.memory_space<hbm>>
    %dma_wait3A_93 = tpu.memref_squeeze %dma_wait3A_92 : memref<1x625xi32, #tpu.memory_space<hbm>> -> memref<625xi32, #tpu.memory_space<hbm>>
    tpu.wait_dma2 semaphore(%arg10 : memref<!tpu.dma_semaphore, #tpu.memory_space<semaphore_mem>>) src(%dma_wait3A_93 : memref<625xi32, #tpu.memory_space<hbm>>) dst(%dma_wait3A_90 : memref<625xi32, #tpu.memory_space<vmem>>)
    %dma_wait3A_94 = arith.constant 0 : i32
    %dma_wait3A_95 = arith.constant 0 : i32
    %dma_wait3A_96 = arith.constant 0 : i32
    %dma_wait3A_97 = tpu.memref_slice %arg7[%dma_wait3A_95, %dma_wait3A_96] : memref<4x625xi32, #tpu.memory_space<vmem>> -> memref<1x625xi32, #tpu.memory_space<vmem>>
    %dma_wait3A_98 = tpu.memref_squeeze %dma_wait3A_97 : memref<1x625xi32, #tpu.memory_space<vmem>> -> memref<625xi32, #tpu.memory_space<vmem>>
    %dma_wait3A_99 = arith.constant 0 : i32
    %dma_wait3A_100 = tpu.memref_slice %arg4[%dma_wait3A_94, %dma_wait3A_99] : memref<5120x625xi32, #tpu.memory_space<hbm>> -> memref<1x625xi32, #tpu.memory_space<hbm>>
    %dma_wait3A_101 = tpu.memref_squeeze %dma_wait3A_100 : memref<1x625xi32, #tpu.memory_space<hbm>> -> memref<625xi32, #tpu.memory_space<hbm>>
    %dma_wait3A_102 = arith.constant 0 : i32
    %dma_wait3A_103 = tpu.memref_slice %arg7[%dma_wait3A_95, %dma_wait3A_102] : memref<4x625xi32, #tpu.memory_space<vmem>> -> memref<1x625xi32, #tpu.memory_space<vmem>>
    %dma_wait3A_104 = tpu.memref_squeeze %dma_wait3A_103 : memref<1x625xi32, #tpu.memory_space<vmem>> -> memref<625xi32, #tpu.memory_space<vmem>>
    %dma_wait3A_105 = arith.constant 0 : i32
    %dma_wait3A_106 = tpu.memref_slice %arg4[%dma_wait3A_94, %dma_wait3A_105] : memref<5120x625xi32, #tpu.memory_space<hbm>> -> memref<1x625xi32, #tpu.memory_space<hbm>>
    %dma_wait3A_107 = tpu.memref_squeeze %dma_wait3A_106 : memref<1x625xi32, #tpu.memory_space<hbm>> -> memref<625xi32, #tpu.memory_space<hbm>>
    tpu.wait_dma2 semaphore(%arg10 : memref<!tpu.dma_semaphore, #tpu.memory_space<semaphore_mem>>) src(%dma_wait3A_107 : memref<625xi32, #tpu.memory_space<hbm>>) dst(%dma_wait3A_104 : memref<625xi32, #tpu.memory_space<vmem>>)
    %dma_start3A_108 = arith.constant 0 : i32
    %dma_start3A_109 = arith.constant 0 : i32
    %dma_start3A_110 = arith.constant 0 : i32
    %dma_start3A_111 = arith.constant 0 : i32
    %dma_start3A_112 = tpu.memref_slice %arg8[%dma_start3A_109, %dma_start3A_110, %dma_start3A_111] : memref<2x625x16xf32, #tpu.memory_space<vmem>> -> memref<1x625x16xf32, #tpu.memory_space<vmem>>
    %dma_start3A_113 = tpu.memref_squeeze %dma_start3A_112 : memref<1x625x16xf32, #tpu.memory_space<vmem>> -> memref<625x16xf32, #tpu.memory_space<vmem>>
    %dma_start3A_114 = arith.constant 0 : i32
    %dma_start3A_115 = tpu.memref_slice %arg6[%dma_start3A_108, %dma_start3A_114] : memref<4x625xi32, #tpu.memory_space<vmem>> -> memref<1x625xi32, #tpu.memory_space<vmem>>
    %dma_start3A_116 = tpu.memref_squeeze %dma_start3A_115 : memref<1x625xi32, #tpu.memory_space<vmem>> -> memref<625xi32, #tpu.memory_space<vmem>>
    %dma_start3A_117 = arith.constant 0 : i32
    %dma_start3A_118 = arith.constant 0 : i32
    %dma_start3A_119 = tpu.memref_slice %arg2[%dma_start3A_117, %dma_start3A_118] : memref<307200x16xf32, #tpu.memory_space<hbm>> -> memref<307200x16xf32, #tpu.memory_space<hbm>>
    tpu.enqueue_indirect_dma source(%dma_start3A_119 : memref<307200x16xf32, #tpu.memory_space<hbm>>) target(%dma_start3A_113 : memref<625x16xf32, #tpu.memory_space<vmem>>) offsets(%dma_start3A_116 : memref<625xi32, #tpu.memory_space<vmem>>) semaphore(%arg11 : memref<!tpu.dma_semaphore, #tpu.memory_space<semaphore_mem>>)
    %scan3A_120 = arith.constant 0 : i32
    %scan3A_121 = arith.constant 0 : i32
    %scan3A_122 = arith.constant 40 : i32
    %scan3A_123 = arith.addi %scan3A_121, %scan3A_122 : i32
    %scan3A_124 = arith.constant 1 : i32
    scf.for %scan3A_165 = %scan3A_121 to %scan3A_123 step %scan3A_124  : i32 {
      %mul3A_166 = arith.constant 4 : i32
      %mul3A_167 = arith.muli %scan3A_165, %mul3A_166 : i32
      %add3A_168 = arith.constant 0 : i32
      %add3A_169 = arith.addi %mul3A_167, %add3A_168 : i32
      %add3A_170 = arith.constant 1 : i32
      %add3A_171 = arith.addi %add3A_169, %add3A_170 : i32
      %lt3A = arith.constant 160 : i32
      %lt3A_172 = arith.cmpi slt, %add3A_171, %lt3A : i32
      %convert_element_type3A = arith.extui %lt3A_172 : i1 to i32
      %cond3A = arith.constant 0 : i32
      %cond3A_173 = arith.cmpi ne, %convert_element_type3A, %cond3A : i32
      scf.if %cond3A_173 {
        %dma_wait3A_283 = arith.constant 0 : i32
        %dma_wait3A_284 = arith.constant 1 : i32
        %dma_wait3A_285 = arith.constant 0 : i32
        %dma_wait3A_286 = tpu.memref_slice %arg6[%dma_wait3A_284, %dma_wait3A_285] : memref<4x625xi32, #tpu.memory_space<vmem>> -> memref<1x625xi32, #tpu.memory_space<vmem>>
        %dma_wait3A_287 = tpu.memref_squeeze %dma_wait3A_286 : memref<1x625xi32, #tpu.memory_space<vmem>> -> memref<625xi32, #tpu.memory_space<vmem>>
        %dma_wait3A_288 = arith.constant 0 : i32
        %dma_wait3A_289 = tpu.memref_slice %arg3[%dma_wait3A_283, %dma_wait3A_288] : memref<5120x625xi32, #tpu.memory_space<hbm>> -> memref<1x625xi32, #tpu.memory_space<hbm>>
        %dma_wait3A_290 = tpu.memref_squeeze %dma_wait3A_289 : memref<1x625xi32, #tpu.memory_space<hbm>> -> memref<625xi32, #tpu.memory_space<hbm>>
        %dma_wait3A_291 = arith.constant 0 : i32
        %dma_wait3A_292 = tpu.memref_slice %arg6[%dma_wait3A_284, %dma_wait3A_291] : memref<4x625xi32, #tpu.memory_space<vmem>> -> memref<1x625xi32, #tpu.memory_space<vmem>>
        %dma_wait3A_293 = tpu.memref_squeeze %dma_wait3A_292 : memref<1x625xi32, #tpu.memory_space<vmem>> -> memref<625xi32, #tpu.memory_space<vmem>>
        %dma_wait3A_294 = arith.constant 0 : i32
        %dma_wait3A_295 = tpu.memref_slice %arg3[%dma_wait3A_283, %dma_wait3A_294] : memref<5120x625xi32, #tpu.memory_space<hbm>> -> memref<1x625xi32, #tpu.memory_space<hbm>>
        %dma_wait3A_296 = tpu.memref_squeeze %dma_wait3A_295 : memref<1x625xi32, #tpu.memory_space<hbm>> -> memref<625xi32, #tpu.memory_space<hbm>>
        tpu.wait_dma2 semaphore(%arg10 : memref<!tpu.dma_semaphore, #tpu.memory_space<semaphore_mem>>) src(%dma_wait3A_296 : memref<625xi32, #tpu.memory_space<hbm>>) dst(%dma_wait3A_293 : memref<625xi32, #tpu.memory_space<vmem>>)
        %dma_wait3A_297 = arith.constant 0 : i32
        %dma_wait3A_298 = arith.constant 1 : i32
        %dma_wait3A_299 = arith.constant 0 : i32
        %dma_wait3A_300 = tpu.memref_slice %arg7[%dma_wait3A_298, %dma_wait3A_299] : memref<4x625xi32, #tpu.memory_space<vmem>> -> memref<1x625xi32, #tpu.memory_space<vmem>>
        %dma_wait3A_301 = tpu.memref_squeeze %dma_wait3A_300 : memref<1x625xi32, #tpu.memory_space<vmem>> -> memref<625xi32, #tpu.memory_space<vmem>>
        %dma_wait3A_302 = arith.constant 0 : i32
        %dma_wait3A_303 = tpu.memref_slice %arg4[%dma_wait3A_297, %dma_wait3A_302] : memref<5120x625xi32, #tpu.memory_space<hbm>> -> memref<1x625xi32, #tpu.memory_space<hbm>>
        %dma_wait3A_304 = tpu.memref_squeeze %dma_wait3A_303 : memref<1x625xi32, #tpu.memory_space<hbm>> -> memref<625xi32, #tpu.memory_space<hbm>>
        %dma_wait3A_305 = arith.constant 0 : i32
        %dma_wait3A_306 = tpu.memref_slice %arg7[%dma_wait3A_298, %dma_wait3A_305] : memref<4x625xi32, #tpu.memory_space<vmem>> -> memref<1x625xi32, #tpu.memory_space<vmem>>
        %dma_wait3A_307 = tpu.memref_squeeze %dma_wait3A_306 : memref<1x625xi32, #tpu.memory_space<vmem>> -> memref<625xi32, #tpu.memory_space<vmem>>
        %dma_wait3A_308 = arith.constant 0 : i32
        %dma_wait3A_309 = tpu.memref_slice %arg4[%dma_wait3A_297, %dma_wait3A_308] : memref<5120x625xi32, #tpu.memory_space<hbm>> -> memref<1x625xi32, #tpu.memory_space<hbm>>
        %dma_wait3A_310 = tpu.memref_squeeze %dma_wait3A_309 : memref<1x625xi32, #tpu.memory_space<hbm>> -> memref<625xi32, #tpu.memory_space<hbm>>
        tpu.wait_dma2 semaphore(%arg10 : memref<!tpu.dma_semaphore, #tpu.memory_space<semaphore_mem>>) src(%dma_wait3A_310 : memref<625xi32, #tpu.memory_space<hbm>>) dst(%dma_wait3A_307 : memref<625xi32, #tpu.memory_space<vmem>>)
        %dma_start3A_311 = arith.constant 1 : i32
        %dma_start3A_312 = arith.constant 1 : i32
        %dma_start3A_313 = arith.constant 0 : i32
        %dma_start3A_314 = arith.constant 0 : i32
        %dma_start3A_315 = tpu.memref_slice %arg8[%dma_start3A_312, %dma_start3A_313, %dma_start3A_314] : memref<2x625x16xf32, #tpu.memory_space<vmem>> -> memref<1x625x16xf32, #tpu.memory_space<vmem>>
        %dma_start3A_316 = tpu.memref_squeeze %dma_start3A_315 : memref<1x625x16xf32, #tpu.memory_space<vmem>> -> memref<625x16xf32, #tpu.memory_space<vmem>>
        %dma_start3A_317 = arith.constant 0 : i32
        %dma_start3A_318 = tpu.memref_slice %arg6[%dma_start3A_311, %dma_start3A_317] : memref<4x625xi32, #tpu.memory_space<vmem>> -> memref<1x625xi32, #tpu.memory_space<vmem>>
        %dma_start3A_319 = tpu.memref_squeeze %dma_start3A_318 : memref<1x625xi32, #tpu.memory_space<vmem>> -> memref<625xi32, #tpu.memory_space<vmem>>
        %dma_start3A_320 = arith.constant 0 : i32
        %dma_start3A_321 = arith.constant 0 : i32
        %dma_start3A_322 = tpu.memref_slice %arg2[%dma_start3A_320, %dma_start3A_321] : memref<307200x16xf32, #tpu.memory_space<hbm>> -> memref<307200x16xf32, #tpu.memory_space<hbm>>
        tpu.enqueue_indirect_dma source(%dma_start3A_322 : memref<307200x16xf32, #tpu.memory_space<hbm>>) target(%dma_start3A_316 : memref<625x16xf32, #tpu.memory_space<vmem>>) offsets(%dma_start3A_319 : memref<625xi32, #tpu.memory_space<vmem>>) semaphore(%arg11 : memref<!tpu.dma_semaphore, #tpu.memory_space<semaphore_mem>>)
      } else {
      }
      %dma_wait3A_174 = arith.constant 0 : i32
      %dma_wait3A_175 = arith.constant 0 : i32
      %dma_wait3A_176 = arith.constant 0 : i32
      %dma_wait3A_177 = arith.constant 0 : i32
      %dma_wait3A_178 = tpu.memref_slice %arg8[%dma_wait3A_175, %dma_wait3A_176, %dma_wait3A_177] : memref<2x625x16xf32, #tpu.memory_space<vmem>> -> memref<1x625x16xf32, #tpu.memory_space<vmem>>
      %dma_wait3A_179 = tpu.memref_squeeze %dma_wait3A_178 : memref<1x625x16xf32, #tpu.memory_space<vmem>> -> memref<625x16xf32, #tpu.memory_space<vmem>>
      %dma_wait3A_180 = arith.constant 0 : i32
      %dma_wait3A_181 = tpu.memref_slice %arg6[%dma_wait3A_174, %dma_wait3A_180] : memref<4x625xi32, #tpu.memory_space<vmem>> -> memref<1x625xi32, #tpu.memory_space<vmem>>
      %dma_wait3A_182 = tpu.memref_squeeze %dma_wait3A_181 : memref<1x625xi32, #tpu.memory_space<vmem>> -> memref<625xi32, #tpu.memory_space<vmem>>
      %dma_wait3A_183 = arith.constant 0 : i32
      %dma_wait3A_184 = arith.constant 0 : i32
      %dma_wait3A_185 = tpu.memref_slice %arg2[%dma_wait3A_183, %dma_wait3A_184] : memref<307200x16xf32, #tpu.memory_space<hbm>> -> memref<307200x16xf32, #tpu.memory_space<hbm>>
      tpu.wait_indirect_dma semaphore(%arg11 : memref<!tpu.dma_semaphore, #tpu.memory_space<semaphore_mem>>) src(%dma_wait3A_185 : memref<307200x16xf32, #tpu.memory_space<hbm>>) dst(%dma_wait3A_179 : memref<625x16xf32, #tpu.memory_space<vmem>>)
      %add3A_186 = arith.constant 2 : i32
      %add3A_187 = arith.addi %add3A_169, %add3A_186 : i32
      %lt3A_188 = arith.constant 160 : i32
      %lt3A_189 = arith.cmpi slt, %add3A_187, %lt3A_188 : i32
      %convert_element_type3A_190 = arith.extui %lt3A_189 : i1 to i32
      %cond3A_191 = arith.constant 0 : i32
      %cond3A_192 = arith.cmpi ne, %convert_element_type3A_190, %cond3A_191 : i32
      scf.if %cond3A_192 {
        %add3A_283 = arith.constant 2 : i32
        %add3A_284 = arith.addi %add3A_169, %add3A_283 : i32
        %add3A_285 = arith.addi %mul3A_21, %add3A_284 : i32
        %dma_start3A_286 = arith.constant 2 : i32
        %dma_start3A_287 = arith.constant 0 : i32
        %dma_start3A_288 = tpu.memref_slice %arg6[%dma_start3A_286, %dma_start3A_287] : memref<4x625xi32, #tpu.memory_space<vmem>> -> memref<1x625xi32, #tpu.memory_space<vmem>>
        %dma_start3A_289 = tpu.memref_squeeze %dma_start3A_288 : memref<1x625xi32, #tpu.memory_space<vmem>> -> memref<625xi32, #tpu.memory_space<vmem>>
        %dma_start3A_290 = arith.constant 0 : i32
        %dma_start3A_291 = tpu.memref_slice %arg3[%add3A_285, %dma_start3A_290] : memref<5120x625xi32, #tpu.memory_space<hbm>> -> memref<1x625xi32, #tpu.memory_space<hbm>>
        %dma_start3A_292 = tpu.memref_squeeze %dma_start3A_291 : memref<1x625xi32, #tpu.memory_space<hbm>> -> memref<625xi32, #tpu.memory_space<hbm>>
        %dma_start3A_293 = arith.constant 0 : i32
        %dma_start3A_294 = tpu.memref_slice %arg6[%dma_start3A_286, %dma_start3A_293] : memref<4x625xi32, #tpu.memory_space<vmem>> -> memref<1x625xi32, #tpu.memory_space<vmem>>
        %dma_start3A_295 = tpu.memref_squeeze %dma_start3A_294 : memref<1x625xi32, #tpu.memory_space<vmem>> -> memref<625xi32, #tpu.memory_space<vmem>>
        %dma_start3A_296 = arith.constant 0 : i32
        %dma_start3A_297 = tpu.memref_slice %arg3[%add3A_285, %dma_start3A_296] : memref<5120x625xi32, #tpu.memory_space<hbm>> -> memref<1x625xi32, #tpu.memory_space<hbm>>
        %dma_start3A_298 = tpu.memref_squeeze %dma_start3A_297 : memref<1x625xi32, #tpu.memory_space<hbm>> -> memref<625xi32, #tpu.memory_space<hbm>>
        tpu.enqueue_dma source(%dma_start3A_298 : memref<625xi32, #tpu.memory_space<hbm>>) target(%dma_start3A_295 : memref<625xi32, #tpu.memory_space<vmem>>) target_semaphore(%arg10 : memref<!tpu.dma_semaphore, #tpu.memory_space<semaphore_mem>>)
        %add3A_299 = arith.addi %mul3A_21, %add3A_284 : i32
        %dma_start3A_300 = arith.constant 2 : i32
        %dma_start3A_301 = arith.constant 0 : i32
        %dma_start3A_302 = tpu.memref_slice %arg7[%dma_start3A_300, %dma_start3A_301] : memref<4x625xi32, #tpu.memory_space<vmem>> -> memref<1x625xi32, #tpu.memory_space<vmem>>
        %dma_start3A_303 = tpu.memref_squeeze %dma_start3A_302 : memref<1x625xi32, #tpu.memory_space<vmem>> -> memref<625xi32, #tpu.memory_space<vmem>>
        %dma_start3A_304 = arith.constant 0 : i32
        %dma_start3A_305 = tpu.memref_slice %arg4[%add3A_299, %dma_start3A_304] : memref<5120x625xi32, #tpu.memory_space<hbm>> -> memref<1x625xi32, #tpu.memory_space<hbm>>
        %dma_start3A_306 = tpu.memref_squeeze %dma_start3A_305 : memref<1x625xi32, #tpu.memory_space<hbm>> -> memref<625xi32, #tpu.memory_space<hbm>>
        %dma_start3A_307 = arith.constant 0 : i32
        %dma_start3A_308 = tpu.memref_slice %arg7[%dma_start3A_300, %dma_start3A_307] : memref<4x625xi32, #tpu.memory_space<vmem>> -> memref<1x625xi32, #tpu.memory_space<vmem>>
        %dma_start3A_309 = tpu.memref_squeeze %dma_start3A_308 : memref<1x625xi32, #tpu.memory_space<vmem>> -> memref<625xi32, #tpu.memory_space<vmem>>
        %dma_start3A_310 = arith.constant 0 : i32
        %dma_start3A_311 = tpu.memref_slice %arg4[%add3A_299, %dma_start3A_310] : memref<5120x625xi32, #tpu.memory_space<hbm>> -> memref<1x625xi32, #tpu.memory_space<hbm>>
        %dma_start3A_312 = tpu.memref_squeeze %dma_start3A_311 : memref<1x625xi32, #tpu.memory_space<hbm>> -> memref<625xi32, #tpu.memory_space<hbm>>
        tpu.enqueue_dma source(%dma_start3A_312 : memref<625xi32, #tpu.memory_space<hbm>>) target(%dma_start3A_309 : memref<625xi32, #tpu.memory_space<vmem>>) target_semaphore(%arg10 : memref<!tpu.dma_semaphore, #tpu.memory_space<semaphore_mem>>)
      } else {
      }
      %mul3A_193 = arith.constant 4 : i32
      %mul3A_194 = arith.muli %scan3A_165, %mul3A_193 : i32
      %add3A_195 = arith.constant 1 : i32
      %add3A_196 = arith.addi %mul3A_194, %add3A_195 : i32
      %add3A_197 = arith.constant 1 : i32
      %add3A_198 = arith.addi %add3A_196, %add3A_197 : i32
      %lt3A_199 = arith.constant 160 : i32
      %lt3A_200 = arith.cmpi slt, %add3A_198, %lt3A_199 : i32
      %convert_element_type3A_201 = arith.extui %lt3A_200 : i1 to i32
      %cond3A_202 = arith.constant 0 : i32
      %cond3A_203 = arith.cmpi ne, %convert_element_type3A_201, %cond3A_202 : i32
      scf.if %cond3A_203 {
        %dma_wait3A_283 = arith.constant 0 : i32
        %dma_wait3A_284 = arith.constant 2 : i32
        %dma_wait3A_285 = arith.constant 0 : i32
        %dma_wait3A_286 = tpu.memref_slice %arg6[%dma_wait3A_284, %dma_wait3A_285] : memref<4x625xi32, #tpu.memory_space<vmem>> -> memref<1x625xi32, #tpu.memory_space<vmem>>
        %dma_wait3A_287 = tpu.memref_squeeze %dma_wait3A_286 : memref<1x625xi32, #tpu.memory_space<vmem>> -> memref<625xi32, #tpu.memory_space<vmem>>
        %dma_wait3A_288 = arith.constant 0 : i32
        %dma_wait3A_289 = tpu.memref_slice %arg3[%dma_wait3A_283, %dma_wait3A_288] : memref<5120x625xi32, #tpu.memory_space<hbm>> -> memref<1x625xi32, #tpu.memory_space<hbm>>
        %dma_wait3A_290 = tpu.memref_squeeze %dma_wait3A_289 : memref<1x625xi32, #tpu.memory_space<hbm>> -> memref<625xi32, #tpu.memory_space<hbm>>
        %dma_wait3A_291 = arith.constant 0 : i32
        %dma_wait3A_292 = tpu.memref_slice %arg6[%dma_wait3A_284, %dma_wait3A_291] : memref<4x625xi32, #tpu.memory_space<vmem>> -> memref<1x625xi32, #tpu.memory_space<vmem>>
        %dma_wait3A_293 = tpu.memref_squeeze %dma_wait3A_292 : memref<1x625xi32, #tpu.memory_space<vmem>> -> memref<625xi32, #tpu.memory_space<vmem>>
        %dma_wait3A_294 = arith.constant 0 : i32
        %dma_wait3A_295 = tpu.memref_slice %arg3[%dma_wait3A_283, %dma_wait3A_294] : memref<5120x625xi32, #tpu.memory_space<hbm>> -> memref<1x625xi32, #tpu.memory_space<hbm>>
        %dma_wait3A_296 = tpu.memref_squeeze %dma_wait3A_295 : memref<1x625xi32, #tpu.memory_space<hbm>> -> memref<625xi32, #tpu.memory_space<hbm>>
        tpu.wait_dma2 semaphore(%arg10 : memref<!tpu.dma_semaphore, #tpu.memory_space<semaphore_mem>>) src(%dma_wait3A_296 : memref<625xi32, #tpu.memory_space<hbm>>) dst(%dma_wait3A_293 : memref<625xi32, #tpu.memory_space<vmem>>)
        %dma_wait3A_297 = arith.constant 0 : i32
        %dma_wait3A_298 = arith.constant 2 : i32
        %dma_wait3A_299 = arith.constant 0 : i32
        %dma_wait3A_300 = tpu.memref_slice %arg7[%dma_wait3A_298, %dma_wait3A_299] : memref<4x625xi32, #tpu.memory_space<vmem>> -> memref<1x625xi32, #tpu.memory_space<vmem>>
        %dma_wait3A_301 = tpu.memref_squeeze %dma_wait3A_300 : memref<1x625xi32, #tpu.memory_space<vmem>> -> memref<625xi32, #tpu.memory_space<vmem>>
        %dma_wait3A_302 = arith.constant 0 : i32
        %dma_wait3A_303 = tpu.memref_slice %arg4[%dma_wait3A_297, %dma_wait3A_302] : memref<5120x625xi32, #tpu.memory_space<hbm>> -> memref<1x625xi32, #tpu.memory_space<hbm>>
        %dma_wait3A_304 = tpu.memref_squeeze %dma_wait3A_303 : memref<1x625xi32, #tpu.memory_space<hbm>> -> memref<625xi32, #tpu.memory_space<hbm>>
        %dma_wait3A_305 = arith.constant 0 : i32
        %dma_wait3A_306 = tpu.memref_slice %arg7[%dma_wait3A_298, %dma_wait3A_305] : memref<4x625xi32, #tpu.memory_space<vmem>> -> memref<1x625xi32, #tpu.memory_space<vmem>>
        %dma_wait3A_307 = tpu.memref_squeeze %dma_wait3A_306 : memref<1x625xi32, #tpu.memory_space<vmem>> -> memref<625xi32, #tpu.memory_space<vmem>>
        %dma_wait3A_308 = arith.constant 0 : i32
        %dma_wait3A_309 = tpu.memref_slice %arg4[%dma_wait3A_297, %dma_wait3A_308] : memref<5120x625xi32, #tpu.memory_space<hbm>> -> memref<1x625xi32, #tpu.memory_space<hbm>>
        %dma_wait3A_310 = tpu.memref_squeeze %dma_wait3A_309 : memref<1x625xi32, #tpu.memory_space<hbm>> -> memref<625xi32, #tpu.memory_space<hbm>>
        tpu.wait_dma2 semaphore(%arg10 : memref<!tpu.dma_semaphore, #tpu.memory_space<semaphore_mem>>) src(%dma_wait3A_310 : memref<625xi32, #tpu.memory_space<hbm>>) dst(%dma_wait3A_307 : memref<625xi32, #tpu.memory_space<vmem>>)
        %dma_start3A_311 = arith.constant 2 : i32
        %dma_start3A_312 = arith.constant 0 : i32
        %dma_start3A_313 = arith.constant 0 : i32
        %dma_start3A_314 = arith.constant 0 : i32
        %dma_start3A_315 = tpu.memref_slice %arg8[%dma_start3A_312, %dma_start3A_313, %dma_start3A_314] : memref<2x625x16xf32, #tpu.memory_space<vmem>> -> memref<1x625x16xf32, #tpu.memory_space<vmem>>
        %dma_start3A_316 = tpu.memref_squeeze %dma_start3A_315 : memref<1x625x16xf32, #tpu.memory_space<vmem>> -> memref<625x16xf32, #tpu.memory_space<vmem>>
        %dma_start3A_317 = arith.constant 0 : i32
        %dma_start3A_318 = tpu.memref_slice %arg6[%dma_start3A_311, %dma_start3A_317] : memref<4x625xi32, #tpu.memory_space<vmem>> -> memref<1x625xi32, #tpu.memory_space<vmem>>
        %dma_start3A_319 = tpu.memref_squeeze %dma_start3A_318 : memref<1x625xi32, #tpu.memory_space<vmem>> -> memref<625xi32, #tpu.memory_space<vmem>>
        %dma_start3A_320 = arith.constant 0 : i32
        %dma_start3A_321 = arith.constant 0 : i32
        %dma_start3A_322 = tpu.memref_slice %arg2[%dma_start3A_320, %dma_start3A_321] : memref<307200x16xf32, #tpu.memory_space<hbm>> -> memref<307200x16xf32, #tpu.memory_space<hbm>>
        tpu.enqueue_indirect_dma source(%dma_start3A_322 : memref<307200x16xf32, #tpu.memory_space<hbm>>) target(%dma_start3A_316 : memref<625x16xf32, #tpu.memory_space<vmem>>) offsets(%dma_start3A_319 : memref<625xi32, #tpu.memory_space<vmem>>) semaphore(%arg11 : memref<!tpu.dma_semaphore, #tpu.memory_space<semaphore_mem>>)
      } else {
      }
      %dma_wait3A_204 = arith.constant 1 : i32
      %dma_wait3A_205 = arith.constant 1 : i32
      %dma_wait3A_206 = arith.constant 0 : i32
      %dma_wait3A_207 = arith.constant 0 : i32
      %dma_wait3A_208 = tpu.memref_slice %arg8[%dma_wait3A_205, %dma_wait3A_206, %dma_wait3A_207] : memref<2x625x16xf32, #tpu.memory_space<vmem>> -> memref<1x625x16xf32, #tpu.memory_space<vmem>>
      %dma_wait3A_209 = tpu.memref_squeeze %dma_wait3A_208 : memref<1x625x16xf32, #tpu.memory_space<vmem>> -> memref<625x16xf32, #tpu.memory_space<vmem>>
      %dma_wait3A_210 = arith.constant 0 : i32
      %dma_wait3A_211 = tpu.memref_slice %arg6[%dma_wait3A_204, %dma_wait3A_210] : memref<4x625xi32, #tpu.memory_space<vmem>> -> memref<1x625xi32, #tpu.memory_space<vmem>>
      %dma_wait3A_212 = tpu.memref_squeeze %dma_wait3A_211 : memref<1x625xi32, #tpu.memory_space<vmem>> -> memref<625xi32, #tpu.memory_space<vmem>>
      %dma_wait3A_213 = arith.constant 0 : i32
      %dma_wait3A_214 = arith.constant 0 : i32
      %dma_wait3A_215 = tpu.memref_slice %arg2[%dma_wait3A_213, %dma_wait3A_214] : memref<307200x16xf32, #tpu.memory_space<hbm>> -> memref<307200x16xf32, #tpu.memory_space<hbm>>
      tpu.wait_indirect_dma semaphore(%arg11 : memref<!tpu.dma_semaphore, #tpu.memory_space<semaphore_mem>>) src(%dma_wait3A_215 : memref<307200x16xf32, #tpu.memory_space<hbm>>) dst(%dma_wait3A_209 : memref<625x16xf32, #tpu.memory_space<vmem>>)
      %add3A_216 = arith.constant 2 : i32
      %add3A_217 = arith.addi %add3A_196, %add3A_216 : i32
      %lt3A_218 = arith.constant 160 : i32
      %lt3A_219 = arith.cmpi slt, %add3A_217, %lt3A_218 : i32
      %convert_element_type3A_220 = arith.extui %lt3A_219 : i1 to i32
      %cond3A_221 = arith.constant 0 : i32
      %cond3A_222 = arith.cmpi ne, %convert_element_type3A_220, %cond3A_221 : i32
      scf.if %cond3A_222 {
        %add3A_283 = arith.constant 2 : i32
        %add3A_284 = arith.addi %add3A_196, %add3A_283 : i32
        %add3A_285 = arith.addi %mul3A_21, %add3A_284 : i32
        %dma_start3A_286 = arith.constant 3 : i32
        %dma_start3A_287 = arith.constant 0 : i32
        %dma_start3A_288 = tpu.memref_slice %arg6[%dma_start3A_286, %dma_start3A_287] : memref<4x625xi32, #tpu.memory_space<vmem>> -> memref<1x625xi32, #tpu.memory_space<vmem>>
        %dma_start3A_289 = tpu.memref_squeeze %dma_start3A_288 : memref<1x625xi32, #tpu.memory_space<vmem>> -> memref<625xi32, #tpu.memory_space<vmem>>
        %dma_start3A_290 = arith.constant 0 : i32
        %dma_start3A_291 = tpu.memref_slice %arg3[%add3A_285, %dma_start3A_290] : memref<5120x625xi32, #tpu.memory_space<hbm>> -> memref<1x625xi32, #tpu.memory_space<hbm>>
        %dma_start3A_292 = tpu.memref_squeeze %dma_start3A_291 : memref<1x625xi32, #tpu.memory_space<hbm>> -> memref<625xi32, #tpu.memory_space<hbm>>
        %dma_start3A_293 = arith.constant 0 : i32
        %dma_start3A_294 = tpu.memref_slice %arg6[%dma_start3A_286, %dma_start3A_293] : memref<4x625xi32, #tpu.memory_space<vmem>> -> memref<1x625xi32, #tpu.memory_space<vmem>>
        %dma_start3A_295 = tpu.memref_squeeze %dma_start3A_294 : memref<1x625xi32, #tpu.memory_space<vmem>> -> memref<625xi32, #tpu.memory_space<vmem>>
        %dma_start3A_296 = arith.constant 0 : i32
        %dma_start3A_297 = tpu.memref_slice %arg3[%add3A_285, %dma_start3A_296] : memref<5120x625xi32, #tpu.memory_space<hbm>> -> memref<1x625xi32, #tpu.memory_space<hbm>>
        %dma_start3A_298 = tpu.memref_squeeze %dma_start3A_297 : memref<1x625xi32, #tpu.memory_space<hbm>> -> memref<625xi32, #tpu.memory_space<hbm>>
        tpu.enqueue_dma source(%dma_start3A_298 : memref<625xi32, #tpu.memory_space<hbm>>) target(%dma_start3A_295 : memref<625xi32, #tpu.memory_space<vmem>>) target_semaphore(%arg10 : memref<!tpu.dma_semaphore, #tpu.memory_space<semaphore_mem>>)
        %add3A_299 = arith.addi %mul3A_21, %add3A_284 : i32
        %dma_start3A_300 = arith.constant 3 : i32
        %dma_start3A_301 = arith.constant 0 : i32
        %dma_start3A_302 = tpu.memref_slice %arg7[%dma_start3A_300, %dma_start3A_301] : memref<4x625xi32, #tpu.memory_space<vmem>> -> memref<1x625xi32, #tpu.memory_space<vmem>>
        %dma_start3A_303 = tpu.memref_squeeze %dma_start3A_302 : memref<1x625xi32, #tpu.memory_space<vmem>> -> memref<625xi32, #tpu.memory_space<vmem>>
        %dma_start3A_304 = arith.constant 0 : i32
        %dma_start3A_305 = tpu.memref_slice %arg4[%add3A_299, %dma_start3A_304] : memref<5120x625xi32, #tpu.memory_space<hbm>> -> memref<1x625xi32, #tpu.memory_space<hbm>>
        %dma_start3A_306 = tpu.memref_squeeze %dma_start3A_305 : memref<1x625xi32, #tpu.memory_space<hbm>> -> memref<625xi32, #tpu.memory_space<hbm>>
        %dma_start3A_307 = arith.constant 0 : i32
        %dma_start3A_308 = tpu.memref_slice %arg7[%dma_start3A_300, %dma_start3A_307] : memref<4x625xi32, #tpu.memory_space<vmem>> -> memref<1x625xi32, #tpu.memory_space<vmem>>
        %dma_start3A_309 = tpu.memref_squeeze %dma_start3A_308 : memref<1x625xi32, #tpu.memory_space<vmem>> -> memref<625xi32, #tpu.memory_space<vmem>>
        %dma_start3A_310 = arith.constant 0 : i32
        %dma_start3A_311 = tpu.memref_slice %arg4[%add3A_299, %dma_start3A_310] : memref<5120x625xi32, #tpu.memory_space<hbm>> -> memref<1x625xi32, #tpu.memory_space<hbm>>
        %dma_start3A_312 = tpu.memref_squeeze %dma_start3A_311 : memref<1x625xi32, #tpu.memory_space<hbm>> -> memref<625xi32, #tpu.memory_space<hbm>>
        tpu.enqueue_dma source(%dma_start3A_312 : memref<625xi32, #tpu.memory_space<hbm>>) target(%dma_start3A_309 : memref<625xi32, #tpu.memory_space<vmem>>) target_semaphore(%arg10 : memref<!tpu.dma_semaphore, #tpu.memory_space<semaphore_mem>>)
      } else {
      }
      %mul3A_223 = arith.constant 4 : i32
      %mul3A_224 = arith.muli %scan3A_165, %mul3A_223 : i32
      %add3A_225 = arith.constant 2 : i32
      %add3A_226 = arith.addi %mul3A_224, %add3A_225 : i32
      %add3A_227 = arith.constant 1 : i32
      %add3A_228 = arith.addi %add3A_226, %add3A_227 : i32
      %lt3A_229 = arith.constant 160 : i32
      %lt3A_230 = arith.cmpi slt, %add3A_228, %lt3A_229 : i32
      %convert_element_type3A_231 = arith.extui %lt3A_230 : i1 to i32
      %cond3A_232 = arith.constant 0 : i32
      %cond3A_233 = arith.cmpi ne, %convert_element_type3A_231, %cond3A_232 : i32
      scf.if %cond3A_233 {
        %dma_wait3A_283 = arith.constant 0 : i32
        %dma_wait3A_284 = arith.constant 3 : i32
        %dma_wait3A_285 = arith.constant 0 : i32
        %dma_wait3A_286 = tpu.memref_slice %arg6[%dma_wait3A_284, %dma_wait3A_285] : memref<4x625xi32, #tpu.memory_space<vmem>> -> memref<1x625xi32, #tpu.memory_space<vmem>>
        %dma_wait3A_287 = tpu.memref_squeeze %dma_wait3A_286 : memref<1x625xi32, #tpu.memory_space<vmem>> -> memref<625xi32, #tpu.memory_space<vmem>>
        %dma_wait3A_288 = arith.constant 0 : i32
        %dma_wait3A_289 = tpu.memref_slice %arg3[%dma_wait3A_283, %dma_wait3A_288] : memref<5120x625xi32, #tpu.memory_space<hbm>> -> memref<1x625xi32, #tpu.memory_space<hbm>>
        %dma_wait3A_290 = tpu.memref_squeeze %dma_wait3A_289 : memref<1x625xi32, #tpu.memory_space<hbm>> -> memref<625xi32, #tpu.memory_space<hbm>>
        %dma_wait3A_291 = arith.constant 0 : i32
        %dma_wait3A_292 = tpu.memref_slice %arg6[%dma_wait3A_284, %dma_wait3A_291] : memref<4x625xi32, #tpu.memory_space<vmem>> -> memref<1x625xi32, #tpu.memory_space<vmem>>
        %dma_wait3A_293 = tpu.memref_squeeze %dma_wait3A_292 : memref<1x625xi32, #tpu.memory_space<vmem>> -> memref<625xi32, #tpu.memory_space<vmem>>
        %dma_wait3A_294 = arith.constant 0 : i32
        %dma_wait3A_295 = tpu.memref_slice %arg3[%dma_wait3A_283, %dma_wait3A_294] : memref<5120x625xi32, #tpu.memory_space<hbm>> -> memref<1x625xi32, #tpu.memory_space<hbm>>
        %dma_wait3A_296 = tpu.memref_squeeze %dma_wait3A_295 : memref<1x625xi32, #tpu.memory_space<hbm>> -> memref<625xi32, #tpu.memory_space<hbm>>
        tpu.wait_dma2 semaphore(%arg10 : memref<!tpu.dma_semaphore, #tpu.memory_space<semaphore_mem>>) src(%dma_wait3A_296 : memref<625xi32, #tpu.memory_space<hbm>>) dst(%dma_wait3A_293 : memref<625xi32, #tpu.memory_space<vmem>>)
        %dma_wait3A_297 = arith.constant 0 : i32
        %dma_wait3A_298 = arith.constant 3 : i32
        %dma_wait3A_299 = arith.constant 0 : i32
        %dma_wait3A_300 = tpu.memref_slice %arg7[%dma_wait3A_298, %dma_wait3A_299] : memref<4x625xi32, #tpu.memory_space<vmem>> -> memref<1x625xi32, #tpu.memory_space<vmem>>
        %dma_wait3A_301 = tpu.memref_squeeze %dma_wait3A_300 : memref<1x625xi32, #tpu.memory_space<vmem>> -> memref<625xi32, #tpu.memory_space<vmem>>
        %dma_wait3A_302 = arith.constant 0 : i32
        %dma_wait3A_303 = tpu.memref_slice %arg4[%dma_wait3A_297, %dma_wait3A_302] : memref<5120x625xi32, #tpu.memory_space<hbm>> -> memref<1x625xi32, #tpu.memory_space<hbm>>
        %dma_wait3A_304 = tpu.memref_squeeze %dma_wait3A_303 : memref<1x625xi32, #tpu.memory_space<hbm>> -> memref<625xi32, #tpu.memory_space<hbm>>
        %dma_wait3A_305 = arith.constant 0 : i32
        %dma_wait3A_306 = tpu.memref_slice %arg7[%dma_wait3A_298, %dma_wait3A_305] : memref<4x625xi32, #tpu.memory_space<vmem>> -> memref<1x625xi32, #tpu.memory_space<vmem>>
        %dma_wait3A_307 = tpu.memref_squeeze %dma_wait3A_306 : memref<1x625xi32, #tpu.memory_space<vmem>> -> memref<625xi32, #tpu.memory_space<vmem>>
        %dma_wait3A_308 = arith.constant 0 : i32
        %dma_wait3A_309 = tpu.memref_slice %arg4[%dma_wait3A_297, %dma_wait3A_308] : memref<5120x625xi32, #tpu.memory_space<hbm>> -> memref<1x625xi32, #tpu.memory_space<hbm>>
        %dma_wait3A_310 = tpu.memref_squeeze %dma_wait3A_309 : memref<1x625xi32, #tpu.memory_space<hbm>> -> memref<625xi32, #tpu.memory_space<hbm>>
        tpu.wait_dma2 semaphore(%arg10 : memref<!tpu.dma_semaphore, #tpu.memory_space<semaphore_mem>>) src(%dma_wait3A_310 : memref<625xi32, #tpu.memory_space<hbm>>) dst(%dma_wait3A_307 : memref<625xi32, #tpu.memory_space<vmem>>)
        %dma_start3A_311 = arith.constant 3 : i32
        %dma_start3A_312 = arith.constant 1 : i32
        %dma_start3A_313 = arith.constant 0 : i32
        %dma_start3A_314 = arith.constant 0 : i32
        %dma_start3A_315 = tpu.memref_slice %arg8[%dma_start3A_312, %dma_start3A_313, %dma_start3A_314] : memref<2x625x16xf32, #tpu.memory_space<vmem>> -> memref<1x625x16xf32, #tpu.memory_space<vmem>>
        %dma_start3A_316 = tpu.memref_squeeze %dma_start3A_315 : memref<1x625x16xf32, #tpu.memory_space<vmem>> -> memref<625x16xf32, #tpu.memory_space<vmem>>
        %dma_start3A_317 = arith.constant 0 : i32
        %dma_start3A_318 = tpu.memref_slice %arg6[%dma_start3A_311, %dma_start3A_317] : memref<4x625xi32, #tpu.memory_space<vmem>> -> memref<1x625xi32, #tpu.memory_space<vmem>>
        %dma_start3A_319 = tpu.memref_squeeze %dma_start3A_318 : memref<1x625xi32, #tpu.memory_space<vmem>> -> memref<625xi32, #tpu.memory_space<vmem>>
        %dma_start3A_320 = arith.constant 0 : i32
        %dma_start3A_321 = arith.constant 0 : i32
        %dma_start3A_322 = tpu.memref_slice %arg2[%dma_start3A_320, %dma_start3A_321] : memref<307200x16xf32, #tpu.memory_space<hbm>> -> memref<307200x16xf32, #tpu.memory_space<hbm>>
        tpu.enqueue_indirect_dma source(%dma_start3A_322 : memref<307200x16xf32, #tpu.memory_space<hbm>>) target(%dma_start3A_316 : memref<625x16xf32, #tpu.memory_space<vmem>>) offsets(%dma_start3A_319 : memref<625xi32, #tpu.memory_space<vmem>>) semaphore(%arg11 : memref<!tpu.dma_semaphore, #tpu.memory_space<semaphore_mem>>)
      } else {
      }
      %dma_wait3A_234 = arith.constant 2 : i32
      %dma_wait3A_235 = arith.constant 0 : i32
      %dma_wait3A_236 = arith.constant 0 : i32
      %dma_wait3A_237 = arith.constant 0 : i32
      %dma_wait3A_238 = tpu.memref_slice %arg8[%dma_wait3A_235, %dma_wait3A_236, %dma_wait3A_237] : memref<2x625x16xf32, #tpu.memory_space<vmem>> -> memref<1x625x16xf32, #tpu.memory_space<vmem>>
      %dma_wait3A_239 = tpu.memref_squeeze %dma_wait3A_238 : memref<1x625x16xf32, #tpu.memory_space<vmem>> -> memref<625x16xf32, #tpu.memory_space<vmem>>
      %dma_wait3A_240 = arith.constant 0 : i32
      %dma_wait3A_241 = tpu.memref_slice %arg6[%dma_wait3A_234, %dma_wait3A_240] : memref<4x625xi32, #tpu.memory_space<vmem>> -> memref<1x625xi32, #tpu.memory_space<vmem>>
      %dma_wait3A_242 = tpu.memref_squeeze %dma_wait3A_241 : memref<1x625xi32, #tpu.memory_space<vmem>> -> memref<625xi32, #tpu.memory_space<vmem>>
      %dma_wait3A_243 = arith.constant 0 : i32
      %dma_wait3A_244 = arith.constant 0 : i32
      %dma_wait3A_245 = tpu.memref_slice %arg2[%dma_wait3A_243, %dma_wait3A_244] : memref<307200x16xf32, #tpu.memory_space<hbm>> -> memref<307200x16xf32, #tpu.memory_space<hbm>>
      tpu.wait_indirect_dma semaphore(%arg11 : memref<!tpu.dma_semaphore, #tpu.memory_space<semaphore_mem>>) src(%dma_wait3A_245 : memref<307200x16xf32, #tpu.memory_space<hbm>>) dst(%dma_wait3A_239 : memref<625x16xf32, #tpu.memory_space<vmem>>)
      %add3A_246 = arith.constant 2 : i32
      %add3A_247 = arith.addi %add3A_226, %add3A_246 : i32
      %lt3A_248 = arith.constant 160 : i32
      %lt3A_249 = arith.cmpi slt, %add3A_247, %lt3A_248 : i32
      %convert_element_type3A_250 = arith.extui %lt3A_249 : i1 to i32
      %cond3A_251 = arith.constant 0 : i32
      %cond3A_252 = arith.cmpi ne, %convert_element_type3A_250, %cond3A_251 : i32
      scf.if %cond3A_252 {
        %add3A_283 = arith.constant 2 : i32
        %add3A_284 = arith.addi %add3A_226, %add3A_283 : i32
        %add3A_285 = arith.addi %mul3A_21, %add3A_284 : i32
        %dma_start3A_286 = arith.constant 0 : i32
        %dma_start3A_287 = arith.constant 0 : i32
        %dma_start3A_288 = tpu.memref_slice %arg6[%dma_start3A_286, %dma_start3A_287] : memref<4x625xi32, #tpu.memory_space<vmem>> -> memref<1x625xi32, #tpu.memory_space<vmem>>
        %dma_start3A_289 = tpu.memref_squeeze %dma_start3A_288 : memref<1x625xi32, #tpu.memory_space<vmem>> -> memref<625xi32, #tpu.memory_space<vmem>>
        %dma_start3A_290 = arith.constant 0 : i32
        %dma_start3A_291 = tpu.memref_slice %arg3[%add3A_285, %dma_start3A_290] : memref<5120x625xi32, #tpu.memory_space<hbm>> -> memref<1x625xi32, #tpu.memory_space<hbm>>
        %dma_start3A_292 = tpu.memref_squeeze %dma_start3A_291 : memref<1x625xi32, #tpu.memory_space<hbm>> -> memref<625xi32, #tpu.memory_space<hbm>>
        %dma_start3A_293 = arith.constant 0 : i32
        %dma_start3A_294 = tpu.memref_slice %arg6[%dma_start3A_286, %dma_start3A_293] : memref<4x625xi32, #tpu.memory_space<vmem>> -> memref<1x625xi32, #tpu.memory_space<vmem>>
        %dma_start3A_295 = tpu.memref_squeeze %dma_start3A_294 : memref<1x625xi32, #tpu.memory_space<vmem>> -> memref<625xi32, #tpu.memory_space<vmem>>
        %dma_start3A_296 = arith.constant 0 : i32
        %dma_start3A_297 = tpu.memref_slice %arg3[%add3A_285, %dma_start3A_296] : memref<5120x625xi32, #tpu.memory_space<hbm>> -> memref<1x625xi32, #tpu.memory_space<hbm>>
        %dma_start3A_298 = tpu.memref_squeeze %dma_start3A_297 : memref<1x625xi32, #tpu.memory_space<hbm>> -> memref<625xi32, #tpu.memory_space<hbm>>
        tpu.enqueue_dma source(%dma_start3A_298 : memref<625xi32, #tpu.memory_space<hbm>>) target(%dma_start3A_295 : memref<625xi32, #tpu.memory_space<vmem>>) target_semaphore(%arg10 : memref<!tpu.dma_semaphore, #tpu.memory_space<semaphore_mem>>)
        %add3A_299 = arith.addi %mul3A_21, %add3A_284 : i32
        %dma_start3A_300 = arith.constant 0 : i32
        %dma_start3A_301 = arith.constant 0 : i32
        %dma_start3A_302 = tpu.memref_slice %arg7[%dma_start3A_300, %dma_start3A_301] : memref<4x625xi32, #tpu.memory_space<vmem>> -> memref<1x625xi32, #tpu.memory_space<vmem>>
        %dma_start3A_303 = tpu.memref_squeeze %dma_start3A_302 : memref<1x625xi32, #tpu.memory_space<vmem>> -> memref<625xi32, #tpu.memory_space<vmem>>
        %dma_start3A_304 = arith.constant 0 : i32
        %dma_start3A_305 = tpu.memref_slice %arg4[%add3A_299, %dma_start3A_304] : memref<5120x625xi32, #tpu.memory_space<hbm>> -> memref<1x625xi32, #tpu.memory_space<hbm>>
        %dma_start3A_306 = tpu.memref_squeeze %dma_start3A_305 : memref<1x625xi32, #tpu.memory_space<hbm>> -> memref<625xi32, #tpu.memory_space<hbm>>
        %dma_start3A_307 = arith.constant 0 : i32
        %dma_start3A_308 = tpu.memref_slice %arg7[%dma_start3A_300, %dma_start3A_307] : memref<4x625xi32, #tpu.memory_space<vmem>> -> memref<1x625xi32, #tpu.memory_space<vmem>>
        %dma_start3A_309 = tpu.memref_squeeze %dma_start3A_308 : memref<1x625xi32, #tpu.memory_space<vmem>> -> memref<625xi32, #tpu.memory_space<vmem>>
        %dma_start3A_310 = arith.constant 0 : i32
        %dma_start3A_311 = tpu.memref_slice %arg4[%add3A_299, %dma_start3A_310] : memref<5120x625xi32, #tpu.memory_space<hbm>> -> memref<1x625xi32, #tpu.memory_space<hbm>>
        %dma_start3A_312 = tpu.memref_squeeze %dma_start3A_311 : memref<1x625xi32, #tpu.memory_space<hbm>> -> memref<625xi32, #tpu.memory_space<hbm>>
        tpu.enqueue_dma source(%dma_start3A_312 : memref<625xi32, #tpu.memory_space<hbm>>) target(%dma_start3A_309 : memref<625xi32, #tpu.memory_space<vmem>>) target_semaphore(%arg10 : memref<!tpu.dma_semaphore, #tpu.memory_space<semaphore_mem>>)
      } else {
      }
      %mul3A_253 = arith.constant 4 : i32
      %mul3A_254 = arith.muli %scan3A_165, %mul3A_253 : i32
      %add3A_255 = arith.constant 3 : i32
      %add3A_256 = arith.addi %mul3A_254, %add3A_255 : i32
      %add3A_257 = arith.constant 1 : i32
      %add3A_258 = arith.addi %add3A_256, %add3A_257 : i32
      %lt3A_259 = arith.constant 160 : i32
      %lt3A_260 = arith.cmpi slt, %add3A_258, %lt3A_259 : i32
      %convert_element_type3A_261 = arith.extui %lt3A_260 : i1 to i32
      %cond3A_262 = arith.constant 0 : i32
      %cond3A_263 = arith.cmpi ne, %convert_element_type3A_261, %cond3A_262 : i32
      scf.if %cond3A_263 {
        %dma_wait3A_283 = arith.constant 0 : i32
        %dma_wait3A_284 = arith.constant 0 : i32
        %dma_wait3A_285 = arith.constant 0 : i32
        %dma_wait3A_286 = tpu.memref_slice %arg6[%dma_wait3A_284, %dma_wait3A_285] : memref<4x625xi32, #tpu.memory_space<vmem>> -> memref<1x625xi32, #tpu.memory_space<vmem>>
        %dma_wait3A_287 = tpu.memref_squeeze %dma_wait3A_286 : memref<1x625xi32, #tpu.memory_space<vmem>> -> memref<625xi32, #tpu.memory_space<vmem>>
        %dma_wait3A_288 = arith.constant 0 : i32
        %dma_wait3A_289 = tpu.memref_slice %arg3[%dma_wait3A_283, %dma_wait3A_288] : memref<5120x625xi32, #tpu.memory_space<hbm>> -> memref<1x625xi32, #tpu.memory_space<hbm>>
        %dma_wait3A_290 = tpu.memref_squeeze %dma_wait3A_289 : memref<1x625xi32, #tpu.memory_space<hbm>> -> memref<625xi32, #tpu.memory_space<hbm>>
        %dma_wait3A_291 = arith.constant 0 : i32
        %dma_wait3A_292 = tpu.memref_slice %arg6[%dma_wait3A_284, %dma_wait3A_291] : memref<4x625xi32, #tpu.memory_space<vmem>> -> memref<1x625xi32, #tpu.memory_space<vmem>>
        %dma_wait3A_293 = tpu.memref_squeeze %dma_wait3A_292 : memref<1x625xi32, #tpu.memory_space<vmem>> -> memref<625xi32, #tpu.memory_space<vmem>>
        %dma_wait3A_294 = arith.constant 0 : i32
        %dma_wait3A_295 = tpu.memref_slice %arg3[%dma_wait3A_283, %dma_wait3A_294] : memref<5120x625xi32, #tpu.memory_space<hbm>> -> memref<1x625xi32, #tpu.memory_space<hbm>>
        %dma_wait3A_296 = tpu.memref_squeeze %dma_wait3A_295 : memref<1x625xi32, #tpu.memory_space<hbm>> -> memref<625xi32, #tpu.memory_space<hbm>>
        tpu.wait_dma2 semaphore(%arg10 : memref<!tpu.dma_semaphore, #tpu.memory_space<semaphore_mem>>) src(%dma_wait3A_296 : memref<625xi32, #tpu.memory_space<hbm>>) dst(%dma_wait3A_293 : memref<625xi32, #tpu.memory_space<vmem>>)
        %dma_wait3A_297 = arith.constant 0 : i32
        %dma_wait3A_298 = arith.constant 0 : i32
        %dma_wait3A_299 = arith.constant 0 : i32
        %dma_wait3A_300 = tpu.memref_slice %arg7[%dma_wait3A_298, %dma_wait3A_299] : memref<4x625xi32, #tpu.memory_space<vmem>> -> memref<1x625xi32, #tpu.memory_space<vmem>>
        %dma_wait3A_301 = tpu.memref_squeeze %dma_wait3A_300 : memref<1x625xi32, #tpu.memory_space<vmem>> -> memref<625xi32, #tpu.memory_space<vmem>>
        %dma_wait3A_302 = arith.constant 0 : i32
        %dma_wait3A_303 = tpu.memref_slice %arg4[%dma_wait3A_297, %dma_wait3A_302] : memref<5120x625xi32, #tpu.memory_space<hbm>> -> memref<1x625xi32, #tpu.memory_space<hbm>>
        %dma_wait3A_304 = tpu.memref_squeeze %dma_wait3A_303 : memref<1x625xi32, #tpu.memory_space<hbm>> -> memref<625xi32, #tpu.memory_space<hbm>>
        %dma_wait3A_305 = arith.constant 0 : i32
        %dma_wait3A_306 = tpu.memref_slice %arg7[%dma_wait3A_298, %dma_wait3A_305] : memref<4x625xi32, #tpu.memory_space<vmem>> -> memref<1x625xi32, #tpu.memory_space<vmem>>
        %dma_wait3A_307 = tpu.memref_squeeze %dma_wait3A_306 : memref<1x625xi32, #tpu.memory_space<vmem>> -> memref<625xi32, #tpu.memory_space<vmem>>
        %dma_wait3A_308 = arith.constant 0 : i32
        %dma_wait3A_309 = tpu.memref_slice %arg4[%dma_wait3A_297, %dma_wait3A_308] : memref<5120x625xi32, #tpu.memory_space<hbm>> -> memref<1x625xi32, #tpu.memory_space<hbm>>
        %dma_wait3A_310 = tpu.memref_squeeze %dma_wait3A_309 : memref<1x625xi32, #tpu.memory_space<hbm>> -> memref<625xi32, #tpu.memory_space<hbm>>
        tpu.wait_dma2 semaphore(%arg10 : memref<!tpu.dma_semaphore, #tpu.memory_space<semaphore_mem>>) src(%dma_wait3A_310 : memref<625xi32, #tpu.memory_space<hbm>>) dst(%dma_wait3A_307 : memref<625xi32, #tpu.memory_space<vmem>>)
        %dma_start3A_311 = arith.constant 0 : i32
        %dma_start3A_312 = arith.constant 0 : i32
        %dma_start3A_313 = arith.constant 0 : i32
        %dma_start3A_314 = arith.constant 0 : i32
        %dma_start3A_315 = tpu.memref_slice %arg8[%dma_start3A_312, %dma_start3A_313, %dma_start3A_314] : memref<2x625x16xf32, #tpu.memory_space<vmem>> -> memref<1x625x16xf32, #tpu.memory_space<vmem>>
        %dma_start3A_316 = tpu.memref_squeeze %dma_start3A_315 : memref<1x625x16xf32, #tpu.memory_space<vmem>> -> memref<625x16xf32, #tpu.memory_space<vmem>>
        %dma_start3A_317 = arith.constant 0 : i32
        %dma_start3A_318 = tpu.memref_slice %arg6[%dma_start3A_311, %dma_start3A_317] : memref<4x625xi32, #tpu.memory_space<vmem>> -> memref<1x625xi32, #tpu.memory_space<vmem>>
        %dma_start3A_319 = tpu.memref_squeeze %dma_start3A_318 : memref<1x625xi32, #tpu.memory_space<vmem>> -> memref<625xi32, #tpu.memory_space<vmem>>
        %dma_start3A_320 = arith.constant 0 : i32
        %dma_start3A_321 = arith.constant 0 : i32
        %dma_start3A_322 = tpu.memref_slice %arg2[%dma_start3A_320, %dma_start3A_321] : memref<307200x16xf32, #tpu.memory_space<hbm>> -> memref<307200x16xf32, #tpu.memory_space<hbm>>
        tpu.enqueue_indirect_dma source(%dma_start3A_322 : memref<307200x16xf32, #tpu.memory_space<hbm>>) target(%dma_start3A_316 : memref<625x16xf32, #tpu.memory_space<vmem>>) offsets(%dma_start3A_319 : memref<625xi32, #tpu.memory_space<vmem>>) semaphore(%arg11 : memref<!tpu.dma_semaphore, #tpu.memory_space<semaphore_mem>>)
      } else {
      }
      %dma_wait3A_264 = arith.constant 3 : i32
      %dma_wait3A_265 = arith.constant 1 : i32
      %dma_wait3A_266 = arith.constant 0 : i32
      %dma_wait3A_267 = arith.constant 0 : i32
      %dma_wait3A_268 = tpu.memref_slice %arg8[%dma_wait3A_265, %dma_wait3A_266, %dma_wait3A_267] : memref<2x625x16xf32, #tpu.memory_space<vmem>> -> memref<1x625x16xf32, #tpu.memory_space<vmem>>
      %dma_wait3A_269 = tpu.memref_squeeze %dma_wait3A_268 : memref<1x625x16xf32, #tpu.memory_space<vmem>> -> memref<625x16xf32, #tpu.memory_space<vmem>>
      %dma_wait3A_270 = arith.constant 0 : i32
      %dma_wait3A_271 = tpu.memref_slice %arg6[%dma_wait3A_264, %dma_wait3A_270] : memref<4x625xi32, #tpu.memory_space<vmem>> -> memref<1x625xi32, #tpu.memory_space<vmem>>
      %dma_wait3A_272 = tpu.memref_squeeze %dma_wait3A_271 : memref<1x625xi32, #tpu.memory_space<vmem>> -> memref<625xi32, #tpu.memory_space<vmem>>
      %dma_wait3A_273 = arith.constant 0 : i32
      %dma_wait3A_274 = arith.constant 0 : i32
      %dma_wait3A_275 = tpu.memref_slice %arg2[%dma_wait3A_273, %dma_wait3A_274] : memref<307200x16xf32, #tpu.memory_space<hbm>> -> memref<307200x16xf32, #tpu.memory_space<hbm>>
      tpu.wait_indirect_dma semaphore(%arg11 : memref<!tpu.dma_semaphore, #tpu.memory_space<semaphore_mem>>) src(%dma_wait3A_275 : memref<307200x16xf32, #tpu.memory_space<hbm>>) dst(%dma_wait3A_269 : memref<625x16xf32, #tpu.memory_space<vmem>>)
      %add3A_276 = arith.constant 2 : i32
      %add3A_277 = arith.addi %add3A_256, %add3A_276 : i32
      %lt3A_278 = arith.constant 160 : i32
      %lt3A_279 = arith.cmpi slt, %add3A_277, %lt3A_278 : i32
      %convert_element_type3A_280 = arith.extui %lt3A_279 : i1 to i32
      %cond3A_281 = arith.constant 0 : i32
      %cond3A_282 = arith.cmpi ne, %convert_element_type3A_280, %cond3A_281 : i32
      scf.if %cond3A_282 {
        %add3A_283 = arith.constant 2 : i32
        %add3A_284 = arith.addi %add3A_256, %add3A_283 : i32
        %add3A_285 = arith.addi %mul3A_21, %add3A_284 : i32
        %dma_start3A_286 = arith.constant 1 : i32
        %dma_start3A_287 = arith.constant 0 : i32
        %dma_start3A_288 = tpu.memref_slice %arg6[%dma_start3A_286, %dma_start3A_287] : memref<4x625xi32, #tpu.memory_space<vmem>> -> memref<1x625xi32, #tpu.memory_space<vmem>>
        %dma_start3A_289 = tpu.memref_squeeze %dma_start3A_288 : memref<1x625xi32, #tpu.memory_space<vmem>> -> memref<625xi32, #tpu.memory_space<vmem>>
        %dma_start3A_290 = arith.constant 0 : i32
        %dma_start3A_291 = tpu.memref_slice %arg3[%add3A_285, %dma_start3A_290] : memref<5120x625xi32, #tpu.memory_space<hbm>> -> memref<1x625xi32, #tpu.memory_space<hbm>>
        %dma_start3A_292 = tpu.memref_squeeze %dma_start3A_291 : memref<1x625xi32, #tpu.memory_space<hbm>> -> memref<625xi32, #tpu.memory_space<hbm>>
        %dma_start3A_293 = arith.constant 0 : i32
        %dma_start3A_294 = tpu.memref_slice %arg6[%dma_start3A_286, %dma_start3A_293] : memref<4x625xi32, #tpu.memory_space<vmem>> -> memref<1x625xi32, #tpu.memory_space<vmem>>
        %dma_start3A_295 = tpu.memref_squeeze %dma_start3A_294 : memref<1x625xi32, #tpu.memory_space<vmem>> -> memref<625xi32, #tpu.memory_space<vmem>>
        %dma_start3A_296 = arith.constant 0 : i32
        %dma_start3A_297 = tpu.memref_slice %arg3[%add3A_285, %dma_start3A_296] : memref<5120x625xi32, #tpu.memory_space<hbm>> -> memref<1x625xi32, #tpu.memory_space<hbm>>
        %dma_start3A_298 = tpu.memref_squeeze %dma_start3A_297 : memref<1x625xi32, #tpu.memory_space<hbm>> -> memref<625xi32, #tpu.memory_space<hbm>>
        tpu.enqueue_dma source(%dma_start3A_298 : memref<625xi32, #tpu.memory_space<hbm>>) target(%dma_start3A_295 : memref<625xi32, #tpu.memory_space<vmem>>) target_semaphore(%arg10 : memref<!tpu.dma_semaphore, #tpu.memory_space<semaphore_mem>>)
        %add3A_299 = arith.addi %mul3A_21, %add3A_284 : i32
        %dma_start3A_300 = arith.constant 1 : i32
        %dma_start3A_301 = arith.constant 0 : i32
        %dma_start3A_302 = tpu.memref_slice %arg7[%dma_start3A_300, %dma_start3A_301] : memref<4x625xi32, #tpu.memory_space<vmem>> -> memref<1x625xi32, #tpu.memory_space<vmem>>
        %dma_start3A_303 = tpu.memref_squeeze %dma_start3A_302 : memref<1x625xi32, #tpu.memory_space<vmem>> -> memref<625xi32, #tpu.memory_space<vmem>>
        %dma_start3A_304 = arith.constant 0 : i32
        %dma_start3A_305 = tpu.memref_slice %arg4[%add3A_299, %dma_start3A_304] : memref<5120x625xi32, #tpu.memory_space<hbm>> -> memref<1x625xi32, #tpu.memory_space<hbm>>
        %dma_start3A_306 = tpu.memref_squeeze %dma_start3A_305 : memref<1x625xi32, #tpu.memory_space<hbm>> -> memref<625xi32, #tpu.memory_space<hbm>>
        %dma_start3A_307 = arith.constant 0 : i32
        %dma_start3A_308 = tpu.memref_slice %arg7[%dma_start3A_300, %dma_start3A_307] : memref<4x625xi32, #tpu.memory_space<vmem>> -> memref<1x625xi32, #tpu.memory_space<vmem>>
        %dma_start3A_309 = tpu.memref_squeeze %dma_start3A_308 : memref<1x625xi32, #tpu.memory_space<vmem>> -> memref<625xi32, #tpu.memory_space<vmem>>
        %dma_start3A_310 = arith.constant 0 : i32
        %dma_start3A_311 = tpu.memref_slice %arg4[%add3A_299, %dma_start3A_310] : memref<5120x625xi32, #tpu.memory_space<hbm>> -> memref<1x625xi32, #tpu.memory_space<hbm>>
        %dma_start3A_312 = tpu.memref_squeeze %dma_start3A_311 : memref<1x625xi32, #tpu.memory_space<hbm>> -> memref<625xi32, #tpu.memory_space<hbm>>
        tpu.enqueue_dma source(%dma_start3A_312 : memref<625xi32, #tpu.memory_space<hbm>>) target(%dma_start3A_309 : memref<625xi32, #tpu.memory_space<vmem>>) target_semaphore(%arg10 : memref<!tpu.dma_semaphore, #tpu.memory_space<semaphore_mem>>)
      } else {
      }
    }
    %scan3A_125 = arith.constant 40 : i32
    %barrier3A_126 = arith.constant 0 : index
    tpu.barrier barrier_id(%barrier3A_126)
    %add3A_127 = arith.constant 0 : i32
    %add3A_128 = arith.addi %mul3A_7, %add3A_127 : i32
    %dma_start3A_129 = arith.constant 0 : i32
    %dma_start3A_130 = arith.constant 0 : i32
    %dma_start3A_131 = arith.constant 0 : i32
    %dma_start3A_132 = tpu.memref_slice %arg8[%dma_start3A_129, %dma_start3A_130, %dma_start3A_131] : memref<2x625x16xf32, #tpu.memory_space<vmem>> -> memref<1x400x16xf32, #tpu.memory_space<vmem>>
    %dma_start3A_133 = tpu.memref_squeeze %dma_start3A_132 : memref<1x400x16xf32, #tpu.memory_space<vmem>> -> memref<400x16xf32, #tpu.memory_space<vmem>>
    %dma_start3A_134 = arith.constant 0 : i32
    %dma_start3A_135 = tpu.memref_slice %arg9[%add3A_128, %dma_start3A_134] : memref<102400x16xf32, #tpu.memory_space<vmem_shared>> -> memref<400x16xf32, #tpu.memory_space<vmem_shared>>
    %dma_start3A_136 = arith.constant 0 : i32
    %dma_start3A_137 = arith.constant 0 : i32
    %dma_start3A_138 = tpu.memref_slice %arg8[%dma_start3A_129, %dma_start3A_136, %dma_start3A_137] : memref<2x625x16xf32, #tpu.memory_space<vmem>> -> memref<1x400x16xf32, #tpu.memory_space<vmem>>
    %dma_start3A_139 = tpu.memref_squeeze %dma_start3A_138 : memref<1x400x16xf32, #tpu.memory_space<vmem>> -> memref<400x16xf32, #tpu.memory_space<vmem>>
    %dma_start3A_140 = arith.constant 0 : i32
    %dma_start3A_141 = tpu.memref_slice %arg9[%add3A_128, %dma_start3A_140] : memref<102400x16xf32, #tpu.memory_space<vmem_shared>> -> memref<400x16xf32, #tpu.memory_space<vmem_shared>>
    tpu.enqueue_dma source(%dma_start3A_141 : memref<400x16xf32, #tpu.memory_space<vmem_shared>>) target(%dma_start3A_139 : memref<400x16xf32, #tpu.memory_space<vmem>>) target_semaphore(%arg13 : memref<!tpu.dma_semaphore, #tpu.memory_space<semaphore_mem>>)
    %scan3A_142 = arith.constant 0 : i32
    %scan3A_143 = arith.constant 0 : i32
    %scan3A_144 = arith.constant 8 : i32
    %scan3A_145 = arith.addi %scan3A_143, %scan3A_144 : i32
    %scan3A_146 = arith.constant 1 : i32
    scf.for %scan3A_165 = %scan3A_143 to %scan3A_145 step %scan3A_146  : i32 {
      %mul3A_166 = arith.constant 2 : i32
      %mul3A_167 = arith.muli %scan3A_165, %mul3A_166 : i32
      %add3A_168 = arith.constant 0 : i32
      %add3A_169 = arith.addi %mul3A_167, %add3A_168 : i32
      %mul3A_170 = arith.constant 400 : i32
      %mul3A_171 = arith.muli %add3A_169, %mul3A_170 : i32
      %add3A_172 = arith.addi %mul3A_7, %mul3A_171 : i32
      %dma_wait3A_173 = arith.constant 0 : i32
      %dma_wait3A_174 = arith.constant 0 : i32
      %dma_wait3A_175 = arith.constant 0 : i32
      %dma_wait3A_176 = tpu.memref_slice %arg8[%dma_wait3A_173, %dma_wait3A_174, %dma_wait3A_175] : memref<2x625x16xf32, #tpu.memory_space<vmem>> -> memref<1x400x16xf32, #tpu.memory_space<vmem>>
      %dma_wait3A_177 = tpu.memref_squeeze %dma_wait3A_176 : memref<1x400x16xf32, #tpu.memory_space<vmem>> -> memref<400x16xf32, #tpu.memory_space<vmem>>
      %dma_wait3A_178 = arith.constant 0 : i32
      %dma_wait3A_179 = tpu.memref_slice %arg9[%add3A_172, %dma_wait3A_178] : memref<102400x16xf32, #tpu.memory_space<vmem_shared>> -> memref<400x16xf32, #tpu.memory_space<vmem_shared>>
      %dma_wait3A_180 = arith.constant 0 : i32
      %dma_wait3A_181 = arith.constant 0 : i32
      %dma_wait3A_182 = tpu.memref_slice %arg8[%dma_wait3A_173, %dma_wait3A_180, %dma_wait3A_181] : memref<2x625x16xf32, #tpu.memory_space<vmem>> -> memref<1x400x16xf32, #tpu.memory_space<vmem>>
      %dma_wait3A_183 = tpu.memref_squeeze %dma_wait3A_182 : memref<1x400x16xf32, #tpu.memory_space<vmem>> -> memref<400x16xf32, #tpu.memory_space<vmem>>
      %dma_wait3A_184 = arith.constant 0 : i32
      %dma_wait3A_185 = tpu.memref_slice %arg9[%add3A_172, %dma_wait3A_184] : memref<102400x16xf32, #tpu.memory_space<vmem_shared>> -> memref<400x16xf32, #tpu.memory_space<vmem_shared>>
      tpu.wait_dma2 semaphore(%arg13 : memref<!tpu.dma_semaphore, #tpu.memory_space<semaphore_mem>>) src(%dma_wait3A_185 : memref<400x16xf32, #tpu.memory_space<vmem_shared>>) dst(%dma_wait3A_183 : memref<400x16xf32, #tpu.memory_space<vmem>>)
      %mul3A_186 = arith.constant 400 : i32
      %mul3A_187 = arith.muli %add3A_169, %mul3A_186 : i32
      %add3A_188 = arith.addi %mul3A_7, %mul3A_187 : i32
      %dma_start3A_189 = arith.constant 0 : i32
      %dma_start3A_190 = arith.constant 0 : i32
      %dma_start3A_191 = arith.constant 0 : i32
      %dma_start3A_192 = tpu.memref_slice %arg8[%dma_start3A_189, %dma_start3A_190, %dma_start3A_191] : memref<2x625x16xf32, #tpu.memory_space<vmem>> -> memref<1x400x16xf32, #tpu.memory_space<vmem>>
      %dma_start3A_193 = tpu.memref_squeeze %dma_start3A_192 : memref<1x400x16xf32, #tpu.memory_space<vmem>> -> memref<400x16xf32, #tpu.memory_space<vmem>>
      %dma_start3A_194 = arith.constant 0 : i32
      %dma_start3A_195 = tpu.memref_slice %arg5[%arg0, %add3A_188, %dma_start3A_194] : memref<2x102400x16xf32, #tpu.memory_space<hbm>> -> memref<1x400x16xf32, #tpu.memory_space<hbm>>
      %dma_start3A_196 = tpu.memref_squeeze %dma_start3A_195 : memref<1x400x16xf32, #tpu.memory_space<hbm>> -> memref<400x16xf32, #tpu.memory_space<hbm>>
      %dma_start3A_197 = arith.constant 0 : i32
      %dma_start3A_198 = tpu.memref_slice %arg5[%arg0, %add3A_188, %dma_start3A_197] : memref<2x102400x16xf32, #tpu.memory_space<hbm>> -> memref<1x400x16xf32, #tpu.memory_space<hbm>>
      %dma_start3A_199 = tpu.memref_squeeze %dma_start3A_198 : memref<1x400x16xf32, #tpu.memory_space<hbm>> -> memref<400x16xf32, #tpu.memory_space<hbm>>
      %dma_start3A_200 = arith.constant 0 : i32
      %dma_start3A_201 = arith.constant 0 : i32
      %dma_start3A_202 = tpu.memref_slice %arg8[%dma_start3A_189, %dma_start3A_200, %dma_start3A_201] : memref<2x625x16xf32, #tpu.memory_space<vmem>> -> memref<1x400x16xf32, #tpu.memory_space<vmem>>
      %dma_start3A_203 = tpu.memref_squeeze %dma_start3A_202 : memref<1x400x16xf32, #tpu.memory_space<vmem>> -> memref<400x16xf32, #tpu.memory_space<vmem>>
      tpu.enqueue_dma source(%dma_start3A_203 : memref<400x16xf32, #tpu.memory_space<vmem>>) target(%dma_start3A_199 : memref<400x16xf32, #tpu.memory_space<hbm>>) target_semaphore(%arg11 : memref<!tpu.dma_semaphore, #tpu.memory_space<semaphore_mem>>)
      %ge3A = arith.constant 1 : i32
      %ge3A_204 = arith.cmpi sge, %add3A_169, %ge3A : i32
      %convert_element_type3A = arith.extui %ge3A_204 : i1 to i32
      %cond3A = arith.constant 0 : i32
      %cond3A_205 = arith.cmpi ne, %convert_element_type3A, %cond3A : i32
      scf.if %cond3A_205 {
        %sub3A = arith.constant 1 : i32
        %sub3A_262 = arith.subi %add3A_169, %sub3A : i32
        %mul3A_263 = arith.constant 400 : i32
        %mul3A_264 = arith.muli %sub3A_262, %mul3A_263 : i32
        %add3A_265 = arith.addi %mul3A_7, %mul3A_264 : i32
        %dma_wait3A_266 = arith.constant 1 : i32
        %dma_wait3A_267 = arith.constant 0 : i32
        %dma_wait3A_268 = arith.constant 0 : i32
        %dma_wait3A_269 = tpu.memref_slice %arg8[%dma_wait3A_266, %dma_wait3A_267, %dma_wait3A_268] : memref<2x625x16xf32, #tpu.memory_space<vmem>> -> memref<1x400x16xf32, #tpu.memory_space<vmem>>
        %dma_wait3A_270 = tpu.memref_squeeze %dma_wait3A_269 : memref<1x400x16xf32, #tpu.memory_space<vmem>> -> memref<400x16xf32, #tpu.memory_space<vmem>>
        %dma_wait3A_271 = arith.constant 0 : i32
        %dma_wait3A_272 = tpu.memref_slice %arg5[%arg0, %add3A_265, %dma_wait3A_271] : memref<2x102400x16xf32, #tpu.memory_space<hbm>> -> memref<1x400x16xf32, #tpu.memory_space<hbm>>
        %dma_wait3A_273 = tpu.memref_squeeze %dma_wait3A_272 : memref<1x400x16xf32, #tpu.memory_space<hbm>> -> memref<400x16xf32, #tpu.memory_space<hbm>>
        %dma_wait3A_274 = arith.constant 0 : i32
        %dma_wait3A_275 = tpu.memref_slice %arg5[%arg0, %add3A_265, %dma_wait3A_274] : memref<2x102400x16xf32, #tpu.memory_space<hbm>> -> memref<1x400x16xf32, #tpu.memory_space<hbm>>
        %dma_wait3A_276 = tpu.memref_squeeze %dma_wait3A_275 : memref<1x400x16xf32, #tpu.memory_space<hbm>> -> memref<400x16xf32, #tpu.memory_space<hbm>>
        %dma_wait3A_277 = arith.constant 0 : i32
        %dma_wait3A_278 = arith.constant 0 : i32
        %dma_wait3A_279 = tpu.memref_slice %arg8[%dma_wait3A_266, %dma_wait3A_277, %dma_wait3A_278] : memref<2x625x16xf32, #tpu.memory_space<vmem>> -> memref<1x400x16xf32, #tpu.memory_space<vmem>>
        %dma_wait3A_280 = tpu.memref_squeeze %dma_wait3A_279 : memref<1x400x16xf32, #tpu.memory_space<vmem>> -> memref<400x16xf32, #tpu.memory_space<vmem>>
        tpu.wait_dma2 semaphore(%arg11 : memref<!tpu.dma_semaphore, #tpu.memory_space<semaphore_mem>>) src(%dma_wait3A_280 : memref<400x16xf32, #tpu.memory_space<vmem>>) dst(%dma_wait3A_276 : memref<400x16xf32, #tpu.memory_space<hbm>>)
      } else {
      }
      %add3A_206 = arith.constant 1 : i32
      %add3A_207 = arith.addi %add3A_169, %add3A_206 : i32
      %lt3A = arith.constant 16 : i32
      %lt3A_208 = arith.cmpi slt, %add3A_207, %lt3A : i32
      %convert_element_type3A_209 = arith.extui %lt3A_208 : i1 to i32
      %cond3A_210 = arith.constant 0 : i32
      %cond3A_211 = arith.cmpi ne, %convert_element_type3A_209, %cond3A_210 : i32
      scf.if %cond3A_211 {
        %add3A_262 = arith.constant 1 : i32
        %add3A_263 = arith.addi %add3A_169, %add3A_262 : i32
        %mul3A_264 = arith.constant 400 : i32
        %mul3A_265 = arith.muli %add3A_263, %mul3A_264 : i32
        %add3A_266 = arith.addi %mul3A_7, %mul3A_265 : i32
        %dma_start3A_267 = arith.constant 1 : i32
        %dma_start3A_268 = arith.constant 0 : i32
        %dma_start3A_269 = arith.constant 0 : i32
        %dma_start3A_270 = tpu.memref_slice %arg8[%dma_start3A_267, %dma_start3A_268, %dma_start3A_269] : memref<2x625x16xf32, #tpu.memory_space<vmem>> -> memref<1x400x16xf32, #tpu.memory_space<vmem>>
        %dma_start3A_271 = tpu.memref_squeeze %dma_start3A_270 : memref<1x400x16xf32, #tpu.memory_space<vmem>> -> memref<400x16xf32, #tpu.memory_space<vmem>>
        %dma_start3A_272 = arith.constant 0 : i32
        %dma_start3A_273 = tpu.memref_slice %arg9[%add3A_266, %dma_start3A_272] : memref<102400x16xf32, #tpu.memory_space<vmem_shared>> -> memref<400x16xf32, #tpu.memory_space<vmem_shared>>
        %dma_start3A_274 = arith.constant 0 : i32
        %dma_start3A_275 = arith.constant 0 : i32
        %dma_start3A_276 = tpu.memref_slice %arg8[%dma_start3A_267, %dma_start3A_274, %dma_start3A_275] : memref<2x625x16xf32, #tpu.memory_space<vmem>> -> memref<1x400x16xf32, #tpu.memory_space<vmem>>
        %dma_start3A_277 = tpu.memref_squeeze %dma_start3A_276 : memref<1x400x16xf32, #tpu.memory_space<vmem>> -> memref<400x16xf32, #tpu.memory_space<vmem>>
        %dma_start3A_278 = arith.constant 0 : i32
        %dma_start3A_279 = tpu.memref_slice %arg9[%add3A_266, %dma_start3A_278] : memref<102400x16xf32, #tpu.memory_space<vmem_shared>> -> memref<400x16xf32, #tpu.memory_space<vmem_shared>>
        tpu.enqueue_dma source(%dma_start3A_279 : memref<400x16xf32, #tpu.memory_space<vmem_shared>>) target(%dma_start3A_277 : memref<400x16xf32, #tpu.memory_space<vmem>>) target_semaphore(%arg13 : memref<!tpu.dma_semaphore, #tpu.memory_space<semaphore_mem>>)
      } else {
      }
      %mul3A_212 = arith.constant 2 : i32
      %mul3A_213 = arith.muli %scan3A_165, %mul3A_212 : i32
      %add3A_214 = arith.constant 1 : i32
      %add3A_215 = arith.addi %mul3A_213, %add3A_214 : i32
      %mul3A_216 = arith.constant 400 : i32
      %mul3A_217 = arith.muli %add3A_215, %mul3A_216 : i32
      %add3A_218 = arith.addi %mul3A_7, %mul3A_217 : i32
      %dma_wait3A_219 = arith.constant 1 : i32
      %dma_wait3A_220 = arith.constant 0 : i32
      %dma_wait3A_221 = arith.constant 0 : i32
      %dma_wait3A_222 = tpu.memref_slice %arg8[%dma_wait3A_219, %dma_wait3A_220, %dma_wait3A_221] : memref<2x625x16xf32, #tpu.memory_space<vmem>> -> memref<1x400x16xf32, #tpu.memory_space<vmem>>
      %dma_wait3A_223 = tpu.memref_squeeze %dma_wait3A_222 : memref<1x400x16xf32, #tpu.memory_space<vmem>> -> memref<400x16xf32, #tpu.memory_space<vmem>>
      %dma_wait3A_224 = arith.constant 0 : i32
      %dma_wait3A_225 = tpu.memref_slice %arg9[%add3A_218, %dma_wait3A_224] : memref<102400x16xf32, #tpu.memory_space<vmem_shared>> -> memref<400x16xf32, #tpu.memory_space<vmem_shared>>
      %dma_wait3A_226 = arith.constant 0 : i32
      %dma_wait3A_227 = arith.constant 0 : i32
      %dma_wait3A_228 = tpu.memref_slice %arg8[%dma_wait3A_219, %dma_wait3A_226, %dma_wait3A_227] : memref<2x625x16xf32, #tpu.memory_space<vmem>> -> memref<1x400x16xf32, #tpu.memory_space<vmem>>
      %dma_wait3A_229 = tpu.memref_squeeze %dma_wait3A_228 : memref<1x400x16xf32, #tpu.memory_space<vmem>> -> memref<400x16xf32, #tpu.memory_space<vmem>>
      %dma_wait3A_230 = arith.constant 0 : i32
      %dma_wait3A_231 = tpu.memref_slice %arg9[%add3A_218, %dma_wait3A_230] : memref<102400x16xf32, #tpu.memory_space<vmem_shared>> -> memref<400x16xf32, #tpu.memory_space<vmem_shared>>
      tpu.wait_dma2 semaphore(%arg13 : memref<!tpu.dma_semaphore, #tpu.memory_space<semaphore_mem>>) src(%dma_wait3A_231 : memref<400x16xf32, #tpu.memory_space<vmem_shared>>) dst(%dma_wait3A_229 : memref<400x16xf32, #tpu.memory_space<vmem>>)
      %mul3A_232 = arith.constant 400 : i32
      %mul3A_233 = arith.muli %add3A_215, %mul3A_232 : i32
      %add3A_234 = arith.addi %mul3A_7, %mul3A_233 : i32
      %dma_start3A_235 = arith.constant 1 : i32
      %dma_start3A_236 = arith.constant 0 : i32
      %dma_start3A_237 = arith.constant 0 : i32
      %dma_start3A_238 = tpu.memref_slice %arg8[%dma_start3A_235, %dma_start3A_236, %dma_start3A_237] : memref<2x625x16xf32, #tpu.memory_space<vmem>> -> memref<1x400x16xf32, #tpu.memory_space<vmem>>
      %dma_start3A_239 = tpu.memref_squeeze %dma_start3A_238 : memref<1x400x16xf32, #tpu.memory_space<vmem>> -> memref<400x16xf32, #tpu.memory_space<vmem>>
      %dma_start3A_240 = arith.constant 0 : i32
      %dma_start3A_241 = tpu.memref_slice %arg5[%arg0, %add3A_234, %dma_start3A_240] : memref<2x102400x16xf32, #tpu.memory_space<hbm>> -> memref<1x400x16xf32, #tpu.memory_space<hbm>>
      %dma_start3A_242 = tpu.memref_squeeze %dma_start3A_241 : memref<1x400x16xf32, #tpu.memory_space<hbm>> -> memref<400x16xf32, #tpu.memory_space<hbm>>
      %dma_start3A_243 = arith.constant 0 : i32
      %dma_start3A_244 = tpu.memref_slice %arg5[%arg0, %add3A_234, %dma_start3A_243] : memref<2x102400x16xf32, #tpu.memory_space<hbm>> -> memref<1x400x16xf32, #tpu.memory_space<hbm>>
      %dma_start3A_245 = tpu.memref_squeeze %dma_start3A_244 : memref<1x400x16xf32, #tpu.memory_space<hbm>> -> memref<400x16xf32, #tpu.memory_space<hbm>>
      %dma_start3A_246 = arith.constant 0 : i32
      %dma_start3A_247 = arith.constant 0 : i32
      %dma_start3A_248 = tpu.memref_slice %arg8[%dma_start3A_235, %dma_start3A_246, %dma_start3A_247] : memref<2x625x16xf32, #tpu.memory_space<vmem>> -> memref<1x400x16xf32, #tpu.memory_space<vmem>>
      %dma_start3A_249 = tpu.memref_squeeze %dma_start3A_248 : memref<1x400x16xf32, #tpu.memory_space<vmem>> -> memref<400x16xf32, #tpu.memory_space<vmem>>
      tpu.enqueue_dma source(%dma_start3A_249 : memref<400x16xf32, #tpu.memory_space<vmem>>) target(%dma_start3A_245 : memref<400x16xf32, #tpu.memory_space<hbm>>) target_semaphore(%arg11 : memref<!tpu.dma_semaphore, #tpu.memory_space<semaphore_mem>>)
      %ge3A_250 = arith.constant 1 : i32
      %ge3A_251 = arith.cmpi sge, %add3A_215, %ge3A_250 : i32
      %convert_element_type3A_252 = arith.extui %ge3A_251 : i1 to i32
      %cond3A_253 = arith.constant 0 : i32
      %cond3A_254 = arith.cmpi ne, %convert_element_type3A_252, %cond3A_253 : i32
      scf.if %cond3A_254 {
        %sub3A = arith.constant 1 : i32
        %sub3A_262 = arith.subi %add3A_215, %sub3A : i32
        %mul3A_263 = arith.constant 400 : i32
        %mul3A_264 = arith.muli %sub3A_262, %mul3A_263 : i32
        %add3A_265 = arith.addi %mul3A_7, %mul3A_264 : i32
        %dma_wait3A_266 = arith.constant 0 : i32
        %dma_wait3A_267 = arith.constant 0 : i32
        %dma_wait3A_268 = arith.constant 0 : i32
        %dma_wait3A_269 = tpu.memref_slice %arg8[%dma_wait3A_266, %dma_wait3A_267, %dma_wait3A_268] : memref<2x625x16xf32, #tpu.memory_space<vmem>> -> memref<1x400x16xf32, #tpu.memory_space<vmem>>
        %dma_wait3A_270 = tpu.memref_squeeze %dma_wait3A_269 : memref<1x400x16xf32, #tpu.memory_space<vmem>> -> memref<400x16xf32, #tpu.memory_space<vmem>>
        %dma_wait3A_271 = arith.constant 0 : i32
        %dma_wait3A_272 = tpu.memref_slice %arg5[%arg0, %add3A_265, %dma_wait3A_271] : memref<2x102400x16xf32, #tpu.memory_space<hbm>> -> memref<1x400x16xf32, #tpu.memory_space<hbm>>
        %dma_wait3A_273 = tpu.memref_squeeze %dma_wait3A_272 : memref<1x400x16xf32, #tpu.memory_space<hbm>> -> memref<400x16xf32, #tpu.memory_space<hbm>>
        %dma_wait3A_274 = arith.constant 0 : i32
        %dma_wait3A_275 = tpu.memref_slice %arg5[%arg0, %add3A_265, %dma_wait3A_274] : memref<2x102400x16xf32, #tpu.memory_space<hbm>> -> memref<1x400x16xf32, #tpu.memory_space<hbm>>
        %dma_wait3A_276 = tpu.memref_squeeze %dma_wait3A_275 : memref<1x400x16xf32, #tpu.memory_space<hbm>> -> memref<400x16xf32, #tpu.memory_space<hbm>>
        %dma_wait3A_277 = arith.constant 0 : i32
        %dma_wait3A_278 = arith.constant 0 : i32
        %dma_wait3A_279 = tpu.memref_slice %arg8[%dma_wait3A_266, %dma_wait3A_277, %dma_wait3A_278] : memref<2x625x16xf32, #tpu.memory_space<vmem>> -> memref<1x400x16xf32, #tpu.memory_space<vmem>>
        %dma_wait3A_280 = tpu.memref_squeeze %dma_wait3A_279 : memref<1x400x16xf32, #tpu.memory_space<vmem>> -> memref<400x16xf32, #tpu.memory_space<vmem>>
        tpu.wait_dma2 semaphore(%arg11 : memref<!tpu.dma_semaphore, #tpu.memory_space<semaphore_mem>>) src(%dma_wait3A_280 : memref<400x16xf32, #tpu.memory_space<vmem>>) dst(%dma_wait3A_276 : memref<400x16xf32, #tpu.memory_space<hbm>>)
      } else {
      }
      %add3A_255 = arith.constant 1 : i32
      %add3A_256 = arith.addi %add3A_215, %add3A_255 : i32
      %lt3A_257 = arith.constant 16 : i32
      %lt3A_258 = arith.cmpi slt, %add3A_256, %lt3A_257 : i32
      %convert_element_type3A_259 = arith.extui %lt3A_258 : i1 to i32
      %cond3A_260 = arith.constant 0 : i32
      %cond3A_261 = arith.cmpi ne, %convert_element_type3A_259, %cond3A_260 : i32
      scf.if %cond3A_261 {
        %add3A_262 = arith.constant 1 : i32
        %add3A_263 = arith.addi %add3A_215, %add3A_262 : i32
        %mul3A_264 = arith.constant 400 : i32
        %mul3A_265 = arith.muli %add3A_263, %mul3A_264 : i32
        %add3A_266 = arith.addi %mul3A_7, %mul3A_265 : i32
        %dma_start3A_267 = arith.constant 0 : i32
        %dma_start3A_268 = arith.constant 0 : i32
        %dma_start3A_269 = arith.constant 0 : i32
        %dma_start3A_270 = tpu.memref_slice %arg8[%dma_start3A_267, %dma_start3A_268, %dma_start3A_269] : memref<2x625x16xf32, #tpu.memory_space<vmem>> -> memref<1x400x16xf32, #tpu.memory_space<vmem>>
        %dma_start3A_271 = tpu.memref_squeeze %dma_start3A_270 : memref<1x400x16xf32, #tpu.memory_space<vmem>> -> memref<400x16xf32, #tpu.memory_space<vmem>>
        %dma_start3A_272 = arith.constant 0 : i32
        %dma_start3A_273 = tpu.memref_slice %arg9[%add3A_266, %dma_start3A_272] : memref<102400x16xf32, #tpu.memory_space<vmem_shared>> -> memref<400x16xf32, #tpu.memory_space<vmem_shared>>
        %dma_start3A_274 = arith.constant 0 : i32
        %dma_start3A_275 = arith.constant 0 : i32
        %dma_start3A_276 = tpu.memref_slice %arg8[%dma_start3A_267, %dma_start3A_274, %dma_start3A_275] : memref<2x625x16xf32, #tpu.memory_space<vmem>> -> memref<1x400x16xf32, #tpu.memory_space<vmem>>
        %dma_start3A_277 = tpu.memref_squeeze %dma_start3A_276 : memref<1x400x16xf32, #tpu.memory_space<vmem>> -> memref<400x16xf32, #tpu.memory_space<vmem>>
        %dma_start3A_278 = arith.constant 0 : i32
        %dma_start3A_279 = tpu.memref_slice %arg9[%add3A_266, %dma_start3A_278] : memref<102400x16xf32, #tpu.memory_space<vmem_shared>> -> memref<400x16xf32, #tpu.memory_space<vmem_shared>>
        tpu.enqueue_dma source(%dma_start3A_279 : memref<400x16xf32, #tpu.memory_space<vmem_shared>>) target(%dma_start3A_277 : memref<400x16xf32, #tpu.memory_space<vmem>>) target_semaphore(%arg13 : memref<!tpu.dma_semaphore, #tpu.memory_space<semaphore_mem>>)
      } else {
      }
    }
    %scan3A_147 = arith.constant 8 : i32
    %add3A_148 = arith.constant 6000 : i32
    %add3A_149 = arith.addi %mul3A_7, %add3A_148 : i32
    %dma_wait3A_150 = arith.constant 1 : i32
    %dma_wait3A_151 = arith.constant 0 : i32
    %dma_wait3A_152 = arith.constant 0 : i32
    %dma_wait3A_153 = tpu.memref_slice %arg8[%dma_wait3A_150, %dma_wait3A_151, %dma_wait3A_152] : memref<2x625x16xf32, #tpu.memory_space<vmem>> -> memref<1x400x16xf32, #tpu.memory_space<vmem>>
    %dma_wait3A_154 = tpu.memref_squeeze %dma_wait3A_153 : memref<1x400x16xf32, #tpu.memory_space<vmem>> -> memref<400x16xf32, #tpu.memory_space<vmem>>
    %dma_wait3A_155 = arith.constant 0 : i32
    %dma_wait3A_156 = tpu.memref_slice %arg5[%arg0, %add3A_149, %dma_wait3A_155] : memref<2x102400x16xf32, #tpu.memory_space<hbm>> -> memref<1x400x16xf32, #tpu.memory_space<hbm>>
    %dma_wait3A_157 = tpu.memref_squeeze %dma_wait3A_156 : memref<1x400x16xf32, #tpu.memory_space<hbm>> -> memref<400x16xf32, #tpu.memory_space<hbm>>
    %dma_wait3A_158 = arith.constant 0 : i32
    %dma_wait3A_159 = tpu.memref_slice %arg5[%arg0, %add3A_149, %dma_wait3A_158] : memref<2x102400x16xf32, #tpu.memory_space<hbm>> -> memref<1x400x16xf32, #tpu.memory_space<hbm>>
    %dma_wait3A_160 = tpu.memref_squeeze %dma_wait3A_159 : memref<1x400x16xf32, #tpu.memory_space<hbm>> -> memref<400x16xf32, #tpu.memory_space<hbm>>
    %dma_wait3A_161 = arith.constant 0 : i32
    %dma_wait3A_162 = arith.constant 0 : i32
    %dma_wait3A_163 = tpu.memref_slice %arg8[%dma_wait3A_150, %dma_wait3A_161, %dma_wait3A_162] : memref<2x625x16xf32, #tpu.memory_space<vmem>> -> memref<1x400x16xf32, #tpu.memory_space<vmem>>
    %dma_wait3A_164 = tpu.memref_squeeze %dma_wait3A_163 : memref<1x400x16xf32, #tpu.memory_space<vmem>> -> memref<400x16xf32, #tpu.memory_space<vmem>>
    tpu.wait_dma2 semaphore(%arg11 : memref<!tpu.dma_semaphore, #tpu.memory_space<semaphore_mem>>) src(%dma_wait3A_164 : memref<400x16xf32, #tpu.memory_space<vmem>>) dst(%dma_wait3A_160 : memref<400x16xf32, #tpu.memory_space<hbm>>)
    return
  }
}

#map = affine_map<(d0, d1) -> (0, 0)>
#map1 = affine_map<(d0, d1) -> (0, 0, 0)>
module attributes {stable_mosaic.version = 14 : i64} {
  func.func @_sc_aggr_body(%arg0: i32, %arg1: i32, %arg2: memref<307200x16xf32, #tpu.memory_space<hbm>>, %arg3: memref<5120x625xi32, #tpu.memory_space<hbm>>, %arg4: memref<5120x625xi32, #tpu.memory_space<hbm>>, %arg5: memref<2x102400x16xf32, #tpu.memory_space<hbm>>, %arg6: memref<4x625xi32, #tpu.memory_space<vmem>>, %arg7: memref<4x625xi32, #tpu.memory_space<vmem>>, %arg8: memref<2x625x16xf32, #tpu.memory_space<vmem>>, %arg9: memref<102400x16xf32, #tpu.memory_space<vmem_shared>>, %arg10: memref<!tpu.dma_semaphore, #tpu.memory_space<semaphore_mem>>, %arg11: memref<!tpu.dma_semaphore, #tpu.memory_space<semaphore_mem>>, %arg12: memref<!tpu.dma_semaphore, #tpu.memory_space<semaphore_mem>>, %arg13: memref<!tpu.dma_semaphore, #tpu.memory_space<semaphore_mem>>) attributes {dimension_semantics = [#tpu.dimension_semantics<core_parallel>, #tpu.dimension_semantics<subcore_parallel>], iteration_bounds = array<i64: 2, 16>, scalar_prefetch = 0 : i64, scratch_operands = 8 : i64, tpu.core_type = #tpu.core_type<sc_vector_subcore>, window_params = [{transform_indices = #map}, {transform_indices = #map}, {transform_indices = #map}, {transform_indices = #map1}]} {
    %mul3A = arith.constant 2 : i32
    %mul3A_0 = arith.muli %arg1, %mul3A : i32
    %add3A = arith.addi %mul3A_0, %arg0 : i32
    %scan3A = arith.constant 0 : i32
    %scan3A_1 = arith.constant 0 : i32
    %scan3A_2 = arith.constant 400 : i32
    %scan3A_3 = arith.addi %scan3A_1, %scan3A_2 : i32
    %scan3A_4 = arith.constant 1 : i32
    scf.for %scan3A_165 = %scan3A_1 to %scan3A_3 step %scan3A_4  : i32 {
      %broadcast_in_dim3A = arith.constant 0.000000e+00 : f32
      %broadcast_in_dim3A_166 = vector.broadcast %broadcast_in_dim3A : f32 to vector<16xf32>
      %swap3A = arith.constant 0 : i32
      %swap3A_167 = arith.index_cast %swap3A : i32 to index
      %swap3A_168 = arith.index_cast %scan3A_165 : i32 to index
      %swap3A_169 = arith.constant 0 : index
      %swap3A_170 = tpu.vector_load %arg8[%swap3A_167, %swap3A_168, %swap3A_169] {strides = array<i32>} : memref<2x625x16xf32, #tpu.memory_space<vmem>>, vector<1x1x16xf32>,
      %swap3A_171 = vector.shape_cast %swap3A_170 : vector<1x1x16xf32> to vector<16xf32>
      %swap3A_172 = vector.shape_cast %broadcast_in_dim3A_166 : vector<16xf32> to vector<1x1x16xf32>
      tpu.vector_store %arg8[%swap3A_167, %swap3A_168, %swap3A_169], %swap3A_172 {strides = array<i32>} : memref<2x625x16xf32, #tpu.memory_space<vmem>>, vector<1x1x16xf32>,
    }
    %scan3A_5 = arith.constant 400 : i32
    %mul3A_6 = arith.constant 6400 : i32
    %mul3A_7 = arith.muli %arg1, %mul3A_6 : i32
    %scan3A_8 = arith.constant 0 : i32
    %scan3A_9 = arith.constant 0 : i32
    %scan3A_10 = arith.constant 16 : i32
    %scan3A_11 = arith.addi %scan3A_9, %scan3A_10 : i32
    %scan3A_12 = arith.constant 1 : i32
    scf.for %scan3A_165 = %scan3A_9 to %scan3A_11 step %scan3A_12  : i32 {
      %mul3A_166 = arith.constant 400 : i32
      %mul3A_167 = arith.muli %scan3A_165, %mul3A_166 : i32
      %add3A_168 = arith.addi %mul3A_7, %mul3A_167 : i32
      %dma_start3A_169 = arith.constant 0 : i32
      %dma_start3A_170 = arith.constant 0 : i32
      %dma_start3A_171 = arith.constant 0 : i32
      %dma_start3A_172 = tpu.memref_slice %arg8[%dma_start3A_169, %dma_start3A_170, %dma_start3A_171] : memref<2x625x16xf32, #tpu.memory_space<vmem>> -> memref<1x400x16xf32, #tpu.memory_space<vmem>>
      %dma_start3A_173 = tpu.memref_squeeze %dma_start3A_172 : memref<1x400x16xf32, #tpu.memory_space<vmem>> -> memref<400x16xf32, #tpu.memory_space<vmem>>
      %dma_start3A_174 = arith.constant 0 : i32
      %dma_start3A_175 = tpu.memref_slice %arg9[%add3A_168, %dma_start3A_174] : memref<102400x16xf32, #tpu.memory_space<vmem_shared>> -> memref<400x16xf32, #tpu.memory_space<vmem_shared>>
      %dma_start3A_176 = arith.constant 0 : i32
      %dma_start3A_177 = tpu.memref_slice %arg9[%add3A_168, %dma_start3A_176] : memref<102400x16xf32, #tpu.memory_space<vmem_shared>> -> memref<400x16xf32, #tpu.memory_space<vmem_shared>>
      %dma_start3A_178 = arith.constant 0 : i32
      %dma_start3A_179 = arith.constant 0 : i32
      %dma_start3A_180 = tpu.memref_slice %arg8[%dma_start3A_169, %dma_start3A_178, %dma_start3A_179] : memref<2x625x16xf32, #tpu.memory_space<vmem>> -> memref<1x400x16xf32, #tpu.memory_space<vmem>>
      %dma_start3A_181 = tpu.memref_squeeze %dma_start3A_180 : memref<1x400x16xf32, #tpu.memory_space<vmem>> -> memref<400x16xf32, #tpu.memory_space<vmem>>
      tpu.enqueue_dma source(%dma_start3A_181 : memref<400x16xf32, #tpu.memory_space<vmem>>) target(%dma_start3A_177 : memref<400x16xf32, #tpu.memory_space<vmem_shared>>) target_semaphore(%arg13 : memref<!tpu.dma_semaphore, #tpu.memory_space<semaphore_mem>>)
    }
    %scan3A_13 = arith.constant 16 : i32
    %scan3A_14 = arith.constant 0 : i32
    %scan3A_15 = arith.constant 0 : i32
    %scan3A_16 = arith.constant 16 : i32
    %scan3A_17 = arith.addi %scan3A_15, %scan3A_16 : i32
    %scan3A_18 = arith.constant 1 : i32
    scf.for %scan3A_165 = %scan3A_15 to %scan3A_17 step %scan3A_18  : i32 {
      %mul3A_166 = arith.constant 400 : i32
      %mul3A_167 = arith.muli %scan3A_165, %mul3A_166 : i32
      %add3A_168 = arith.addi %mul3A_7, %mul3A_167 : i32
      %dma_wait3A_169 = arith.constant 0 : i32
      %dma_wait3A_170 = arith.constant 0 : i32
      %dma_wait3A_171 = arith.constant 0 : i32
      %dma_wait3A_172 = tpu.memref_slice %arg8[%dma_wait3A_169, %dma_wait3A_170, %dma_wait3A_171] : memref<2x625x16xf32, #tpu.memory_space<vmem>> -> memref<1x400x16xf32, #tpu.memory_space<vmem>>
      %dma_wait3A_173 = tpu.memref_squeeze %dma_wait3A_172 : memref<1x400x16xf32, #tpu.memory_space<vmem>> -> memref<400x16xf32, #tpu.memory_space<vmem>>
      %dma_wait3A_174 = arith.constant 0 : i32
      %dma_wait3A_175 = tpu.memref_slice %arg9[%add3A_168, %dma_wait3A_174] : memref<102400x16xf32, #tpu.memory_space<vmem_shared>> -> memref<400x16xf32, #tpu.memory_space<vmem_shared>>
      %dma_wait3A_176 = arith.constant 0 : i32
      %dma_wait3A_177 = tpu.memref_slice %arg9[%add3A_168, %dma_wait3A_176] : memref<102400x16xf32, #tpu.memory_space<vmem_shared>> -> memref<400x16xf32, #tpu.memory_space<vmem_shared>>
      %dma_wait3A_178 = arith.constant 0 : i32
      %dma_wait3A_179 = arith.constant 0 : i32
      %dma_wait3A_180 = tpu.memref_slice %arg8[%dma_wait3A_169, %dma_wait3A_178, %dma_wait3A_179] : memref<2x625x16xf32, #tpu.memory_space<vmem>> -> memref<1x400x16xf32, #tpu.memory_space<vmem>>
      %dma_wait3A_181 = tpu.memref_squeeze %dma_wait3A_180 : memref<1x400x16xf32, #tpu.memory_space<vmem>> -> memref<400x16xf32, #tpu.memory_space<vmem>>
      tpu.wait_dma2 semaphore(%arg13 : memref<!tpu.dma_semaphore, #tpu.memory_space<semaphore_mem>>) src(%dma_wait3A_181 : memref<400x16xf32, #tpu.memory_space<vmem>>) dst(%dma_wait3A_177 : memref<400x16xf32, #tpu.memory_space<vmem_shared>>)
    }
    %scan3A_19 = arith.constant 16 : i32
    %barrier3A = arith.constant 0 : index
    tpu.barrier barrier_id(%barrier3A)
    %mul3A_20 = arith.constant 160 : i32
    %mul3A_21 = arith.muli %add3A, %mul3A_20 : i32
    %add3A_22 = arith.constant 0 : i32
    %add3A_23 = arith.addi %mul3A_21, %add3A_22 : i32
    %dma_start3A = arith.constant 0 : i32
    %dma_start3A_24 = arith.constant 0 : i32
    %dma_start3A_25 = tpu.memref_slice %arg6[%dma_start3A, %dma_start3A_24] : memref<4x625xi32, #tpu.memory_space<vmem>> -> memref<1x625xi32, #tpu.memory_space<vmem>>
    %dma_start3A_26 = tpu.memref_squeeze %dma_start3A_25 : memref<1x625xi32, #tpu.memory_space<vmem>> -> memref<625xi32, #tpu.memory_space<vmem>>
    %dma_start3A_27 = arith.constant 0 : i32
    %dma_start3A_28 = tpu.memref_slice %arg3[%add3A_23, %dma_start3A_27] : memref<5120x625xi32, #tpu.memory_space<hbm>> -> memref<1x625xi32, #tpu.memory_space<hbm>>
    %dma_start3A_29 = tpu.memref_squeeze %dma_start3A_28 : memref<1x625xi32, #tpu.memory_space<hbm>> -> memref<625xi32, #tpu.memory_space<hbm>>
    %dma_start3A_30 = arith.constant 0 : i32
    %dma_start3A_31 = tpu.memref_slice %arg6[%dma_start3A, %dma_start3A_30] : memref<4x625xi32, #tpu.memory_space<vmem>> -> memref<1x625xi32, #tpu.memory_space<vmem>>
    %dma_start3A_32 = tpu.memref_squeeze %dma_start3A_31 : memref<1x625xi32, #tpu.memory_space<vmem>> -> memref<625xi32, #tpu.memory_space<vmem>>
    %dma_start3A_33 = arith.constant 0 : i32
    %dma_start3A_34 = tpu.memref_slice %arg3[%add3A_23, %dma_start3A_33] : memref<5120x625xi32, #tpu.memory_space<hbm>> -> memref<1x625xi32, #tpu.memory_space<hbm>>
    %dma_start3A_35 = tpu.memref_squeeze %dma_start3A_34 : memref<1x625xi32, #tpu.memory_space<hbm>> -> memref<625xi32, #tpu.memory_space<hbm>>
    tpu.enqueue_dma source(%dma_start3A_35 : memref<625xi32, #tpu.memory_space<hbm>>) target(%dma_start3A_32 : memref<625xi32, #tpu.memory_space<vmem>>) target_semaphore(%arg10 : memref<!tpu.dma_semaphore, #tpu.memory_space<semaphore_mem>>)
    %add3A_36 = arith.constant 0 : i32
    %add3A_37 = arith.addi %mul3A_21, %add3A_36 : i32
    %dma_start3A_38 = arith.constant 0 : i32
    %dma_start3A_39 = arith.constant 0 : i32
    %dma_start3A_40 = tpu.memref_slice %arg7[%dma_start3A_38, %dma_start3A_39] : memref<4x625xi32, #tpu.memory_space<vmem>> -> memref<1x625xi32, #tpu.memory_space<vmem>>
    %dma_start3A_41 = tpu.memref_squeeze %dma_start3A_40 : memref<1x625xi32, #tpu.memory_space<vmem>> -> memref<625xi32, #tpu.memory_space<vmem>>
    %dma_start3A_42 = arith.constant 0 : i32
    %dma_start3A_43 = tpu.memref_slice %arg4[%add3A_37, %dma_start3A_42] : memref<5120x625xi32, #tpu.memory_space<hbm>> -> memref<1x625xi32, #tpu.memory_space<hbm>>
    %dma_start3A_44 = tpu.memref_squeeze %dma_start3A_43 : memref<1x625xi32, #tpu.memory_space<hbm>> -> memref<625xi32, #tpu.memory_space<hbm>>
    %dma_start3A_45 = arith.constant 0 : i32
    %dma_start3A_46 = tpu.memref_slice %arg7[%dma_start3A_38, %dma_start3A_45] : memref<4x625xi32, #tpu.memory_space<vmem>> -> memref<1x625xi32, #tpu.memory_space<vmem>>
    %dma_start3A_47 = tpu.memref_squeeze %dma_start3A_46 : memref<1x625xi32, #tpu.memory_space<vmem>> -> memref<625xi32, #tpu.memory_space<vmem>>
    %dma_start3A_48 = arith.constant 0 : i32
    %dma_start3A_49 = tpu.memref_slice %arg4[%add3A_37, %dma_start3A_48] : memref<5120x625xi32, #tpu.memory_space<hbm>> -> memref<1x625xi32, #tpu.memory_space<hbm>>
    %dma_start3A_50 = tpu.memref_squeeze %dma_start3A_49 : memref<1x625xi32, #tpu.memory_space<hbm>> -> memref<625xi32, #tpu.memory_space<hbm>>
    tpu.enqueue_dma source(%dma_start3A_50 : memref<625xi32, #tpu.memory_space<hbm>>) target(%dma_start3A_47 : memref<625xi32, #tpu.memory_space<vmem>>) target_semaphore(%arg10 : memref<!tpu.dma_semaphore, #tpu.memory_space<semaphore_mem>>)
    %add3A_51 = arith.constant 1 : i32
    %add3A_52 = arith.addi %mul3A_21, %add3A_51 : i32
    %dma_start3A_53 = arith.constant 1 : i32
    %dma_start3A_54 = arith.constant 0 : i32
    %dma_start3A_55 = tpu.memref_slice %arg6[%dma_start3A_53, %dma_start3A_54] : memref<4x625xi32, #tpu.memory_space<vmem>> -> memref<1x625xi32, #tpu.memory_space<vmem>>
    %dma_start3A_56 = tpu.memref_squeeze %dma_start3A_55 : memref<1x625xi32, #tpu.memory_space<vmem>> -> memref<625xi32, #tpu.memory_space<vmem>>
    %dma_start3A_57 = arith.constant 0 : i32
    %dma_start3A_58 = tpu.memref_slice %arg3[%add3A_52, %dma_start3A_57] : memref<5120x625xi32, #tpu.memory_space<hbm>> -> memref<1x625xi32, #tpu.memory_space<hbm>>
    %dma_start3A_59 = tpu.memref_squeeze %dma_start3A_58 : memref<1x625xi32, #tpu.memory_space<hbm>> -> memref<625xi32, #tpu.memory_space<hbm>>
    %dma_start3A_60 = arith.constant 0 : i32
    %dma_start3A_61 = tpu.memref_slice %arg6[%dma_start3A_53, %dma_start3A_60] : memref<4x625xi32, #tpu.memory_space<vmem>> -> memref<1x625xi32, #tpu.memory_space<vmem>>
    %dma_start3A_62 = tpu.memref_squeeze %dma_start3A_61 : memref<1x625xi32, #tpu.memory_space<vmem>> -> memref<625xi32, #tpu.memory_space<vmem>>
    %dma_start3A_63 = arith.constant 0 : i32
    %dma_start3A_64 = tpu.memref_slice %arg3[%add3A_52, %dma_start3A_63] : memref<5120x625xi32, #tpu.memory_space<hbm>> -> memref<1x625xi32, #tpu.memory_space<hbm>>
    %dma_start3A_65 = tpu.memref_squeeze %dma_start3A_64 : memref<1x625xi32, #tpu.memory_space<hbm>> -> memref<625xi32, #tpu.memory_space<hbm>>
    tpu.enqueue_dma source(%dma_start3A_65 : memref<625xi32, #tpu.memory_space<hbm>>) target(%dma_start3A_62 : memref<625xi32, #tpu.memory_space<vmem>>) target_semaphore(%arg10 : memref<!tpu.dma_semaphore, #tpu.memory_space<semaphore_mem>>)
    %add3A_66 = arith.constant 1 : i32
    %add3A_67 = arith.addi %mul3A_21, %add3A_66 : i32
    %dma_start3A_68 = arith.constant 1 : i32
    %dma_start3A_69 = arith.constant 0 : i32
    %dma_start3A_70 = tpu.memref_slice %arg7[%dma_start3A_68, %dma_start3A_69] : memref<4x625xi32, #tpu.memory_space<vmem>> -> memref<1x625xi32, #tpu.memory_space<vmem>>
    %dma_start3A_71 = tpu.memref_squeeze %dma_start3A_70 : memref<1x625xi32, #tpu.memory_space<vmem>> -> memref<625xi32, #tpu.memory_space<vmem>>
    %dma_start3A_72 = arith.constant 0 : i32
    %dma_start3A_73 = tpu.memref_slice %arg4[%add3A_67, %dma_start3A_72] : memref<5120x625xi32, #tpu.memory_space<hbm>> -> memref<1x625xi32, #tpu.memory_space<hbm>>
    %dma_start3A_74 = tpu.memref_squeeze %dma_start3A_73 : memref<1x625xi32, #tpu.memory_space<hbm>> -> memref<625xi32, #tpu.memory_space<hbm>>
    %dma_start3A_75 = arith.constant 0 : i32
    %dma_start3A_76 = tpu.memref_slice %arg7[%dma_start3A_68, %dma_start3A_75] : memref<4x625xi32, #tpu.memory_space<vmem>> -> memref<1x625xi32, #tpu.memory_space<vmem>>
    %dma_start3A_77 = tpu.memref_squeeze %dma_start3A_76 : memref<1x625xi32, #tpu.memory_space<vmem>> -> memref<625xi32, #tpu.memory_space<vmem>>
    %dma_start3A_78 = arith.constant 0 : i32
    %dma_start3A_79 = tpu.memref_slice %arg4[%add3A_67, %dma_start3A_78] : memref<5120x625xi32, #tpu.memory_space<hbm>> -> memref<1x625xi32, #tpu.memory_space<hbm>>
    %dma_start3A_80 = tpu.memref_squeeze %dma_start3A_79 : memref<1x625xi32, #tpu.memory_space<hbm>> -> memref<625xi32, #tpu.memory_space<hbm>>
    tpu.enqueue_dma source(%dma_start3A_80 : memref<625xi32, #tpu.memory_space<hbm>>) target(%dma_start3A_77 : memref<625xi32, #tpu.memory_space<vmem>>) target_semaphore(%arg10 : memref<!tpu.dma_semaphore, #tpu.memory_space<semaphore_mem>>)
    %dma_wait3A = arith.constant 0 : i32
    %dma_wait3A_81 = arith.constant 0 : i32
    %dma_wait3A_82 = arith.constant 0 : i32
    %dma_wait3A_83 = tpu.memref_slice %arg6[%dma_wait3A_81, %dma_wait3A_82] : memref<4x625xi32, #tpu.memory_space<vmem>> -> memref<1x625xi32, #tpu.memory_space<vmem>>
    %dma_wait3A_84 = tpu.memref_squeeze %dma_wait3A_83 : memref<1x625xi32, #tpu.memory_space<vmem>> -> memref<625xi32, #tpu.memory_space<vmem>>
    %dma_wait3A_85 = arith.constant 0 : i32
    %dma_wait3A_86 = tpu.memref_slice %arg3[%dma_wait3A, %dma_wait3A_85] : memref<5120x625xi32, #tpu.memory_space<hbm>> -> memref<1x625xi32, #tpu.memory_space<hbm>>
    %dma_wait3A_87 = tpu.memref_squeeze %dma_wait3A_86 : memref<1x625xi32, #tpu.memory_space<hbm>> -> memref<625xi32, #tpu.memory_space<hbm>>
    %dma_wait3A_88 = arith.constant 0 : i32
    %dma_wait3A_89 = tpu.memref_slice %arg6[%dma_wait3A_81, %dma_wait3A_88] : memref<4x625xi32, #tpu.memory_space<vmem>> -> memref<1x625xi32, #tpu.memory_space<vmem>>
    %dma_wait3A_90 = tpu.memref_squeeze %dma_wait3A_89 : memref<1x625xi32, #tpu.memory_space<vmem>> -> memref<625xi32, #tpu.memory_space<vmem>>
    %dma_wait3A_91 = arith.constant 0 : i32
    %dma_wait3A_92 = tpu.memref_slice %arg3[%dma_wait3A, %dma_wait3A_91] : memref<5120x625xi32, #tpu.memory_space<hbm>> -> memref<1x625xi32, #tpu.memory_space<hbm>>
    %dma_wait3A_93 = tpu.memref_squeeze %dma_wait3A_92 : memref<1x625xi32, #tpu.memory_space<hbm>> -> memref<625xi32, #tpu.memory_space<hbm>>
    tpu.wait_dma2 semaphore(%arg10 : memref<!tpu.dma_semaphore, #tpu.memory_space<semaphore_mem>>) src(%dma_wait3A_93 : memref<625xi32, #tpu.memory_space<hbm>>) dst(%dma_wait3A_90 : memref<625xi32, #tpu.memory_space<vmem>>)
    %dma_wait3A_94 = arith.constant 0 : i32
    %dma_wait3A_95 = arith.constant 0 : i32
    %dma_wait3A_96 = arith.constant 0 : i32
    %dma_wait3A_97 = tpu.memref_slice %arg7[%dma_wait3A_95, %dma_wait3A_96] : memref<4x625xi32, #tpu.memory_space<vmem>> -> memref<1x625xi32, #tpu.memory_space<vmem>>
    %dma_wait3A_98 = tpu.memref_squeeze %dma_wait3A_97 : memref<1x625xi32, #tpu.memory_space<vmem>> -> memref<625xi32, #tpu.memory_space<vmem>>
    %dma_wait3A_99 = arith.constant 0 : i32
    %dma_wait3A_100 = tpu.memref_slice %arg4[%dma_wait3A_94, %dma_wait3A_99] : memref<5120x625xi32, #tpu.memory_space<hbm>> -> memref<1x625xi32, #tpu.memory_space<hbm>>
    %dma_wait3A_101 = tpu.memref_squeeze %dma_wait3A_100 : memref<1x625xi32, #tpu.memory_space<hbm>> -> memref<625xi32, #tpu.memory_space<hbm>>
    %dma_wait3A_102 = arith.constant 0 : i32
    %dma_wait3A_103 = tpu.memref_slice %arg7[%dma_wait3A_95, %dma_wait3A_102] : memref<4x625xi32, #tpu.memory_space<vmem>> -> memref<1x625xi32, #tpu.memory_space<vmem>>
    %dma_wait3A_104 = tpu.memref_squeeze %dma_wait3A_103 : memref<1x625xi32, #tpu.memory_space<vmem>> -> memref<625xi32, #tpu.memory_space<vmem>>
    %dma_wait3A_105 = arith.constant 0 : i32
    %dma_wait3A_106 = tpu.memref_slice %arg4[%dma_wait3A_94, %dma_wait3A_105] : memref<5120x625xi32, #tpu.memory_space<hbm>> -> memref<1x625xi32, #tpu.memory_space<hbm>>
    %dma_wait3A_107 = tpu.memref_squeeze %dma_wait3A_106 : memref<1x625xi32, #tpu.memory_space<hbm>> -> memref<625xi32, #tpu.memory_space<hbm>>
    tpu.wait_dma2 semaphore(%arg10 : memref<!tpu.dma_semaphore, #tpu.memory_space<semaphore_mem>>) src(%dma_wait3A_107 : memref<625xi32, #tpu.memory_space<hbm>>) dst(%dma_wait3A_104 : memref<625xi32, #tpu.memory_space<vmem>>)
    %dma_start3A_108 = arith.constant 0 : i32
    %dma_start3A_109 = arith.constant 0 : i32
    %dma_start3A_110 = arith.constant 0 : i32
    %dma_start3A_111 = arith.constant 0 : i32
    %dma_start3A_112 = tpu.memref_slice %arg8[%dma_start3A_109, %dma_start3A_110, %dma_start3A_111] : memref<2x625x16xf32, #tpu.memory_space<vmem>> -> memref<1x625x16xf32, #tpu.memory_space<vmem>>
    %dma_start3A_113 = tpu.memref_squeeze %dma_start3A_112 : memref<1x625x16xf32, #tpu.memory_space<vmem>> -> memref<625x16xf32, #tpu.memory_space<vmem>>
    %dma_start3A_114 = arith.constant 0 : i32
    %dma_start3A_115 = tpu.memref_slice %arg6[%dma_start3A_108, %dma_start3A_114] : memref<4x625xi32, #tpu.memory_space<vmem>> -> memref<1x625xi32, #tpu.memory_space<vmem>>
    %dma_start3A_116 = tpu.memref_squeeze %dma_start3A_115 : memref<1x625xi32, #tpu.memory_space<vmem>> -> memref<625xi32, #tpu.memory_space<vmem>>
    %dma_start3A_117 = arith.constant 0 : i32
    %dma_start3A_118 = arith.constant 0 : i32
    %dma_start3A_119 = tpu.memref_slice %arg2[%dma_start3A_117, %dma_start3A_118] : memref<307200x16xf32, #tpu.memory_space<hbm>> -> memref<307200x16xf32, #tpu.memory_space<hbm>>
    tpu.enqueue_indirect_dma source(%dma_start3A_119 : memref<307200x16xf32, #tpu.memory_space<hbm>>) target(%dma_start3A_113 : memref<625x16xf32, #tpu.memory_space<vmem>>) offsets(%dma_start3A_116 : memref<625xi32, #tpu.memory_space<vmem>>) semaphore(%arg11 : memref<!tpu.dma_semaphore, #tpu.memory_space<semaphore_mem>>)
    %scan3A_120 = arith.constant 0 : i32
    %scan3A_121 = arith.constant 0 : i32
    %scan3A_122 = arith.constant 40 : i32
    %scan3A_123 = arith.addi %scan3A_121, %scan3A_122 : i32
    %scan3A_124 = arith.constant 1 : i32
    scf.for %scan3A_165 = %scan3A_121 to %scan3A_123 step %scan3A_124  : i32 {
      %mul3A_166 = arith.constant 4 : i32
      %mul3A_167 = arith.muli %scan3A_165, %mul3A_166 : i32
      %add3A_168 = arith.constant 0 : i32
      %add3A_169 = arith.addi %mul3A_167, %add3A_168 : i32
      %add3A_170 = arith.constant 1 : i32
      %add3A_171 = arith.addi %add3A_169, %add3A_170 : i32
      %lt3A = arith.constant 160 : i32
      %lt3A_172 = arith.cmpi slt, %add3A_171, %lt3A : i32
      %convert_element_type3A = arith.extui %lt3A_172 : i1 to i32
      %cond3A = arith.constant 0 : i32
      %cond3A_173 = arith.cmpi ne, %convert_element_type3A, %cond3A : i32
      scf.if %cond3A_173 {
        %dma_wait3A_283 = arith.constant 0 : i32
        %dma_wait3A_284 = arith.constant 1 : i32
        %dma_wait3A_285 = arith.constant 0 : i32
        %dma_wait3A_286 = tpu.memref_slice %arg6[%dma_wait3A_284, %dma_wait3A_285] : memref<4x625xi32, #tpu.memory_space<vmem>> -> memref<1x625xi32, #tpu.memory_space<vmem>>
        %dma_wait3A_287 = tpu.memref_squeeze %dma_wait3A_286 : memref<1x625xi32, #tpu.memory_space<vmem>> -> memref<625xi32, #tpu.memory_space<vmem>>
        %dma_wait3A_288 = arith.constant 0 : i32
        %dma_wait3A_289 = tpu.memref_slice %arg3[%dma_wait3A_283, %dma_wait3A_288] : memref<5120x625xi32, #tpu.memory_space<hbm>> -> memref<1x625xi32, #tpu.memory_space<hbm>>
        %dma_wait3A_290 = tpu.memref_squeeze %dma_wait3A_289 : memref<1x625xi32, #tpu.memory_space<hbm>> -> memref<625xi32, #tpu.memory_space<hbm>>
        %dma_wait3A_291 = arith.constant 0 : i32
        %dma_wait3A_292 = tpu.memref_slice %arg6[%dma_wait3A_284, %dma_wait3A_291] : memref<4x625xi32, #tpu.memory_space<vmem>> -> memref<1x625xi32, #tpu.memory_space<vmem>>
        %dma_wait3A_293 = tpu.memref_squeeze %dma_wait3A_292 : memref<1x625xi32, #tpu.memory_space<vmem>> -> memref<625xi32, #tpu.memory_space<vmem>>
        %dma_wait3A_294 = arith.constant 0 : i32
        %dma_wait3A_295 = tpu.memref_slice %arg3[%dma_wait3A_283, %dma_wait3A_294] : memref<5120x625xi32, #tpu.memory_space<hbm>> -> memref<1x625xi32, #tpu.memory_space<hbm>>
        %dma_wait3A_296 = tpu.memref_squeeze %dma_wait3A_295 : memref<1x625xi32, #tpu.memory_space<hbm>> -> memref<625xi32, #tpu.memory_space<hbm>>
        tpu.wait_dma2 semaphore(%arg10 : memref<!tpu.dma_semaphore, #tpu.memory_space<semaphore_mem>>) src(%dma_wait3A_296 : memref<625xi32, #tpu.memory_space<hbm>>) dst(%dma_wait3A_293 : memref<625xi32, #tpu.memory_space<vmem>>)
        %dma_wait3A_297 = arith.constant 0 : i32
        %dma_wait3A_298 = arith.constant 1 : i32
        %dma_wait3A_299 = arith.constant 0 : i32
        %dma_wait3A_300 = tpu.memref_slice %arg7[%dma_wait3A_298, %dma_wait3A_299] : memref<4x625xi32, #tpu.memory_space<vmem>> -> memref<1x625xi32, #tpu.memory_space<vmem>>
        %dma_wait3A_301 = tpu.memref_squeeze %dma_wait3A_300 : memref<1x625xi32, #tpu.memory_space<vmem>> -> memref<625xi32, #tpu.memory_space<vmem>>
        %dma_wait3A_302 = arith.constant 0 : i32
        %dma_wait3A_303 = tpu.memref_slice %arg4[%dma_wait3A_297, %dma_wait3A_302] : memref<5120x625xi32, #tpu.memory_space<hbm>> -> memref<1x625xi32, #tpu.memory_space<hbm>>
        %dma_wait3A_304 = tpu.memref_squeeze %dma_wait3A_303 : memref<1x625xi32, #tpu.memory_space<hbm>> -> memref<625xi32, #tpu.memory_space<hbm>>
        %dma_wait3A_305 = arith.constant 0 : i32
        %dma_wait3A_306 = tpu.memref_slice %arg7[%dma_wait3A_298, %dma_wait3A_305] : memref<4x625xi32, #tpu.memory_space<vmem>> -> memref<1x625xi32, #tpu.memory_space<vmem>>
        %dma_wait3A_307 = tpu.memref_squeeze %dma_wait3A_306 : memref<1x625xi32, #tpu.memory_space<vmem>> -> memref<625xi32, #tpu.memory_space<vmem>>
        %dma_wait3A_308 = arith.constant 0 : i32
        %dma_wait3A_309 = tpu.memref_slice %arg4[%dma_wait3A_297, %dma_wait3A_308] : memref<5120x625xi32, #tpu.memory_space<hbm>> -> memref<1x625xi32, #tpu.memory_space<hbm>>
        %dma_wait3A_310 = tpu.memref_squeeze %dma_wait3A_309 : memref<1x625xi32, #tpu.memory_space<hbm>> -> memref<625xi32, #tpu.memory_space<hbm>>
        tpu.wait_dma2 semaphore(%arg10 : memref<!tpu.dma_semaphore, #tpu.memory_space<semaphore_mem>>) src(%dma_wait3A_310 : memref<625xi32, #tpu.memory_space<hbm>>) dst(%dma_wait3A_307 : memref<625xi32, #tpu.memory_space<vmem>>)
        %dma_start3A_311 = arith.constant 1 : i32
        %dma_start3A_312 = arith.constant 1 : i32
        %dma_start3A_313 = arith.constant 0 : i32
        %dma_start3A_314 = arith.constant 0 : i32
        %dma_start3A_315 = tpu.memref_slice %arg8[%dma_start3A_312, %dma_start3A_313, %dma_start3A_314] : memref<2x625x16xf32, #tpu.memory_space<vmem>> -> memref<1x625x16xf32, #tpu.memory_space<vmem>>
        %dma_start3A_316 = tpu.memref_squeeze %dma_start3A_315 : memref<1x625x16xf32, #tpu.memory_space<vmem>> -> memref<625x16xf32, #tpu.memory_space<vmem>>
        %dma_start3A_317 = arith.constant 0 : i32
        %dma_start3A_318 = tpu.memref_slice %arg6[%dma_start3A_311, %dma_start3A_317] : memref<4x625xi32, #tpu.memory_space<vmem>> -> memref<1x625xi32, #tpu.memory_space<vmem>>
        %dma_start3A_319 = tpu.memref_squeeze %dma_start3A_318 : memref<1x625xi32, #tpu.memory_space<vmem>> -> memref<625xi32, #tpu.memory_space<vmem>>
        %dma_start3A_320 = arith.constant 0 : i32
        %dma_start3A_321 = arith.constant 0 : i32
        %dma_start3A_322 = tpu.memref_slice %arg2[%dma_start3A_320, %dma_start3A_321] : memref<307200x16xf32, #tpu.memory_space<hbm>> -> memref<307200x16xf32, #tpu.memory_space<hbm>>
        tpu.enqueue_indirect_dma source(%dma_start3A_322 : memref<307200x16xf32, #tpu.memory_space<hbm>>) target(%dma_start3A_316 : memref<625x16xf32, #tpu.memory_space<vmem>>) offsets(%dma_start3A_319 : memref<625xi32, #tpu.memory_space<vmem>>) semaphore(%arg11 : memref<!tpu.dma_semaphore, #tpu.memory_space<semaphore_mem>>)
      } else {
      }
      %dma_wait3A_174 = arith.constant 0 : i32
      %dma_wait3A_175 = arith.constant 0 : i32
      %dma_wait3A_176 = arith.constant 0 : i32
      %dma_wait3A_177 = arith.constant 0 : i32
      %dma_wait3A_178 = tpu.memref_slice %arg8[%dma_wait3A_175, %dma_wait3A_176, %dma_wait3A_177] : memref<2x625x16xf32, #tpu.memory_space<vmem>> -> memref<1x625x16xf32, #tpu.memory_space<vmem>>
      %dma_wait3A_179 = tpu.memref_squeeze %dma_wait3A_178 : memref<1x625x16xf32, #tpu.memory_space<vmem>> -> memref<625x16xf32, #tpu.memory_space<vmem>>
      %dma_wait3A_180 = arith.constant 0 : i32
      %dma_wait3A_181 = tpu.memref_slice %arg6[%dma_wait3A_174, %dma_wait3A_180] : memref<4x625xi32, #tpu.memory_space<vmem>> -> memref<1x625xi32, #tpu.memory_space<vmem>>
      %dma_wait3A_182 = tpu.memref_squeeze %dma_wait3A_181 : memref<1x625xi32, #tpu.memory_space<vmem>> -> memref<625xi32, #tpu.memory_space<vmem>>
      %dma_wait3A_183 = arith.constant 0 : i32
      %dma_wait3A_184 = arith.constant 0 : i32
      %dma_wait3A_185 = tpu.memref_slice %arg2[%dma_wait3A_183, %dma_wait3A_184] : memref<307200x16xf32, #tpu.memory_space<hbm>> -> memref<307200x16xf32, #tpu.memory_space<hbm>>
      tpu.wait_indirect_dma semaphore(%arg11 : memref<!tpu.dma_semaphore, #tpu.memory_space<semaphore_mem>>) src(%dma_wait3A_185 : memref<307200x16xf32, #tpu.memory_space<hbm>>) dst(%dma_wait3A_179 : memref<625x16xf32, #tpu.memory_space<vmem>>)
      %add3A_186 = arith.constant 2 : i32
      %add3A_187 = arith.addi %add3A_169, %add3A_186 : i32
      %lt3A_188 = arith.constant 160 : i32
      %lt3A_189 = arith.cmpi slt, %add3A_187, %lt3A_188 : i32
      %convert_element_type3A_190 = arith.extui %lt3A_189 : i1 to i32
      %cond3A_191 = arith.constant 0 : i32
      %cond3A_192 = arith.cmpi ne, %convert_element_type3A_190, %cond3A_191 : i32
      scf.if %cond3A_192 {
        %add3A_283 = arith.constant 2 : i32
        %add3A_284 = arith.addi %add3A_169, %add3A_283 : i32
        %add3A_285 = arith.addi %mul3A_21, %add3A_284 : i32
        %dma_start3A_286 = arith.constant 2 : i32
        %dma_start3A_287 = arith.constant 0 : i32
        %dma_start3A_288 = tpu.memref_slice %arg6[%dma_start3A_286, %dma_start3A_287] : memref<4x625xi32, #tpu.memory_space<vmem>> -> memref<1x625xi32, #tpu.memory_space<vmem>>
        %dma_start3A_289 = tpu.memref_squeeze %dma_start3A_288 : memref<1x625xi32, #tpu.memory_space<vmem>> -> memref<625xi32, #tpu.memory_space<vmem>>
        %dma_start3A_290 = arith.constant 0 : i32
        %dma_start3A_291 = tpu.memref_slice %arg3[%add3A_285, %dma_start3A_290] : memref<5120x625xi32, #tpu.memory_space<hbm>> -> memref<1x625xi32, #tpu.memory_space<hbm>>
        %dma_start3A_292 = tpu.memref_squeeze %dma_start3A_291 : memref<1x625xi32, #tpu.memory_space<hbm>> -> memref<625xi32, #tpu.memory_space<hbm>>
        %dma_start3A_293 = arith.constant 0 : i32
        %dma_start3A_294 = tpu.memref_slice %arg6[%dma_start3A_286, %dma_start3A_293] : memref<4x625xi32, #tpu.memory_space<vmem>> -> memref<1x625xi32, #tpu.memory_space<vmem>>
        %dma_start3A_295 = tpu.memref_squeeze %dma_start3A_294 : memref<1x625xi32, #tpu.memory_space<vmem>> -> memref<625xi32, #tpu.memory_space<vmem>>
        %dma_start3A_296 = arith.constant 0 : i32
        %dma_start3A_297 = tpu.memref_slice %arg3[%add3A_285, %dma_start3A_296] : memref<5120x625xi32, #tpu.memory_space<hbm>> -> memref<1x625xi32, #tpu.memory_space<hbm>>
        %dma_start3A_298 = tpu.memref_squeeze %dma_start3A_297 : memref<1x625xi32, #tpu.memory_space<hbm>> -> memref<625xi32, #tpu.memory_space<hbm>>
        tpu.enqueue_dma source(%dma_start3A_298 : memref<625xi32, #tpu.memory_space<hbm>>) target(%dma_start3A_295 : memref<625xi32, #tpu.memory_space<vmem>>) target_semaphore(%arg10 : memref<!tpu.dma_semaphore, #tpu.memory_space<semaphore_mem>>)
        %add3A_299 = arith.addi %mul3A_21, %add3A_284 : i32
        %dma_start3A_300 = arith.constant 2 : i32
        %dma_start3A_301 = arith.constant 0 : i32
        %dma_start3A_302 = tpu.memref_slice %arg7[%dma_start3A_300, %dma_start3A_301] : memref<4x625xi32, #tpu.memory_space<vmem>> -> memref<1x625xi32, #tpu.memory_space<vmem>>
        %dma_start3A_303 = tpu.memref_squeeze %dma_start3A_302 : memref<1x625xi32, #tpu.memory_space<vmem>> -> memref<625xi32, #tpu.memory_space<vmem>>
        %dma_start3A_304 = arith.constant 0 : i32
        %dma_start3A_305 = tpu.memref_slice %arg4[%add3A_299, %dma_start3A_304] : memref<5120x625xi32, #tpu.memory_space<hbm>> -> memref<1x625xi32, #tpu.memory_space<hbm>>
        %dma_start3A_306 = tpu.memref_squeeze %dma_start3A_305 : memref<1x625xi32, #tpu.memory_space<hbm>> -> memref<625xi32, #tpu.memory_space<hbm>>
        %dma_start3A_307 = arith.constant 0 : i32
        %dma_start3A_308 = tpu.memref_slice %arg7[%dma_start3A_300, %dma_start3A_307] : memref<4x625xi32, #tpu.memory_space<vmem>> -> memref<1x625xi32, #tpu.memory_space<vmem>>
        %dma_start3A_309 = tpu.memref_squeeze %dma_start3A_308 : memref<1x625xi32, #tpu.memory_space<vmem>> -> memref<625xi32, #tpu.memory_space<vmem>>
        %dma_start3A_310 = arith.constant 0 : i32
        %dma_start3A_311 = tpu.memref_slice %arg4[%add3A_299, %dma_start3A_310] : memref<5120x625xi32, #tpu.memory_space<hbm>> -> memref<1x625xi32, #tpu.memory_space<hbm>>
        %dma_start3A_312 = tpu.memref_squeeze %dma_start3A_311 : memref<1x625xi32, #tpu.memory_space<hbm>> -> memref<625xi32, #tpu.memory_space<hbm>>
        tpu.enqueue_dma source(%dma_start3A_312 : memref<625xi32, #tpu.memory_space<hbm>>) target(%dma_start3A_309 : memref<625xi32, #tpu.memory_space<vmem>>) target_semaphore(%arg10 : memref<!tpu.dma_semaphore, #tpu.memory_space<semaphore_mem>>)
      } else {
      }
      %mul3A_193 = arith.constant 4 : i32
      %mul3A_194 = arith.muli %scan3A_165, %mul3A_193 : i32
      %add3A_195 = arith.constant 1 : i32
      %add3A_196 = arith.addi %mul3A_194, %add3A_195 : i32
      %add3A_197 = arith.constant 1 : i32
      %add3A_198 = arith.addi %add3A_196, %add3A_197 : i32
      %lt3A_199 = arith.constant 160 : i32
      %lt3A_200 = arith.cmpi slt, %add3A_198, %lt3A_199 : i32
      %convert_element_type3A_201 = arith.extui %lt3A_200 : i1 to i32
      %cond3A_202 = arith.constant 0 : i32
      %cond3A_203 = arith.cmpi ne, %convert_element_type3A_201, %cond3A_202 : i32
      scf.if %cond3A_203 {
        %dma_wait3A_283 = arith.constant 0 : i32
        %dma_wait3A_284 = arith.constant 2 : i32
        %dma_wait3A_285 = arith.constant 0 : i32
        %dma_wait3A_286 = tpu.memref_slice %arg6[%dma_wait3A_284, %dma_wait3A_285] : memref<4x625xi32, #tpu.memory_space<vmem>> -> memref<1x625xi32, #tpu.memory_space<vmem>>
        %dma_wait3A_287 = tpu.memref_squeeze %dma_wait3A_286 : memref<1x625xi32, #tpu.memory_space<vmem>> -> memref<625xi32, #tpu.memory_space<vmem>>
        %dma_wait3A_288 = arith.constant 0 : i32
        %dma_wait3A_289 = tpu.memref_slice %arg3[%dma_wait3A_283, %dma_wait3A_288] : memref<5120x625xi32, #tpu.memory_space<hbm>> -> memref<1x625xi32, #tpu.memory_space<hbm>>
        %dma_wait3A_290 = tpu.memref_squeeze %dma_wait3A_289 : memref<1x625xi32, #tpu.memory_space<hbm>> -> memref<625xi32, #tpu.memory_space<hbm>>
        %dma_wait3A_291 = arith.constant 0 : i32
        %dma_wait3A_292 = tpu.memref_slice %arg6[%dma_wait3A_284, %dma_wait3A_291] : memref<4x625xi32, #tpu.memory_space<vmem>> -> memref<1x625xi32, #tpu.memory_space<vmem>>
        %dma_wait3A_293 = tpu.memref_squeeze %dma_wait3A_292 : memref<1x625xi32, #tpu.memory_space<vmem>> -> memref<625xi32, #tpu.memory_space<vmem>>
        %dma_wait3A_294 = arith.constant 0 : i32
        %dma_wait3A_295 = tpu.memref_slice %arg3[%dma_wait3A_283, %dma_wait3A_294] : memref<5120x625xi32, #tpu.memory_space<hbm>> -> memref<1x625xi32, #tpu.memory_space<hbm>>
        %dma_wait3A_296 = tpu.memref_squeeze %dma_wait3A_295 : memref<1x625xi32, #tpu.memory_space<hbm>> -> memref<625xi32, #tpu.memory_space<hbm>>
        tpu.wait_dma2 semaphore(%arg10 : memref<!tpu.dma_semaphore, #tpu.memory_space<semaphore_mem>>) src(%dma_wait3A_296 : memref<625xi32, #tpu.memory_space<hbm>>) dst(%dma_wait3A_293 : memref<625xi32, #tpu.memory_space<vmem>>)
        %dma_wait3A_297 = arith.constant 0 : i32
        %dma_wait3A_298 = arith.constant 2 : i32
        %dma_wait3A_299 = arith.constant 0 : i32
        %dma_wait3A_300 = tpu.memref_slice %arg7[%dma_wait3A_298, %dma_wait3A_299] : memref<4x625xi32, #tpu.memory_space<vmem>> -> memref<1x625xi32, #tpu.memory_space<vmem>>
        %dma_wait3A_301 = tpu.memref_squeeze %dma_wait3A_300 : memref<1x625xi32, #tpu.memory_space<vmem>> -> memref<625xi32, #tpu.memory_space<vmem>>
        %dma_wait3A_302 = arith.constant 0 : i32
        %dma_wait3A_303 = tpu.memref_slice %arg4[%dma_wait3A_297, %dma_wait3A_302] : memref<5120x625xi32, #tpu.memory_space<hbm>> -> memref<1x625xi32, #tpu.memory_space<hbm>>
        %dma_wait3A_304 = tpu.memref_squeeze %dma_wait3A_303 : memref<1x625xi32, #tpu.memory_space<hbm>> -> memref<625xi32, #tpu.memory_space<hbm>>
        %dma_wait3A_305 = arith.constant 0 : i32
        %dma_wait3A_306 = tpu.memref_slice %arg7[%dma_wait3A_298, %dma_wait3A_305] : memref<4x625xi32, #tpu.memory_space<vmem>> -> memref<1x625xi32, #tpu.memory_space<vmem>>
        %dma_wait3A_307 = tpu.memref_squeeze %dma_wait3A_306 : memref<1x625xi32, #tpu.memory_space<vmem>> -> memref<625xi32, #tpu.memory_space<vmem>>
        %dma_wait3A_308 = arith.constant 0 : i32
        %dma_wait3A_309 = tpu.memref_slice %arg4[%dma_wait3A_297, %dma_wait3A_308] : memref<5120x625xi32, #tpu.memory_space<hbm>> -> memref<1x625xi32, #tpu.memory_space<hbm>>
        %dma_wait3A_310 = tpu.memref_squeeze %dma_wait3A_309 : memref<1x625xi32, #tpu.memory_space<hbm>> -> memref<625xi32, #tpu.memory_space<hbm>>
        tpu.wait_dma2 semaphore(%arg10 : memref<!tpu.dma_semaphore, #tpu.memory_space<semaphore_mem>>) src(%dma_wait3A_310 : memref<625xi32, #tpu.memory_space<hbm>>) dst(%dma_wait3A_307 : memref<625xi32, #tpu.memory_space<vmem>>)
        %dma_start3A_311 = arith.constant 2 : i32
        %dma_start3A_312 = arith.constant 0 : i32
        %dma_start3A_313 = arith.constant 0 : i32
        %dma_start3A_314 = arith.constant 0 : i32
        %dma_start3A_315 = tpu.memref_slice %arg8[%dma_start3A_312, %dma_start3A_313, %dma_start3A_314] : memref<2x625x16xf32, #tpu.memory_space<vmem>> -> memref<1x625x16xf32, #tpu.memory_space<vmem>>
        %dma_start3A_316 = tpu.memref_squeeze %dma_start3A_315 : memref<1x625x16xf32, #tpu.memory_space<vmem>> -> memref<625x16xf32, #tpu.memory_space<vmem>>
        %dma_start3A_317 = arith.constant 0 : i32
        %dma_start3A_318 = tpu.memref_slice %arg6[%dma_start3A_311, %dma_start3A_317] : memref<4x625xi32, #tpu.memory_space<vmem>> -> memref<1x625xi32, #tpu.memory_space<vmem>>
        %dma_start3A_319 = tpu.memref_squeeze %dma_start3A_318 : memref<1x625xi32, #tpu.memory_space<vmem>> -> memref<625xi32, #tpu.memory_space<vmem>>
        %dma_start3A_320 = arith.constant 0 : i32
        %dma_start3A_321 = arith.constant 0 : i32
        %dma_start3A_322 = tpu.memref_slice %arg2[%dma_start3A_320, %dma_start3A_321] : memref<307200x16xf32, #tpu.memory_space<hbm>> -> memref<307200x16xf32, #tpu.memory_space<hbm>>
        tpu.enqueue_indirect_dma source(%dma_start3A_322 : memref<307200x16xf32, #tpu.memory_space<hbm>>) target(%dma_start3A_316 : memref<625x16xf32, #tpu.memory_space<vmem>>) offsets(%dma_start3A_319 : memref<625xi32, #tpu.memory_space<vmem>>) semaphore(%arg11 : memref<!tpu.dma_semaphore, #tpu.memory_space<semaphore_mem>>)
      } else {
      }
      %dma_wait3A_204 = arith.constant 1 : i32
      %dma_wait3A_205 = arith.constant 1 : i32
      %dma_wait3A_206 = arith.constant 0 : i32
      %dma_wait3A_207 = arith.constant 0 : i32
      %dma_wait3A_208 = tpu.memref_slice %arg8[%dma_wait3A_205, %dma_wait3A_206, %dma_wait3A_207] : memref<2x625x16xf32, #tpu.memory_space<vmem>> -> memref<1x625x16xf32, #tpu.memory_space<vmem>>
      %dma_wait3A_209 = tpu.memref_squeeze %dma_wait3A_208 : memref<1x625x16xf32, #tpu.memory_space<vmem>> -> memref<625x16xf32, #tpu.memory_space<vmem>>
      %dma_wait3A_210 = arith.constant 0 : i32
      %dma_wait3A_211 = tpu.memref_slice %arg6[%dma_wait3A_204, %dma_wait3A_210] : memref<4x625xi32, #tpu.memory_space<vmem>> -> memref<1x625xi32, #tpu.memory_space<vmem>>
      %dma_wait3A_212 = tpu.memref_squeeze %dma_wait3A_211 : memref<1x625xi32, #tpu.memory_space<vmem>> -> memref<625xi32, #tpu.memory_space<vmem>>
      %dma_wait3A_213 = arith.constant 0 : i32
      %dma_wait3A_214 = arith.constant 0 : i32
      %dma_wait3A_215 = tpu.memref_slice %arg2[%dma_wait3A_213, %dma_wait3A_214] : memref<307200x16xf32, #tpu.memory_space<hbm>> -> memref<307200x16xf32, #tpu.memory_space<hbm>>
      tpu.wait_indirect_dma semaphore(%arg11 : memref<!tpu.dma_semaphore, #tpu.memory_space<semaphore_mem>>) src(%dma_wait3A_215 : memref<307200x16xf32, #tpu.memory_space<hbm>>) dst(%dma_wait3A_209 : memref<625x16xf32, #tpu.memory_space<vmem>>)
      %add3A_216 = arith.constant 2 : i32
      %add3A_217 = arith.addi %add3A_196, %add3A_216 : i32
      %lt3A_218 = arith.constant 160 : i32
      %lt3A_219 = arith.cmpi slt, %add3A_217, %lt3A_218 : i32
      %convert_element_type3A_220 = arith.extui %lt3A_219 : i1 to i32
      %cond3A_221 = arith.constant 0 : i32
      %cond3A_222 = arith.cmpi ne, %convert_element_type3A_220, %cond3A_221 : i32
      scf.if %cond3A_222 {
        %add3A_283 = arith.constant 2 : i32
        %add3A_284 = arith.addi %add3A_196, %add3A_283 : i32
        %add3A_285 = arith.addi %mul3A_21, %add3A_284 : i32
        %dma_start3A_286 = arith.constant 3 : i32
        %dma_start3A_287 = arith.constant 0 : i32
        %dma_start3A_288 = tpu.memref_slice %arg6[%dma_start3A_286, %dma_start3A_287] : memref<4x625xi32, #tpu.memory_space<vmem>> -> memref<1x625xi32, #tpu.memory_space<vmem>>
        %dma_start3A_289 = tpu.memref_squeeze %dma_start3A_288 : memref<1x625xi32, #tpu.memory_space<vmem>> -> memref<625xi32, #tpu.memory_space<vmem>>
        %dma_start3A_290 = arith.constant 0 : i32
        %dma_start3A_291 = tpu.memref_slice %arg3[%add3A_285, %dma_start3A_290] : memref<5120x625xi32, #tpu.memory_space<hbm>> -> memref<1x625xi32, #tpu.memory_space<hbm>>
        %dma_start3A_292 = tpu.memref_squeeze %dma_start3A_291 : memref<1x625xi32, #tpu.memory_space<hbm>> -> memref<625xi32, #tpu.memory_space<hbm>>
        %dma_start3A_293 = arith.constant 0 : i32
        %dma_start3A_294 = tpu.memref_slice %arg6[%dma_start3A_286, %dma_start3A_293] : memref<4x625xi32, #tpu.memory_space<vmem>> -> memref<1x625xi32, #tpu.memory_space<vmem>>
        %dma_start3A_295 = tpu.memref_squeeze %dma_start3A_294 : memref<1x625xi32, #tpu.memory_space<vmem>> -> memref<625xi32, #tpu.memory_space<vmem>>
        %dma_start3A_296 = arith.constant 0 : i32
        %dma_start3A_297 = tpu.memref_slice %arg3[%add3A_285, %dma_start3A_296] : memref<5120x625xi32, #tpu.memory_space<hbm>> -> memref<1x625xi32, #tpu.memory_space<hbm>>
        %dma_start3A_298 = tpu.memref_squeeze %dma_start3A_297 : memref<1x625xi32, #tpu.memory_space<hbm>> -> memref<625xi32, #tpu.memory_space<hbm>>
        tpu.enqueue_dma source(%dma_start3A_298 : memref<625xi32, #tpu.memory_space<hbm>>) target(%dma_start3A_295 : memref<625xi32, #tpu.memory_space<vmem>>) target_semaphore(%arg10 : memref<!tpu.dma_semaphore, #tpu.memory_space<semaphore_mem>>)
        %add3A_299 = arith.addi %mul3A_21, %add3A_284 : i32
        %dma_start3A_300 = arith.constant 3 : i32
        %dma_start3A_301 = arith.constant 0 : i32
        %dma_start3A_302 = tpu.memref_slice %arg7[%dma_start3A_300, %dma_start3A_301] : memref<4x625xi32, #tpu.memory_space<vmem>> -> memref<1x625xi32, #tpu.memory_space<vmem>>
        %dma_start3A_303 = tpu.memref_squeeze %dma_start3A_302 : memref<1x625xi32, #tpu.memory_space<vmem>> -> memref<625xi32, #tpu.memory_space<vmem>>
        %dma_start3A_304 = arith.constant 0 : i32
        %dma_start3A_305 = tpu.memref_slice %arg4[%add3A_299, %dma_start3A_304] : memref<5120x625xi32, #tpu.memory_space<hbm>> -> memref<1x625xi32, #tpu.memory_space<hbm>>
        %dma_start3A_306 = tpu.memref_squeeze %dma_start3A_305 : memref<1x625xi32, #tpu.memory_space<hbm>> -> memref<625xi32, #tpu.memory_space<hbm>>
        %dma_start3A_307 = arith.constant 0 : i32
        %dma_start3A_308 = tpu.memref_slice %arg7[%dma_start3A_300, %dma_start3A_307] : memref<4x625xi32, #tpu.memory_space<vmem>> -> memref<1x625xi32, #tpu.memory_space<vmem>>
        %dma_start3A_309 = tpu.memref_squeeze %dma_start3A_308 : memref<1x625xi32, #tpu.memory_space<vmem>> -> memref<625xi32, #tpu.memory_space<vmem>>
        %dma_start3A_310 = arith.constant 0 : i32
        %dma_start3A_311 = tpu.memref_slice %arg4[%add3A_299, %dma_start3A_310] : memref<5120x625xi32, #tpu.memory_space<hbm>> -> memref<1x625xi32, #tpu.memory_space<hbm>>
        %dma_start3A_312 = tpu.memref_squeeze %dma_start3A_311 : memref<1x625xi32, #tpu.memory_space<hbm>> -> memref<625xi32, #tpu.memory_space<hbm>>
        tpu.enqueue_dma source(%dma_start3A_312 : memref<625xi32, #tpu.memory_space<hbm>>) target(%dma_start3A_309 : memref<625xi32, #tpu.memory_space<vmem>>) target_semaphore(%arg10 : memref<!tpu.dma_semaphore, #tpu.memory_space<semaphore_mem>>)
      } else {
      }
      %mul3A_223 = arith.constant 4 : i32
      %mul3A_224 = arith.muli %scan3A_165, %mul3A_223 : i32
      %add3A_225 = arith.constant 2 : i32
      %add3A_226 = arith.addi %mul3A_224, %add3A_225 : i32
      %add3A_227 = arith.constant 1 : i32
      %add3A_228 = arith.addi %add3A_226, %add3A_227 : i32
      %lt3A_229 = arith.constant 160 : i32
      %lt3A_230 = arith.cmpi slt, %add3A_228, %lt3A_229 : i32
      %convert_element_type3A_231 = arith.extui %lt3A_230 : i1 to i32
      %cond3A_232 = arith.constant 0 : i32
      %cond3A_233 = arith.cmpi ne, %convert_element_type3A_231, %cond3A_232 : i32
      scf.if %cond3A_233 {
        %dma_wait3A_283 = arith.constant 0 : i32
        %dma_wait3A_284 = arith.constant 3 : i32
        %dma_wait3A_285 = arith.constant 0 : i32
        %dma_wait3A_286 = tpu.memref_slice %arg6[%dma_wait3A_284, %dma_wait3A_285] : memref<4x625xi32, #tpu.memory_space<vmem>> -> memref<1x625xi32, #tpu.memory_space<vmem>>
        %dma_wait3A_287 = tpu.memref_squeeze %dma_wait3A_286 : memref<1x625xi32, #tpu.memory_space<vmem>> -> memref<625xi32, #tpu.memory_space<vmem>>
        %dma_wait3A_288 = arith.constant 0 : i32
        %dma_wait3A_289 = tpu.memref_slice %arg3[%dma_wait3A_283, %dma_wait3A_288] : memref<5120x625xi32, #tpu.memory_space<hbm>> -> memref<1x625xi32, #tpu.memory_space<hbm>>
        %dma_wait3A_290 = tpu.memref_squeeze %dma_wait3A_289 : memref<1x625xi32, #tpu.memory_space<hbm>> -> memref<625xi32, #tpu.memory_space<hbm>>
        %dma_wait3A_291 = arith.constant 0 : i32
        %dma_wait3A_292 = tpu.memref_slice %arg6[%dma_wait3A_284, %dma_wait3A_291] : memref<4x625xi32, #tpu.memory_space<vmem>> -> memref<1x625xi32, #tpu.memory_space<vmem>>
        %dma_wait3A_293 = tpu.memref_squeeze %dma_wait3A_292 : memref<1x625xi32, #tpu.memory_space<vmem>> -> memref<625xi32, #tpu.memory_space<vmem>>
        %dma_wait3A_294 = arith.constant 0 : i32
        %dma_wait3A_295 = tpu.memref_slice %arg3[%dma_wait3A_283, %dma_wait3A_294] : memref<5120x625xi32, #tpu.memory_space<hbm>> -> memref<1x625xi32, #tpu.memory_space<hbm>>
        %dma_wait3A_296 = tpu.memref_squeeze %dma_wait3A_295 : memref<1x625xi32, #tpu.memory_space<hbm>> -> memref<625xi32, #tpu.memory_space<hbm>>
        tpu.wait_dma2 semaphore(%arg10 : memref<!tpu.dma_semaphore, #tpu.memory_space<semaphore_mem>>) src(%dma_wait3A_296 : memref<625xi32, #tpu.memory_space<hbm>>) dst(%dma_wait3A_293 : memref<625xi32, #tpu.memory_space<vmem>>)
        %dma_wait3A_297 = arith.constant 0 : i32
        %dma_wait3A_298 = arith.constant 3 : i32
        %dma_wait3A_299 = arith.constant 0 : i32
        %dma_wait3A_300 = tpu.memref_slice %arg7[%dma_wait3A_298, %dma_wait3A_299] : memref<4x625xi32, #tpu.memory_space<vmem>> -> memref<1x625xi32, #tpu.memory_space<vmem>>
        %dma_wait3A_301 = tpu.memref_squeeze %dma_wait3A_300 : memref<1x625xi32, #tpu.memory_space<vmem>> -> memref<625xi32, #tpu.memory_space<vmem>>
        %dma_wait3A_302 = arith.constant 0 : i32
        %dma_wait3A_303 = tpu.memref_slice %arg4[%dma_wait3A_297, %dma_wait3A_302] : memref<5120x625xi32, #tpu.memory_space<hbm>> -> memref<1x625xi32, #tpu.memory_space<hbm>>
        %dma_wait3A_304 = tpu.memref_squeeze %dma_wait3A_303 : memref<1x625xi32, #tpu.memory_space<hbm>> -> memref<625xi32, #tpu.memory_space<hbm>>
        %dma_wait3A_305 = arith.constant 0 : i32
        %dma_wait3A_306 = tpu.memref_slice %arg7[%dma_wait3A_298, %dma_wait3A_305] : memref<4x625xi32, #tpu.memory_space<vmem>> -> memref<1x625xi32, #tpu.memory_space<vmem>>
        %dma_wait3A_307 = tpu.memref_squeeze %dma_wait3A_306 : memref<1x625xi32, #tpu.memory_space<vmem>> -> memref<625xi32, #tpu.memory_space<vmem>>
        %dma_wait3A_308 = arith.constant 0 : i32
        %dma_wait3A_309 = tpu.memref_slice %arg4[%dma_wait3A_297, %dma_wait3A_308] : memref<5120x625xi32, #tpu.memory_space<hbm>> -> memref<1x625xi32, #tpu.memory_space<hbm>>
        %dma_wait3A_310 = tpu.memref_squeeze %dma_wait3A_309 : memref<1x625xi32, #tpu.memory_space<hbm>> -> memref<625xi32, #tpu.memory_space<hbm>>
        tpu.wait_dma2 semaphore(%arg10 : memref<!tpu.dma_semaphore, #tpu.memory_space<semaphore_mem>>) src(%dma_wait3A_310 : memref<625xi32, #tpu.memory_space<hbm>>) dst(%dma_wait3A_307 : memref<625xi32, #tpu.memory_space<vmem>>)
        %dma_start3A_311 = arith.constant 3 : i32
        %dma_start3A_312 = arith.constant 1 : i32
        %dma_start3A_313 = arith.constant 0 : i32
        %dma_start3A_314 = arith.constant 0 : i32
        %dma_start3A_315 = tpu.memref_slice %arg8[%dma_start3A_312, %dma_start3A_313, %dma_start3A_314] : memref<2x625x16xf32, #tpu.memory_space<vmem>> -> memref<1x625x16xf32, #tpu.memory_space<vmem>>
        %dma_start3A_316 = tpu.memref_squeeze %dma_start3A_315 : memref<1x625x16xf32, #tpu.memory_space<vmem>> -> memref<625x16xf32, #tpu.memory_space<vmem>>
        %dma_start3A_317 = arith.constant 0 : i32
        %dma_start3A_318 = tpu.memref_slice %arg6[%dma_start3A_311, %dma_start3A_317] : memref<4x625xi32, #tpu.memory_space<vmem>> -> memref<1x625xi32, #tpu.memory_space<vmem>>
        %dma_start3A_319 = tpu.memref_squeeze %dma_start3A_318 : memref<1x625xi32, #tpu.memory_space<vmem>> -> memref<625xi32, #tpu.memory_space<vmem>>
        %dma_start3A_320 = arith.constant 0 : i32
        %dma_start3A_321 = arith.constant 0 : i32
        %dma_start3A_322 = tpu.memref_slice %arg2[%dma_start3A_320, %dma_start3A_321] : memref<307200x16xf32, #tpu.memory_space<hbm>> -> memref<307200x16xf32, #tpu.memory_space<hbm>>
        tpu.enqueue_indirect_dma source(%dma_start3A_322 : memref<307200x16xf32, #tpu.memory_space<hbm>>) target(%dma_start3A_316 : memref<625x16xf32, #tpu.memory_space<vmem>>) offsets(%dma_start3A_319 : memref<625xi32, #tpu.memory_space<vmem>>) semaphore(%arg11 : memref<!tpu.dma_semaphore, #tpu.memory_space<semaphore_mem>>)
      } else {
      }
      %dma_wait3A_234 = arith.constant 2 : i32
      %dma_wait3A_235 = arith.constant 0 : i32
      %dma_wait3A_236 = arith.constant 0 : i32
      %dma_wait3A_237 = arith.constant 0 : i32
      %dma_wait3A_238 = tpu.memref_slice %arg8[%dma_wait3A_235, %dma_wait3A_236, %dma_wait3A_237] : memref<2x625x16xf32, #tpu.memory_space<vmem>> -> memref<1x625x16xf32, #tpu.memory_space<vmem>>
      %dma_wait3A_239 = tpu.memref_squeeze %dma_wait3A_238 : memref<1x625x16xf32, #tpu.memory_space<vmem>> -> memref<625x16xf32, #tpu.memory_space<vmem>>
      %dma_wait3A_240 = arith.constant 0 : i32
      %dma_wait3A_241 = tpu.memref_slice %arg6[%dma_wait3A_234, %dma_wait3A_240] : memref<4x625xi32, #tpu.memory_space<vmem>> -> memref<1x625xi32, #tpu.memory_space<vmem>>
      %dma_wait3A_242 = tpu.memref_squeeze %dma_wait3A_241 : memref<1x625xi32, #tpu.memory_space<vmem>> -> memref<625xi32, #tpu.memory_space<vmem>>
      %dma_wait3A_243 = arith.constant 0 : i32
      %dma_wait3A_244 = arith.constant 0 : i32
      %dma_wait3A_245 = tpu.memref_slice %arg2[%dma_wait3A_243, %dma_wait3A_244] : memref<307200x16xf32, #tpu.memory_space<hbm>> -> memref<307200x16xf32, #tpu.memory_space<hbm>>
      tpu.wait_indirect_dma semaphore(%arg11 : memref<!tpu.dma_semaphore, #tpu.memory_space<semaphore_mem>>) src(%dma_wait3A_245 : memref<307200x16xf32, #tpu.memory_space<hbm>>) dst(%dma_wait3A_239 : memref<625x16xf32, #tpu.memory_space<vmem>>)
      %add3A_246 = arith.constant 2 : i32
      %add3A_247 = arith.addi %add3A_226, %add3A_246 : i32
      %lt3A_248 = arith.constant 160 : i32
      %lt3A_249 = arith.cmpi slt, %add3A_247, %lt3A_248 : i32
      %convert_element_type3A_250 = arith.extui %lt3A_249 : i1 to i32
      %cond3A_251 = arith.constant 0 : i32
      %cond3A_252 = arith.cmpi ne, %convert_element_type3A_250, %cond3A_251 : i32
      scf.if %cond3A_252 {
        %add3A_283 = arith.constant 2 : i32
        %add3A_284 = arith.addi %add3A_226, %add3A_283 : i32
        %add3A_285 = arith.addi %mul3A_21, %add3A_284 : i32
        %dma_start3A_286 = arith.constant 0 : i32
        %dma_start3A_287 = arith.constant 0 : i32
        %dma_start3A_288 = tpu.memref_slice %arg6[%dma_start3A_286, %dma_start3A_287] : memref<4x625xi32, #tpu.memory_space<vmem>> -> memref<1x625xi32, #tpu.memory_space<vmem>>
        %dma_start3A_289 = tpu.memref_squeeze %dma_start3A_288 : memref<1x625xi32, #tpu.memory_space<vmem>> -> memref<625xi32, #tpu.memory_space<vmem>>
        %dma_start3A_290 = arith.constant 0 : i32
        %dma_start3A_291 = tpu.memref_slice %arg3[%add3A_285, %dma_start3A_290] : memref<5120x625xi32, #tpu.memory_space<hbm>> -> memref<1x625xi32, #tpu.memory_space<hbm>>
        %dma_start3A_292 = tpu.memref_squeeze %dma_start3A_291 : memref<1x625xi32, #tpu.memory_space<hbm>> -> memref<625xi32, #tpu.memory_space<hbm>>
        %dma_start3A_293 = arith.constant 0 : i32
        %dma_start3A_294 = tpu.memref_slice %arg6[%dma_start3A_286, %dma_start3A_293] : memref<4x625xi32, #tpu.memory_space<vmem>> -> memref<1x625xi32, #tpu.memory_space<vmem>>
        %dma_start3A_295 = tpu.memref_squeeze %dma_start3A_294 : memref<1x625xi32, #tpu.memory_space<vmem>> -> memref<625xi32, #tpu.memory_space<vmem>>
        %dma_start3A_296 = arith.constant 0 : i32
        %dma_start3A_297 = tpu.memref_slice %arg3[%add3A_285, %dma_start3A_296] : memref<5120x625xi32, #tpu.memory_space<hbm>> -> memref<1x625xi32, #tpu.memory_space<hbm>>
        %dma_start3A_298 = tpu.memref_squeeze %dma_start3A_297 : memref<1x625xi32, #tpu.memory_space<hbm>> -> memref<625xi32, #tpu.memory_space<hbm>>
        tpu.enqueue_dma source(%dma_start3A_298 : memref<625xi32, #tpu.memory_space<hbm>>) target(%dma_start3A_295 : memref<625xi32, #tpu.memory_space<vmem>>) target_semaphore(%arg10 : memref<!tpu.dma_semaphore, #tpu.memory_space<semaphore_mem>>)
        %add3A_299 = arith.addi %mul3A_21, %add3A_284 : i32
        %dma_start3A_300 = arith.constant 0 : i32
        %dma_start3A_301 = arith.constant 0 : i32
        %dma_start3A_302 = tpu.memref_slice %arg7[%dma_start3A_300, %dma_start3A_301] : memref<4x625xi32, #tpu.memory_space<vmem>> -> memref<1x625xi32, #tpu.memory_space<vmem>>
        %dma_start3A_303 = tpu.memref_squeeze %dma_start3A_302 : memref<1x625xi32, #tpu.memory_space<vmem>> -> memref<625xi32, #tpu.memory_space<vmem>>
        %dma_start3A_304 = arith.constant 0 : i32
        %dma_start3A_305 = tpu.memref_slice %arg4[%add3A_299, %dma_start3A_304] : memref<5120x625xi32, #tpu.memory_space<hbm>> -> memref<1x625xi32, #tpu.memory_space<hbm>>
        %dma_start3A_306 = tpu.memref_squeeze %dma_start3A_305 : memref<1x625xi32, #tpu.memory_space<hbm>> -> memref<625xi32, #tpu.memory_space<hbm>>
        %dma_start3A_307 = arith.constant 0 : i32
        %dma_start3A_308 = tpu.memref_slice %arg7[%dma_start3A_300, %dma_start3A_307] : memref<4x625xi32, #tpu.memory_space<vmem>> -> memref<1x625xi32, #tpu.memory_space<vmem>>
        %dma_start3A_309 = tpu.memref_squeeze %dma_start3A_308 : memref<1x625xi32, #tpu.memory_space<vmem>> -> memref<625xi32, #tpu.memory_space<vmem>>
        %dma_start3A_310 = arith.constant 0 : i32
        %dma_start3A_311 = tpu.memref_slice %arg4[%add3A_299, %dma_start3A_310] : memref<5120x625xi32, #tpu.memory_space<hbm>> -> memref<1x625xi32, #tpu.memory_space<hbm>>
        %dma_start3A_312 = tpu.memref_squeeze %dma_start3A_311 : memref<1x625xi32, #tpu.memory_space<hbm>> -> memref<625xi32, #tpu.memory_space<hbm>>
        tpu.enqueue_dma source(%dma_start3A_312 : memref<625xi32, #tpu.memory_space<hbm>>) target(%dma_start3A_309 : memref<625xi32, #tpu.memory_space<vmem>>) target_semaphore(%arg10 : memref<!tpu.dma_semaphore, #tpu.memory_space<semaphore_mem>>)
      } else {
      }
      %mul3A_253 = arith.constant 4 : i32
      %mul3A_254 = arith.muli %scan3A_165, %mul3A_253 : i32
      %add3A_255 = arith.constant 3 : i32
      %add3A_256 = arith.addi %mul3A_254, %add3A_255 : i32
      %add3A_257 = arith.constant 1 : i32
      %add3A_258 = arith.addi %add3A_256, %add3A_257 : i32
      %lt3A_259 = arith.constant 160 : i32
      %lt3A_260 = arith.cmpi slt, %add3A_258, %lt3A_259 : i32
      %convert_element_type3A_261 = arith.extui %lt3A_260 : i1 to i32
      %cond3A_262 = arith.constant 0 : i32
      %cond3A_263 = arith.cmpi ne, %convert_element_type3A_261, %cond3A_262 : i32
      scf.if %cond3A_263 {
        %dma_wait3A_283 = arith.constant 0 : i32
        %dma_wait3A_284 = arith.constant 0 : i32
        %dma_wait3A_285 = arith.constant 0 : i32
        %dma_wait3A_286 = tpu.memref_slice %arg6[%dma_wait3A_284, %dma_wait3A_285] : memref<4x625xi32, #tpu.memory_space<vmem>> -> memref<1x625xi32, #tpu.memory_space<vmem>>
        %dma_wait3A_287 = tpu.memref_squeeze %dma_wait3A_286 : memref<1x625xi32, #tpu.memory_space<vmem>> -> memref<625xi32, #tpu.memory_space<vmem>>
        %dma_wait3A_288 = arith.constant 0 : i32
        %dma_wait3A_289 = tpu.memref_slice %arg3[%dma_wait3A_283, %dma_wait3A_288] : memref<5120x625xi32, #tpu.memory_space<hbm>> -> memref<1x625xi32, #tpu.memory_space<hbm>>
        %dma_wait3A_290 = tpu.memref_squeeze %dma_wait3A_289 : memref<1x625xi32, #tpu.memory_space<hbm>> -> memref<625xi32, #tpu.memory_space<hbm>>
        %dma_wait3A_291 = arith.constant 0 : i32
        %dma_wait3A_292 = tpu.memref_slice %arg6[%dma_wait3A_284, %dma_wait3A_291] : memref<4x625xi32, #tpu.memory_space<vmem>> -> memref<1x625xi32, #tpu.memory_space<vmem>>
        %dma_wait3A_293 = tpu.memref_squeeze %dma_wait3A_292 : memref<1x625xi32, #tpu.memory_space<vmem>> -> memref<625xi32, #tpu.memory_space<vmem>>
        %dma_wait3A_294 = arith.constant 0 : i32
        %dma_wait3A_295 = tpu.memref_slice %arg3[%dma_wait3A_283, %dma_wait3A_294] : memref<5120x625xi32, #tpu.memory_space<hbm>> -> memref<1x625xi32, #tpu.memory_space<hbm>>
        %dma_wait3A_296 = tpu.memref_squeeze %dma_wait3A_295 : memref<1x625xi32, #tpu.memory_space<hbm>> -> memref<625xi32, #tpu.memory_space<hbm>>
        tpu.wait_dma2 semaphore(%arg10 : memref<!tpu.dma_semaphore, #tpu.memory_space<semaphore_mem>>) src(%dma_wait3A_296 : memref<625xi32, #tpu.memory_space<hbm>>) dst(%dma_wait3A_293 : memref<625xi32, #tpu.memory_space<vmem>>)
        %dma_wait3A_297 = arith.constant 0 : i32
        %dma_wait3A_298 = arith.constant 0 : i32
        %dma_wait3A_299 = arith.constant 0 : i32
        %dma_wait3A_300 = tpu.memref_slice %arg7[%dma_wait3A_298, %dma_wait3A_299] : memref<4x625xi32, #tpu.memory_space<vmem>> -> memref<1x625xi32, #tpu.memory_space<vmem>>
        %dma_wait3A_301 = tpu.memref_squeeze %dma_wait3A_300 : memref<1x625xi32, #tpu.memory_space<vmem>> -> memref<625xi32, #tpu.memory_space<vmem>>
        %dma_wait3A_302 = arith.constant 0 : i32
        %dma_wait3A_303 = tpu.memref_slice %arg4[%dma_wait3A_297, %dma_wait3A_302] : memref<5120x625xi32, #tpu.memory_space<hbm>> -> memref<1x625xi32, #tpu.memory_space<hbm>>
        %dma_wait3A_304 = tpu.memref_squeeze %dma_wait3A_303 : memref<1x625xi32, #tpu.memory_space<hbm>> -> memref<625xi32, #tpu.memory_space<hbm>>
        %dma_wait3A_305 = arith.constant 0 : i32
        %dma_wait3A_306 = tpu.memref_slice %arg7[%dma_wait3A_298, %dma_wait3A_305] : memref<4x625xi32, #tpu.memory_space<vmem>> -> memref<1x625xi32, #tpu.memory_space<vmem>>
        %dma_wait3A_307 = tpu.memref_squeeze %dma_wait3A_306 : memref<1x625xi32, #tpu.memory_space<vmem>> -> memref<625xi32, #tpu.memory_space<vmem>>
        %dma_wait3A_308 = arith.constant 0 : i32
        %dma_wait3A_309 = tpu.memref_slice %arg4[%dma_wait3A_297, %dma_wait3A_308] : memref<5120x625xi32, #tpu.memory_space<hbm>> -> memref<1x625xi32, #tpu.memory_space<hbm>>
        %dma_wait3A_310 = tpu.memref_squeeze %dma_wait3A_309 : memref<1x625xi32, #tpu.memory_space<hbm>> -> memref<625xi32, #tpu.memory_space<hbm>>
        tpu.wait_dma2 semaphore(%arg10 : memref<!tpu.dma_semaphore, #tpu.memory_space<semaphore_mem>>) src(%dma_wait3A_310 : memref<625xi32, #tpu.memory_space<hbm>>) dst(%dma_wait3A_307 : memref<625xi32, #tpu.memory_space<vmem>>)
        %dma_start3A_311 = arith.constant 0 : i32
        %dma_start3A_312 = arith.constant 0 : i32
        %dma_start3A_313 = arith.constant 0 : i32
        %dma_start3A_314 = arith.constant 0 : i32
        %dma_start3A_315 = tpu.memref_slice %arg8[%dma_start3A_312, %dma_start3A_313, %dma_start3A_314] : memref<2x625x16xf32, #tpu.memory_space<vmem>> -> memref<1x625x16xf32, #tpu.memory_space<vmem>>
        %dma_start3A_316 = tpu.memref_squeeze %dma_start3A_315 : memref<1x625x16xf32, #tpu.memory_space<vmem>> -> memref<625x16xf32, #tpu.memory_space<vmem>>
        %dma_start3A_317 = arith.constant 0 : i32
        %dma_start3A_318 = tpu.memref_slice %arg6[%dma_start3A_311, %dma_start3A_317] : memref<4x625xi32, #tpu.memory_space<vmem>> -> memref<1x625xi32, #tpu.memory_space<vmem>>
        %dma_start3A_319 = tpu.memref_squeeze %dma_start3A_318 : memref<1x625xi32, #tpu.memory_space<vmem>> -> memref<625xi32, #tpu.memory_space<vmem>>
        %dma_start3A_320 = arith.constant 0 : i32
        %dma_start3A_321 = arith.constant 0 : i32
        %dma_start3A_322 = tpu.memref_slice %arg2[%dma_start3A_320, %dma_start3A_321] : memref<307200x16xf32, #tpu.memory_space<hbm>> -> memref<307200x16xf32, #tpu.memory_space<hbm>>
        tpu.enqueue_indirect_dma source(%dma_start3A_322 : memref<307200x16xf32, #tpu.memory_space<hbm>>) target(%dma_start3A_316 : memref<625x16xf32, #tpu.memory_space<vmem>>) offsets(%dma_start3A_319 : memref<625xi32, #tpu.memory_space<vmem>>) semaphore(%arg11 : memref<!tpu.dma_semaphore, #tpu.memory_space<semaphore_mem>>)
      } else {
      }
      %dma_wait3A_264 = arith.constant 3 : i32
      %dma_wait3A_265 = arith.constant 1 : i32
      %dma_wait3A_266 = arith.constant 0 : i32
      %dma_wait3A_267 = arith.constant 0 : i32
      %dma_wait3A_268 = tpu.memref_slice %arg8[%dma_wait3A_265, %dma_wait3A_266, %dma_wait3A_267] : memref<2x625x16xf32, #tpu.memory_space<vmem>> -> memref<1x625x16xf32, #tpu.memory_space<vmem>>
      %dma_wait3A_269 = tpu.memref_squeeze %dma_wait3A_268 : memref<1x625x16xf32, #tpu.memory_space<vmem>> -> memref<625x16xf32, #tpu.memory_space<vmem>>
      %dma_wait3A_270 = arith.constant 0 : i32
      %dma_wait3A_271 = tpu.memref_slice %arg6[%dma_wait3A_264, %dma_wait3A_270] : memref<4x625xi32, #tpu.memory_space<vmem>> -> memref<1x625xi32, #tpu.memory_space<vmem>>
      %dma_wait3A_272 = tpu.memref_squeeze %dma_wait3A_271 : memref<1x625xi32, #tpu.memory_space<vmem>> -> memref<625xi32, #tpu.memory_space<vmem>>
      %dma_wait3A_273 = arith.constant 0 : i32
      %dma_wait3A_274 = arith.constant 0 : i32
      %dma_wait3A_275 = tpu.memref_slice %arg2[%dma_wait3A_273, %dma_wait3A_274] : memref<307200x16xf32, #tpu.memory_space<hbm>> -> memref<307200x16xf32, #tpu.memory_space<hbm>>
      tpu.wait_indirect_dma semaphore(%arg11 : memref<!tpu.dma_semaphore, #tpu.memory_space<semaphore_mem>>) src(%dma_wait3A_275 : memref<307200x16xf32, #tpu.memory_space<hbm>>) dst(%dma_wait3A_269 : memref<625x16xf32, #tpu.memory_space<vmem>>)
      %add3A_276 = arith.constant 2 : i32
      %add3A_277 = arith.addi %add3A_256, %add3A_276 : i32
      %lt3A_278 = arith.constant 160 : i32
      %lt3A_279 = arith.cmpi slt, %add3A_277, %lt3A_278 : i32
      %convert_element_type3A_280 = arith.extui %lt3A_279 : i1 to i32
      %cond3A_281 = arith.constant 0 : i32
      %cond3A_282 = arith.cmpi ne, %convert_element_type3A_280, %cond3A_281 : i32
      scf.if %cond3A_282 {
        %add3A_283 = arith.constant 2 : i32
        %add3A_284 = arith.addi %add3A_256, %add3A_283 : i32
        %add3A_285 = arith.addi %mul3A_21, %add3A_284 : i32
        %dma_start3A_286 = arith.constant 1 : i32
        %dma_start3A_287 = arith.constant 0 : i32
        %dma_start3A_288 = tpu.memref_slice %arg6[%dma_start3A_286, %dma_start3A_287] : memref<4x625xi32, #tpu.memory_space<vmem>> -> memref<1x625xi32, #tpu.memory_space<vmem>>
        %dma_start3A_289 = tpu.memref_squeeze %dma_start3A_288 : memref<1x625xi32, #tpu.memory_space<vmem>> -> memref<625xi32, #tpu.memory_space<vmem>>
        %dma_start3A_290 = arith.constant 0 : i32
        %dma_start3A_291 = tpu.memref_slice %arg3[%add3A_285, %dma_start3A_290] : memref<5120x625xi32, #tpu.memory_space<hbm>> -> memref<1x625xi32, #tpu.memory_space<hbm>>
        %dma_start3A_292 = tpu.memref_squeeze %dma_start3A_291 : memref<1x625xi32, #tpu.memory_space<hbm>> -> memref<625xi32, #tpu.memory_space<hbm>>
        %dma_start3A_293 = arith.constant 0 : i32
        %dma_start3A_294 = tpu.memref_slice %arg6[%dma_start3A_286, %dma_start3A_293] : memref<4x625xi32, #tpu.memory_space<vmem>> -> memref<1x625xi32, #tpu.memory_space<vmem>>
        %dma_start3A_295 = tpu.memref_squeeze %dma_start3A_294 : memref<1x625xi32, #tpu.memory_space<vmem>> -> memref<625xi32, #tpu.memory_space<vmem>>
        %dma_start3A_296 = arith.constant 0 : i32
        %dma_start3A_297 = tpu.memref_slice %arg3[%add3A_285, %dma_start3A_296] : memref<5120x625xi32, #tpu.memory_space<hbm>> -> memref<1x625xi32, #tpu.memory_space<hbm>>
        %dma_start3A_298 = tpu.memref_squeeze %dma_start3A_297 : memref<1x625xi32, #tpu.memory_space<hbm>> -> memref<625xi32, #tpu.memory_space<hbm>>
        tpu.enqueue_dma source(%dma_start3A_298 : memref<625xi32, #tpu.memory_space<hbm>>) target(%dma_start3A_295 : memref<625xi32, #tpu.memory_space<vmem>>) target_semaphore(%arg10 : memref<!tpu.dma_semaphore, #tpu.memory_space<semaphore_mem>>)
        %add3A_299 = arith.addi %mul3A_21, %add3A_284 : i32
        %dma_start3A_300 = arith.constant 1 : i32
        %dma_start3A_301 = arith.constant 0 : i32
        %dma_start3A_302 = tpu.memref_slice %arg7[%dma_start3A_300, %dma_start3A_301] : memref<4x625xi32, #tpu.memory_space<vmem>> -> memref<1x625xi32, #tpu.memory_space<vmem>>
        %dma_start3A_303 = tpu.memref_squeeze %dma_start3A_302 : memref<1x625xi32, #tpu.memory_space<vmem>> -> memref<625xi32, #tpu.memory_space<vmem>>
        %dma_start3A_304 = arith.constant 0 : i32
        %dma_start3A_305 = tpu.memref_slice %arg4[%add3A_299, %dma_start3A_304] : memref<5120x625xi32, #tpu.memory_space<hbm>> -> memref<1x625xi32, #tpu.memory_space<hbm>>
        %dma_start3A_306 = tpu.memref_squeeze %dma_start3A_305 : memref<1x625xi32, #tpu.memory_space<hbm>> -> memref<625xi32, #tpu.memory_space<hbm>>
        %dma_start3A_307 = arith.constant 0 : i32
        %dma_start3A_308 = tpu.memref_slice %arg7[%dma_start3A_300, %dma_start3A_307] : memref<4x625xi32, #tpu.memory_space<vmem>> -> memref<1x625xi32, #tpu.memory_space<vmem>>
        %dma_start3A_309 = tpu.memref_squeeze %dma_start3A_308 : memref<1x625xi32, #tpu.memory_space<vmem>> -> memref<625xi32, #tpu.memory_space<vmem>>
        %dma_start3A_310 = arith.constant 0 : i32
        %dma_start3A_311 = tpu.memref_slice %arg4[%add3A_299, %dma_start3A_310] : memref<5120x625xi32, #tpu.memory_space<hbm>> -> memref<1x625xi32, #tpu.memory_space<hbm>>
        %dma_start3A_312 = tpu.memref_squeeze %dma_start3A_311 : memref<1x625xi32, #tpu.memory_space<hbm>> -> memref<625xi32, #tpu.memory_space<hbm>>
        tpu.enqueue_dma source(%dma_start3A_312 : memref<625xi32, #tpu.memory_space<hbm>>) target(%dma_start3A_309 : memref<625xi32, #tpu.memory_space<vmem>>) target_semaphore(%arg10 : memref<!tpu.dma_semaphore, #tpu.memory_space<semaphore_mem>>)
      } else {
      }
    }
    %scan3A_125 = arith.constant 40 : i32
    %barrier3A_126 = arith.constant 0 : index
    tpu.barrier barrier_id(%barrier3A_126)
    %add3A_127 = arith.constant 0 : i32
    %add3A_128 = arith.addi %mul3A_7, %add3A_127 : i32
    %dma_start3A_129 = arith.constant 0 : i32
    %dma_start3A_130 = arith.constant 0 : i32
    %dma_start3A_131 = arith.constant 0 : i32
    %dma_start3A_132 = tpu.memref_slice %arg8[%dma_start3A_129, %dma_start3A_130, %dma_start3A_131] : memref<2x625x16xf32, #tpu.memory_space<vmem>> -> memref<1x400x16xf32, #tpu.memory_space<vmem>>
    %dma_start3A_133 = tpu.memref_squeeze %dma_start3A_132 : memref<1x400x16xf32, #tpu.memory_space<vmem>> -> memref<400x16xf32, #tpu.memory_space<vmem>>
    %dma_start3A_134 = arith.constant 0 : i32
    %dma_start3A_135 = tpu.memref_slice %arg9[%add3A_128, %dma_start3A_134] : memref<102400x16xf32, #tpu.memory_space<vmem_shared>> -> memref<400x16xf32, #tpu.memory_space<vmem_shared>>
    %dma_start3A_136 = arith.constant 0 : i32
    %dma_start3A_137 = arith.constant 0 : i32
    %dma_start3A_138 = tpu.memref_slice %arg8[%dma_start3A_129, %dma_start3A_136, %dma_start3A_137] : memref<2x625x16xf32, #tpu.memory_space<vmem>> -> memref<1x400x16xf32, #tpu.memory_space<vmem>>
    %dma_start3A_139 = tpu.memref_squeeze %dma_start3A_138 : memref<1x400x16xf32, #tpu.memory_space<vmem>> -> memref<400x16xf32, #tpu.memory_space<vmem>>
    %dma_start3A_140 = arith.constant 0 : i32
    %dma_start3A_141 = tpu.memref_slice %arg9[%add3A_128, %dma_start3A_140] : memref<102400x16xf32, #tpu.memory_space<vmem_shared>> -> memref<400x16xf32, #tpu.memory_space<vmem_shared>>
    tpu.enqueue_dma source(%dma_start3A_141 : memref<400x16xf32, #tpu.memory_space<vmem_shared>>) target(%dma_start3A_139 : memref<400x16xf32, #tpu.memory_space<vmem>>) target_semaphore(%arg13 : memref<!tpu.dma_semaphore, #tpu.memory_space<semaphore_mem>>)
    %scan3A_142 = arith.constant 0 : i32
    %scan3A_143 = arith.constant 0 : i32
    %scan3A_144 = arith.constant 8 : i32
    %scan3A_145 = arith.addi %scan3A_143, %scan3A_144 : i32
    %scan3A_146 = arith.constant 1 : i32
    scf.for %scan3A_165 = %scan3A_143 to %scan3A_145 step %scan3A_146  : i32 {
      %mul3A_166 = arith.constant 2 : i32
      %mul3A_167 = arith.muli %scan3A_165, %mul3A_166 : i32
      %add3A_168 = arith.constant 0 : i32
      %add3A_169 = arith.addi %mul3A_167, %add3A_168 : i32
      %mul3A_170 = arith.constant 400 : i32
      %mul3A_171 = arith.muli %add3A_169, %mul3A_170 : i32
      %add3A_172 = arith.addi %mul3A_7, %mul3A_171 : i32
      %dma_wait3A_173 = arith.constant 0 : i32
      %dma_wait3A_174 = arith.constant 0 : i32
      %dma_wait3A_175 = arith.constant 0 : i32
      %dma_wait3A_176 = tpu.memref_slice %arg8[%dma_wait3A_173, %dma_wait3A_174, %dma_wait3A_175] : memref<2x625x16xf32, #tpu.memory_space<vmem>> -> memref<1x400x16xf32, #tpu.memory_space<vmem>>
      %dma_wait3A_177 = tpu.memref_squeeze %dma_wait3A_176 : memref<1x400x16xf32, #tpu.memory_space<vmem>> -> memref<400x16xf32, #tpu.memory_space<vmem>>
      %dma_wait3A_178 = arith.constant 0 : i32
      %dma_wait3A_179 = tpu.memref_slice %arg9[%add3A_172, %dma_wait3A_178] : memref<102400x16xf32, #tpu.memory_space<vmem_shared>> -> memref<400x16xf32, #tpu.memory_space<vmem_shared>>
      %dma_wait3A_180 = arith.constant 0 : i32
      %dma_wait3A_181 = arith.constant 0 : i32
      %dma_wait3A_182 = tpu.memref_slice %arg8[%dma_wait3A_173, %dma_wait3A_180, %dma_wait3A_181] : memref<2x625x16xf32, #tpu.memory_space<vmem>> -> memref<1x400x16xf32, #tpu.memory_space<vmem>>
      %dma_wait3A_183 = tpu.memref_squeeze %dma_wait3A_182 : memref<1x400x16xf32, #tpu.memory_space<vmem>> -> memref<400x16xf32, #tpu.memory_space<vmem>>
      %dma_wait3A_184 = arith.constant 0 : i32
      %dma_wait3A_185 = tpu.memref_slice %arg9[%add3A_172, %dma_wait3A_184] : memref<102400x16xf32, #tpu.memory_space<vmem_shared>> -> memref<400x16xf32, #tpu.memory_space<vmem_shared>>
      tpu.wait_dma2 semaphore(%arg13 : memref<!tpu.dma_semaphore, #tpu.memory_space<semaphore_mem>>) src(%dma_wait3A_185 : memref<400x16xf32, #tpu.memory_space<vmem_shared>>) dst(%dma_wait3A_183 : memref<400x16xf32, #tpu.memory_space<vmem>>)
      %mul3A_186 = arith.constant 400 : i32
      %mul3A_187 = arith.muli %add3A_169, %mul3A_186 : i32
      %add3A_188 = arith.addi %mul3A_7, %mul3A_187 : i32
      %dma_start3A_189 = arith.constant 0 : i32
      %dma_start3A_190 = arith.constant 0 : i32
      %dma_start3A_191 = arith.constant 0 : i32
      %dma_start3A_192 = tpu.memref_slice %arg8[%dma_start3A_189, %dma_start3A_190, %dma_start3A_191] : memref<2x625x16xf32, #tpu.memory_space<vmem>> -> memref<1x400x16xf32, #tpu.memory_space<vmem>>
      %dma_start3A_193 = tpu.memref_squeeze %dma_start3A_192 : memref<1x400x16xf32, #tpu.memory_space<vmem>> -> memref<400x16xf32, #tpu.memory_space<vmem>>
      %dma_start3A_194 = arith.constant 0 : i32
      %dma_start3A_195 = tpu.memref_slice %arg5[%arg0, %add3A_188, %dma_start3A_194] : memref<2x102400x16xf32, #tpu.memory_space<hbm>> -> memref<1x400x16xf32, #tpu.memory_space<hbm>>
      %dma_start3A_196 = tpu.memref_squeeze %dma_start3A_195 : memref<1x400x16xf32, #tpu.memory_space<hbm>> -> memref<400x16xf32, #tpu.memory_space<hbm>>
      %dma_start3A_197 = arith.constant 0 : i32
      %dma_start3A_198 = tpu.memref_slice %arg5[%arg0, %add3A_188, %dma_start3A_197] : memref<2x102400x16xf32, #tpu.memory_space<hbm>> -> memref<1x400x16xf32, #tpu.memory_space<hbm>>
      %dma_start3A_199 = tpu.memref_squeeze %dma_start3A_198 : memref<1x400x16xf32, #tpu.memory_space<hbm>> -> memref<400x16xf32, #tpu.memory_space<hbm>>
      %dma_start3A_200 = arith.constant 0 : i32
      %dma_start3A_201 = arith.constant 0 : i32
      %dma_start3A_202 = tpu.memref_slice %arg8[%dma_start3A_189, %dma_start3A_200, %dma_start3A_201] : memref<2x625x16xf32, #tpu.memory_space<vmem>> -> memref<1x400x16xf32, #tpu.memory_space<vmem>>
      %dma_start3A_203 = tpu.memref_squeeze %dma_start3A_202 : memref<1x400x16xf32, #tpu.memory_space<vmem>> -> memref<400x16xf32, #tpu.memory_space<vmem>>
      tpu.enqueue_dma source(%dma_start3A_203 : memref<400x16xf32, #tpu.memory_space<vmem>>) target(%dma_start3A_199 : memref<400x16xf32, #tpu.memory_space<hbm>>) target_semaphore(%arg11 : memref<!tpu.dma_semaphore, #tpu.memory_space<semaphore_mem>>)
      %ge3A = arith.constant 1 : i32
      %ge3A_204 = arith.cmpi sge, %add3A_169, %ge3A : i32
      %convert_element_type3A = arith.extui %ge3A_204 : i1 to i32
      %cond3A = arith.constant 0 : i32
      %cond3A_205 = arith.cmpi ne, %convert_element_type3A, %cond3A : i32
      scf.if %cond3A_205 {
        %sub3A = arith.constant 1 : i32
        %sub3A_262 = arith.subi %add3A_169, %sub3A : i32
        %mul3A_263 = arith.constant 400 : i32
        %mul3A_264 = arith.muli %sub3A_262, %mul3A_263 : i32
        %add3A_265 = arith.addi %mul3A_7, %mul3A_264 : i32
        %dma_wait3A_266 = arith.constant 1 : i32
        %dma_wait3A_267 = arith.constant 0 : i32
        %dma_wait3A_268 = arith.constant 0 : i32
        %dma_wait3A_269 = tpu.memref_slice %arg8[%dma_wait3A_266, %dma_wait3A_267, %dma_wait3A_268] : memref<2x625x16xf32, #tpu.memory_space<vmem>> -> memref<1x400x16xf32, #tpu.memory_space<vmem>>
        %dma_wait3A_270 = tpu.memref_squeeze %dma_wait3A_269 : memref<1x400x16xf32, #tpu.memory_space<vmem>> -> memref<400x16xf32, #tpu.memory_space<vmem>>
        %dma_wait3A_271 = arith.constant 0 : i32
        %dma_wait3A_272 = tpu.memref_slice %arg5[%arg0, %add3A_265, %dma_wait3A_271] : memref<2x102400x16xf32, #tpu.memory_space<hbm>> -> memref<1x400x16xf32, #tpu.memory_space<hbm>>
        %dma_wait3A_273 = tpu.memref_squeeze %dma_wait3A_272 : memref<1x400x16xf32, #tpu.memory_space<hbm>> -> memref<400x16xf32, #tpu.memory_space<hbm>>
        %dma_wait3A_274 = arith.constant 0 : i32
        %dma_wait3A_275 = tpu.memref_slice %arg5[%arg0, %add3A_265, %dma_wait3A_274] : memref<2x102400x16xf32, #tpu.memory_space<hbm>> -> memref<1x400x16xf32, #tpu.memory_space<hbm>>
        %dma_wait3A_276 = tpu.memref_squeeze %dma_wait3A_275 : memref<1x400x16xf32, #tpu.memory_space<hbm>> -> memref<400x16xf32, #tpu.memory_space<hbm>>
        %dma_wait3A_277 = arith.constant 0 : i32
        %dma_wait3A_278 = arith.constant 0 : i32
        %dma_wait3A_279 = tpu.memref_slice %arg8[%dma_wait3A_266, %dma_wait3A_277, %dma_wait3A_278] : memref<2x625x16xf32, #tpu.memory_space<vmem>> -> memref<1x400x16xf32, #tpu.memory_space<vmem>>
        %dma_wait3A_280 = tpu.memref_squeeze %dma_wait3A_279 : memref<1x400x16xf32, #tpu.memory_space<vmem>> -> memref<400x16xf32, #tpu.memory_space<vmem>>
        tpu.wait_dma2 semaphore(%arg11 : memref<!tpu.dma_semaphore, #tpu.memory_space<semaphore_mem>>) src(%dma_wait3A_280 : memref<400x16xf32, #tpu.memory_space<vmem>>) dst(%dma_wait3A_276 : memref<400x16xf32, #tpu.memory_space<hbm>>)
      } else {
      }
      %add3A_206 = arith.constant 1 : i32
      %add3A_207 = arith.addi %add3A_169, %add3A_206 : i32
      %lt3A = arith.constant 16 : i32
      %lt3A_208 = arith.cmpi slt, %add3A_207, %lt3A : i32
      %convert_element_type3A_209 = arith.extui %lt3A_208 : i1 to i32
      %cond3A_210 = arith.constant 0 : i32
      %cond3A_211 = arith.cmpi ne, %convert_element_type3A_209, %cond3A_210 : i32
      scf.if %cond3A_211 {
        %add3A_262 = arith.constant 1 : i32
        %add3A_263 = arith.addi %add3A_169, %add3A_262 : i32
        %mul3A_264 = arith.constant 400 : i32
        %mul3A_265 = arith.muli %add3A_263, %mul3A_264 : i32
        %add3A_266 = arith.addi %mul3A_7, %mul3A_265 : i32
        %dma_start3A_267 = arith.constant 1 : i32
        %dma_start3A_268 = arith.constant 0 : i32
        %dma_start3A_269 = arith.constant 0 : i32
        %dma_start3A_270 = tpu.memref_slice %arg8[%dma_start3A_267, %dma_start3A_268, %dma_start3A_269] : memref<2x625x16xf32, #tpu.memory_space<vmem>> -> memref<1x400x16xf32, #tpu.memory_space<vmem>>
        %dma_start3A_271 = tpu.memref_squeeze %dma_start3A_270 : memref<1x400x16xf32, #tpu.memory_space<vmem>> -> memref<400x16xf32, #tpu.memory_space<vmem>>
        %dma_start3A_272 = arith.constant 0 : i32
        %dma_start3A_273 = tpu.memref_slice %arg9[%add3A_266, %dma_start3A_272] : memref<102400x16xf32, #tpu.memory_space<vmem_shared>> -> memref<400x16xf32, #tpu.memory_space<vmem_shared>>
        %dma_start3A_274 = arith.constant 0 : i32
        %dma_start3A_275 = arith.constant 0 : i32
        %dma_start3A_276 = tpu.memref_slice %arg8[%dma_start3A_267, %dma_start3A_274, %dma_start3A_275] : memref<2x625x16xf32, #tpu.memory_space<vmem>> -> memref<1x400x16xf32, #tpu.memory_space<vmem>>
        %dma_start3A_277 = tpu.memref_squeeze %dma_start3A_276 : memref<1x400x16xf32, #tpu.memory_space<vmem>> -> memref<400x16xf32, #tpu.memory_space<vmem>>
        %dma_start3A_278 = arith.constant 0 : i32
        %dma_start3A_279 = tpu.memref_slice %arg9[%add3A_266, %dma_start3A_278] : memref<102400x16xf32, #tpu.memory_space<vmem_shared>> -> memref<400x16xf32, #tpu.memory_space<vmem_shared>>
        tpu.enqueue_dma source(%dma_start3A_279 : memref<400x16xf32, #tpu.memory_space<vmem_shared>>) target(%dma_start3A_277 : memref<400x16xf32, #tpu.memory_space<vmem>>) target_semaphore(%arg13 : memref<!tpu.dma_semaphore, #tpu.memory_space<semaphore_mem>>)
      } else {
      }
      %mul3A_212 = arith.constant 2 : i32
      %mul3A_213 = arith.muli %scan3A_165, %mul3A_212 : i32
      %add3A_214 = arith.constant 1 : i32
      %add3A_215 = arith.addi %mul3A_213, %add3A_214 : i32
      %mul3A_216 = arith.constant 400 : i32
      %mul3A_217 = arith.muli %add3A_215, %mul3A_216 : i32
      %add3A_218 = arith.addi %mul3A_7, %mul3A_217 : i32
      %dma_wait3A_219 = arith.constant 1 : i32
      %dma_wait3A_220 = arith.constant 0 : i32
      %dma_wait3A_221 = arith.constant 0 : i32
      %dma_wait3A_222 = tpu.memref_slice %arg8[%dma_wait3A_219, %dma_wait3A_220, %dma_wait3A_221] : memref<2x625x16xf32, #tpu.memory_space<vmem>> -> memref<1x400x16xf32, #tpu.memory_space<vmem>>
      %dma_wait3A_223 = tpu.memref_squeeze %dma_wait3A_222 : memref<1x400x16xf32, #tpu.memory_space<vmem>> -> memref<400x16xf32, #tpu.memory_space<vmem>>
      %dma_wait3A_224 = arith.constant 0 : i32
      %dma_wait3A_225 = tpu.memref_slice %arg9[%add3A_218, %dma_wait3A_224] : memref<102400x16xf32, #tpu.memory_space<vmem_shared>> -> memref<400x16xf32, #tpu.memory_space<vmem_shared>>
      %dma_wait3A_226 = arith.constant 0 : i32
      %dma_wait3A_227 = arith.constant 0 : i32
      %dma_wait3A_228 = tpu.memref_slice %arg8[%dma_wait3A_219, %dma_wait3A_226, %dma_wait3A_227] : memref<2x625x16xf32, #tpu.memory_space<vmem>> -> memref<1x400x16xf32, #tpu.memory_space<vmem>>
      %dma_wait3A_229 = tpu.memref_squeeze %dma_wait3A_228 : memref<1x400x16xf32, #tpu.memory_space<vmem>> -> memref<400x16xf32, #tpu.memory_space<vmem>>
      %dma_wait3A_230 = arith.constant 0 : i32
      %dma_wait3A_231 = tpu.memref_slice %arg9[%add3A_218, %dma_wait3A_230] : memref<102400x16xf32, #tpu.memory_space<vmem_shared>> -> memref<400x16xf32, #tpu.memory_space<vmem_shared>>
      tpu.wait_dma2 semaphore(%arg13 : memref<!tpu.dma_semaphore, #tpu.memory_space<semaphore_mem>>) src(%dma_wait3A_231 : memref<400x16xf32, #tpu.memory_space<vmem_shared>>) dst(%dma_wait3A_229 : memref<400x16xf32, #tpu.memory_space<vmem>>)
      %mul3A_232 = arith.constant 400 : i32
      %mul3A_233 = arith.muli %add3A_215, %mul3A_232 : i32
      %add3A_234 = arith.addi %mul3A_7, %mul3A_233 : i32
      %dma_start3A_235 = arith.constant 1 : i32
      %dma_start3A_236 = arith.constant 0 : i32
      %dma_start3A_237 = arith.constant 0 : i32
      %dma_start3A_238 = tpu.memref_slice %arg8[%dma_start3A_235, %dma_start3A_236, %dma_start3A_237] : memref<2x625x16xf32, #tpu.memory_space<vmem>> -> memref<1x400x16xf32, #tpu.memory_space<vmem>>
      %dma_start3A_239 = tpu.memref_squeeze %dma_start3A_238 : memref<1x400x16xf32, #tpu.memory_space<vmem>> -> memref<400x16xf32, #tpu.memory_space<vmem>>
      %dma_start3A_240 = arith.constant 0 : i32
      %dma_start3A_241 = tpu.memref_slice %arg5[%arg0, %add3A_234, %dma_start3A_240] : memref<2x102400x16xf32, #tpu.memory_space<hbm>> -> memref<1x400x16xf32, #tpu.memory_space<hbm>>
      %dma_start3A_242 = tpu.memref_squeeze %dma_start3A_241 : memref<1x400x16xf32, #tpu.memory_space<hbm>> -> memref<400x16xf32, #tpu.memory_space<hbm>>
      %dma_start3A_243 = arith.constant 0 : i32
      %dma_start3A_244 = tpu.memref_slice %arg5[%arg0, %add3A_234, %dma_start3A_243] : memref<2x102400x16xf32, #tpu.memory_space<hbm>> -> memref<1x400x16xf32, #tpu.memory_space<hbm>>
      %dma_start3A_245 = tpu.memref_squeeze %dma_start3A_244 : memref<1x400x16xf32, #tpu.memory_space<hbm>> -> memref<400x16xf32, #tpu.memory_space<hbm>>
      %dma_start3A_246 = arith.constant 0 : i32
      %dma_start3A_247 = arith.constant 0 : i32
      %dma_start3A_248 = tpu.memref_slice %arg8[%dma_start3A_235, %dma_start3A_246, %dma_start3A_247] : memref<2x625x16xf32, #tpu.memory_space<vmem>> -> memref<1x400x16xf32, #tpu.memory_space<vmem>>
      %dma_start3A_249 = tpu.memref_squeeze %dma_start3A_248 : memref<1x400x16xf32, #tpu.memory_space<vmem>> -> memref<400x16xf32, #tpu.memory_space<vmem>>
      tpu.enqueue_dma source(%dma_start3A_249 : memref<400x16xf32, #tpu.memory_space<vmem>>) target(%dma_start3A_245 : memref<400x16xf32, #tpu.memory_space<hbm>>) target_semaphore(%arg11 : memref<!tpu.dma_semaphore, #tpu.memory_space<semaphore_mem>>)
      %ge3A_250 = arith.constant 1 : i32
      %ge3A_251 = arith.cmpi sge, %add3A_215, %ge3A_250 : i32
      %convert_element_type3A_252 = arith.extui %ge3A_251 : i1 to i32
      %cond3A_253 = arith.constant 0 : i32
      %cond3A_254 = arith.cmpi ne, %convert_element_type3A_252, %cond3A_253 : i32
      scf.if %cond3A_254 {
        %sub3A = arith.constant 1 : i32
        %sub3A_262 = arith.subi %add3A_215, %sub3A : i32
        %mul3A_263 = arith.constant 400 : i32
        %mul3A_264 = arith.muli %sub3A_262, %mul3A_263 : i32
        %add3A_265 = arith.addi %mul3A_7, %mul3A_264 : i32
        %dma_wait3A_266 = arith.constant 0 : i32
        %dma_wait3A_267 = arith.constant 0 : i32
        %dma_wait3A_268 = arith.constant 0 : i32
        %dma_wait3A_269 = tpu.memref_slice %arg8[%dma_wait3A_266, %dma_wait3A_267, %dma_wait3A_268] : memref<2x625x16xf32, #tpu.memory_space<vmem>> -> memref<1x400x16xf32, #tpu.memory_space<vmem>>
        %dma_wait3A_270 = tpu.memref_squeeze %dma_wait3A_269 : memref<1x400x16xf32, #tpu.memory_space<vmem>> -> memref<400x16xf32, #tpu.memory_space<vmem>>
        %dma_wait3A_271 = arith.constant 0 : i32
        %dma_wait3A_272 = tpu.memref_slice %arg5[%arg0, %add3A_265, %dma_wait3A_271] : memref<2x102400x16xf32, #tpu.memory_space<hbm>> -> memref<1x400x16xf32, #tpu.memory_space<hbm>>
        %dma_wait3A_273 = tpu.memref_squeeze %dma_wait3A_272 : memref<1x400x16xf32, #tpu.memory_space<hbm>> -> memref<400x16xf32, #tpu.memory_space<hbm>>
        %dma_wait3A_274 = arith.constant 0 : i32
        %dma_wait3A_275 = tpu.memref_slice %arg5[%arg0, %add3A_265, %dma_wait3A_274] : memref<2x102400x16xf32, #tpu.memory_space<hbm>> -> memref<1x400x16xf32, #tpu.memory_space<hbm>>
        %dma_wait3A_276 = tpu.memref_squeeze %dma_wait3A_275 : memref<1x400x16xf32, #tpu.memory_space<hbm>> -> memref<400x16xf32, #tpu.memory_space<hbm>>
        %dma_wait3A_277 = arith.constant 0 : i32
        %dma_wait3A_278 = arith.constant 0 : i32
        %dma_wait3A_279 = tpu.memref_slice %arg8[%dma_wait3A_266, %dma_wait3A_277, %dma_wait3A_278] : memref<2x625x16xf32, #tpu.memory_space<vmem>> -> memref<1x400x16xf32, #tpu.memory_space<vmem>>
        %dma_wait3A_280 = tpu.memref_squeeze %dma_wait3A_279 : memref<1x400x16xf32, #tpu.memory_space<vmem>> -> memref<400x16xf32, #tpu.memory_space<vmem>>
        tpu.wait_dma2 semaphore(%arg11 : memref<!tpu.dma_semaphore, #tpu.memory_space<semaphore_mem>>) src(%dma_wait3A_280 : memref<400x16xf32, #tpu.memory_space<vmem>>) dst(%dma_wait3A_276 : memref<400x16xf32, #tpu.memory_space<hbm>>)
      } else {
      }
      %add3A_255 = arith.constant 1 : i32
      %add3A_256 = arith.addi %add3A_215, %add3A_255 : i32
      %lt3A_257 = arith.constant 16 : i32
      %lt3A_258 = arith.cmpi slt, %add3A_256, %lt3A_257 : i32
      %convert_element_type3A_259 = arith.extui %lt3A_258 : i1 to i32
      %cond3A_260 = arith.constant 0 : i32
      %cond3A_261 = arith.cmpi ne, %convert_element_type3A_259, %cond3A_260 : i32
      scf.if %cond3A_261 {
        %add3A_262 = arith.constant 1 : i32
        %add3A_263 = arith.addi %add3A_215, %add3A_262 : i32
        %mul3A_264 = arith.constant 400 : i32
        %mul3A_265 = arith.muli %add3A_263, %mul3A_264 : i32
        %add3A_266 = arith.addi %mul3A_7, %mul3A_265 : i32
        %dma_start3A_267 = arith.constant 0 : i32
        %dma_start3A_268 = arith.constant 0 : i32
        %dma_start3A_269 = arith.constant 0 : i32
        %dma_start3A_270 = tpu.memref_slice %arg8[%dma_start3A_267, %dma_start3A_268, %dma_start3A_269] : memref<2x625x16xf32, #tpu.memory_space<vmem>> -> memref<1x400x16xf32, #tpu.memory_space<vmem>>
        %dma_start3A_271 = tpu.memref_squeeze %dma_start3A_270 : memref<1x400x16xf32, #tpu.memory_space<vmem>> -> memref<400x16xf32, #tpu.memory_space<vmem>>
        %dma_start3A_272 = arith.constant 0 : i32
        %dma_start3A_273 = tpu.memref_slice %arg9[%add3A_266, %dma_start3A_272] : memref<102400x16xf32, #tpu.memory_space<vmem_shared>> -> memref<400x16xf32, #tpu.memory_space<vmem_shared>>
        %dma_start3A_274 = arith.constant 0 : i32
        %dma_start3A_275 = arith.constant 0 : i32
        %dma_start3A_276 = tpu.memref_slice %arg8[%dma_start3A_267, %dma_start3A_274, %dma_start3A_275] : memref<2x625x16xf32, #tpu.memory_space<vmem>> -> memref<1x400x16xf32, #tpu.memory_space<vmem>>
        %dma_start3A_277 = tpu.memref_squeeze %dma_start3A_276 : memref<1x400x16xf32, #tpu.memory_space<vmem>> -> memref<400x16xf32, #tpu.memory_space<vmem>>
        %dma_start3A_278 = arith.constant 0 : i32
        %dma_start3A_279 = tpu.memref_slice %arg9[%add3A_266, %dma_start3A_278] : memref<102400x16xf32, #tpu.memory_space<vmem_shared>> -> memref<400x16xf32, #tpu.memory_space<vmem_shared>>
        tpu.enqueue_dma source(%dma_start3A_279 : memref<400x16xf32, #tpu.memory_space<vmem_shared>>) target(%dma_start3A_277 : memref<400x16xf32, #tpu.memory_space<vmem>>) target_semaphore(%arg13 : memref<!tpu.dma_semaphore, #tpu.memory_space<semaphore_mem>>)
      } else {
      }
    }
    %scan3A_147 = arith.constant 8 : i32
    %add3A_148 = arith.constant 6000 : i32
    %add3A_149 = arith.addi %mul3A_7, %add3A_148 : i32
    %dma_wait3A_150 = arith.constant 1 : i32
    %dma_wait3A_151 = arith.constant 0 : i32
    %dma_wait3A_152 = arith.constant 0 : i32
    %dma_wait3A_153 = tpu.memref_slice %arg8[%dma_wait3A_150, %dma_wait3A_151, %dma_wait3A_152] : memref<2x625x16xf32, #tpu.memory_space<vmem>> -> memref<1x400x16xf32, #tpu.memory_space<vmem>>
    %dma_wait3A_154 = tpu.memref_squeeze %dma_wait3A_153 : memref<1x400x16xf32, #tpu.memory_space<vmem>> -> memref<400x16xf32, #tpu.memory_space<vmem>>
    %dma_wait3A_155 = arith.constant 0 : i32
    %dma_wait3A_156 = tpu.memref_slice %arg5[%arg0, %add3A_149, %dma_wait3A_155] : memref<2x102400x16xf32, #tpu.memory_space<hbm>> -> memref<1x400x16xf32, #tpu.memory_space<hbm>>
    %dma_wait3A_157 = tpu.memref_squeeze %dma_wait3A_156 : memref<1x400x16xf32, #tpu.memory_space<hbm>> -> memref<400x16xf32, #tpu.memory_space<hbm>>
    %dma_wait3A_158 = arith.constant 0 : i32
    %dma_wait3A_159 = tpu.memref_slice %arg5[%arg0, %add3A_149, %dma_wait3A_158] : memref<2x102400x16xf32, #tpu.memory_space<hbm>> -> memref<1x400x16xf32, #tpu.memory_space<hbm>>
    %dma_wait3A_160 = tpu.memref_squeeze %dma_wait3A_159 : memref<1x400x16xf32, #tpu.memory_space<hbm>> -> memref<400x16xf32, #tpu.memory_space<hbm>>
    %dma_wait3A_161 = arith.constant 0 : i32
    %dma_wait3A_162 = arith.constant 0 : i32
    %dma_wait3A_163 = tpu.memref_slice %arg8[%dma_wait3A_150, %dma_wait3A_161, %dma_wait3A_162] : memref<2x625x16xf32, #tpu.memory_space<vmem>> -> memref<1x400x16xf32, #tpu.memory_space<vmem>>
    %dma_wait3A_164 = tpu.memref_squeeze %dma_wait3A_163 : memref<1x400x16xf32, #tpu.memory_space<vmem>> -> memref<400x16xf32, #tpu.memory_space<vmem>>
    tpu.wait_dma2 semaphore(%arg11 : memref<!tpu.dma_semaphore, #tpu.memory_space<semaphore_mem>>) src(%dma_wait3A_164 : memref<400x16xf32, #tpu.memory_space<vmem>>) dst(%dma_wait3A_160 : memref<400x16xf32, #tpu.memory_space<hbm>>)
    return
  }
}

module attributes {stable_mosaic.version = 14 : i64} {
  func.func @_eprep_body(%arg0: i32, %arg1: memref<2x640000xi32, #tpu.memory_space<vmem>>, %arg2: memref<640000xi32, #tpu.memory_space<vmem>>, %arg3: memref<640000xi32, #tpu.memory_space<vmem>>, %arg4: memref<640000xi32, #tpu.memory_space<vmem>>) attributes {dimension_semantics = [#tpu.dimension_semantics<arbitrary>], iteration_bounds = array<i64: 5>, scalar_prefetch = 0 : i64, scratch_operands = 0 : i64, tpu.core_type = #tpu.core_type<tc>, window_params = [{transform_indices = @transform_0, window_bounds = array<i64: 2, 640000>}, {transform_indices = @transform_1, window_bounds = array<i64: 640000>}, {transform_indices = @transform_2, window_bounds = array<i64: 640000>}, {transform_indices = @transform_3, window_bounds = array<i64: 640000>}]} {
    %get3A = arith.constant 0 : index
    %get3A_0 = arith.constant 0 : index
    %get3A_1 = vector.load %arg1[%get3A, %get3A_0] : memref<2x640000xi32, #tpu.memory_space<vmem>>, vector<1x640000xi32>
    %get3A_2 = vector.shape_cast %get3A_1 : vector<1x640000xi32> to vector<640000xi32>
    %get3A_3 = arith.constant 1 : index
    %get3A_4 = arith.constant 0 : index
    %get3A_5 = vector.load %arg1[%get3A_3, %get3A_4] : memref<2x640000xi32, #tpu.memory_space<vmem>>, vector<1x640000xi32>
    %get3A_6 = vector.shape_cast %get3A_5 : vector<1x640000xi32> to vector<640000xi32>
    %get3A_7 = arith.constant 0 : index
    %get3A_8 = vector.load %arg2[%get3A_7] : memref<640000xi32, #tpu.memory_space<vmem>>, vector<640000xi32>
    %mul3A = arith.constant 102400 : i32
    %mul3A_9 = vector.broadcast %mul3A : i32 to vector<640000xi32>
    %mul3A_10 = arith.muli %get3A_8, %mul3A_9 : vector<640000xi32>
    %add3A = arith.addi %mul3A_10, %get3A_2 : vector<640000xi32>
    %swap3A = arith.constant 0 : index
    %swap3A_11 = vector.load %arg3[%swap3A] : memref<640000xi32, #tpu.memory_space<vmem>>, vector<640000xi32>
    tpu.vector_store %arg3[%swap3A], %add3A {strides = array<i32>} : memref<640000xi32, #tpu.memory_space<vmem>>, vector<640000xi32>,
    %swap3A_12 = arith.constant 0 : index
    %swap3A_13 = vector.load %arg4[%swap3A_12] : memref<640000xi32, #tpu.memory_space<vmem>>, vector<640000xi32>
    tpu.vector_store %arg4[%swap3A_12], %get3A_6 {strides = array<i32>} : memref<640000xi32, #tpu.memory_space<vmem>>, vector<640000xi32>,
    return
  }
  func.func @transform_0(%arg0: i32) -> (i32, i32) {
    %c0_i32 = arith.constant 0 : i32
    %c0_i32_0 = arith.constant 0 : i32
    return %c0_i32, %arg0 : i32, i32
  }
  func.func @transform_1(%arg0: i32) -> i32 {
    %c0_i32 = arith.constant 0 : i32
    return %arg0 : i32
  }
  func.func @transform_2(%arg0: i32) -> i32 {
    %c0_i32 = arith.constant 0 : i32
    return %arg0 : i32
  }
  func.func @transform_3(%arg0: i32) -> i32 {
    %c0_i32 = arith.constant 0 : i32
    return %arg0 : i32
  }
}

module attributes {stable_mosaic.version = 14 : i64} {
  func.func @_prep_body(%arg0: i32, %arg1: memref<1600x128xf32, #tpu.memory_space<vmem>>, %arg2: memref<3x128xf32, #tpu.memory_space<vmem>>, %arg3: memref<3x1600x128xf32, #tpu.memory_space<vmem>>) attributes {dimension_semantics = [#tpu.dimension_semantics<arbitrary>], iteration_bounds = array<i64: 8>, scalar_prefetch = 0 : i64, scratch_operands = 0 : i64, tpu.core_type = #tpu.core_type<tc>, window_params = [{transform_indices = @transform_0, window_bounds = array<i64: 1600, 128>}, {pipeline_mode = #tpu.pipeline_mode<synchronous>, transform_indices = @transform_1, window_bounds = array<i64: 3, 128>}, {transform_indices = @transform_2, window_bounds = array<i64: 3, 1600, 128>}]} {
    %get3A = arith.constant 0 : index
    %get3A_0 = arith.constant 0 : index
    %get3A_1 = vector.load %arg1[%get3A, %get3A_0] : memref<1600x128xf32, #tpu.memory_space<vmem>>, vector<1600x128xf32>
    %get3A_2 = arith.constant 0 : index
    %get3A_3 = arith.constant 0 : index
    %get3A_4 = vector.load %arg2[%get3A_2, %get3A_3] : memref<3x128xf32, #tpu.memory_space<vmem>>, vector<1x128xf32>
    %get3A_5 = vector.shape_cast %get3A_4 : vector<1x128xf32> to vector<128xf32>
    %broadcast_in_dim3A = vector.shape_cast %get3A_5 : vector<128xf32> to vector<1x128xf32>
    %add3A = vector.broadcast %broadcast_in_dim3A : vector<1x128xf32> to vector<1600x128xf32>
    %add3A_6 = arith.addf %get3A_1, %add3A : vector<1600x128xf32>
    %max3A = arith.constant 0.000000e+00 : f32
    %max3A_7 = vector.broadcast %max3A : f32 to vector<1600x128xf32>
    %max3A_8 = arith.maximumf %add3A_6, %max3A_7 : vector<1600x128xf32>
    %swap3A = arith.constant 0 : index
    %swap3A_9 = arith.constant 0 : index
    %swap3A_10 = arith.constant 0 : index
    %swap3A_11 = vector.load %arg3[%swap3A, %swap3A_9, %swap3A_10] : memref<3x1600x128xf32, #tpu.memory_space<vmem>>, vector<1x1600x128xf32>
    %swap3A_12 = vector.shape_cast %swap3A_11 : vector<1x1600x128xf32> to vector<1600x128xf32>
    %swap3A_13 = vector.shape_cast %max3A_8 : vector<1600x128xf32> to vector<1x1600x128xf32>
    tpu.vector_store %arg3[%swap3A, %swap3A_9, %swap3A_10], %swap3A_13 {strides = array<i32>} : memref<3x1600x128xf32, #tpu.memory_space<vmem>>, vector<1x1600x128xf32>,
    %get3A_14 = arith.constant 1 : index
    %get3A_15 = arith.constant 0 : index
    %get3A_16 = vector.load %arg2[%get3A_14, %get3A_15] : memref<3x128xf32, #tpu.memory_space<vmem>>, vector<1x128xf32>
    %get3A_17 = vector.shape_cast %get3A_16 : vector<1x128xf32> to vector<128xf32>
    %broadcast_in_dim3A_18 = vector.shape_cast %get3A_17 : vector<128xf32> to vector<1x128xf32>
    %add3A_19 = vector.broadcast %broadcast_in_dim3A_18 : vector<1x128xf32> to vector<1600x128xf32>
    %add3A_20 = arith.addf %get3A_1, %add3A_19 : vector<1600x128xf32>
    %max3A_21 = arith.constant 0.000000e+00 : f32
    %max3A_22 = vector.broadcast %max3A_21 : f32 to vector<1600x128xf32>
    %max3A_23 = arith.maximumf %add3A_20, %max3A_22 : vector<1600x128xf32>
    %swap3A_24 = arith.constant 1 : index
    %swap3A_25 = arith.constant 0 : index
    %swap3A_26 = arith.constant 0 : index
    %swap3A_27 = vector.load %arg3[%swap3A_24, %swap3A_25, %swap3A_26] : memref<3x1600x128xf32, #tpu.memory_space<vmem>>, vector<1x1600x128xf32>
    %swap3A_28 = vector.shape_cast %swap3A_27 : vector<1x1600x128xf32> to vector<1600x128xf32>
    %swap3A_29 = vector.shape_cast %max3A_23 : vector<1600x128xf32> to vector<1x1600x128xf32>
    tpu.vector_store %arg3[%swap3A_24, %swap3A_25, %swap3A_26], %swap3A_29 {strides = array<i32>} : memref<3x1600x128xf32, #tpu.memory_space<vmem>>, vector<1x1600x128xf32>,
    %get3A_30 = arith.constant 2 : index
    %get3A_31 = arith.constant 0 : index
    %get3A_32 = vector.load %arg2[%get3A_30, %get3A_31] : memref<3x128xf32, #tpu.memory_space<vmem>>, vector<1x128xf32>
    %get3A_33 = vector.shape_cast %get3A_32 : vector<1x128xf32> to vector<128xf32>
    %broadcast_in_dim3A_34 = vector.shape_cast %get3A_33 : vector<128xf32> to vector<1x128xf32>
    %add3A_35 = vector.broadcast %broadcast_in_dim3A_34 : vector<1x128xf32> to vector<1600x128xf32>
    %add3A_36 = arith.addf %get3A_1, %add3A_35 : vector<1600x128xf32>
    %max3A_37 = arith.constant 0.000000e+00 : f32
    %max3A_38 = vector.broadcast %max3A_37 : f32 to vector<1600x128xf32>
    %max3A_39 = arith.maximumf %add3A_36, %max3A_38 : vector<1600x128xf32>
    %swap3A_40 = arith.constant 2 : index
    %swap3A_41 = arith.constant 0 : index
    %swap3A_42 = arith.constant 0 : index
    %swap3A_43 = vector.load %arg3[%swap3A_40, %swap3A_41, %swap3A_42] : memref<3x1600x128xf32, #tpu.memory_space<vmem>>, vector<1x1600x128xf32>
    %swap3A_44 = vector.shape_cast %swap3A_43 : vector<1x1600x128xf32> to vector<1600x128xf32>
    %swap3A_45 = vector.shape_cast %max3A_39 : vector<1600x128xf32> to vector<1x1600x128xf32>
    tpu.vector_store %arg3[%swap3A_40, %swap3A_41, %swap3A_42], %swap3A_45 {strides = array<i32>} : memref<3x1600x128xf32, #tpu.memory_space<vmem>>, vector<1x1600x128xf32>,
    return
  }
  func.func @transform_0(%arg0: i32) -> (i32, i32) {
    %c0_i32 = arith.constant 0 : i32
    %c0_i32_0 = arith.constant 0 : i32
    return %arg0, %c0_i32 : i32, i32
  }
  func.func @transform_1(%arg0: i32) -> (i32, i32) {
    %c0_i32 = arith.constant 0 : i32
    %c0_i32_0 = arith.constant 0 : i32
    %c0_i32_1 = arith.constant 0 : i32
    return %c0_i32, %c0_i32_0 : i32, i32
  }
  func.func @transform_2(%arg0: i32) -> (i32, i32, i32) {
    %c0_i32 = arith.constant 0 : i32
    %c0_i32_0 = arith.constant 0 : i32
    %c0_i32_1 = arith.constant 0 : i32
    return %c0_i32, %arg0, %c0_i32_0 : i32, i32, i32
  }
}

module attributes {stable_mosaic.version = 14 : i64} {
  func.func @_update_body(%arg0: i32, %arg1: memref<1600x128xf32, #tpu.memory_space<vmem>>, %arg2: memref<2x1600x128xf32, #tpu.memory_space<vmem>>, %arg3: memref<128x128xf32, #tpu.memory_space<vmem>>, %arg4: memref<1x128xf32, #tpu.memory_space<vmem>>, %arg5: memref<128x128xf32, #tpu.memory_space<vmem>>, %arg6: memref<1x128xf32, #tpu.memory_space<vmem>>, %arg7: memref<1x128xf32, #tpu.memory_space<vmem>>, %arg8: memref<1x128xf32, #tpu.memory_space<vmem>>, %arg9: memref<3x128xf32, #tpu.memory_space<vmem>>, %arg10: memref<1600x128xf32, #tpu.memory_space<vmem>>, %arg11: memref<3x1600x128xf32, #tpu.memory_space<vmem>>) attributes {dimension_semantics = [#tpu.dimension_semantics<arbitrary>], iteration_bounds = array<i64: 8>, scalar_prefetch = 0 : i64, scratch_operands = 0 : i64, tpu.core_type = #tpu.core_type<tc>, window_params = [{transform_indices = @transform_0, window_bounds = array<i64: 1600, 128>}, {transform_indices = @transform_1, window_bounds = array<i64: 2, 1600, 128>}, {pipeline_mode = #tpu.pipeline_mode<synchronous>, transform_indices = @transform_2, window_bounds = array<i64: 128, 128>}, {pipeline_mode = #tpu.pipeline_mode<synchronous>, transform_indices = @transform_3, window_bounds = array<i64: 1, 128>}, {pipeline_mode = #tpu.pipeline_mode<synchronous>, transform_indices = @transform_4, window_bounds = array<i64: 128, 128>}, {pipeline_mode = #tpu.pipeline_mode<synchronous>, transform_indices = @transform_5, window_bounds = array<i64: 1, 128>}, {pipeline_mode = #tpu.pipeline_mode<synchronous>, transform_indices = @transform_6, window_bounds = array<i64: 1, 128>}, {pipeline_mode = #tpu.pipeline_mode<synchronous>, transform_indices = @transform_7, window_bounds = array<i64: 1, 128>}, {pipeline_mode = #tpu.pipeline_mode<synchronous>, transform_indices = @transform_8, window_bounds = array<i64: 3, 128>}, {transform_indices = @transform_9, window_bounds = array<i64: 1600, 128>}, {transform_indices = @transform_10, window_bounds = array<i64: 3, 1600, 128>}]} {
    %get3A = arith.constant 0 : index
    %get3A_0 = arith.constant 0 : index
    %get3A_1 = vector.load %arg1[%get3A, %get3A_0] : memref<1600x128xf32, #tpu.memory_space<vmem>>, vector<1600x128xf32>
    %get3A_2 = arith.constant 0 : index
    %get3A_3 = arith.constant 0 : index
    %get3A_4 = vector.load %arg3[%get3A_2, %get3A_3] : memref<128x128xf32, #tpu.memory_space<vmem>>, vector<128x128xf32>
    %get3A_5 = arith.constant 0 : index
    %get3A_6 = arith.constant 0 : index
    %get3A_7 = vector.load %arg4[%get3A_5, %get3A_6] : memref<1x128xf32, #tpu.memory_space<vmem>>, vector<1x128xf32>
    %get3A_8 = arith.constant 0 : index
    %get3A_9 = arith.constant 0 : index
    %get3A_10 = vector.load %arg5[%get3A_8, %get3A_9] : memref<128x128xf32, #tpu.memory_space<vmem>>, vector<128x128xf32>
    %get3A_11 = arith.constant 0 : index
    %get3A_12 = arith.constant 0 : index
    %get3A_13 = vector.load %arg6[%get3A_11, %get3A_12] : memref<1x128xf32, #tpu.memory_space<vmem>>, vector<1x128xf32>
    %get3A_14 = arith.constant 0 : index
    %get3A_15 = arith.constant 0 : index
    %get3A_16 = vector.load %arg7[%get3A_14, %get3A_15] : memref<1x128xf32, #tpu.memory_space<vmem>>, vector<1x128xf32>
    %get3A_17 = arith.constant 0 : index
    %get3A_18 = arith.constant 0 : index
    %get3A_19 = vector.load %arg8[%get3A_17, %get3A_18] : memref<1x128xf32, #tpu.memory_space<vmem>>, vector<1x128xf32>
    %get3A_20 = arith.constant 0 : index
    %get3A_21 = arith.constant 0 : index
    %get3A_22 = arith.constant 0 : index
    %get3A_23 = vector.load %arg2[%get3A_20, %get3A_21, %get3A_22] : memref<2x1600x128xf32, #tpu.memory_space<vmem>>, vector<1x1600x128xf32>
    %get3A_24 = vector.shape_cast %get3A_23 : vector<1x1600x128xf32> to vector<1600x128xf32>
    %add3A = arith.addf %get3A_1, %get3A_24 : vector<1600x128xf32>
    %get3A_25 = arith.constant 1 : index
    %get3A_26 = arith.constant 0 : index
    %get3A_27 = arith.constant 0 : index
    %get3A_28 = vector.load %arg2[%get3A_25, %get3A_26, %get3A_27] : memref<2x1600x128xf32, #tpu.memory_space<vmem>>, vector<1x1600x128xf32>
    %get3A_29 = vector.shape_cast %get3A_28 : vector<1x1600x128xf32> to vector<1600x128xf32>
    %add3A_30 = arith.addf %add3A, %get3A_29 : vector<1600x128xf32>
    %convert_element_type3A = arith.truncf %add3A_30 : vector<1600x128xf32> to vector<1600x128xbf16>
    %convert_element_type3A_31 = arith.extf %convert_element_type3A : vector<1600x128xbf16> to vector<1600x128xf32>
    %dot_general3A = arith.constant dense<0.000000e+00> : vector<1600x128xf32>
    %dot_general3A_32 = tpu.matmul %convert_element_type3A_31, %get3A_4, %dot_general3A {dimension_numbers = #tpu.dot_dimension_numbers<[1], [0], [0], [1], [0, 0, 1, 1], [], []>, precision = #tpu.contract_precision<fp32>, transpose_lhs_hint = false} : vector<1600x128xf32>, vector<128x128xf32>, vector<1600x128xf32> -> vector<1600x128xf32>
    %add3A_33 = vector.broadcast %get3A_7 : vector<1x128xf32> to vector<1600x128xf32>
    %add3A_34 = arith.addf %dot_general3A_32, %add3A_33 : vector<1600x128xf32>
    %max3A = arith.constant 0.000000e+00 : f32
    %max3A_35 = vector.broadcast %max3A : f32 to vector<1600x128xf32>
    %max3A_36 = arith.maximumf %add3A_34, %max3A_35 : vector<1600x128xf32>
    %convert_element_type3A_37 = arith.truncf %max3A_36 : vector<1600x128xf32> to vector<1600x128xbf16>
    %convert_element_type3A_38 = arith.extf %convert_element_type3A_37 : vector<1600x128xbf16> to vector<1600x128xf32>
    %dot_general3A_39 = arith.constant dense<0.000000e+00> : vector<1600x128xf32>
    %dot_general3A_40 = tpu.matmul %convert_element_type3A_38, %get3A_10, %dot_general3A_39 {dimension_numbers = #tpu.dot_dimension_numbers<[1], [0], [0], [1], [0, 0, 1, 1], [], []>, precision = #tpu.contract_precision<fp32>, transpose_lhs_hint = false} : vector<1600x128xf32>, vector<128x128xf32>, vector<1600x128xf32> -> vector<1600x128xf32>
    %add3A_41 = vector.broadcast %get3A_13 : vector<1x128xf32> to vector<1600x128xf32>
    %add3A_42 = arith.addf %dot_general3A_40, %add3A_41 : vector<1600x128xf32>
    %mul3A = vector.broadcast %get3A_16 : vector<1x128xf32> to vector<1600x128xf32>
    %mul3A_43 = arith.mulf %add3A_42, %mul3A : vector<1600x128xf32>
    %add3A_44 = vector.broadcast %get3A_19 : vector<1x128xf32> to vector<1600x128xf32>
    %add3A_45 = arith.addf %mul3A_43, %add3A_44 : vector<1600x128xf32>
    %max3A_46 = arith.constant 0.000000e+00 : f32
    %max3A_47 = vector.broadcast %max3A_46 : f32 to vector<1600x128xf32>
    %max3A_48 = arith.maximumf %add3A_45, %max3A_47 : vector<1600x128xf32>
    %swap3A = arith.constant 0 : index
    %swap3A_49 = arith.constant 0 : index
    %swap3A_50 = vector.load %arg10[%swap3A, %swap3A_49] : memref<1600x128xf32, #tpu.memory_space<vmem>>, vector<1600x128xf32>
    tpu.vector_store %arg10[%swap3A, %swap3A_49], %max3A_48 {strides = array<i32>} : memref<1600x128xf32, #tpu.memory_space<vmem>>, vector<1600x128xf32>,
    %get3A_51 = arith.constant 0 : index
    %get3A_52 = arith.constant 0 : index
    %get3A_53 = vector.load %arg9[%get3A_51, %get3A_52] : memref<3x128xf32, #tpu.memory_space<vmem>>, vector<1x128xf32>
    %get3A_54 = vector.shape_cast %get3A_53 : vector<1x128xf32> to vector<128xf32>
    %broadcast_in_dim3A = vector.shape_cast %get3A_54 : vector<128xf32> to vector<1x128xf32>
    %add3A_55 = vector.broadcast %broadcast_in_dim3A : vector<1x128xf32> to vector<1600x128xf32>
    %add3A_56 = arith.addf %max3A_48, %add3A_55 : vector<1600x128xf32>
    %max3A_57 = arith.constant 0.000000e+00 : f32
    %max3A_58 = vector.broadcast %max3A_57 : f32 to vector<1600x128xf32>
    %max3A_59 = arith.maximumf %add3A_56, %max3A_58 : vector<1600x128xf32>
    %swap3A_60 = arith.constant 0 : index
    %swap3A_61 = arith.constant 0 : index
    %swap3A_62 = arith.constant 0 : index
    %swap3A_63 = vector.load %arg11[%swap3A_60, %swap3A_61, %swap3A_62] : memref<3x1600x128xf32, #tpu.memory_space<vmem>>, vector<1x1600x128xf32>
    %swap3A_64 = vector.shape_cast %swap3A_63 : vector<1x1600x128xf32> to vector<1600x128xf32>
    %swap3A_65 = vector.shape_cast %max3A_59 : vector<1600x128xf32> to vector<1x1600x128xf32>
    tpu.vector_store %arg11[%swap3A_60, %swap3A_61, %swap3A_62], %swap3A_65 {strides = array<i32>} : memref<3x1600x128xf32, #tpu.memory_space<vmem>>, vector<1x1600x128xf32>,
    %get3A_66 = arith.constant 1 : index
    %get3A_67 = arith.constant 0 : index
    %get3A_68 = vector.load %arg9[%get3A_66, %get3A_67] : memref<3x128xf32, #tpu.memory_space<vmem>>, vector<1x128xf32>
    %get3A_69 = vector.shape_cast %get3A_68 : vector<1x128xf32> to vector<128xf32>
    %broadcast_in_dim3A_70 = vector.shape_cast %get3A_69 : vector<128xf32> to vector<1x128xf32>
    %add3A_71 = vector.broadcast %broadcast_in_dim3A_70 : vector<1x128xf32> to vector<1600x128xf32>
    %add3A_72 = arith.addf %max3A_48, %add3A_71 : vector<1600x128xf32>
    %max3A_73 = arith.constant 0.000000e+00 : f32
    %max3A_74 = vector.broadcast %max3A_73 : f32 to vector<1600x128xf32>
    %max3A_75 = arith.maximumf %add3A_72, %max3A_74 : vector<1600x128xf32>
    %swap3A_76 = arith.constant 1 : index
    %swap3A_77 = arith.constant 0 : index
    %swap3A_78 = arith.constant 0 : index
    %swap3A_79 = vector.load %arg11[%swap3A_76, %swap3A_77, %swap3A_78] : memref<3x1600x128xf32, #tpu.memory_space<vmem>>, vector<1x1600x128xf32>
    %swap3A_80 = vector.shape_cast %swap3A_79 : vector<1x1600x128xf32> to vector<1600x128xf32>
    %swap3A_81 = vector.shape_cast %max3A_75 : vector<1600x128xf32> to vector<1x1600x128xf32>
    tpu.vector_store %arg11[%swap3A_76, %swap3A_77, %swap3A_78], %swap3A_81 {strides = array<i32>} : memref<3x1600x128xf32, #tpu.memory_space<vmem>>, vector<1x1600x128xf32>,
    %get3A_82 = arith.constant 2 : index
    %get3A_83 = arith.constant 0 : index
    %get3A_84 = vector.load %arg9[%get3A_82, %get3A_83] : memref<3x128xf32, #tpu.memory_space<vmem>>, vector<1x128xf32>
    %get3A_85 = vector.shape_cast %get3A_84 : vector<1x128xf32> to vector<128xf32>
    %broadcast_in_dim3A_86 = vector.shape_cast %get3A_85 : vector<128xf32> to vector<1x128xf32>
    %add3A_87 = vector.broadcast %broadcast_in_dim3A_86 : vector<1x128xf32> to vector<1600x128xf32>
    %add3A_88 = arith.addf %max3A_48, %add3A_87 : vector<1600x128xf32>
    %max3A_89 = arith.constant 0.000000e+00 : f32
    %max3A_90 = vector.broadcast %max3A_89 : f32 to vector<1600x128xf32>
    %max3A_91 = arith.maximumf %add3A_88, %max3A_90 : vector<1600x128xf32>
    %swap3A_92 = arith.constant 2 : index
    %swap3A_93 = arith.constant 0 : index
    %swap3A_94 = arith.constant 0 : index
    %swap3A_95 = vector.load %arg11[%swap3A_92, %swap3A_93, %swap3A_94] : memref<3x1600x128xf32, #tpu.memory_space<vmem>>, vector<1x1600x128xf32>
    %swap3A_96 = vector.shape_cast %swap3A_95 : vector<1x1600x128xf32> to vector<1600x128xf32>
    %swap3A_97 = vector.shape_cast %max3A_91 : vector<1600x128xf32> to vector<1x1600x128xf32>
    tpu.vector_store %arg11[%swap3A_92, %swap3A_93, %swap3A_94], %swap3A_97 {strides = array<i32>} : memref<3x1600x128xf32, #tpu.memory_space<vmem>>, vector<1x1600x128xf32>,
    return
  }
  func.func @transform_0(%arg0: i32) -> (i32, i32) {
    %c0_i32 = arith.constant 0 : i32
    %c0_i32_0 = arith.constant 0 : i32
    return %arg0, %c0_i32 : i32, i32
  }
  func.func @transform_1(%arg0: i32) -> (i32, i32, i32) {
    %c0_i32 = arith.constant 0 : i32
    %c0_i32_0 = arith.constant 0 : i32
    %c0_i32_1 = arith.constant 0 : i32
    return %c0_i32, %arg0, %c0_i32_0 : i32, i32, i32
  }
  func.func @transform_2(%arg0: i32) -> (i32, i32) {
    %c0_i32 = arith.constant 0 : i32
    %c0_i32_0 = arith.constant 0 : i32
    %c0_i32_1 = arith.constant 0 : i32
    return %c0_i32, %c0_i32_0 : i32, i32
  }
  func.func @transform_3(%arg0: i32) -> (i32, i32) {
    %c0_i32 = arith.constant 0 : i32
    %c0_i32_0 = arith.constant 0 : i32
    %c0_i32_1 = arith.constant 0 : i32
    return %c0_i32, %c0_i32_0 : i32, i32
  }
  func.func @transform_4(%arg0: i32) -> (i32, i32) {
    %c0_i32 = arith.constant 0 : i32
    %c0_i32_0 = arith.constant 0 : i32
    %c0_i32_1 = arith.constant 0 : i32
    return %c0_i32, %c0_i32_0 : i32, i32
  }
  func.func @transform_5(%arg0: i32) -> (i32, i32) {
    %c0_i32 = arith.constant 0 : i32
    %c0_i32_0 = arith.constant 0 : i32
    %c0_i32_1 = arith.constant 0 : i32
    return %c0_i32, %c0_i32_0 : i32, i32
  }
  func.func @transform_6(%arg0: i32) -> (i32, i32) {
    %c0_i32 = arith.constant 0 : i32
    %c0_i32_0 = arith.constant 0 : i32
    %c0_i32_1 = arith.constant 0 : i32
    return %c0_i32, %c0_i32_0 : i32, i32
  }
  func.func @transform_7(%arg0: i32) -> (i32, i32) {
    %c0_i32 = arith.constant 0 : i32
    %c0_i32_0 = arith.constant 0 : i32
    %c0_i32_1 = arith.constant 0 : i32
    return %c0_i32, %c0_i32_0 : i32, i32
  }
  func.func @transform_8(%arg0: i32) -> (i32, i32) {
    %c0_i32 = arith.constant 0 : i32
    %c0_i32_0 = arith.constant 0 : i32
    %c0_i32_1 = arith.constant 0 : i32
    return %c0_i32, %c0_i32_0 : i32, i32
  }
  func.func @transform_9(%arg0: i32) -> (i32, i32) {
    %c0_i32 = arith.constant 0 : i32
    %c0_i32_0 = arith.constant 0 : i32
    return %arg0, %c0_i32 : i32, i32
  }
  func.func @transform_10(%arg0: i32) -> (i32, i32, i32) {
    %c0_i32 = arith.constant 0 : i32
    %c0_i32_0 = arith.constant 0 : i32
    %c0_i32_1 = arith.constant 0 : i32
    return %c0_i32, %arg0, %c0_i32_0 : i32, i32, i32
  }
}

module attributes {stable_mosaic.version = 14 : i64} {
  func.func @_final_body(%arg0: i32, %arg1: memref<1600x128xf32, #tpu.memory_space<vmem>>, %arg2: memref<2x1600x128xf32, #tpu.memory_space<vmem>>, %arg3: memref<128x128xf32, #tpu.memory_space<vmem>>, %arg4: memref<1x128xf32, #tpu.memory_space<vmem>>, %arg5: memref<128x128xf32, #tpu.memory_space<vmem>>, %arg6: memref<1x128xf32, #tpu.memory_space<vmem>>, %arg7: memref<1x128xf32, #tpu.memory_space<vmem>>, %arg8: memref<1x128xf32, #tpu.memory_space<vmem>>, %arg9: memref<128x128xf32, #tpu.memory_space<vmem>>, %arg10: memref<1x128xf32, #tpu.memory_space<vmem>>, %arg11: memref<128x128xf32, #tpu.memory_space<vmem>>, %arg12: memref<1x128xf32, #tpu.memory_space<vmem>>, %arg13: memref<1600x128xf32, #tpu.memory_space<vmem>>) attributes {dimension_semantics = [#tpu.dimension_semantics<arbitrary>], iteration_bounds = array<i64: 8>, scalar_prefetch = 0 : i64, scratch_operands = 0 : i64, tpu.core_type = #tpu.core_type<tc>, window_params = [{transform_indices = @transform_0, window_bounds = array<i64: 1600, 128>}, {transform_indices = @transform_1, window_bounds = array<i64: 2, 1600, 128>}, {pipeline_mode = #tpu.pipeline_mode<synchronous>, transform_indices = @transform_2, window_bounds = array<i64: 128, 128>}, {pipeline_mode = #tpu.pipeline_mode<synchronous>, transform_indices = @transform_3, window_bounds = array<i64: 1, 128>}, {pipeline_mode = #tpu.pipeline_mode<synchronous>, transform_indices = @transform_4, window_bounds = array<i64: 128, 128>}, {pipeline_mode = #tpu.pipeline_mode<synchronous>, transform_indices = @transform_5, window_bounds = array<i64: 1, 128>}, {pipeline_mode = #tpu.pipeline_mode<synchronous>, transform_indices = @transform_6, window_bounds = array<i64: 1, 128>}, {pipeline_mode = #tpu.pipeline_mode<synchronous>, transform_indices = @transform_7, window_bounds = array<i64: 1, 128>}, {pipeline_mode = #tpu.pipeline_mode<synchronous>, transform_indices = @transform_8, window_bounds = array<i64: 128, 128>}, {pipeline_mode = #tpu.pipeline_mode<synchronous>, transform_indices = @transform_9, window_bounds = array<i64: 1, 128>}, {pipeline_mode = #tpu.pipeline_mode<synchronous>, transform_indices = @transform_10, window_bounds = array<i64: 128, 128>}, {pipeline_mode = #tpu.pipeline_mode<synchronous>, transform_indices = @transform_11, window_bounds = array<i64: 1, 128>}, {transform_indices = @transform_12, window_bounds = array<i64: 1600, 128>}]} {
    %get3A = arith.constant 0 : index
    %get3A_0 = arith.constant 0 : index
    %get3A_1 = vector.load %arg1[%get3A, %get3A_0] : memref<1600x128xf32, #tpu.memory_space<vmem>>, vector<1600x128xf32>
    %get3A_2 = arith.constant 0 : index
    %get3A_3 = arith.constant 0 : index
    %get3A_4 = vector.load %arg3[%get3A_2, %get3A_3] : memref<128x128xf32, #tpu.memory_space<vmem>>, vector<128x128xf32>
    %get3A_5 = arith.constant 0 : index
    %get3A_6 = arith.constant 0 : index
    %get3A_7 = vector.load %arg4[%get3A_5, %get3A_6] : memref<1x128xf32, #tpu.memory_space<vmem>>, vector<1x128xf32>
    %get3A_8 = arith.constant 0 : index
    %get3A_9 = arith.constant 0 : index
    %get3A_10 = vector.load %arg5[%get3A_8, %get3A_9] : memref<128x128xf32, #tpu.memory_space<vmem>>, vector<128x128xf32>
    %get3A_11 = arith.constant 0 : index
    %get3A_12 = arith.constant 0 : index
    %get3A_13 = vector.load %arg6[%get3A_11, %get3A_12] : memref<1x128xf32, #tpu.memory_space<vmem>>, vector<1x128xf32>
    %get3A_14 = arith.constant 0 : index
    %get3A_15 = arith.constant 0 : index
    %get3A_16 = vector.load %arg7[%get3A_14, %get3A_15] : memref<1x128xf32, #tpu.memory_space<vmem>>, vector<1x128xf32>
    %get3A_17 = arith.constant 0 : index
    %get3A_18 = arith.constant 0 : index
    %get3A_19 = vector.load %arg8[%get3A_17, %get3A_18] : memref<1x128xf32, #tpu.memory_space<vmem>>, vector<1x128xf32>
    %get3A_20 = arith.constant 0 : index
    %get3A_21 = arith.constant 0 : index
    %get3A_22 = arith.constant 0 : index
    %get3A_23 = vector.load %arg2[%get3A_20, %get3A_21, %get3A_22] : memref<2x1600x128xf32, #tpu.memory_space<vmem>>, vector<1x1600x128xf32>
    %get3A_24 = vector.shape_cast %get3A_23 : vector<1x1600x128xf32> to vector<1600x128xf32>
    %add3A = arith.addf %get3A_1, %get3A_24 : vector<1600x128xf32>
    %get3A_25 = arith.constant 1 : index
    %get3A_26 = arith.constant 0 : index
    %get3A_27 = arith.constant 0 : index
    %get3A_28 = vector.load %arg2[%get3A_25, %get3A_26, %get3A_27] : memref<2x1600x128xf32, #tpu.memory_space<vmem>>, vector<1x1600x128xf32>
    %get3A_29 = vector.shape_cast %get3A_28 : vector<1x1600x128xf32> to vector<1600x128xf32>
    %add3A_30 = arith.addf %add3A, %get3A_29 : vector<1600x128xf32>
    %convert_element_type3A = arith.truncf %add3A_30 : vector<1600x128xf32> to vector<1600x128xbf16>
    %convert_element_type3A_31 = arith.extf %convert_element_type3A : vector<1600x128xbf16> to vector<1600x128xf32>
    %dot_general3A = arith.constant dense<0.000000e+00> : vector<1600x128xf32>
    %dot_general3A_32 = tpu.matmul %convert_element_type3A_31, %get3A_4, %dot_general3A {dimension_numbers = #tpu.dot_dimension_numbers<[1], [0], [0], [1], [0, 0, 1, 1], [], []>, precision = #tpu.contract_precision<fp32>, transpose_lhs_hint = false} : vector<1600x128xf32>, vector<128x128xf32>, vector<1600x128xf32> -> vector<1600x128xf32>
    %add3A_33 = vector.broadcast %get3A_7 : vector<1x128xf32> to vector<1600x128xf32>
    %add3A_34 = arith.addf %dot_general3A_32, %add3A_33 : vector<1600x128xf32>
    %max3A = arith.constant 0.000000e+00 : f32
    %max3A_35 = vector.broadcast %max3A : f32 to vector<1600x128xf32>
    %max3A_36 = arith.maximumf %add3A_34, %max3A_35 : vector<1600x128xf32>
    %convert_element_type3A_37 = arith.truncf %max3A_36 : vector<1600x128xf32> to vector<1600x128xbf16>
    %convert_element_type3A_38 = arith.extf %convert_element_type3A_37 : vector<1600x128xbf16> to vector<1600x128xf32>
    %dot_general3A_39 = arith.constant dense<0.000000e+00> : vector<1600x128xf32>
    %dot_general3A_40 = tpu.matmul %convert_element_type3A_38, %get3A_10, %dot_general3A_39 {dimension_numbers = #tpu.dot_dimension_numbers<[1], [0], [0], [1], [0, 0, 1, 1], [], []>, precision = #tpu.contract_precision<fp32>, transpose_lhs_hint = false} : vector<1600x128xf32>, vector<128x128xf32>, vector<1600x128xf32> -> vector<1600x128xf32>
    %add3A_41 = vector.broadcast %get3A_13 : vector<1x128xf32> to vector<1600x128xf32>
    %add3A_42 = arith.addf %dot_general3A_40, %add3A_41 : vector<1600x128xf32>
    %mul3A = vector.broadcast %get3A_16 : vector<1x128xf32> to vector<1600x128xf32>
    %mul3A_43 = arith.mulf %add3A_42, %mul3A : vector<1600x128xf32>
    %add3A_44 = vector.broadcast %get3A_19 : vector<1x128xf32> to vector<1600x128xf32>
    %add3A_45 = arith.addf %mul3A_43, %add3A_44 : vector<1600x128xf32>
    %max3A_46 = arith.constant 0.000000e+00 : f32
    %max3A_47 = vector.broadcast %max3A_46 : f32 to vector<1600x128xf32>
    %max3A_48 = arith.maximumf %add3A_45, %max3A_47 : vector<1600x128xf32>
    %get3A_49 = arith.constant 0 : index
    %get3A_50 = arith.constant 0 : index
    %get3A_51 = vector.load %arg9[%get3A_49, %get3A_50] : memref<128x128xf32, #tpu.memory_space<vmem>>, vector<128x128xf32>
    %convert_element_type3A_52 = arith.truncf %max3A_48 : vector<1600x128xf32> to vector<1600x128xbf16>
    %convert_element_type3A_53 = arith.extf %convert_element_type3A_52 : vector<1600x128xbf16> to vector<1600x128xf32>
    %dot_general3A_54 = arith.constant dense<0.000000e+00> : vector<1600x128xf32>
    %dot_general3A_55 = tpu.matmul %convert_element_type3A_53, %get3A_51, %dot_general3A_54 {dimension_numbers = #tpu.dot_dimension_numbers<[1], [0], [0], [1], [0, 0, 1, 1], [], []>, precision = #tpu.contract_precision<fp32>, transpose_lhs_hint = false} : vector<1600x128xf32>, vector<128x128xf32>, vector<1600x128xf32> -> vector<1600x128xf32>
    %get3A_56 = arith.constant 0 : index
    %get3A_57 = arith.constant 0 : index
    %get3A_58 = vector.load %arg10[%get3A_56, %get3A_57] : memref<1x128xf32, #tpu.memory_space<vmem>>, vector<1x128xf32>
    %add3A_59 = vector.broadcast %get3A_58 : vector<1x128xf32> to vector<1600x128xf32>
    %add3A_60 = arith.addf %dot_general3A_55, %add3A_59 : vector<1600x128xf32>
    %max3A_61 = arith.constant 0.000000e+00 : f32
    %max3A_62 = vector.broadcast %max3A_61 : f32 to vector<1600x128xf32>
    %max3A_63 = arith.maximumf %add3A_60, %max3A_62 : vector<1600x128xf32>
    %get3A_64 = arith.constant 0 : index
    %get3A_65 = arith.constant 0 : index
    %get3A_66 = vector.load %arg11[%get3A_64, %get3A_65] : memref<128x128xf32, #tpu.memory_space<vmem>>, vector<128x128xf32>
    %convert_element_type3A_67 = arith.truncf %max3A_63 : vector<1600x128xf32> to vector<1600x128xbf16>
    %convert_element_type3A_68 = arith.extf %convert_element_type3A_67 : vector<1600x128xbf16> to vector<1600x128xf32>
    %dot_general3A_69 = arith.constant dense<0.000000e+00> : vector<1600x128xf32>
    %dot_general3A_70 = tpu.matmul %convert_element_type3A_68, %get3A_66, %dot_general3A_69 {dimension_numbers = #tpu.dot_dimension_numbers<[1], [0], [0], [1], [0, 0, 1, 1], [], []>, precision = #tpu.contract_precision<fp32>, transpose_lhs_hint = false} : vector<1600x128xf32>, vector<128x128xf32>, vector<1600x128xf32> -> vector<1600x128xf32>
    %get3A_71 = arith.constant 0 : index
    %get3A_72 = arith.constant 0 : index
    %get3A_73 = vector.load %arg12[%get3A_71, %get3A_72] : memref<1x128xf32, #tpu.memory_space<vmem>>, vector<1x128xf32>
    %add3A_74 = vector.broadcast %get3A_73 : vector<1x128xf32> to vector<1600x128xf32>
    %add3A_75 = arith.addf %dot_general3A_70, %add3A_74 : vector<1600x128xf32>
    %swap3A = arith.constant 0 : index
    %swap3A_76 = arith.constant 0 : index
    %swap3A_77 = vector.load %arg13[%swap3A, %swap3A_76] : memref<1600x128xf32, #tpu.memory_space<vmem>>, vector<1600x128xf32>
    tpu.vector_store %arg13[%swap3A, %swap3A_76], %add3A_75 {strides = array<i32>} : memref<1600x128xf32, #tpu.memory_space<vmem>>, vector<1600x128xf32>,
    return
  }
  func.func @transform_0(%arg0: i32) -> (i32, i32) {
    %c0_i32 = arith.constant 0 : i32
    %c0_i32_0 = arith.constant 0 : i32
    return %arg0, %c0_i32 : i32, i32
  }
  func.func @transform_1(%arg0: i32) -> (i32, i32, i32) {
    %c0_i32 = arith.constant 0 : i32
    %c0_i32_0 = arith.constant 0 : i32
    %c0_i32_1 = arith.constant 0 : i32
    return %c0_i32, %arg0, %c0_i32_0 : i32, i32, i32
  }
  func.func @transform_2(%arg0: i32) -> (i32, i32) {
    %c0_i32 = arith.constant 0 : i32
    %c0_i32_0 = arith.constant 0 : i32
    %c0_i32_1 = arith.constant 0 : i32
    return %c0_i32, %c0_i32_0 : i32, i32
  }
  func.func @transform_3(%arg0: i32) -> (i32, i32) {
    %c0_i32 = arith.constant 0 : i32
    %c0_i32_0 = arith.constant 0 : i32
    %c0_i32_1 = arith.constant 0 : i32
    return %c0_i32, %c0_i32_0 : i32, i32
  }
  func.func @transform_4(%arg0: i32) -> (i32, i32) {
    %c0_i32 = arith.constant 0 : i32
    %c0_i32_0 = arith.constant 0 : i32
    %c0_i32_1 = arith.constant 0 : i32
    return %c0_i32, %c0_i32_0 : i32, i32
  }
  func.func @transform_5(%arg0: i32) -> (i32, i32) {
    %c0_i32 = arith.constant 0 : i32
    %c0_i32_0 = arith.constant 0 : i32
    %c0_i32_1 = arith.constant 0 : i32
    return %c0_i32, %c0_i32_0 : i32, i32
  }
  func.func @transform_6(%arg0: i32) -> (i32, i32) {
    %c0_i32 = arith.constant 0 : i32
    %c0_i32_0 = arith.constant 0 : i32
    %c0_i32_1 = arith.constant 0 : i32
    return %c0_i32, %c0_i32_0 : i32, i32
  }
  func.func @transform_7(%arg0: i32) -> (i32, i32) {
    %c0_i32 = arith.constant 0 : i32
    %c0_i32_0 = arith.constant 0 : i32
    %c0_i32_1 = arith.constant 0 : i32
    return %c0_i32, %c0_i32_0 : i32, i32
  }
  func.func @transform_8(%arg0: i32) -> (i32, i32) {
    %c0_i32 = arith.constant 0 : i32
    %c0_i32_0 = arith.constant 0 : i32
    %c0_i32_1 = arith.constant 0 : i32
    return %c0_i32, %c0_i32_0 : i32, i32
  }
  func.func @transform_9(%arg0: i32) -> (i32, i32) {
    %c0_i32 = arith.constant 0 : i32
    %c0_i32_0 = arith.constant 0 : i32
    %c0_i32_1 = arith.constant 0 : i32
    return %c0_i32, %c0_i32_0 : i32, i32
  }
  func.func @transform_10(%arg0: i32) -> (i32, i32) {
    %c0_i32 = arith.constant 0 : i32
    %c0_i32_0 = arith.constant 0 : i32
    %c0_i32_1 = arith.constant 0 : i32
    return %c0_i32, %c0_i32_0 : i32, i32
  }
  func.func @transform_11(%arg0: i32) -> (i32, i32) {
    %c0_i32 = arith.constant 0 : i32
    %c0_i32_0 = arith.constant 0 : i32
    %c0_i32_1 = arith.constant 0 : i32
    return %c0_i32, %c0_i32_0 : i32, i32
  }
  func.func @transform_12(%arg0: i32) -> (i32, i32) {
    %c0_i32 = arith.constant 0 : i32
    %c0_i32_0 = arith.constant 0 : i32
    return %arg0, %c0_i32 : i32, i32
  }
}

</mosaic_0001>

<sc_bundles>
// kernel: kernel.12.cloned.1.call-start
scs
__scs_entry_jumppad:
0x0: {  	(pc) =	sbr.rel $0x88, $3  }
0x1: {  	(tag) =	ssettag $0x0;
	lr =	simm.s32 $0x1  }
0x2: {  	[smem:$0x3F90] =	sst lr;
	_ =	strace $0xD0000000  }
0x3: {  	_ = 	snop  }
0x4: {  	_ = 	snop  }
0x5: {  	_ = 	snop  }
0x6: {  	_ = 	snop  }
0x7: {  	_ = 	snop  }
__scs_overlays_trampoline_lowered:
0x8: {  	[smem:$0x3F9F] =	sst s0  }
0x9: {  	[smem:$0x3FA0] =	sst s1  }
0xa: {  	[smem:$0x3FA1] =	sst s2  }
0xb: {  	[smem:$0x3FA2] =	sst s3  }
0xc: {  	[smem:$0x3FA3] =	sst s4  }
0xd: {  	[smem:$0x3FA4] =	sst s5  }
0xe: {  	[smem:$0x3FA5] =	sst s6  }
0xf: {  	[smem:$0x3FA6] =	sst s7  }
0x10: {  	[smem:$0x3FA7] =	sst s8  }
0x11: {  	[smem:$0x3FA8] =	sst s9;
	s0 =	simm.s32 @!p0 $0x0  }
0x12: {  	s1 =	sld [smem:$0x3F8E];
	s0 =	simm.s32 @p0 $0x1  }
0x13: {  	[smem:$0x3FA9] =	sst s0;
	s0 =	simm.s32 @!p1 $0x0  }
0x14: {  	s2 =	sld [smem:$0x3F8D];
	s0 =	simm.s32 @p1 $0x1  }
0x15: {  	[smem:$0x3FAA] =	sst s0;
	s0 =	simm.s32 @!p2 $0x0  }
0x16: {  	s3 =	sld [smem:$0x3FDB];
	s0 =	simm.s32 @p2 $0x1  }
0x17: {  	s4 =	simm.s32 $0x1BF5;
	[smem:$0x3FAC] =	sst s0  }
0x18: {  	s0 =	sld [smem:$0x3F8F];
	_ =	swait.ge [sflag:s4], $0x0  }
0x19: {  	s7 =	sld [smem:$0x3F90]  }
0x1a: {  	s8 =	sadd.s32 $0xFFFFE003, lr  }
0x1b: {  	s9 =	sadd.s32 $0xFFFFFEF7, lr;
	s5 =	simm.s32 $0xFFFFFFFF;
	p2 =	slt.u32 s8, $0xFFFFF086  }
0x1c: {  	p1 =	slt.u32 s9, $0xF7A;
	s5 =	simm.s32 @!p2 $0x0  }
0x1d: {  	s5 =	simm.s32 @p1 $0x1;
	p0 =	seq.s32 s7, s2  }
0x1e: {  	s7 =	smul.u32 @!p0 $0xF7A, s2;
	p2 =	seq.s32 @!p0 s5, $0x0  }
0x1f: {  	s9 =	smul.u32 $0xF7A, s1;
	s8 =	simm.s32 @!p0 $0x1BF5;
	p2 =	por !p2, p0  }
0x20: {  	[sflag:s8] =	ssyncset.s32 @!p0 $0xFFFFF086;
	s6 =	sadd.s32 @!p0 s3, s7;
	s7 =	simm.s32 @!p0 $0x108  }
0x21: {  	s3 =	sadd.s32 s3, s9;
	s6 =	sadd.s32 @!p0 $0x88, s6;
	s7 =	simm.s32 @p2 $0x1082  }
0x22: {  	[simem:s7], [sflag:s8] =	dma.local @!p0 [hbm:s6], $0xF7A  }
0x23: {  	s9 =	sor.u32 $0xD0000000, s2;
	s6 =	simm.s32 $0x108;
	_ =	swait.ge @!p0 [sflag:s8], $0x0  }
0x24: {  	s3 =	sadd.s32 $0x88, s3;
	s6 =	simm.s32 @!p1 $0x1082;
	[sflag:s4] =	ssyncset.s32 $0xFFFFF086  }
0x25: {  	[simem:s6], [sflag:s4] =	dma.local [hbm:s3], $0xF7A  }
0x26: {  	[smem:$0x3F90] =	sst s1;
	(tag) =	ssettag s2;
	_ =	strace s9  }
0x27: {  	s1 =	sld [smem:$0x3FA0]  }
0x28: {  	s2 =	sld [smem:$0x3FA1]  }
0x29: {  	s4 =	sld [smem:$0x3FA3]  }
0x2a: {  	p0 =	seq.s32 s5, $0x0;
	s5 =	sld [smem:$0x3FA4]  }
0x2b: {  	s6 =	sld [smem:$0x3FA5]  }
0x2c: {  	s7 =	sld [smem:$0x3FA6]  }
0x2d: {  	s3 =	simm.s32 $0x108;
	s8 =	sld [smem:$0x3FA7]  }
0x2e: {  	s3 =	simm.s32 @!p0 $0x1082;
	s9 =	sld [smem:$0x3FA8]  }
0x2f: {  	lr =	sadd.s32 s0, s3;
	s0 =	sld [smem:$0x3F9F]  }
0x30: {  	s3 =	sld [smem:$0x3FA2]  }
0x31: {  	[smem:$0x3FAB] =	sst s10  }
0x32: {  	s10 =	sld [smem:$0x3FA9];
	_ =	sdelay $0x3  }
0x33: {  	p0 =	seq.s32 s10, $0x1;
	s10 =	sld [smem:$0x3FAB];
	_ =	sdelay $0x3  }
0x34: {  	[smem:$0x3FAB] =	sst s10  }
0x35: {  	s10 =	sld [smem:$0x3FAA];
	_ =	sdelay $0x3  }
0x36: {  	p1 =	seq.s32 s10, $0x1;
	s10 =	sld [smem:$0x3FAB];
	_ =	sdelay $0x3  }
0x37: {  	[smem:$0x3FAB] =	sst s10  }
0x38: {  	s10 =	sld [smem:$0x3FAC]  }
0x39: {  	_ = 	snop;
	(pc) =	sbr.ind lr, $3  }
0x3a: {  	_ = 	snop  }
0x3b: {  	_ = 	snop  }
0x3c: {  	p2 =	seq.s32 s10, $0x1;
	s10 =	sld [smem:$0x3FAB]  }
0x3d: {  	_ =	shalt  }
0x3e: {  	_ =	shalt  }
0x3f: {  	_ =	shalt  }
0x40: {  	_ =	shalt  }
0x41: {  	_ =	shalt  }
0x42: {  	_ =	shalt  }
0x43: {  	_ =	shalt  }
0x44: {  	_ =	shalt  }
0x45: {  	_ =	shalt  }
0x46: {  	_ =	shalt  }
0x47: {  	_ =	shalt  }
0x48: {  	_ =	shalt  }
0x49: {  	_ =	shalt  }
0x4a: {  	_ =	shalt  }
0x4b: {  	_ =	shalt  }
0x4c: {  	_ =	shalt  }
0x4d: {  	_ =	shalt  }
0x4e: {  	_ =	shalt  }
0x4f: {  	_ =	shalt  }
0x50: {  	_ =	shalt  }
0x51: {  	_ =	shalt  }
0x52: {  	_ =	shalt  }
0x53: {  	_ =	shalt  }
0x54: {  	_ =	shalt  }
0x55: {  	_ =	shalt  }
0x56: {  	_ =	shalt  }
0x57: {  	_ =	shalt  }
0x58: {  	_ =	shalt  }
0x59: {  	_ =	shalt  }
0x5a: {  	_ =	shalt  }
0x5b: {  	_ =	shalt  }
0x5c: {  	_ =	shalt  }
0x5d: {  	_ =	shalt  }
0x5e: {  	_ =	shalt  }
0x5f: {  	_ =	shalt  }
0x60: {  	_ =	shalt  }
0x61: {  	_ =	shalt  }
0x62: {  	_ =	shalt  }
0x63: {  	_ =	shalt  }
0x64: {  	_ =	shalt  }
0x65: {  	_ =	shalt  }
0x66: {  	_ =	shalt  }
0x67: {  	_ =	shalt  }
0x68: {  	_ =	shalt  }
0x69: {  	_ =	shalt  }
0x6a: {  	_ =	shalt  }
0x6b: {  	_ =	shalt  }
0x6c: {  	_ =	shalt  }
0x6d: {  	_ =	shalt  }
0x6e: {  	_ =	shalt  }
0x6f: {  	_ =	shalt  }
0x70: {  	_ =	shalt  }
0x71: {  	_ =	shalt  }
0x72: {  	_ =	shalt  }
0x73: {  	_ =	shalt  }
0x74: {  	_ =	shalt  }
0x75: {  	_ =	shalt  }
0x76: {  	_ =	shalt  }
0x77: {  	_ =	shalt  }
0x78: {  	_ =	shalt  }
0x79: {  	_ =	shalt  }
0x7a: {  	_ =	shalt  }
0x7b: {  	_ =	shalt  }
0x7c: {  	_ =	shalt  }
0x7d: {  	_ =	shalt  }
0x7e: {  	_ =	shalt  }
0x7f: {  	_ =	shalt  }
0x80: {  	_ =	shalt  }
0x81: {  	_ =	shalt  }
0x82: {  	_ =	shalt  }
0x83: {  	_ =	shalt  }
0x84: {  	_ =	shalt  }
0x85: {  	_ =	shalt  }
0x86: {  	_ =	shalt  }
0x87: {  	_ =	shalt  }
.Lfunc_end0:
.L_simem_size_0:
called_computation_lowered:
.L_overlay_start_0:
0x88: {  	s2 =	sld [smem:$0x3FD9]  }
0x89: {  	s3 =	sld [smem:$0x3FFE];
	_ =	sdelay $0x1  }
0x8a: {  	s1 =	srdreg.scid  }
0x8b: {  	s0 =	sand.u32 $0x1, s1  }
0x8c: {  	s16 =	sshll.u32 s0, $0xA;
	s2 =	sadd.s32 s3, s2  }
0x8d: {  	s2 =	sadd.s32 s2, s16  }
0x8e: {  	[smem:$0x3FB7] =	sst s2  }
0x8f: {  	_ = 	snop  }
0x90: {  	(tm) =	ssettm $0x1  }
0x91: {  	s17 =	sld [smem:$0x3FFB];
	_ =	sdelay $0x3  }
0x92: {  	_ =	strace s17  }
0x93: {  	s2 =	sld [smem:$0x3FFC];
	_ =	sdelay $0x3  }
0x94: {  	_ =	strace s2  }
0x95: {  	s2 =	sld [smem:$0x3FFD];
	_ =	sdelay $0x3  }
0x96: {  	_ =	strace s2  }
0x97: {  	_ =	strace $0x8FFFFFFF  }
0x98: {  	s18 =	sld [smem:$0x3FDB];
	_ =	sdelay $0x1  }
0x99: {  	s19 =	simm.s32 $_scs_section_size  }
0x9a: {  	s4 =	simm.s32 $_size__tile_overlayer_lowered;
	s5 =	simm.s32 $_tile_overlayer_lowered  }
0x9b: {  	s22 =	simm.s32 $0x1BFF;
	s21 =	sshll.u32 s5, $0x1;
	s2 =	sadd.s32 s19, s18  }
0x9c: {  	s6 =	simm.s32 $0x0;
	s20 =	sshll.u32 s4, $0x1;
	s4 =	sadd.s32 s21, s2  }
0x9d: {  	[timem:s6], [sflag:s22] =	dma.local [hbm:s4], s20  }
0x9e: {  	_ =	swait.ge [sflag:s22], s20  }
0x9f: {  	s3 =	ssub.s32 $0x0, s20;
	[sflag:s22] =	ssyncset.done $0x0  }
0xa0: {  	[sflag:s22] =	ssyncadd.s32 s3;
	_ =	sdelay $0x1  }
0xa1: {  	s23 =	simm.s32 $0x1B8B  }
0xa2: {  	_ =	swait.ge [sflag:s23], $0x1  }
0xa3: {  	[sflag:s23] =	ssyncset.done $0x0  }
0xa4: {  	s25 =	simm.s32 $0x1B8E;
	s24 =	sld [smem:$0x3FFE];
	[sflag:s23] =	ssyncadd.s32 $0xFFFFFFFF  }
0xa5: {  	s26 =	simm.s32 $execute0_lowered;
	[smem:$0x3FD2] =	sst s25  }
0xa6: {  	s4 =	sshll.u32 s26, $0x1;
	_ =	strace $0x80000046;
	[dreg:$0x1] =	wrdreg $0xFFFFFFFF  }
0xa7: {  	s28 =	simm.s32 $_size_execute0_lowered;
	s2 =	sadd.s32 s2, s4;
	[dreg:$0x0] =	wrdreg $0x0  }
0xa8: {  	s4 =	sshll.u32 s28, $0x1;
	[dreg:$0x2] =	wrdreg s2  }
0xa9: {  	[dreg:$0x3] =	wrdreg s4  }
0xaa: {  	[dreg:$0x4] =	wrdreg $0xC0  }
0xab: {  	_ =	task [dreg:s6], $0x5FFFF  }
0xac: {  	[dreg:$0x1] =	wrdreg $0xFFFFFFFF  }
0xad: {  	[dreg:$0x0] =	wrdreg $0x60  }
0xae: {  	[dreg:$0x2] =	wrdreg s24  }
0xaf: {  	[dreg:$0x3] =	wrdreg $0x61E00  }
0xb0: {  	[dreg:$0x4] =	wrdreg $0x9  }
0xb1: {  	_ =	task.clear_ibuf [dreg:s6], $0x5FFFF;
	_ =	strace $0x90000046  }
0xb2: {  	s29 =	simm.s32 $0x9;
	_ =	strace $0x80000048  }
0xb3: {  	_ =	swait.ge [sflag:s29], $0x1  }
0xb4: {  	[sflag:s29] =	ssyncadd.s32 $0xFFFFFFFF  }
0xb5: {  	_ =	strace $0x90000048  }
0xb6: {  	_ =	sfence  }
0xb7: {  	s30 =	sld [smem:$0x0];
	_ =	sdelay $0x2  }
0xb8: {  	s31 =	sshll.u32 s1, $0xD;
	s1 =	sshrl.u32 s1, $0x2  }
0xb9: {  	s3 =	sand.u32 $0x4000, s31;
	s1 =	sadd.s32 s1, s30  }
0xba: {  	s0 =	sor.u32 s3, s0;
	s1 =	sshll.u32 s1, $0x11  }
0xbb: {  	s0 =	sor.u32 s1, s0  }
0xbc: {  	s0 =	sadd.s32 $0x8F2B, s0  }
0xbd: {  	[sflag:s0] =	ssyncadd.remote.s32 $0x1  }
0xbe: {  	_ =	sfence.sel $0xFFFF  }
0xbf: {  	[dreg:$0x0] =	wrdreg $0xFFFFFFFF;
	(pc) =	sbr.abs _section_cstart, $3  }
0xc0: {  	[dreg:$0x1] =	wrdreg $0xFFFFFFFF  }
0xc1: {  	_ =	task.clear_ibuf [dreg:s6], $0x2FFFF;
	_ =	strace $0x9FFFFFFF  }
0xc2: {  	(tm) =	ssettm $0x7FFFFFFF  }
0xc3: {  	_ =	shalt  }
tec
execute0_lowered:
.L_overlay_start_1:
0x0: {  	(tag) =	ssettag $0x1  }
0x1: {  	s0 =	rddreg [dreg:$0x0]  }
0x2: {  	s1 =	rddreg [dreg:$0x1];
	s14 =	stileid.u32  }
0x3: {  	s2 =	simm.s32 $0x0;
	s3 =	srdreg.scid;
	s24 =	smul.u32 $0x64000, s14  }
0x4: {  	[smem:$0x7FF] =	sst s2;
	s5 =	sand.u32 $0x1, s3;
	s28 =	smul.u32 $0x19000, s14  }
0x5: {  	s4 =	sshll.u32 s14, $0x1;
	s3 =	sadd.s32 $0x12EE00, s0;
	s21 =	smul.u32 $0x62C0, s14  }
0x6: {  	s6 =	sadd.s32 $0xCC200, s0;
	s8 =	sadd.s32 $0x6600, s0;
	s29 =	smul.u32 $0x190000, s5  }
0x7: {  	s7 =	sor.u32 s5, s4;
	s9 =	ssub.s32 $0x2, s5;
	s5 =	smul.u32 $0x3160, s5  }
0x8: {  	s14 =	simm.s32 $0x271;
	_ =	strace $0x80000047;
	s10 =	smul.u32 $0x18B00, s7  }
0x9: {  	s4 =	sadd.s32 $0x1C4E00, s0;
	s22 =	sshrl.u32 s9, $0x1;
	s7 =	smul.u32 $0x3160, s7  }
0xa: {  	s26 =	sshrl.u32 s24, $0x2;
	s15 =	sadd.s32 $0x1900, s28;
	s12 =	sadd.s32 s1, s28  }
0xb: {  	s0 =	ssub.s32 s9, s22;
	s12 =	sadd.s32 $0x3200, s12;
	s11 =	sadd.s32 s6, s7  }
0xc: {  	s23 =	sadd.s32 $0x278, s10;
	s7 =	sadd.s32 s8, s7;
	[dreg:$0x3] =	wrdreg s11  }
0xd: {  	s0 =	smax.u32 s0, $0x1;
	s10 =	sadd.s32 s29, s28;
	[dreg:$0x4] =	wrdreg s7  }
0xe: {  	s25 =	sshrl.u32 s23, $0x3;
	[dreg:$0x7] =	wrdreg s0;
	s11 =	sadd.s32 s15, s1  }
0xf: {  	s0 =	sadd.s32 s29, s15;
	s23 =	sadd.s32 $0x4B00, s10;
	s24 =	sshrl.u32 s10, $0x3  }
0x10: {  	s15 =	simm.s32 $0x3AD0;
	s9 =	sadd.s32 s6, s25;
	s7 =	sadd.s32 s8, s25  }
0x11: {  	s6 =	sadd.s32 s21, s6;
	s0 =	sshrl.u32 s0, $0x3;
	[dreg:$0x5] =	wrdreg s9  }
0x12: {  	s25 =	sadd.s32 $0x3200, s10;
	s10 =	simm.s32 $0x1;
	[dreg:$0x6] =	wrdreg s7  }
0x13: {  	s9 =	sadd.s32 s26, s1;
	s1 =	sadd.s32 s21, s8;
	s0 =	sadd.s32 s4, s0  }
0x14: {  	[dreg:$0x10] =	wrdreg s25;
	s7 =	simm.s32 $0x278;
	s8 =	simm.s32 $0xC58  }
0x15: {  	s13 =	sadd.s32 $0x4B00, s9;
	s16 =	sadd.s32 $0x6400, s9;
	[dreg:$0xf] =	wrdreg s0  }
0x16: {  	s17 =	sadd.s32 $0x7D00, s9;
	s18 =	sadd.s32 $0x9600, s9;
	[dreg:$0x8] =	wrdreg s16  }
0x17: {  	s19 =	sadd.s32 $0xAF00, s9;
	s20 =	sadd.s32 $0xC800, s9;
	[dreg:$0x9] =	wrdreg s17  }
0x18: {  	s22 =	sadd.s32 $0xE100, s9;
	s21 =	sadd.s32 s5, s1;
	[dreg:$0xa] =	wrdreg s18  }
0x19: {  	s1 =	sshrl.u32 s23, $0x3;
	s26 =	sadd.s32 $0xFA00, s9;
	[dreg:$0xb] =	wrdreg s19  }
0x1a: {  	s28 =	sadd.s32 $0x11300, s9;
	s29 =	sadd.s32 $0x12C00, s9;
	[dreg:$0xc] =	wrdreg s20  }
0x1b: {  	s30 =	sadd.s32 $0x14500, s9;
	s31 =	sadd.s32 $0x15E00, s9;
	[dreg:$0xd] =	wrdreg s22  }
0x1c: {  	s0 =	sadd.s32 $0x17700, s9;
	s23 =	simm.s32 $0x0;
	[dreg:$0x11] =	wrdreg s26  }
.Ltmp0:
0x1d: {  	s20 =	sadd.s32 s5, s6;
	[dreg:$0x12] =	wrdreg s28;
	(pc) =	sbr.rel .LBB2_1-.Ltmp0, $4  }
0x1e: {  	s5 =	sadd.s32 s4, s24;
	s24 =	sadd.s32 s1, s4;
	[dreg:$0x13] =	wrdreg s29  }
0x1f: {  	s1 =	simm.s32 $0x13C0;
	s6 =	simm.s32 $0x9E0;
	s16 =	simm.s32 $0x2  }
0x20: {  	s17 =	simm.s32 $0x4F0;
	s18 =	simm.s32 $0xED0;
	s19 =	simm.s32 $0x768  }
0x21: {  	v0 =	vimm.f32 $0.0e+00;
	s22 =	simm.s32 $0x1148;
	[dreg:$0xe] =	wrdreg s5;
	s5 =	simm.s32 $0x3  }
.LBB2_9:
0x22: {  	_ =	swait.ge [sflag:s16], $0x1900  }
0x23: {  	s23 =	sadd.s32 $0x1, s23;
	s25 =	rddreg [dreg:$0x7]  }
0x24: {  	p0 =	sne.s32 s23, s25  }
.Ltmp1:
0x25: {  	_ = 	snop;
	(pc) =	sbr.rel @!p0 .LBB2_10-.Ltmp1, $3  }
0x26: {  	_ =	sdelay $0x1  }
0x27: {  	[sflag:s16] =	ssyncset.done $0x0  }
0x28: {  	[sflag:s16] =	ssyncadd.s32 $0xFFFFE700  }
.LBB2_1:
0x29: {  	s25 =	simm.s32 $0x40;
	s26 =	simm.s32 $0x0  }
.LBB2_2:
0x2a: {  	p0 =	sne.s32 s25, $0x63C0;
	[tilespmem:s26+$0x13C0] =	vst v0;
	s26 =	smov.u32 s25;
	s25 =	sadd.s32 $0x40, s25  }
.Ltmp2:
0x2b: {  	(pc) =	sbr.rel @p0 .LBB2_2-.Ltmp2, $2  }
0x2c: {  	_ =	sdelay $0x2  }
0x2d: {  	s26 =	sshra.s32 s26, $0x2  }
0x2e: {  	[tilespmem:s26+$0x13C0] =	vst v0  }
0x2f: {  	[spmem:s9] =	stream.linear.scatter [tilespmem:s1], [sflag:$0x3], $0x1900, $0x38;
	[tilespmem:$0x1F1E0] =	vst v63  }
0x30: {  	_ = 	snop  }
0x31: {  	[spmem:s11] =	stream.linear.scatter [tilespmem:s1], [sflag:$0x3], $0x1900, $0x38;
	[tilespmem:$0x1F1E0] =	vst v63  }
0x32: {  	_ = 	snop  }
0x33: {  	[spmem:s12] =	stream.linear.scatter [tilespmem:s1], [sflag:$0x3], $0x1900, $0x38;
	[tilespmem:$0x1F1E0] =	vst v63  }
0x34: {  	_ = 	snop  }
0x35: {  	[spmem:s13] =	stream.linear.scatter [tilespmem:s1], [sflag:$0x3], $0x1900, $0x38;
	[tilespmem:$0x1F1E0] =	vst v63  }
0x36: {  	s25 =	rddreg [dreg:$0x8]  }
0x37: {  	[spmem:s25] =	stream.linear.scatter [tilespmem:s1], [sflag:$0x3], $0x1900, $0x38;
	[tilespmem:$0x1F1E0] =	vst v63  }
0x38: {  	s29 =	rddreg [dreg:$0x9]  }
0x39: {  	[spmem:s29] =	stream.linear.scatter [tilespmem:s1], [sflag:$0x3], $0x1900, $0x38;
	[tilespmem:$0x1F1E0] =	vst v63  }
0x3a: {  	s26 =	rddreg [dreg:$0xa]  }
0x3b: {  	[spmem:s26] =	stream.linear.scatter [tilespmem:s1], [sflag:$0x3], $0x1900, $0x38;
	[tilespmem:$0x1F1E0] =	vst v63  }
0x3c: {  	s28 =	rddreg [dreg:$0xb]  }
0x3d: {  	[spmem:s28] =	stream.linear.scatter [tilespmem:s1], [sflag:$0x3], $0x1900, $0x38;
	[tilespmem:$0x1F1E0] =	vst v63  }
0x3e: {  	s29 =	rddreg [dreg:$0xc]  }
0x3f: {  	[spmem:s29] =	stream.linear.scatter [tilespmem:s1], [sflag:$0x3], $0x1900, $0x38;
	[tilespmem:$0x1F1E0] =	vst v63  }
0x40: {  	s26 =	rddreg [dreg:$0xd]  }
0x41: {  	[spmem:s26] =	stream.linear.scatter [tilespmem:s1], [sflag:$0x3], $0x1900, $0x38;
	[tilespmem:$0x1F1E0] =	vst v63  }
0x42: {  	s28 =	rddreg [dreg:$0x11]  }
0x43: {  	[spmem:s28] =	stream.linear.scatter [tilespmem:s1], [sflag:$0x3], $0x1900, $0x38;
	[tilespmem:$0x1F1E0] =	vst v63  }
0x44: {  	s29 =	rddreg [dreg:$0x12]  }
0x45: {  	[spmem:s29] =	stream.linear.scatter [tilespmem:s1], [sflag:$0x3], $0x1900, $0x38;
	[tilespmem:$0x1F1E0] =	vst v63  }
0x46: {  	s26 =	rddreg [dreg:$0x13]  }
0x47: {  	[spmem:s26] =	stream.linear.scatter [tilespmem:s1], [sflag:$0x3], $0x1900, $0x38;
	[tilespmem:$0x1F1E0] =	vst v63  }
0x48: {  	_ = 	snop  }
0x49: {  	[spmem:s30] =	stream.linear.scatter [tilespmem:s1], [sflag:$0x3], $0x1900, $0x38;
	[tilespmem:$0x1F1E0] =	vst v63  }
0x4a: {  	_ = 	snop  }
0x4b: {  	[spmem:s31] =	stream.linear.scatter [tilespmem:s1], [sflag:$0x3], $0x1900, $0x38;
	[tilespmem:$0x1F1E0] =	vst v63  }
0x4c: {  	_ = 	snop  }
0x4d: {  	[spmem:s0] =	stream.linear.scatter [tilespmem:s1], [sflag:$0x3], $0x1900, $0x38;
	[tilespmem:$0x1F1E0] =	vst v63  }
0x4e: {  	_ =	swait.ge [sflag:s5], $0x1900  }
0x4f: {  	[sflag:s5] =	ssyncset.done $0x0  }
0x50: {  	[sflag:s5] =	ssyncadd.s32 $0xFFFFE700  }
0x51: {  	_ =	swait.ge [sflag:s5], $0x1900  }
0x52: {  	[sflag:s5] =	ssyncset.done $0x0  }
0x53: {  	[sflag:s5] =	ssyncadd.s32 $0xFFFFE700  }
0x54: {  	_ =	swait.ge [sflag:s5], $0x1900  }
0x55: {  	[sflag:s5] =	ssyncset.done $0x0  }
0x56: {  	[sflag:s5] =	ssyncadd.s32 $0xFFFFE700  }
0x57: {  	_ =	swait.ge [sflag:s5], $0x1900  }
0x58: {  	[sflag:s5] =	ssyncset.done $0x0  }
0x59: {  	[sflag:s5] =	ssyncadd.s32 $0xFFFFE700  }
0x5a: {  	_ =	swait.ge [sflag:s5], $0x1900  }
0x5b: {  	[sflag:s5] =	ssyncset.done $0x0  }
0x5c: {  	[sflag:s5] =	ssyncadd.s32 $0xFFFFE700  }
0x5d: {  	_ =	swait.ge [sflag:s5], $0x1900  }
0x5e: {  	[sflag:s5] =	ssyncset.done $0x0  }
0x5f: {  	[sflag:s5] =	ssyncadd.s32 $0xFFFFE700  }
0x60: {  	_ =	swait.ge [sflag:s5], $0x1900  }
0x61: {  	[sflag:s5] =	ssyncset.done $0x0  }
0x62: {  	[sflag:s5] =	ssyncadd.s32 $0xFFFFE700  }
0x63: {  	_ =	swait.ge [sflag:s5], $0x1900  }
0x64: {  	[sflag:s5] =	ssyncset.done $0x0  }
0x65: {  	[sflag:s5] =	ssyncadd.s32 $0xFFFFE700  }
0x66: {  	_ =	swait.ge [sflag:s5], $0x1900  }
0x67: {  	[sflag:s5] =	ssyncset.done $0x0  }
0x68: {  	[sflag:s5] =	ssyncadd.s32 $0xFFFFE700  }
0x69: {  	_ =	swait.ge [sflag:s5], $0x1900  }
0x6a: {  	[sflag:s5] =	ssyncset.done $0x0  }
0x6b: {  	[sflag:s5] =	ssyncadd.s32 $0xFFFFE700  }
0x6c: {  	_ =	swait.ge [sflag:s5], $0x1900  }
0x6d: {  	[sflag:s5] =	ssyncset.done $0x0  }
0x6e: {  	[sflag:s5] =	ssyncadd.s32 $0xFFFFE700  }
0x6f: {  	_ =	swait.ge [sflag:s5], $0x1900  }
0x70: {  	[sflag:s5] =	ssyncset.done $0x0  }
0x71: {  	[sflag:s5] =	ssyncadd.s32 $0xFFFFE700  }
0x72: {  	_ =	swait.ge [sflag:s5], $0x1900  }
0x73: {  	[sflag:s5] =	ssyncset.done $0x0  }
0x74: {  	[sflag:s5] =	ssyncadd.s32 $0xFFFFE700  }
0x75: {  	_ =	swait.ge [sflag:s5], $0x1900  }
0x76: {  	[sflag:s5] =	ssyncset.done $0x0  }
0x77: {  	[sflag:s5] =	ssyncadd.s32 $0xFFFFE700  }
0x78: {  	_ =	swait.ge [sflag:s5], $0x1900  }
0x79: {  	[sflag:s5] =	ssyncset.done $0x0  }
0x7a: {  	[sflag:s5] =	ssyncadd.s32 $0xFFFFE700  }
0x7b: {  	_ =	swait.ge [sflag:s5], $0x1900  }
0x7c: {  	[sflag:s5] =	ssyncset.done $0x0  }
0x7d: {  	[sflag:s5] =	ssyncadd.s32 $0xFFFFE700  }
0x7e: {  	[bflag:$0x0] =	sbarrier.arrive $0xFFFF  }
0x7f: {  	s26 =	simm.s32 $0x0;
	s28 =	rddreg [dreg:$0x3]  }
0x80: {  	[tilespmem:s26], [sflag:$0x1] =	stream.linear.gather [hbm4b:s28+s26], $0x278, $0x38;
	[tilespmem:$0x1F1E0] =	vst v63  }
0x81: {  	s29 =	rddreg [dreg:$0x4]  }
0x82: {  	[tilespmem:s6], [sflag:$0x1] =	stream.linear.gather [hbm4b:s29+s26], $0x278, $0x38;
	[tilespmem:$0x1F1E0] =	vst v63  }
0x83: {  	s28 =	rddreg [dreg:$0x5]  }
0x84: {  	[tilespmem:s7], [sflag:$0x1] =	stream.linear.gather [hbm4b:s28+s26], $0x278, $0x38;
	[tilespmem:$0x1F1E0] =	vst v63  }
0x85: {  	s29 =	rddreg [dreg:$0x6]  }
0x86: {  	[tilespmem:s8], [sflag:$0x1] =	stream.linear.gather [hbm4b:s29+s26], $0x278, $0x38;
	[tilespmem:$0x1F1E0] =	vst v63  }
0x87: {  	_ =	swait.ge [sflag:s10], $0x278  }
0x88: {  	[sflag:s10] =	ssyncset.done $0x0  }
0x89: {  	[sflag:s10] =	ssyncadd.s32 $0xFFFFFD88  }
0x8a: {  	_ =	swait.ge [sflag:s10], $0x278  }
0x8b: {  	[sflag:s10] =	ssyncset.done $0x0  }
0x8c: {  	[sflag:s10] =	ssyncadd.s32 $0xFFFFFD88  }
0x8d: {  	[tilespmem:s1], [sflag:$0x2] =	stream.indirect.gather [hbm4b:s3+s14], $0x10, s26, s14, $0xb8;
	[tilespmem:$0x1F1E0] =	vst v63  }
.LBB2_4:
0x8e: {  	_ =	swait.ge [sflag:s10], $0x278  }
0x8f: {  	[sflag:s10] =	ssyncset.done $0x0  }
0x90: {  	[sflag:s10] =	ssyncadd.s32 $0xFFFFFD88  }
0x91: {  	_ =	swait.ge [sflag:s10], $0x278  }
0x92: {  	[sflag:s10] =	ssyncset.done $0x0  }
0x93: {  	[sflag:s10] =	ssyncadd.s32 $0xFFFFFD88  }
0x94: {  	[tilespmem:s15], [sflag:$0x2] =	stream.indirect.gather [hbm4b:s3+s14], $0x10, s7, s14, $0xb8;
	[tilespmem:$0x1F1E0] =	vst v63  }
0x95: {  	_ =	swait.ge [sflag:s16], $0x2710  }
0x96: {  	s28 =	sadd.s32 s26, s20;
	[sflag:s16] =	ssyncset.done $0x0  }
0x97: {  	s25 =	sadd.s32 $0x9E, s28;
	[sflag:s16] =	ssyncadd.s32 $0xFFFFD8F0  }
0x98: {  	[tilespmem:s17], [sflag:$0x1] =	stream.linear.gather [hbm4b:s25+s2], $0x278, $0x38;
	[tilespmem:$0x1F1E0] =	vst v63  }
0x99: {  	s25 =	sadd.s32 s26, s21  }
0x9a: {  	s29 =	sadd.s32 $0x9E, s25  }
0x9b: {  	[tilespmem:s18], [sflag:$0x1] =	stream.linear.gather [hbm4b:s29+s2], $0x278, $0x38;
	[tilespmem:$0x1F1E0] =	vst v63  }
0x9c: {  	_ =	swait.ge [sflag:s10], $0x278  }
0x9d: {  	[sflag:s10] =	ssyncset.done $0x0  }
0x9e: {  	[sflag:s10] =	ssyncadd.s32 $0xFFFFFD88  }
0x9f: {  	_ =	swait.ge [sflag:s10], $0x278  }
0xa0: {  	[sflag:s10] =	ssyncset.done $0x0  }
0xa1: {  	[sflag:s10] =	ssyncadd.s32 $0xFFFFFD88  }
0xa2: {  	[tilespmem:s1], [sflag:$0x2] =	stream.indirect.gather [hbm4b:s3+s14], $0x10, s17, s14, $0xb8;
	[tilespmem:$0x1F1E0] =	vst v63  }
0xa3: {  	_ =	swait.ge [sflag:s16], $0x2710  }
0xa4: {  	[sflag:s16] =	ssyncset.done $0x0  }
0xa5: {  	s29 =	sadd.s32 $0xED, s28;
	[sflag:s16] =	ssyncadd.s32 $0xFFFFD8F0  }
0xa6: {  	[tilespmem:s19], [sflag:$0x1] =	stream.linear.gather [hbm4b:s29+s2], $0x278, $0x38;
	[tilespmem:$0x1F1E0] =	vst v63  }
0xa7: {  	s29 =	sadd.s32 $0xED, s25  }
0xa8: {  	[tilespmem:s22], [sflag:$0x1] =	stream.linear.gather [hbm4b:s29+s2], $0x278, $0x38;
	[tilespmem:$0x1F1E0] =	vst v63  }
0xa9: {  	_ =	swait.ge [sflag:s10], $0x278  }
0xaa: {  	[sflag:s10] =	ssyncset.done $0x0  }
0xab: {  	[sflag:s10] =	ssyncadd.s32 $0xFFFFFD88  }
0xac: {  	_ =	swait.ge [sflag:s10], $0x278  }
0xad: {  	p0 =	seq.s32 s26, $0x3024;
	[sflag:s10] =	ssyncset.done $0x0  }
.Ltmp3:
0xae: {  	[sflag:s10] =	ssyncadd.s32 $0xFFFFFD88;
	(pc) =	sbr.rel @p0 .LBB2_6-.Ltmp3, $4  }
0xaf: {  	[tilespmem:s15], [sflag:$0x2] =	stream.indirect.gather [hbm4b:s3+s14], $0x10, s19, s14, $0xb8;
	[tilespmem:$0x1F1E0] =	vst v63  }
0xb0: {  	_ =	swait.ge [sflag:s16], $0x2710  }
0xb1: {  	[sflag:s16] =	ssyncset.done $0x0  }
0xb2: {  	[sflag:s16] =	ssyncadd.s32 $0xFFFFD8F0  }
0xb3: {  	s29 =	sadd.s32 $0x13C, s28  }
0xb4: {  	[tilespmem:s2], [sflag:$0x1] =	stream.linear.gather [hbm4b:s29+s2], $0x278, $0x38;
	[tilespmem:$0x1F1E0] =	vst v63  }
0xb5: {  	s29 =	sadd.s32 $0x13C, s25  }
0xb6: {  	[tilespmem:s6], [sflag:$0x1] =	stream.linear.gather [hbm4b:s29+s2], $0x278, $0x38;
	[tilespmem:$0x1F1E0] =	vst v63  }
0xb7: {  	_ =	swait.ge [sflag:s10], $0x278  }
0xb8: {  	[sflag:s10] =	ssyncset.done $0x0  }
0xb9: {  	[sflag:s10] =	ssyncadd.s32 $0xFFFFFD88  }
0xba: {  	_ =	swait.ge [sflag:s10], $0x278  }
0xbb: {  	[sflag:s10] =	ssyncset.done $0x0  }
0xbc: {  	[sflag:s10] =	ssyncadd.s32 $0xFFFFFD88  }
0xbd: {  	[tilespmem:s1], [sflag:$0x2] =	stream.indirect.gather [hbm4b:s3+s14], $0x10, s2, s14, $0xb8;
	[tilespmem:$0x1F1E0] =	vst v63  }
0xbe: {  	_ =	swait.ge [sflag:s16], $0x2710  }
.Ltmp4:
0xbf: {  	[sflag:s16] =	ssyncset.done $0x0;
	(pc) =	sbr.rel .LBB2_4-.Ltmp4, $4  }
0xc0: {  	s29 =	sadd.s32 $0x18B, s28;
	[sflag:s16] =	ssyncadd.s32 $0xFFFFD8F0  }
0xc1: {  	[tilespmem:s7], [sflag:$0x1] =	stream.linear.gather [hbm4b:s29+s2], $0x278, $0x38;
	[tilespmem:$0x1F1E0] =	vst v63  }
0xc2: {  	s26 =	sadd.s32 $0x13C, s26;
	s29 =	sadd.s32 $0x18B, s25  }
0xc3: {  	[tilespmem:s8], [sflag:$0x1] =	stream.linear.gather [hbm4b:s29+s2], $0x278, $0x38;
	[tilespmem:$0x1F1E0] =	vst v63  }
.LBB2_6:
0xc4: {  	_ =	swait.ge [sflag:s16], $0x2710  }
0xc5: {  	[sflag:s16] =	ssyncset.done $0x0  }
0xc6: {  	[sflag:s16] =	ssyncadd.s32 $0xFFFFD8F0  }
0xc7: {  	[bflag:$0x0] =	sbarrier.arrive $0xFFFF  }
0xc8: {  	[tilespmem:s1], [sflag:$0x3] =	stream.linear.gather [spmem:s9], $0x1900, $0x38;
	[tilespmem:$0x1F1E0] =	vst v63  }
0xc9: {  	_ =	swait.ge [sflag:s5], $0x1900  }
0xca: {  	[sflag:s5] =	ssyncset.done $0x0  }
0xcb: {  	s25 =	simm.s32 $0x0;
	s26 =	rddreg [dreg:$0xe];
	[sflag:s5] =	ssyncadd.s32 $0xFFFFE700  }
0xcc: {  	[hbm4b:s26+s25] =	stream.linear.scatter [tilespmem:s1], [sflag:$0x2], $0x1900, $0x38;
	[tilespmem:$0x1F1E0] =	vst v63  }
0xcd: {  	_ = 	snop  }
0xce: {  	[tilespmem:s15], [sflag:$0x3] =	stream.linear.gather [spmem:s11], $0x1900, $0x38;
	[tilespmem:$0x1F1E0] =	vst v63  }
0xcf: {  	_ =	swait.ge [sflag:s5], $0x1900  }
0xd0: {  	[sflag:s5] =	ssyncset.done $0x0  }
0xd1: {  	s29 =	rddreg [dreg:$0xf];
	[sflag:s5] =	ssyncadd.s32 $0xFFFFE700  }
0xd2: {  	[hbm4b:s29+s25] =	stream.linear.scatter [tilespmem:s15], [sflag:$0x2], $0x1900, $0x38;
	[tilespmem:$0x1F1E0] =	vst v63  }
0xd3: {  	_ =	swait.ge [sflag:s16], $0x1900  }
0xd4: {  	[sflag:s16] =	ssyncset.done $0x0  }
0xd5: {  	s28 =	smov.u32 s13;
	s26 =	rddreg [dreg:$0x10];
	[sflag:s16] =	ssyncadd.s32 $0xFFFFE700  }
0xd6: {  	[tilespmem:s1], [sflag:$0x3] =	stream.linear.gather [spmem:s12], $0x1900, $0x38;
	[tilespmem:$0x1F1E0] =	vst v63  }
.LBB2_7:
0xd7: {  	_ =	swait.ge [sflag:s5], $0x1900  }
0xd8: {  	s29 =	sshrl.u32 s26, $0x3;
	[sflag:s5] =	ssyncset.done $0x0  }
0xd9: {  	s29 =	sadd.s32 s4, s29;
	[sflag:s5] =	ssyncadd.s32 $0xFFFFE700  }
0xda: {  	[hbm4b:s29+s2] =	stream.linear.scatter [tilespmem:s1], [sflag:$0x2], $0x1900, $0x38;
	[tilespmem:$0x1F1E0] =	vst v63  }
0xdb: {  	_ =	swait.ge [sflag:s16], $0x1900  }
0xdc: {  	[sflag:s16] =	ssyncset.done $0x0  }
0xdd: {  	[sflag:s16] =	ssyncadd.s32 $0xFFFFE700  }
0xde: {  	[tilespmem:s15], [sflag:$0x3] =	stream.linear.gather [spmem:s28], $0x1900, $0x38;
	[tilespmem:$0x1F1E0] =	vst v63  }
0xdf: {  	_ =	swait.ge [sflag:s5], $0x1900  }
0xe0: {  	p0 =	seq.s32 s25, $0x2580;
	[sflag:s5] =	ssyncset.done $0x0  }
.Ltmp5:
0xe1: {  	s29 =	sadd.s32 s25, s24;
	[sflag:s5] =	ssyncadd.s32 $0xFFFFE700;
	(pc) =	sbr.rel @p0 .LBB2_9-.Ltmp5, $4  }
0xe2: {  	[hbm4b:s29+s2] =	stream.linear.scatter [tilespmem:s15], [sflag:$0x2], $0x1900, $0x38;
	[tilespmem:$0x1F1E0] =	vst v63  }
0xe3: {  	_ =	swait.ge [sflag:s16], $0x1900  }
0xe4: {  	[sflag:s16] =	ssyncset.done $0x0  }
0xe5: {  	[sflag:s16] =	ssyncadd.s32 $0xFFFFE700  }
.Ltmp6:
0xe6: {  	(pc) =	sbr.rel .LBB2_7-.Ltmp6, $4  }
0xe7: {  	_ = 	snop  }
0xe8: {  	s29 =	sadd.s32 $0x1900, s28  }
0xe9: {  	s25 =	sadd.s32 $0x640, s25;
	s28 =	sadd.s32 $0x3200, s28;
	s26 =	sadd.s32 $0x3200, s26  }
0xea: {  	[tilespmem:s1], [sflag:$0x3] =	stream.linear.gather [spmem:s29], $0x1900, $0x38;
	[tilespmem:$0x1F1E0] =	vst v63  }
.LBB2_10:
0xeb: {  	_ =	sfence.sel $0x180000  }
0xec: {  	[bflag:$0x0] =	sbarrier.arrive $0xFFFF  }
0xed: {  	_ =	strace $0x90000047  }
0xee: {  	s0 =	stileid.u32;
	[bflag:$0x2] =	sbarrier.arrive $0xFFFF  }
0xef: {  	p0 =	sne.s32 s0, $0x0;
	s0 =	rddreg [dreg:$0x2]  }
0xf0: {  	s0 =	sadd.s32 @!p0 $0x100000, s0  }
0xf1: {  	[sflag:s0] =	ssyncadd.tile.s32 @!p0 $0x1;
	_ =	shalt  }
.Lfunc_end2:
_tile_overlayer_lowered:
.L_overlay_start_2:
0xf2: {  	(tag) =	ssettag $0x2  }
0xf3: {  	s0 =	rddreg [dreg:$0x0];
	s2 =	stileid.u32  }
0xf4: {  	s1 =	rddreg [dreg:$0x1];
	p0 =	sne.s32 s2, $0x0  }
0xf5: {  	s3 =	rddreg [dreg:$0x2];
	[bflag:$0x3] =	sbarrier.arrive $0xFFFF;
	s2 =	simm.s32 @!p0 $0x1C04  }
0xf6: {  	[timem:s3], [sflag:s2] =	dma.local @!p0 [hbm:s0], s1  }
0xf7: {  	s0 =	simm.s32 @!p0 $0x4  }
0xf8: {  	_ =	swait.ge @!p0 [sflag:s0], s1  }
0xf9: {  	s1 =	ssub.s32 @!p0 $0x0, s1;
	[sflag:s0] =	ssyncset.done @!p0 $0x0  }
0xfa: {  	[sflag:s0] =	ssyncadd.s32 @!p0 s1  }
0xfb: {  	[bflag:$0x3] =	sbarrier.arrive $0xFFFF  }
0xfc: {  	_ =	shalt  }

// kernel: kernel.15.cloned.1.call-start
scs
__scs_entry_jumppad:
0x0: {  	(pc) =	sbr.rel $0x88, $3  }
0x1: {  	(tag) =	ssettag $0x0;
	lr =	simm.s32 $0x1  }
0x2: {  	[smem:$0x3F90] =	sst lr;
	_ =	strace $0xD0000000  }
0x3: {  	_ = 	snop  }
0x4: {  	_ = 	snop  }
0x5: {  	_ = 	snop  }
0x6: {  	_ = 	snop  }
0x7: {  	_ = 	snop  }
__scs_overlays_trampoline_lowered:
0x8: {  	[smem:$0x3F9F] =	sst s0  }
0x9: {  	[smem:$0x3FA0] =	sst s1  }
0xa: {  	[smem:$0x3FA1] =	sst s2  }
0xb: {  	[smem:$0x3FA2] =	sst s3  }
0xc: {  	[smem:$0x3FA3] =	sst s4  }
0xd: {  	[smem:$0x3FA4] =	sst s5  }
0xe: {  	[smem:$0x3FA5] =	sst s6  }
0xf: {  	[smem:$0x3FA6] =	sst s7  }
0x10: {  	[smem:$0x3FA7] =	sst s8  }
0x11: {  	[smem:$0x3FA8] =	sst s9;
	s0 =	simm.s32 @!p0 $0x0  }
0x12: {  	s1 =	sld [smem:$0x3F8E];
	s0 =	simm.s32 @p0 $0x1  }
0x13: {  	[smem:$0x3FA9] =	sst s0;
	s0 =	simm.s32 @!p1 $0x0  }
0x14: {  	s2 =	sld [smem:$0x3F8D];
	s0 =	simm.s32 @p1 $0x1  }
0x15: {  	[smem:$0x3FAA] =	sst s0;
	s0 =	simm.s32 @!p2 $0x0  }
0x16: {  	s3 =	sld [smem:$0x3FDB];
	s0 =	simm.s32 @p2 $0x1  }
0x17: {  	s4 =	simm.s32 $0x1BF5;
	[smem:$0x3FAC] =	sst s0  }
0x18: {  	s0 =	sld [smem:$0x3F8F];
	_ =	swait.ge [sflag:s4], $0x0  }
0x19: {  	s7 =	sld [smem:$0x3F90]  }
0x1a: {  	s8 =	sadd.s32 $0xFFFFE003, lr  }
0x1b: {  	s9 =	sadd.s32 $0xFFFFFEF7, lr;
	s5 =	simm.s32 $0xFFFFFFFF;
	p2 =	slt.u32 s8, $0xFFFFF086  }
0x1c: {  	p1 =	slt.u32 s9, $0xF7A;
	s5 =	simm.s32 @!p2 $0x0  }
0x1d: {  	s5 =	simm.s32 @p1 $0x1;
	p0 =	seq.s32 s7, s2  }
0x1e: {  	s7 =	smul.u32 @!p0 $0xF7A, s2;
	p2 =	seq.s32 @!p0 s5, $0x0  }
0x1f: {  	s9 =	smul.u32 $0xF7A, s1;
	s8 =	simm.s32 @!p0 $0x1BF5;
	p2 =	por !p2, p0  }
0x20: {  	[sflag:s8] =	ssyncset.s32 @!p0 $0xFFFFF086;
	s6 =	sadd.s32 @!p0 s3, s7;
	s7 =	simm.s32 @!p0 $0x108  }
0x21: {  	s3 =	sadd.s32 s3, s9;
	s6 =	sadd.s32 @!p0 $0x88, s6;
	s7 =	simm.s32 @p2 $0x1082  }
0x22: {  	[simem:s7], [sflag:s8] =	dma.local @!p0 [hbm:s6], $0xF7A  }
0x23: {  	s9 =	sor.u32 $0xD0000000, s2;
	s6 =	simm.s32 $0x108;
	_ =	swait.ge @!p0 [sflag:s8], $0x0  }
0x24: {  	s3 =	sadd.s32 $0x88, s3;
	s6 =	simm.s32 @!p1 $0x1082;
	[sflag:s4] =	ssyncset.s32 $0xFFFFF086  }
0x25: {  	[simem:s6], [sflag:s4] =	dma.local [hbm:s3], $0xF7A  }
0x26: {  	[smem:$0x3F90] =	sst s1;
	(tag) =	ssettag s2;
	_ =	strace s9  }
0x27: {  	s1 =	sld [smem:$0x3FA0]  }
0x28: {  	s2 =	sld [smem:$0x3FA1]  }
0x29: {  	s4 =	sld [smem:$0x3FA3]  }
0x2a: {  	p0 =	seq.s32 s5, $0x0;
	s5 =	sld [smem:$0x3FA4]  }
0x2b: {  	s6 =	sld [smem:$0x3FA5]  }
0x2c: {  	s7 =	sld [smem:$0x3FA6]  }
0x2d: {  	s3 =	simm.s32 $0x108;
	s8 =	sld [smem:$0x3FA7]  }
0x2e: {  	s3 =	simm.s32 @!p0 $0x1082;
	s9 =	sld [smem:$0x3FA8]  }
0x2f: {  	lr =	sadd.s32 s0, s3;
	s0 =	sld [smem:$0x3F9F]  }
0x30: {  	s3 =	sld [smem:$0x3FA2]  }
0x31: {  	[smem:$0x3FAB] =	sst s10  }
0x32: {  	s10 =	sld [smem:$0x3FA9];
	_ =	sdelay $0x3  }
0x33: {  	p0 =	seq.s32 s10, $0x1;
	s10 =	sld [smem:$0x3FAB];
	_ =	sdelay $0x3  }
0x34: {  	[smem:$0x3FAB] =	sst s10  }
0x35: {  	s10 =	sld [smem:$0x3FAA];
	_ =	sdelay $0x3  }
0x36: {  	p1 =	seq.s32 s10, $0x1;
	s10 =	sld [smem:$0x3FAB];
	_ =	sdelay $0x3  }
0x37: {  	[smem:$0x3FAB] =	sst s10  }
0x38: {  	s10 =	sld [smem:$0x3FAC]  }
0x39: {  	_ = 	snop;
	(pc) =	sbr.ind lr, $3  }
0x3a: {  	_ = 	snop  }
0x3b: {  	_ = 	snop  }
0x3c: {  	p2 =	seq.s32 s10, $0x1;
	s10 =	sld [smem:$0x3FAB]  }
0x3d: {  	_ =	shalt  }
0x3e: {  	_ =	shalt  }
0x3f: {  	_ =	shalt  }
0x40: {  	_ =	shalt  }
0x41: {  	_ =	shalt  }
0x42: {  	_ =	shalt  }
0x43: {  	_ =	shalt  }
0x44: {  	_ =	shalt  }
0x45: {  	_ =	shalt  }
0x46: {  	_ =	shalt  }
0x47: {  	_ =	shalt  }
0x48: {  	_ =	shalt  }
0x49: {  	_ =	shalt  }
0x4a: {  	_ =	shalt  }
0x4b: {  	_ =	shalt  }
0x4c: {  	_ =	shalt  }
0x4d: {  	_ =	shalt  }
0x4e: {  	_ =	shalt  }
0x4f: {  	_ =	shalt  }
0x50: {  	_ =	shalt  }
0x51: {  	_ =	shalt  }
0x52: {  	_ =	shalt  }
0x53: {  	_ =	shalt  }
0x54: {  	_ =	shalt  }
0x55: {  	_ =	shalt  }
0x56: {  	_ =	shalt  }
0x57: {  	_ =	shalt  }
0x58: {  	_ =	shalt  }
0x59: {  	_ =	shalt  }
0x5a: {  	_ =	shalt  }
0x5b: {  	_ =	shalt  }
0x5c: {  	_ =	shalt  }
0x5d: {  	_ =	shalt  }
0x5e: {  	_ =	shalt  }
0x5f: {  	_ =	shalt  }
0x60: {  	_ =	shalt  }
0x61: {  	_ =	shalt  }
0x62: {  	_ =	shalt  }
0x63: {  	_ =	shalt  }
0x64: {  	_ =	shalt  }
0x65: {  	_ =	shalt  }
0x66: {  	_ =	shalt  }
0x67: {  	_ =	shalt  }
0x68: {  	_ =	shalt  }
0x69: {  	_ =	shalt  }
0x6a: {  	_ =	shalt  }
0x6b: {  	_ =	shalt  }
0x6c: {  	_ =	shalt  }
0x6d: {  	_ =	shalt  }
0x6e: {  	_ =	shalt  }
0x6f: {  	_ =	shalt  }
0x70: {  	_ =	shalt  }
0x71: {  	_ =	shalt  }
0x72: {  	_ =	shalt  }
0x73: {  	_ =	shalt  }
0x74: {  	_ =	shalt  }
0x75: {  	_ =	shalt  }
0x76: {  	_ =	shalt  }
0x77: {  	_ =	shalt  }
0x78: {  	_ =	shalt  }
0x79: {  	_ =	shalt  }
0x7a: {  	_ =	shalt  }
0x7b: {  	_ =	shalt  }
0x7c: {  	_ =	shalt  }
0x7d: {  	_ =	shalt  }
0x7e: {  	_ =	shalt  }
0x7f: {  	_ =	shalt  }
0x80: {  	_ =	shalt  }
0x81: {  	_ =	shalt  }
0x82: {  	_ =	shalt  }
0x83: {  	_ =	shalt  }
0x84: {  	_ =	shalt  }
0x85: {  	_ =	shalt  }
0x86: {  	_ =	shalt  }
0x87: {  	_ =	shalt  }
.Lfunc_end0:
.L_simem_size_0:
called_computation.1_lowered:
.L_overlay_start_0:
0x88: {  	s2 =	sld [smem:$0x3FD9]  }
0x89: {  	s3 =	sld [smem:$0x3FFE];
	_ =	sdelay $0x1  }
0x8a: {  	s1 =	srdreg.scid  }
0x8b: {  	s0 =	sand.u32 $0x1, s1  }
0x8c: {  	s16 =	sshll.u32 s0, $0xA;
	s2 =	sadd.s32 s3, s2  }
0x8d: {  	s2 =	sadd.s32 s2, s16  }
0x8e: {  	[smem:$0x3FB7] =	sst s2  }
0x8f: {  	_ = 	snop  }
0x90: {  	(tm) =	ssettm $0x1  }
0x91: {  	s17 =	sld [smem:$0x3FFB];
	_ =	sdelay $0x3  }
0x92: {  	_ =	strace s17  }
0x93: {  	s2 =	sld [smem:$0x3FFC];
	_ =	sdelay $0x3  }
0x94: {  	_ =	strace s2  }
0x95: {  	s2 =	sld [smem:$0x3FFD];
	_ =	sdelay $0x3  }
0x96: {  	_ =	strace s2  }
0x97: {  	_ =	strace $0x8FFFFFFF  }
0x98: {  	s18 =	sld [smem:$0x3FDB];
	_ =	sdelay $0x1  }
0x99: {  	s19 =	simm.s32 $_scs_section_size  }
0x9a: {  	s4 =	simm.s32 $_size__tile_overlayer_lowered;
	s5 =	simm.s32 $_tile_overlayer_lowered  }
0x9b: {  	s22 =	simm.s32 $0x1BFF;
	s21 =	sshll.u32 s5, $0x1;
	s2 =	sadd.s32 s19, s18  }
0x9c: {  	s6 =	simm.s32 $0x0;
	s20 =	sshll.u32 s4, $0x1;
	s4 =	sadd.s32 s21, s2  }
0x9d: {  	[timem:s6], [sflag:s22] =	dma.local [hbm:s4], s20  }
0x9e: {  	_ =	swait.ge [sflag:s22], s20  }
0x9f: {  	s3 =	ssub.s32 $0x0, s20;
	[sflag:s22] =	ssyncset.done $0x0  }
0xa0: {  	[sflag:s22] =	ssyncadd.s32 s3;
	_ =	sdelay $0x1  }
0xa1: {  	s23 =	simm.s32 $0x1B8B  }
0xa2: {  	_ =	swait.ge [sflag:s23], $0x1  }
0xa3: {  	[sflag:s23] =	ssyncset.done $0x0  }
0xa4: {  	s25 =	simm.s32 $0x1B8E;
	s24 =	sld [smem:$0x3FFE];
	[sflag:s23] =	ssyncadd.s32 $0xFFFFFFFF  }
0xa5: {  	s26 =	simm.s32 $execute0_lowered;
	[smem:$0x3FD2] =	sst s25  }
0xa6: {  	s4 =	sshll.u32 s26, $0x1;
	_ =	strace $0x80000049;
	[dreg:$0x1] =	wrdreg $0xFFFFFFFF  }
0xa7: {  	s28 =	simm.s32 $_size_execute0_lowered;
	s2 =	sadd.s32 s2, s4;
	[dreg:$0x0] =	wrdreg $0x0  }
0xa8: {  	s4 =	sshll.u32 s28, $0x1;
	[dreg:$0x2] =	wrdreg s2  }
0xa9: {  	[dreg:$0x3] =	wrdreg s4  }
0xaa: {  	[dreg:$0x4] =	wrdreg $0xC0  }
0xab: {  	_ =	task [dreg:s6], $0x5FFFF  }
0xac: {  	[dreg:$0x1] =	wrdreg $0xFFFFFFFF  }
0xad: {  	[dreg:$0x0] =	wrdreg $0x60  }
0xae: {  	[dreg:$0x2] =	wrdreg s24  }
0xaf: {  	[dreg:$0x3] =	wrdreg $0x61E00  }
0xb0: {  	[dreg:$0x4] =	wrdreg $0x9  }
0xb1: {  	_ =	task.clear_ibuf [dreg:s6], $0x5FFFF;
	_ =	strace $0x90000049  }
0xb2: {  	s29 =	simm.s32 $0x9;
	_ =	strace $0x8000004B  }
0xb3: {  	_ =	swait.ge [sflag:s29], $0x1  }
0xb4: {  	[sflag:s29] =	ssyncadd.s32 $0xFFFFFFFF  }
0xb5: {  	_ =	strace $0x9000004B  }
0xb6: {  	_ =	sfence  }
0xb7: {  	s30 =	sld [smem:$0x0];
	_ =	sdelay $0x2  }
0xb8: {  	s31 =	sshll.u32 s1, $0xD;
	s1 =	sshrl.u32 s1, $0x2  }
0xb9: {  	s3 =	sand.u32 $0x4000, s31;
	s1 =	sadd.s32 s1, s30  }
0xba: {  	s0 =	sor.u32 s3, s0;
	s1 =	sshll.u32 s1, $0x11  }
0xbb: {  	s0 =	sor.u32 s1, s0  }
0xbc: {  	s0 =	sadd.s32 $0x8F2B, s0  }
0xbd: {  	[sflag:s0] =	ssyncadd.remote.s32 $0x1  }
0xbe: {  	_ =	sfence.sel $0xFFFF  }
0xbf: {  	[dreg:$0x0] =	wrdreg $0xFFFFFFFF;
	(pc) =	sbr.abs _section_cstart, $3  }
0xc0: {  	[dreg:$0x1] =	wrdreg $0xFFFFFFFF  }
0xc1: {  	_ =	task.clear_ibuf [dreg:s6], $0x2FFFF;
	_ =	strace $0x9FFFFFFF  }
0xc2: {  	(tm) =	ssettm $0x7FFFFFFF  }
0xc3: {  	_ =	shalt  }
tec
execute0_lowered:
.L_overlay_start_1:
0x0: {  	(tag) =	ssettag $0x1  }
0x1: {  	s0 =	rddreg [dreg:$0x0]  }
0x2: {  	s1 =	rddreg [dreg:$0x1];
	s14 =	stileid.u32  }
0x3: {  	s2 =	simm.s32 $0x0;
	s3 =	srdreg.scid;
	s24 =	smul.u32 $0x64000, s14  }
0x4: {  	[smem:$0x7FF] =	sst s2;
	s5 =	sand.u32 $0x1, s3;
	s28 =	smul.u32 $0x19000, s14  }
0x5: {  	s4 =	sshll.u32 s14, $0x1;
	s3 =	sadd.s32 $0x12EE00, s0;
	s21 =	smul.u32 $0x62C0, s14  }
0x6: {  	s6 =	sadd.s32 $0xCC200, s0;
	s8 =	sadd.s32 $0x6600, s0;
	s29 =	smul.u32 $0x190000, s5  }
0x7: {  	s7 =	sor.u32 s5, s4;
	s9 =	ssub.s32 $0x2, s5;
	s5 =	smul.u32 $0x3160, s5  }
0x8: {  	s14 =	simm.s32 $0x271;
	_ =	strace $0x8000004A;
	s10 =	smul.u32 $0x18B00, s7  }
0x9: {  	s4 =	sadd.s32 $0x1C4E00, s0;
	s22 =	sshrl.u32 s9, $0x1;
	s7 =	smul.u32 $0x3160, s7  }
0xa: {  	s26 =	sshrl.u32 s24, $0x2;
	s15 =	sadd.s32 $0x1900, s28;
	s12 =	sadd.s32 s1, s28  }
0xb: {  	s0 =	ssub.s32 s9, s22;
	s12 =	sadd.s32 $0x3200, s12;
	s11 =	sadd.s32 s6, s7  }
0xc: {  	s23 =	sadd.s32 $0x278, s10;
	s7 =	sadd.s32 s8, s7;
	[dreg:$0x3] =	wrdreg s11  }
0xd: {  	s0 =	smax.u32 s0, $0x1;
	s10 =	sadd.s32 s29, s28;
	[dreg:$0x4] =	wrdreg s7  }
0xe: {  	s25 =	sshrl.u32 s23, $0x3;
	[dreg:$0x7] =	wrdreg s0;
	s11 =	sadd.s32 s15, s1  }
0xf: {  	s0 =	sadd.s32 s29, s15;
	s23 =	sadd.s32 $0x4B00, s10;
	s24 =	sshrl.u32 s10, $0x3  }
0x10: {  	s15 =	simm.s32 $0x3AD0;
	s9 =	sadd.s32 s6, s25;
	s7 =	sadd.s32 s8, s25  }
0x11: {  	s6 =	sadd.s32 s21, s6;
	s0 =	sshrl.u32 s0, $0x3;
	[dreg:$0x5] =	wrdreg s9  }
0x12: {  	s25 =	sadd.s32 $0x3200, s10;
	s10 =	simm.s32 $0x1;
	[dreg:$0x6] =	wrdreg s7  }
0x13: {  	s9 =	sadd.s32 s26, s1;
	s1 =	sadd.s32 s21, s8;
	s0 =	sadd.s32 s4, s0  }
0x14: {  	[dreg:$0x10] =	wrdreg s25;
	s7 =	simm.s32 $0x278;
	s8 =	simm.s32 $0xC58  }
0x15: {  	s13 =	sadd.s32 $0x4B00, s9;
	s16 =	sadd.s32 $0x6400, s9;
	[dreg:$0xf] =	wrdreg s0  }
0x16: {  	s17 =	sadd.s32 $0x7D00, s9;
	s18 =	sadd.s32 $0x9600, s9;
	[dreg:$0x8] =	wrdreg s16  }
0x17: {  	s19 =	sadd.s32 $0xAF00, s9;
	s20 =	sadd.s32 $0xC800, s9;
	[dreg:$0x9] =	wrdreg s17  }
0x18: {  	s22 =	sadd.s32 $0xE100, s9;
	s21 =	sadd.s32 s5, s1;
	[dreg:$0xa] =	wrdreg s18  }
0x19: {  	s1 =	sshrl.u32 s23, $0x3;
	s26 =	sadd.s32 $0xFA00, s9;
	[dreg:$0xb] =	wrdreg s19  }
0x1a: {  	s28 =	sadd.s32 $0x11300, s9;
	s29 =	sadd.s32 $0x12C00, s9;
	[dreg:$0xc] =	wrdreg s20  }
0x1b: {  	s30 =	sadd.s32 $0x14500, s9;
	s31 =	sadd.s32 $0x15E00, s9;
	[dreg:$0xd] =	wrdreg s22  }
0x1c: {  	s0 =	sadd.s32 $0x17700, s9;
	s23 =	simm.s32 $0x0;
	[dreg:$0x11] =	wrdreg s26  }
.Ltmp0:
0x1d: {  	s20 =	sadd.s32 s5, s6;
	[dreg:$0x12] =	wrdreg s28;
	(pc) =	sbr.rel .LBB2_1-.Ltmp0, $4  }
0x1e: {  	s5 =	sadd.s32 s4, s24;
	s24 =	sadd.s32 s1, s4;
	[dreg:$0x13] =	wrdreg s29  }
0x1f: {  	s1 =	simm.s32 $0x13C0;
	s6 =	simm.s32 $0x9E0;
	s16 =	simm.s32 $0x2  }
0x20: {  	s17 =	simm.s32 $0x4F0;
	s18 =	simm.s32 $0xED0;
	s19 =	simm.s32 $0x768  }
0x21: {  	v0 =	vimm.f32 $0.0e+00;
	s22 =	simm.s32 $0x1148;
	[dreg:$0xe] =	wrdreg s5;
	s5 =	simm.s32 $0x3  }
.LBB2_9:
0x22: {  	_ =	swait.ge [sflag:s16], $0x1900  }
0x23: {  	s23 =	sadd.s32 $0x1, s23;
	s25 =	rddreg [dreg:$0x7]  }
0x24: {  	p0 =	sne.s32 s23, s25  }
.Ltmp1:
0x25: {  	_ = 	snop;
	(pc) =	sbr.rel @!p0 .LBB2_10-.Ltmp1, $3  }
0x26: {  	_ =	sdelay $0x1  }
0x27: {  	[sflag:s16] =	ssyncset.done $0x0  }
0x28: {  	[sflag:s16] =	ssyncadd.s32 $0xFFFFE700  }
.LBB2_1:
0x29: {  	s25 =	simm.s32 $0x40;
	s26 =	simm.s32 $0x0  }
.LBB2_2:
0x2a: {  	p0 =	sne.s32 s25, $0x63C0;
	[tilespmem:s26+$0x13C0] =	vst v0;
	s26 =	smov.u32 s25;
	s25 =	sadd.s32 $0x40, s25  }
.Ltmp2:
0x2b: {  	(pc) =	sbr.rel @p0 .LBB2_2-.Ltmp2, $2  }
0x2c: {  	_ =	sdelay $0x2  }
0x2d: {  	s26 =	sshra.s32 s26, $0x2  }
0x2e: {  	[tilespmem:s26+$0x13C0] =	vst v0  }
0x2f: {  	[spmem:s9] =	stream.linear.scatter [tilespmem:s1], [sflag:$0x3], $0x1900, $0x38;
	[tilespmem:$0x1F1E0] =	vst v63  }
0x30: {  	_ = 	snop  }
0x31: {  	[spmem:s11] =	stream.linear.scatter [tilespmem:s1], [sflag:$0x3], $0x1900, $0x38;
	[tilespmem:$0x1F1E0] =	vst v63  }
0x32: {  	_ = 	snop  }
0x33: {  	[spmem:s12] =	stream.linear.scatter [tilespmem:s1], [sflag:$0x3], $0x1900, $0x38;
	[tilespmem:$0x1F1E0] =	vst v63  }
0x34: {  	_ = 	snop  }
0x35: {  	[spmem:s13] =	stream.linear.scatter [tilespmem:s1], [sflag:$0x3], $0x1900, $0x38;
	[tilespmem:$0x1F1E0] =	vst v63  }
0x36: {  	s25 =	rddreg [dreg:$0x8]  }
0x37: {  	[spmem:s25] =	stream.linear.scatter [tilespmem:s1], [sflag:$0x3], $0x1900, $0x38;
	[tilespmem:$0x1F1E0] =	vst v63  }
0x38: {  	s29 =	rddreg [dreg:$0x9]  }
0x39: {  	[spmem:s29] =	stream.linear.scatter [tilespmem:s1], [sflag:$0x3], $0x1900, $0x38;
	[tilespmem:$0x1F1E0] =	vst v63  }
0x3a: {  	s26 =	rddreg [dreg:$0xa]  }
0x3b: {  	[spmem:s26] =	stream.linear.scatter [tilespmem:s1], [sflag:$0x3], $0x1900, $0x38;
	[tilespmem:$0x1F1E0] =	vst v63  }
0x3c: {  	s28 =	rddreg [dreg:$0xb]  }
0x3d: {  	[spmem:s28] =	stream.linear.scatter [tilespmem:s1], [sflag:$0x3], $0x1900, $0x38;
	[tilespmem:$0x1F1E0] =	vst v63  }
0x3e: {  	s29 =	rddreg [dreg:$0xc]  }
0x3f: {  	[spmem:s29] =	stream.linear.scatter [tilespmem:s1], [sflag:$0x3], $0x1900, $0x38;
	[tilespmem:$0x1F1E0] =	vst v63  }
0x40: {  	s26 =	rddreg [dreg:$0xd]  }
0x41: {  	[spmem:s26] =	stream.linear.scatter [tilespmem:s1], [sflag:$0x3], $0x1900, $0x38;
	[tilespmem:$0x1F1E0] =	vst v63  }
0x42: {  	s28 =	rddreg [dreg:$0x11]  }
0x43: {  	[spmem:s28] =	stream.linear.scatter [tilespmem:s1], [sflag:$0x3], $0x1900, $0x38;
	[tilespmem:$0x1F1E0] =	vst v63  }
0x44: {  	s29 =	rddreg [dreg:$0x12]  }
0x45: {  	[spmem:s29] =	stream.linear.scatter [tilespmem:s1], [sflag:$0x3], $0x1900, $0x38;
	[tilespmem:$0x1F1E0] =	vst v63  }
0x46: {  	s26 =	rddreg [dreg:$0x13]  }
0x47: {  	[spmem:s26] =	stream.linear.scatter [tilespmem:s1], [sflag:$0x3], $0x1900, $0x38;
	[tilespmem:$0x1F1E0] =	vst v63  }
0x48: {  	_ = 	snop  }
0x49: {  	[spmem:s30] =	stream.linear.scatter [tilespmem:s1], [sflag:$0x3], $0x1900, $0x38;
	[tilespmem:$0x1F1E0] =	vst v63  }
0x4a: {  	_ = 	snop  }
0x4b: {  	[spmem:s31] =	stream.linear.scatter [tilespmem:s1], [sflag:$0x3], $0x1900, $0x38;
	[tilespmem:$0x1F1E0] =	vst v63  }
0x4c: {  	_ = 	snop  }
0x4d: {  	[spmem:s0] =	stream.linear.scatter [tilespmem:s1], [sflag:$0x3], $0x1900, $0x38;
	[tilespmem:$0x1F1E0] =	vst v63  }
0x4e: {  	_ =	swait.ge [sflag:s5], $0x1900  }
0x4f: {  	[sflag:s5] =	ssyncset.done $0x0  }
0x50: {  	[sflag:s5] =	ssyncadd.s32 $0xFFFFE700  }
0x51: {  	_ =	swait.ge [sflag:s5], $0x1900  }
0x52: {  	[sflag:s5] =	ssyncset.done $0x0  }
0x53: {  	[sflag:s5] =	ssyncadd.s32 $0xFFFFE700  }
0x54: {  	_ =	swait.ge [sflag:s5], $0x1900  }
0x55: {  	[sflag:s5] =	ssyncset.done $0x0  }
0x56: {  	[sflag:s5] =	ssyncadd.s32 $0xFFFFE700  }
0x57: {  	_ =	swait.ge [sflag:s5], $0x1900  }
0x58: {  	[sflag:s5] =	ssyncset.done $0x0  }
0x59: {  	[sflag:s5] =	ssyncadd.s32 $0xFFFFE700  }
0x5a: {  	_ =	swait.ge [sflag:s5], $0x1900  }
0x5b: {  	[sflag:s5] =	ssyncset.done $0x0  }
0x5c: {  	[sflag:s5] =	ssyncadd.s32 $0xFFFFE700  }
0x5d: {  	_ =	swait.ge [sflag:s5], $0x1900  }
0x5e: {  	[sflag:s5] =	ssyncset.done $0x0  }
0x5f: {  	[sflag:s5] =	ssyncadd.s32 $0xFFFFE700  }
0x60: {  	_ =	swait.ge [sflag:s5], $0x1900  }
0x61: {  	[sflag:s5] =	ssyncset.done $0x0  }
0x62: {  	[sflag:s5] =	ssyncadd.s32 $0xFFFFE700  }
0x63: {  	_ =	swait.ge [sflag:s5], $0x1900  }
0x64: {  	[sflag:s5] =	ssyncset.done $0x0  }
0x65: {  	[sflag:s5] =	ssyncadd.s32 $0xFFFFE700  }
0x66: {  	_ =	swait.ge [sflag:s5], $0x1900  }
0x67: {  	[sflag:s5] =	ssyncset.done $0x0  }
0x68: {  	[sflag:s5] =	ssyncadd.s32 $0xFFFFE700  }
0x69: {  	_ =	swait.ge [sflag:s5], $0x1900  }
0x6a: {  	[sflag:s5] =	ssyncset.done $0x0  }
0x6b: {  	[sflag:s5] =	ssyncadd.s32 $0xFFFFE700  }
0x6c: {  	_ =	swait.ge [sflag:s5], $0x1900  }
0x6d: {  	[sflag:s5] =	ssyncset.done $0x0  }
0x6e: {  	[sflag:s5] =	ssyncadd.s32 $0xFFFFE700  }
0x6f: {  	_ =	swait.ge [sflag:s5], $0x1900  }
0x70: {  	[sflag:s5] =	ssyncset.done $0x0  }
0x71: {  	[sflag:s5] =	ssyncadd.s32 $0xFFFFE700  }
0x72: {  	_ =	swait.ge [sflag:s5], $0x1900  }
0x73: {  	[sflag:s5] =	ssyncset.done $0x0  }
0x74: {  	[sflag:s5] =	ssyncadd.s32 $0xFFFFE700  }
0x75: {  	_ =	swait.ge [sflag:s5], $0x1900  }
0x76: {  	[sflag:s5] =	ssyncset.done $0x0  }
0x77: {  	[sflag:s5] =	ssyncadd.s32 $0xFFFFE700  }
0x78: {  	_ =	swait.ge [sflag:s5], $0x1900  }
0x79: {  	[sflag:s5] =	ssyncset.done $0x0  }
0x7a: {  	[sflag:s5] =	ssyncadd.s32 $0xFFFFE700  }
0x7b: {  	_ =	swait.ge [sflag:s5], $0x1900  }
0x7c: {  	[sflag:s5] =	ssyncset.done $0x0  }
0x7d: {  	[sflag:s5] =	ssyncadd.s32 $0xFFFFE700  }
0x7e: {  	[bflag:$0x0] =	sbarrier.arrive $0xFFFF  }
0x7f: {  	s26 =	simm.s32 $0x0;
	s28 =	rddreg [dreg:$0x3]  }
0x80: {  	[tilespmem:s26], [sflag:$0x1] =	stream.linear.gather [hbm4b:s28+s26], $0x278, $0x38;
	[tilespmem:$0x1F1E0] =	vst v63  }
0x81: {  	s29 =	rddreg [dreg:$0x4]  }
0x82: {  	[tilespmem:s6], [sflag:$0x1] =	stream.linear.gather [hbm4b:s29+s26], $0x278, $0x38;
	[tilespmem:$0x1F1E0] =	vst v63  }
0x83: {  	s28 =	rddreg [dreg:$0x5]  }
0x84: {  	[tilespmem:s7], [sflag:$0x1] =	stream.linear.gather [hbm4b:s28+s26], $0x278, $0x38;
	[tilespmem:$0x1F1E0] =	vst v63  }
0x85: {  	s29 =	rddreg [dreg:$0x6]  }
0x86: {  	[tilespmem:s8], [sflag:$0x1] =	stream.linear.gather [hbm4b:s29+s26], $0x278, $0x38;
	[tilespmem:$0x1F1E0] =	vst v63  }
0x87: {  	_ =	swait.ge [sflag:s10], $0x278  }
0x88: {  	[sflag:s10] =	ssyncset.done $0x0  }
0x89: {  	[sflag:s10] =	ssyncadd.s32 $0xFFFFFD88  }
0x8a: {  	_ =	swait.ge [sflag:s10], $0x278  }
0x8b: {  	[sflag:s10] =	ssyncset.done $0x0  }
0x8c: {  	[sflag:s10] =	ssyncadd.s32 $0xFFFFFD88  }
0x8d: {  	[tilespmem:s1], [sflag:$0x2] =	stream.indirect.gather [hbm4b:s3+s14], $0x10, s26, s14, $0xb8;
	[tilespmem:$0x1F1E0] =	vst v63  }
.LBB2_4:
0x8e: {  	_ =	swait.ge [sflag:s10], $0x278  }
0x8f: {  	[sflag:s10] =	ssyncset.done $0x0  }
0x90: {  	[sflag:s10] =	ssyncadd.s32 $0xFFFFFD88  }
0x91: {  	_ =	swait.ge [sflag:s10], $0x278  }
0x92: {  	[sflag:s10] =	ssyncset.done $0x0  }
0x93: {  	[sflag:s10] =	ssyncadd.s32 $0xFFFFFD88  }
0x94: {  	[tilespmem:s15], [sflag:$0x2] =	stream.indirect.gather [hbm4b:s3+s14], $0x10, s7, s14, $0xb8;
	[tilespmem:$0x1F1E0] =	vst v63  }
0x95: {  	_ =	swait.ge [sflag:s16], $0x2710  }
0x96: {  	s28 =	sadd.s32 s26, s20;
	[sflag:s16] =	ssyncset.done $0x0  }
0x97: {  	s25 =	sadd.s32 $0x9E, s28;
	[sflag:s16] =	ssyncadd.s32 $0xFFFFD8F0  }
0x98: {  	[tilespmem:s17], [sflag:$0x1] =	stream.linear.gather [hbm4b:s25+s2], $0x278, $0x38;
	[tilespmem:$0x1F1E0] =	vst v63  }
0x99: {  	s25 =	sadd.s32 s26, s21  }
0x9a: {  	s29 =	sadd.s32 $0x9E, s25  }
0x9b: {  	[tilespmem:s18], [sflag:$0x1] =	stream.linear.gather [hbm4b:s29+s2], $0x278, $0x38;
	[tilespmem:$0x1F1E0] =	vst v63  }
0x9c: {  	_ =	swait.ge [sflag:s10], $0x278  }
0x9d: {  	[sflag:s10] =	ssyncset.done $0x0  }
0x9e: {  	[sflag:s10] =	ssyncadd.s32 $0xFFFFFD88  }
0x9f: {  	_ =	swait.ge [sflag:s10], $0x278  }
0xa0: {  	[sflag:s10] =	ssyncset.done $0x0  }
0xa1: {  	[sflag:s10] =	ssyncadd.s32 $0xFFFFFD88  }
0xa2: {  	[tilespmem:s1], [sflag:$0x2] =	stream.indirect.gather [hbm4b:s3+s14], $0x10, s17, s14, $0xb8;
	[tilespmem:$0x1F1E0] =	vst v63  }
0xa3: {  	_ =	swait.ge [sflag:s16], $0x2710  }
0xa4: {  	[sflag:s16] =	ssyncset.done $0x0  }
0xa5: {  	s29 =	sadd.s32 $0xED, s28;
	[sflag:s16] =	ssyncadd.s32 $0xFFFFD8F0  }
0xa6: {  	[tilespmem:s19], [sflag:$0x1] =	stream.linear.gather [hbm4b:s29+s2], $0x278, $0x38;
	[tilespmem:$0x1F1E0] =	vst v63  }
0xa7: {  	s29 =	sadd.s32 $0xED, s25  }
0xa8: {  	[tilespmem:s22], [sflag:$0x1] =	stream.linear.gather [hbm4b:s29+s2], $0x278, $0x38;
	[tilespmem:$0x1F1E0] =	vst v63  }
0xa9: {  	_ =	swait.ge [sflag:s10], $0x278  }
0xaa: {  	[sflag:s10] =	ssyncset.done $0x0  }
0xab: {  	[sflag:s10] =	ssyncadd.s32 $0xFFFFFD88  }
0xac: {  	_ =	swait.ge [sflag:s10], $0x278  }
0xad: {  	p0 =	seq.s32 s26, $0x3024;
	[sflag:s10] =	ssyncset.done $0x0  }
.Ltmp3:
0xae: {  	[sflag:s10] =	ssyncadd.s32 $0xFFFFFD88;
	(pc) =	sbr.rel @p0 .LBB2_6-.Ltmp3, $4  }
0xaf: {  	[tilespmem:s15], [sflag:$0x2] =	stream.indirect.gather [hbm4b:s3+s14], $0x10, s19, s14, $0xb8;
	[tilespmem:$0x1F1E0] =	vst v63  }
0xb0: {  	_ =	swait.ge [sflag:s16], $0x2710  }
0xb1: {  	[sflag:s16] =	ssyncset.done $0x0  }
0xb2: {  	[sflag:s16] =	ssyncadd.s32 $0xFFFFD8F0  }
0xb3: {  	s29 =	sadd.s32 $0x13C, s28  }
0xb4: {  	[tilespmem:s2], [sflag:$0x1] =	stream.linear.gather [hbm4b:s29+s2], $0x278, $0x38;
	[tilespmem:$0x1F1E0] =	vst v63  }
0xb5: {  	s29 =	sadd.s32 $0x13C, s25  }
0xb6: {  	[tilespmem:s6], [sflag:$0x1] =	stream.linear.gather [hbm4b:s29+s2], $0x278, $0x38;
	[tilespmem:$0x1F1E0] =	vst v63  }
0xb7: {  	_ =	swait.ge [sflag:s10], $0x278  }
0xb8: {  	[sflag:s10] =	ssyncset.done $0x0  }
0xb9: {  	[sflag:s10] =	ssyncadd.s32 $0xFFFFFD88  }
0xba: {  	_ =	swait.ge [sflag:s10], $0x278  }
0xbb: {  	[sflag:s10] =	ssyncset.done $0x0  }
0xbc: {  	[sflag:s10] =	ssyncadd.s32 $0xFFFFFD88  }
0xbd: {  	[tilespmem:s1], [sflag:$0x2] =	stream.indirect.gather [hbm4b:s3+s14], $0x10, s2, s14, $0xb8;
	[tilespmem:$0x1F1E0] =	vst v63  }
0xbe: {  	_ =	swait.ge [sflag:s16], $0x2710  }
.Ltmp4:
0xbf: {  	[sflag:s16] =	ssyncset.done $0x0;
	(pc) =	sbr.rel .LBB2_4-.Ltmp4, $4  }
0xc0: {  	s29 =	sadd.s32 $0x18B, s28;
	[sflag:s16] =	ssyncadd.s32 $0xFFFFD8F0  }
0xc1: {  	[tilespmem:s7], [sflag:$0x1] =	stream.linear.gather [hbm4b:s29+s2], $0x278, $0x38;
	[tilespmem:$0x1F1E0] =	vst v63  }
0xc2: {  	s26 =	sadd.s32 $0x13C, s26;
	s29 =	sadd.s32 $0x18B, s25  }
0xc3: {  	[tilespmem:s8], [sflag:$0x1] =	stream.linear.gather [hbm4b:s29+s2], $0x278, $0x38;
	[tilespmem:$0x1F1E0] =	vst v63  }
.LBB2_6:
0xc4: {  	_ =	swait.ge [sflag:s16], $0x2710  }
0xc5: {  	[sflag:s16] =	ssyncset.done $0x0  }
0xc6: {  	[sflag:s16] =	ssyncadd.s32 $0xFFFFD8F0  }
0xc7: {  	[bflag:$0x0] =	sbarrier.arrive $0xFFFF  }
0xc8: {  	[tilespmem:s1], [sflag:$0x3] =	stream.linear.gather [spmem:s9], $0x1900, $0x38;
	[tilespmem:$0x1F1E0] =	vst v63  }
0xc9: {  	_ =	swait.ge [sflag:s5], $0x1900  }
0xca: {  	[sflag:s5] =	ssyncset.done $0x0  }
0xcb: {  	s25 =	simm.s32 $0x0;
	s26 =	rddreg [dreg:$0xe];
	[sflag:s5] =	ssyncadd.s32 $0xFFFFE700  }
0xcc: {  	[hbm4b:s26+s25] =	stream.linear.scatter [tilespmem:s1], [sflag:$0x2], $0x1900, $0x38;
	[tilespmem:$0x1F1E0] =	vst v63  }
0xcd: {  	_ = 	snop  }
0xce: {  	[tilespmem:s15], [sflag:$0x3] =	stream.linear.gather [spmem:s11], $0x1900, $0x38;
	[tilespmem:$0x1F1E0] =	vst v63  }
0xcf: {  	_ =	swait.ge [sflag:s5], $0x1900  }
0xd0: {  	[sflag:s5] =	ssyncset.done $0x0  }
0xd1: {  	s29 =	rddreg [dreg:$0xf];
	[sflag:s5] =	ssyncadd.s32 $0xFFFFE700  }
0xd2: {  	[hbm4b:s29+s25] =	stream.linear.scatter [tilespmem:s15], [sflag:$0x2], $0x1900, $0x38;
	[tilespmem:$0x1F1E0] =	vst v63  }
0xd3: {  	_ =	swait.ge [sflag:s16], $0x1900  }
0xd4: {  	[sflag:s16] =	ssyncset.done $0x0  }
0xd5: {  	s28 =	smov.u32 s13;
	s26 =	rddreg [dreg:$0x10];
	[sflag:s16] =	ssyncadd.s32 $0xFFFFE700  }
0xd6: {  	[tilespmem:s1], [sflag:$0x3] =	stream.linear.gather [spmem:s12], $0x1900, $0x38;
	[tilespmem:$0x1F1E0] =	vst v63  }
.LBB2_7:
0xd7: {  	_ =	swait.ge [sflag:s5], $0x1900  }
0xd8: {  	s29 =	sshrl.u32 s26, $0x3;
	[sflag:s5] =	ssyncset.done $0x0  }
0xd9: {  	s29 =	sadd.s32 s4, s29;
	[sflag:s5] =	ssyncadd.s32 $0xFFFFE700  }
0xda: {  	[hbm4b:s29+s2] =	stream.linear.scatter [tilespmem:s1], [sflag:$0x2], $0x1900, $0x38;
	[tilespmem:$0x1F1E0] =	vst v63  }
0xdb: {  	_ =	swait.ge [sflag:s16], $0x1900  }
0xdc: {  	[sflag:s16] =	ssyncset.done $0x0  }
0xdd: {  	[sflag:s16] =	ssyncadd.s32 $0xFFFFE700  }
0xde: {  	[tilespmem:s15], [sflag:$0x3] =	stream.linear.gather [spmem:s28], $0x1900, $0x38;
	[tilespmem:$0x1F1E0] =	vst v63  }
0xdf: {  	_ =	swait.ge [sflag:s5], $0x1900  }
0xe0: {  	p0 =	seq.s32 s25, $0x2580;
	[sflag:s5] =	ssyncset.done $0x0  }
.Ltmp5:
0xe1: {  	s29 =	sadd.s32 s25, s24;
	[sflag:s5] =	ssyncadd.s32 $0xFFFFE700;
	(pc) =	sbr.rel @p0 .LBB2_9-.Ltmp5, $4  }
0xe2: {  	[hbm4b:s29+s2] =	stream.linear.scatter [tilespmem:s15], [sflag:$0x2], $0x1900, $0x38;
	[tilespmem:$0x1F1E0] =	vst v63  }
0xe3: {  	_ =	swait.ge [sflag:s16], $0x1900  }
0xe4: {  	[sflag:s16] =	ssyncset.done $0x0  }
0xe5: {  	[sflag:s16] =	ssyncadd.s32 $0xFFFFE700  }
.Ltmp6:
0xe6: {  	(pc) =	sbr.rel .LBB2_7-.Ltmp6, $4  }
0xe7: {  	_ = 	snop  }
0xe8: {  	s29 =	sadd.s32 $0x1900, s28  }
0xe9: {  	s25 =	sadd.s32 $0x640, s25;
	s28 =	sadd.s32 $0x3200, s28;
	s26 =	sadd.s32 $0x3200, s26  }
0xea: {  	[tilespmem:s1], [sflag:$0x3] =	stream.linear.gather [spmem:s29], $0x1900, $0x38;
	[tilespmem:$0x1F1E0] =	vst v63  }
.LBB2_10:
0xeb: {  	_ =	sfence.sel $0x180000  }
0xec: {  	[bflag:$0x0] =	sbarrier.arrive $0xFFFF  }
0xed: {  	_ =	strace $0x9000004A  }
0xee: {  	s0 =	stileid.u32;
	[bflag:$0x2] =	sbarrier.arrive $0xFFFF  }
0xef: {  	p0 =	sne.s32 s0, $0x0;
	s0 =	rddreg [dreg:$0x2]  }
0xf0: {  	s0 =	sadd.s32 @!p0 $0x100000, s0  }
0xf1: {  	[sflag:s0] =	ssyncadd.tile.s32 @!p0 $0x1;
	_ =	shalt  }
.Lfunc_end2:
_tile_overlayer_lowered:
.L_overlay_start_2:
0xf2: {  	(tag) =	ssettag $0x2  }
0xf3: {  	s0 =	rddreg [dreg:$0x0];
	s2 =	stileid.u32  }
0xf4: {  	s1 =	rddreg [dreg:$0x1];
	p0 =	sne.s32 s2, $0x0  }
0xf5: {  	s3 =	rddreg [dreg:$0x2];
	[bflag:$0x3] =	sbarrier.arrive $0xFFFF;
	s2 =	simm.s32 @!p0 $0x1C04  }
0xf6: {  	[timem:s3], [sflag:s2] =	dma.local @!p0 [hbm:s0], s1  }
0xf7: {  	s0 =	simm.s32 @!p0 $0x4  }
0xf8: {  	_ =	swait.ge @!p0 [sflag:s0], s1  }
0xf9: {  	s1 =	ssub.s32 @!p0 $0x0, s1;
	[sflag:s0] =	ssyncset.done @!p0 $0x0  }
0xfa: {  	[sflag:s0] =	ssyncadd.s32 @!p0 s1  }
0xfb: {  	[bflag:$0x3] =	sbarrier.arrive $0xFFFF  }
0xfc: {  	_ =	shalt  }

// kernel: kernel.18.cloned.1.call-start
scs
__scs_entry_jumppad:
0x0: {  	(pc) =	sbr.rel $0x88, $3  }
0x1: {  	(tag) =	ssettag $0x0;
	lr =	simm.s32 $0x1  }
0x2: {  	[smem:$0x3F90] =	sst lr;
	_ =	strace $0xD0000000  }
0x3: {  	_ = 	snop  }
0x4: {  	_ = 	snop  }
0x5: {  	_ = 	snop  }
0x6: {  	_ = 	snop  }
0x7: {  	_ = 	snop  }
__scs_overlays_trampoline_lowered:
0x8: {  	[smem:$0x3F9F] =	sst s0  }
0x9: {  	[smem:$0x3FA0] =	sst s1  }
0xa: {  	[smem:$0x3FA1] =	sst s2  }
0xb: {  	[smem:$0x3FA2] =	sst s3  }
0xc: {  	[smem:$0x3FA3] =	sst s4  }
0xd: {  	[smem:$0x3FA4] =	sst s5  }
0xe: {  	[smem:$0x3FA5] =	sst s6  }
0xf: {  	[smem:$0x3FA6] =	sst s7  }
0x10: {  	[smem:$0x3FA7] =	sst s8  }
0x11: {  	[smem:$0x3FA8] =	sst s9;
	s0 =	simm.s32 @!p0 $0x0  }
0x12: {  	s1 =	sld [smem:$0x3F8E];
	s0 =	simm.s32 @p0 $0x1  }
0x13: {  	[smem:$0x3FA9] =	sst s0;
	s0 =	simm.s32 @!p1 $0x0  }
0x14: {  	s2 =	sld [smem:$0x3F8D];
	s0 =	simm.s32 @p1 $0x1  }
0x15: {  	[smem:$0x3FAA] =	sst s0;
	s0 =	simm.s32 @!p2 $0x0  }
0x16: {  	s3 =	sld [smem:$0x3FDB];
	s0 =	simm.s32 @p2 $0x1  }
0x17: {  	s4 =	simm.s32 $0x1BF5;
	[smem:$0x3FAC] =	sst s0  }
0x18: {  	s0 =	sld [smem:$0x3F8F];
	_ =	swait.ge [sflag:s4], $0x0  }
0x19: {  	s7 =	sld [smem:$0x3F90]  }
0x1a: {  	s8 =	sadd.s32 $0xFFFFE003, lr  }
0x1b: {  	s9 =	sadd.s32 $0xFFFFFEF7, lr;
	s5 =	simm.s32 $0xFFFFFFFF;
	p2 =	slt.u32 s8, $0xFFFFF086  }
0x1c: {  	p1 =	slt.u32 s9, $0xF7A;
	s5 =	simm.s32 @!p2 $0x0  }
0x1d: {  	s5 =	simm.s32 @p1 $0x1;
	p0 =	seq.s32 s7, s2  }
0x1e: {  	s7 =	smul.u32 @!p0 $0xF7A, s2;
	p2 =	seq.s32 @!p0 s5, $0x0  }
0x1f: {  	s9 =	smul.u32 $0xF7A, s1;
	s8 =	simm.s32 @!p0 $0x1BF5;
	p2 =	por !p2, p0  }
0x20: {  	[sflag:s8] =	ssyncset.s32 @!p0 $0xFFFFF086;
	s6 =	sadd.s32 @!p0 s3, s7;
	s7 =	simm.s32 @!p0 $0x108  }
0x21: {  	s3 =	sadd.s32 s3, s9;
	s6 =	sadd.s32 @!p0 $0x88, s6;
	s7 =	simm.s32 @p2 $0x1082  }
0x22: {  	[simem:s7], [sflag:s8] =	dma.local @!p0 [hbm:s6], $0xF7A  }
0x23: {  	s9 =	sor.u32 $0xD0000000, s2;
	s6 =	simm.s32 $0x108;
	_ =	swait.ge @!p0 [sflag:s8], $0x0  }
0x24: {  	s3 =	sadd.s32 $0x88, s3;
	s6 =	simm.s32 @!p1 $0x1082;
	[sflag:s4] =	ssyncset.s32 $0xFFFFF086  }
0x25: {  	[simem:s6], [sflag:s4] =	dma.local [hbm:s3], $0xF7A  }
0x26: {  	[smem:$0x3F90] =	sst s1;
	(tag) =	ssettag s2;
	_ =	strace s9  }
0x27: {  	s1 =	sld [smem:$0x3FA0]  }
0x28: {  	s2 =	sld [smem:$0x3FA1]  }
0x29: {  	s4 =	sld [smem:$0x3FA3]  }
0x2a: {  	p0 =	seq.s32 s5, $0x0;
	s5 =	sld [smem:$0x3FA4]  }
0x2b: {  	s6 =	sld [smem:$0x3FA5]  }
0x2c: {  	s7 =	sld [smem:$0x3FA6]  }
0x2d: {  	s3 =	simm.s32 $0x108;
	s8 =	sld [smem:$0x3FA7]  }
0x2e: {  	s3 =	simm.s32 @!p0 $0x1082;
	s9 =	sld [smem:$0x3FA8]  }
0x2f: {  	lr =	sadd.s32 s0, s3;
	s0 =	sld [smem:$0x3F9F]  }
0x30: {  	s3 =	sld [smem:$0x3FA2]  }
0x31: {  	[smem:$0x3FAB] =	sst s10  }
0x32: {  	s10 =	sld [smem:$0x3FA9];
	_ =	sdelay $0x3  }
0x33: {  	p0 =	seq.s32 s10, $0x1;
	s10 =	sld [smem:$0x3FAB];
	_ =	sdelay $0x3  }
0x34: {  	[smem:$0x3FAB] =	sst s10  }
0x35: {  	s10 =	sld [smem:$0x3FAA];
	_ =	sdelay $0x3  }
0x36: {  	p1 =	seq.s32 s10, $0x1;
	s10 =	sld [smem:$0x3FAB];
	_ =	sdelay $0x3  }
0x37: {  	[smem:$0x3FAB] =	sst s10  }
0x38: {  	s10 =	sld [smem:$0x3FAC]  }
0x39: {  	_ = 	snop;
	(pc) =	sbr.ind lr, $3  }
0x3a: {  	_ = 	snop  }
0x3b: {  	_ = 	snop  }
0x3c: {  	p2 =	seq.s32 s10, $0x1;
	s10 =	sld [smem:$0x3FAB]  }
0x3d: {  	_ =	shalt  }
0x3e: {  	_ =	shalt  }
0x3f: {  	_ =	shalt  }
0x40: {  	_ =	shalt  }
0x41: {  	_ =	shalt  }
0x42: {  	_ =	shalt  }
0x43: {  	_ =	shalt  }
0x44: {  	_ =	shalt  }
0x45: {  	_ =	shalt  }
0x46: {  	_ =	shalt  }
0x47: {  	_ =	shalt  }
0x48: {  	_ =	shalt  }
0x49: {  	_ =	shalt  }
0x4a: {  	_ =	shalt  }
0x4b: {  	_ =	shalt  }
0x4c: {  	_ =	shalt  }
0x4d: {  	_ =	shalt  }
0x4e: {  	_ =	shalt  }
0x4f: {  	_ =	shalt  }
0x50: {  	_ =	shalt  }
0x51: {  	_ =	shalt  }
0x52: {  	_ =	shalt  }
0x53: {  	_ =	shalt  }
0x54: {  	_ =	shalt  }
0x55: {  	_ =	shalt  }
0x56: {  	_ =	shalt  }
0x57: {  	_ =	shalt  }
0x58: {  	_ =	shalt  }
0x59: {  	_ =	shalt  }
0x5a: {  	_ =	shalt  }
0x5b: {  	_ =	shalt  }
0x5c: {  	_ =	shalt  }
0x5d: {  	_ =	shalt  }
0x5e: {  	_ =	shalt  }
0x5f: {  	_ =	shalt  }
0x60: {  	_ =	shalt  }
0x61: {  	_ =	shalt  }
0x62: {  	_ =	shalt  }
0x63: {  	_ =	shalt  }
0x64: {  	_ =	shalt  }
0x65: {  	_ =	shalt  }
0x66: {  	_ =	shalt  }
0x67: {  	_ =	shalt  }
0x68: {  	_ =	shalt  }
0x69: {  	_ =	shalt  }
0x6a: {  	_ =	shalt  }
0x6b: {  	_ =	shalt  }
0x6c: {  	_ =	shalt  }
0x6d: {  	_ =	shalt  }
0x6e: {  	_ =	shalt  }
0x6f: {  	_ =	shalt  }
0x70: {  	_ =	shalt  }
0x71: {  	_ =	shalt  }
0x72: {  	_ =	shalt  }
0x73: {  	_ =	shalt  }
0x74: {  	_ =	shalt  }
0x75: {  	_ =	shalt  }
0x76: {  	_ =	shalt  }
0x77: {  	_ =	shalt  }
0x78: {  	_ =	shalt  }
0x79: {  	_ =	shalt  }
0x7a: {  	_ =	shalt  }
0x7b: {  	_ =	shalt  }
0x7c: {  	_ =	shalt  }
0x7d: {  	_ =	shalt  }
0x7e: {  	_ =	shalt  }
0x7f: {  	_ =	shalt  }
0x80: {  	_ =	shalt  }
0x81: {  	_ =	shalt  }
0x82: {  	_ =	shalt  }
0x83: {  	_ =	shalt  }
0x84: {  	_ =	shalt  }
0x85: {  	_ =	shalt  }
0x86: {  	_ =	shalt  }
0x87: {  	_ =	shalt  }
.Lfunc_end0:
.L_simem_size_0:
called_computation.2_lowered:
.L_overlay_start_0:
0x88: {  	s2 =	sld [smem:$0x3FD9]  }
0x89: {  	s3 =	sld [smem:$0x3FFE];
	_ =	sdelay $0x1  }
0x8a: {  	s1 =	srdreg.scid  }
0x8b: {  	s0 =	sand.u32 $0x1, s1  }
0x8c: {  	s16 =	sshll.u32 s0, $0xA;
	s2 =	sadd.s32 s3, s2  }
0x8d: {  	s2 =	sadd.s32 s2, s16  }
0x8e: {  	[smem:$0x3FB7] =	sst s2  }
0x8f: {  	_ = 	snop  }
0x90: {  	(tm) =	ssettm $0x1  }
0x91: {  	s17 =	sld [smem:$0x3FFB];
	_ =	sdelay $0x3  }
0x92: {  	_ =	strace s17  }
0x93: {  	s2 =	sld [smem:$0x3FFC];
	_ =	sdelay $0x3  }
0x94: {  	_ =	strace s2  }
0x95: {  	s2 =	sld [smem:$0x3FFD];
	_ =	sdelay $0x3  }
0x96: {  	_ =	strace s2  }
0x97: {  	_ =	strace $0x8FFFFFFF  }
0x98: {  	s18 =	sld [smem:$0x3FDB];
	_ =	sdelay $0x1  }
0x99: {  	s19 =	simm.s32 $_scs_section_size  }
0x9a: {  	s4 =	simm.s32 $_size__tile_overlayer_lowered;
	s5 =	simm.s32 $_tile_overlayer_lowered  }
0x9b: {  	s22 =	simm.s32 $0x1BFF;
	s21 =	sshll.u32 s5, $0x1;
	s2 =	sadd.s32 s19, s18  }
0x9c: {  	s6 =	simm.s32 $0x0;
	s20 =	sshll.u32 s4, $0x1;
	s4 =	sadd.s32 s21, s2  }
0x9d: {  	[timem:s6], [sflag:s22] =	dma.local [hbm:s4], s20  }
0x9e: {  	_ =	swait.ge [sflag:s22], s20  }
0x9f: {  	s3 =	ssub.s32 $0x0, s20;
	[sflag:s22] =	ssyncset.done $0x0  }
0xa0: {  	[sflag:s22] =	ssyncadd.s32 s3;
	_ =	sdelay $0x1  }
0xa1: {  	s23 =	simm.s32 $0x1B8B  }
0xa2: {  	_ =	swait.ge [sflag:s23], $0x1  }
0xa3: {  	[sflag:s23] =	ssyncset.done $0x0  }
0xa4: {  	s25 =	simm.s32 $0x1B8E;
	s24 =	sld [smem:$0x3FFE];
	[sflag:s23] =	ssyncadd.s32 $0xFFFFFFFF  }
0xa5: {  	s26 =	simm.s32 $execute0_lowered;
	[smem:$0x3FD2] =	sst s25  }
0xa6: {  	s4 =	sshll.u32 s26, $0x1;
	_ =	strace $0x8000004C;
	[dreg:$0x1] =	wrdreg $0xFFFFFFFF  }
0xa7: {  	s28 =	simm.s32 $_size_execute0_lowered;
	s2 =	sadd.s32 s2, s4;
	[dreg:$0x0] =	wrdreg $0x0  }
0xa8: {  	s4 =	sshll.u32 s28, $0x1;
	[dreg:$0x2] =	wrdreg s2  }
0xa9: {  	[dreg:$0x3] =	wrdreg s4  }
0xaa: {  	[dreg:$0x4] =	wrdreg $0xC0  }
0xab: {  	_ =	task [dreg:s6], $0x5FFFF  }
0xac: {  	[dreg:$0x1] =	wrdreg $0xFFFFFFFF  }
0xad: {  	[dreg:$0x0] =	wrdreg $0x60  }
0xae: {  	[dreg:$0x2] =	wrdreg s24  }
0xaf: {  	[dreg:$0x3] =	wrdreg $0x61E00  }
0xb0: {  	[dreg:$0x4] =	wrdreg $0x9  }
0xb1: {  	_ =	task.clear_ibuf [dreg:s6], $0x5FFFF;
	_ =	strace $0x9000004C  }
0xb2: {  	s29 =	simm.s32 $0x9;
	_ =	strace $0x8000004E  }
0xb3: {  	_ =	swait.ge [sflag:s29], $0x1  }
0xb4: {  	[sflag:s29] =	ssyncadd.s32 $0xFFFFFFFF  }
0xb5: {  	_ =	strace $0x9000004E  }
0xb6: {  	_ =	sfence  }
0xb7: {  	s30 =	sld [smem:$0x0];
	_ =	sdelay $0x2  }
0xb8: {  	s31 =	sshll.u32 s1, $0xD;
	s1 =	sshrl.u32 s1, $0x2  }
0xb9: {  	s3 =	sand.u32 $0x4000, s31;
	s1 =	sadd.s32 s1, s30  }
0xba: {  	s0 =	sor.u32 s3, s0;
	s1 =	sshll.u32 s1, $0x11  }
0xbb: {  	s0 =	sor.u32 s1, s0  }
0xbc: {  	s0 =	sadd.s32 $0x8F2B, s0  }
0xbd: {  	[sflag:s0] =	ssyncadd.remote.s32 $0x1  }
0xbe: {  	_ =	sfence.sel $0xFFFF  }
0xbf: {  	[dreg:$0x0] =	wrdreg $0xFFFFFFFF;
	(pc) =	sbr.abs _section_cstart, $3  }
0xc0: {  	[dreg:$0x1] =	wrdreg $0xFFFFFFFF  }
0xc1: {  	_ =	task.clear_ibuf [dreg:s6], $0x2FFFF;
	_ =	strace $0x9FFFFFFF  }
0xc2: {  	(tm) =	ssettm $0x7FFFFFFF  }
0xc3: {  	_ =	shalt  }
tec
execute0_lowered:
.L_overlay_start_1:
0x0: {  	(tag) =	ssettag $0x1  }
0x1: {  	s0 =	rddreg [dreg:$0x0]  }
0x2: {  	s1 =	rddreg [dreg:$0x1];
	s14 =	stileid.u32  }
0x3: {  	s2 =	simm.s32 $0x0;
	s3 =	srdreg.scid;
	s24 =	smul.u32 $0x64000, s14  }
0x4: {  	[smem:$0x7FF] =	sst s2;
	s5 =	sand.u32 $0x1, s3;
	s28 =	smul.u32 $0x19000, s14  }
0x5: {  	s4 =	sshll.u32 s14, $0x1;
	s3 =	sadd.s32 $0x12EE00, s0;
	s21 =	smul.u32 $0x62C0, s14  }
0x6: {  	s6 =	sadd.s32 $0xCC200, s0;
	s8 =	sadd.s32 $0x6600, s0;
	s29 =	smul.u32 $0x190000, s5  }
0x7: {  	s7 =	sor.u32 s5, s4;
	s9 =	ssub.s32 $0x2, s5;
	s5 =	smul.u32 $0x3160, s5  }
0x8: {  	s14 =	simm.s32 $0x271;
	_ =	strace $0x8000004D;
	s10 =	smul.u32 $0x18B00, s7  }
0x9: {  	s4 =	sadd.s32 $0x1C4E00, s0;
	s22 =	sshrl.u32 s9, $0x1;
	s7 =	smul.u32 $0x3160, s7  }
0xa: {  	s26 =	sshrl.u32 s24, $0x2;
	s15 =	sadd.s32 $0x1900, s28;
	s12 =	sadd.s32 s1, s28  }
0xb: {  	s0 =	ssub.s32 s9, s22;
	s12 =	sadd.s32 $0x3200, s12;
	s11 =	sadd.s32 s6, s7  }
0xc: {  	s23 =	sadd.s32 $0x278, s10;
	s7 =	sadd.s32 s8, s7;
	[dreg:$0x3] =	wrdreg s11  }
0xd: {  	s0 =	smax.u32 s0, $0x1;
	s10 =	sadd.s32 s29, s28;
	[dreg:$0x4] =	wrdreg s7  }
0xe: {  	s25 =	sshrl.u32 s23, $0x3;
	[dreg:$0x7] =	wrdreg s0;
	s11 =	sadd.s32 s15, s1  }
0xf: {  	s0 =	sadd.s32 s29, s15;
	s23 =	sadd.s32 $0x4B00, s10;
	s24 =	sshrl.u32 s10, $0x3  }
0x10: {  	s15 =	simm.s32 $0x3AD0;
	s9 =	sadd.s32 s6, s25;
	s7 =	sadd.s32 s8, s25  }
0x11: {  	s6 =	sadd.s32 s21, s6;
	s0 =	sshrl.u32 s0, $0x3;
	[dreg:$0x5] =	wrdreg s9  }
0x12: {  	s25 =	sadd.s32 $0x3200, s10;
	s10 =	simm.s32 $0x1;
	[dreg:$0x6] =	wrdreg s7  }
0x13: {  	s9 =	sadd.s32 s26, s1;
	s1 =	sadd.s32 s21, s8;
	s0 =	sadd.s32 s4, s0  }
0x14: {  	[dreg:$0x10] =	wrdreg s25;
	s7 =	simm.s32 $0x278;
	s8 =	simm.s32 $0xC58  }
0x15: {  	s13 =	sadd.s32 $0x4B00, s9;
	s16 =	sadd.s32 $0x6400, s9;
	[dreg:$0xf] =	wrdreg s0  }
0x16: {  	s17 =	sadd.s32 $0x7D00, s9;
	s18 =	sadd.s32 $0x9600, s9;
	[dreg:$0x8] =	wrdreg s16  }
0x17: {  	s19 =	sadd.s32 $0xAF00, s9;
	s20 =	sadd.s32 $0xC800, s9;
	[dreg:$0x9] =	wrdreg s17  }
0x18: {  	s22 =	sadd.s32 $0xE100, s9;
	s21 =	sadd.s32 s5, s1;
	[dreg:$0xa] =	wrdreg s18  }
0x19: {  	s1 =	sshrl.u32 s23, $0x3;
	s26 =	sadd.s32 $0xFA00, s9;
	[dreg:$0xb] =	wrdreg s19  }
0x1a: {  	s28 =	sadd.s32 $0x11300, s9;
	s29 =	sadd.s32 $0x12C00, s9;
	[dreg:$0xc] =	wrdreg s20  }
0x1b: {  	s30 =	sadd.s32 $0x14500, s9;
	s31 =	sadd.s32 $0x15E00, s9;
	[dreg:$0xd] =	wrdreg s22  }
0x1c: {  	s0 =	sadd.s32 $0x17700, s9;
	s23 =	simm.s32 $0x0;
	[dreg:$0x11] =	wrdreg s26  }
.Ltmp0:
0x1d: {  	s20 =	sadd.s32 s5, s6;
	[dreg:$0x12] =	wrdreg s28;
	(pc) =	sbr.rel .LBB2_1-.Ltmp0, $4  }
0x1e: {  	s5 =	sadd.s32 s4, s24;
	s24 =	sadd.s32 s1, s4;
	[dreg:$0x13] =	wrdreg s29  }
0x1f: {  	s1 =	simm.s32 $0x13C0;
	s6 =	simm.s32 $0x9E0;
	s16 =	simm.s32 $0x2  }
0x20: {  	s17 =	simm.s32 $0x4F0;
	s18 =	simm.s32 $0xED0;
	s19 =	simm.s32 $0x768  }
0x21: {  	v0 =	vimm.f32 $0.0e+00;
	s22 =	simm.s32 $0x1148;
	[dreg:$0xe] =	wrdreg s5;
	s5 =	simm.s32 $0x3  }
.LBB2_9:
0x22: {  	_ =	swait.ge [sflag:s16], $0x1900  }
0x23: {  	s23 =	sadd.s32 $0x1, s23;
	s25 =	rddreg [dreg:$0x7]  }
0x24: {  	p0 =	sne.s32 s23, s25  }
.Ltmp1:
0x25: {  	_ = 	snop;
	(pc) =	sbr.rel @!p0 .LBB2_10-.Ltmp1, $3  }
0x26: {  	_ =	sdelay $0x1  }
0x27: {  	[sflag:s16] =	ssyncset.done $0x0  }
0x28: {  	[sflag:s16] =	ssyncadd.s32 $0xFFFFE700  }
.LBB2_1:
0x29: {  	s25 =	simm.s32 $0x40;
	s26 =	simm.s32 $0x0  }
.LBB2_2:
0x2a: {  	p0 =	sne.s32 s25, $0x63C0;
	[tilespmem:s26+$0x13C0] =	vst v0;
	s26 =	smov.u32 s25;
	s25 =	sadd.s32 $0x40, s25  }
.Ltmp2:
0x2b: {  	(pc) =	sbr.rel @p0 .LBB2_2-.Ltmp2, $2  }
0x2c: {  	_ =	sdelay $0x2  }
0x2d: {  	s26 =	sshra.s32 s26, $0x2  }
0x2e: {  	[tilespmem:s26+$0x13C0] =	vst v0  }
0x2f: {  	[spmem:s9] =	stream.linear.scatter [tilespmem:s1], [sflag:$0x3], $0x1900, $0x38;
	[tilespmem:$0x1F1E0] =	vst v63  }
0x30: {  	_ = 	snop  }
0x31: {  	[spmem:s11] =	stream.linear.scatter [tilespmem:s1], [sflag:$0x3], $0x1900, $0x38;
	[tilespmem:$0x1F1E0] =	vst v63  }
0x32: {  	_ = 	snop  }
0x33: {  	[spmem:s12] =	stream.linear.scatter [tilespmem:s1], [sflag:$0x3], $0x1900, $0x38;
	[tilespmem:$0x1F1E0] =	vst v63  }
0x34: {  	_ = 	snop  }
0x35: {  	[spmem:s13] =	stream.linear.scatter [tilespmem:s1], [sflag:$0x3], $0x1900, $0x38;
	[tilespmem:$0x1F1E0] =	vst v63  }
0x36: {  	s25 =	rddreg [dreg:$0x8]  }
0x37: {  	[spmem:s25] =	stream.linear.scatter [tilespmem:s1], [sflag:$0x3], $0x1900, $0x38;
	[tilespmem:$0x1F1E0] =	vst v63  }
0x38: {  	s29 =	rddreg [dreg:$0x9]  }
0x39: {  	[spmem:s29] =	stream.linear.scatter [tilespmem:s1], [sflag:$0x3], $0x1900, $0x38;
	[tilespmem:$0x1F1E0] =	vst v63  }
0x3a: {  	s26 =	rddreg [dreg:$0xa]  }
0x3b: {  	[spmem:s26] =	stream.linear.scatter [tilespmem:s1], [sflag:$0x3], $0x1900, $0x38;
	[tilespmem:$0x1F1E0] =	vst v63  }
0x3c: {  	s28 =	rddreg [dreg:$0xb]  }
0x3d: {  	[spmem:s28] =	stream.linear.scatter [tilespmem:s1], [sflag:$0x3], $0x1900, $0x38;
	[tilespmem:$0x1F1E0] =	vst v63  }
0x3e: {  	s29 =	rddreg [dreg:$0xc]  }
0x3f: {  	[spmem:s29] =	stream.linear.scatter [tilespmem:s1], [sflag:$0x3], $0x1900, $0x38;
	[tilespmem:$0x1F1E0] =	vst v63  }
0x40: {  	s26 =	rddreg [dreg:$0xd]  }
0x41: {  	[spmem:s26] =	stream.linear.scatter [tilespmem:s1], [sflag:$0x3], $0x1900, $0x38;
	[tilespmem:$0x1F1E0] =	vst v63  }
0x42: {  	s28 =	rddreg [dreg:$0x11]  }
0x43: {  	[spmem:s28] =	stream.linear.scatter [tilespmem:s1], [sflag:$0x3], $0x1900, $0x38;
	[tilespmem:$0x1F1E0] =	vst v63  }
0x44: {  	s29 =	rddreg [dreg:$0x12]  }
0x45: {  	[spmem:s29] =	stream.linear.scatter [tilespmem:s1], [sflag:$0x3], $0x1900, $0x38;
	[tilespmem:$0x1F1E0] =	vst v63  }
0x46: {  	s26 =	rddreg [dreg:$0x13]  }
0x47: {  	[spmem:s26] =	stream.linear.scatter [tilespmem:s1], [sflag:$0x3], $0x1900, $0x38;
	[tilespmem:$0x1F1E0] =	vst v63  }
0x48: {  	_ = 	snop  }
0x49: {  	[spmem:s30] =	stream.linear.scatter [tilespmem:s1], [sflag:$0x3], $0x1900, $0x38;
	[tilespmem:$0x1F1E0] =	vst v63  }
0x4a: {  	_ = 	snop  }
0x4b: {  	[spmem:s31] =	stream.linear.scatter [tilespmem:s1], [sflag:$0x3], $0x1900, $0x38;
	[tilespmem:$0x1F1E0] =	vst v63  }
0x4c: {  	_ = 	snop  }
0x4d: {  	[spmem:s0] =	stream.linear.scatter [tilespmem:s1], [sflag:$0x3], $0x1900, $0x38;
	[tilespmem:$0x1F1E0] =	vst v63  }
0x4e: {  	_ =	swait.ge [sflag:s5], $0x1900  }
0x4f: {  	[sflag:s5] =	ssyncset.done $0x0  }
0x50: {  	[sflag:s5] =	ssyncadd.s32 $0xFFFFE700  }
0x51: {  	_ =	swait.ge [sflag:s5], $0x1900  }
0x52: {  	[sflag:s5] =	ssyncset.done $0x0  }
0x53: {  	[sflag:s5] =	ssyncadd.s32 $0xFFFFE700  }
0x54: {  	_ =	swait.ge [sflag:s5], $0x1900  }
0x55: {  	[sflag:s5] =	ssyncset.done $0x0  }
0x56: {  	[sflag:s5] =	ssyncadd.s32 $0xFFFFE700  }
0x57: {  	_ =	swait.ge [sflag:s5], $0x1900  }
0x58: {  	[sflag:s5] =	ssyncset.done $0x0  }
0x59: {  	[sflag:s5] =	ssyncadd.s32 $0xFFFFE700  }
0x5a: {  	_ =	swait.ge [sflag:s5], $0x1900  }
0x5b: {  	[sflag:s5] =	ssyncset.done $0x0  }
0x5c: {  	[sflag:s5] =	ssyncadd.s32 $0xFFFFE700  }
0x5d: {  	_ =	swait.ge [sflag:s5], $0x1900  }
0x5e: {  	[sflag:s5] =	ssyncset.done $0x0  }
0x5f: {  	[sflag:s5] =	ssyncadd.s32 $0xFFFFE700  }
0x60: {  	_ =	swait.ge [sflag:s5], $0x1900  }
0x61: {  	[sflag:s5] =	ssyncset.done $0x0  }
0x62: {  	[sflag:s5] =	ssyncadd.s32 $0xFFFFE700  }
0x63: {  	_ =	swait.ge [sflag:s5], $0x1900  }
0x64: {  	[sflag:s5] =	ssyncset.done $0x0  }
0x65: {  	[sflag:s5] =	ssyncadd.s32 $0xFFFFE700  }
0x66: {  	_ =	swait.ge [sflag:s5], $0x1900  }
0x67: {  	[sflag:s5] =	ssyncset.done $0x0  }
0x68: {  	[sflag:s5] =	ssyncadd.s32 $0xFFFFE700  }
0x69: {  	_ =	swait.ge [sflag:s5], $0x1900  }
0x6a: {  	[sflag:s5] =	ssyncset.done $0x0  }
0x6b: {  	[sflag:s5] =	ssyncadd.s32 $0xFFFFE700  }
0x6c: {  	_ =	swait.ge [sflag:s5], $0x1900  }
0x6d: {  	[sflag:s5] =	ssyncset.done $0x0  }
0x6e: {  	[sflag:s5] =	ssyncadd.s32 $0xFFFFE700  }
0x6f: {  	_ =	swait.ge [sflag:s5], $0x1900  }
0x70: {  	[sflag:s5] =	ssyncset.done $0x0  }
0x71: {  	[sflag:s5] =	ssyncadd.s32 $0xFFFFE700  }
0x72: {  	_ =	swait.ge [sflag:s5], $0x1900  }
0x73: {  	[sflag:s5] =	ssyncset.done $0x0  }
0x74: {  	[sflag:s5] =	ssyncadd.s32 $0xFFFFE700  }
0x75: {  	_ =	swait.ge [sflag:s5], $0x1900  }
0x76: {  	[sflag:s5] =	ssyncset.done $0x0  }
0x77: {  	[sflag:s5] =	ssyncadd.s32 $0xFFFFE700  }
0x78: {  	_ =	swait.ge [sflag:s5], $0x1900  }
0x79: {  	[sflag:s5] =	ssyncset.done $0x0  }
0x7a: {  	[sflag:s5] =	ssyncadd.s32 $0xFFFFE700  }
0x7b: {  	_ =	swait.ge [sflag:s5], $0x1900  }
0x7c: {  	[sflag:s5] =	ssyncset.done $0x0  }
0x7d: {  	[sflag:s5] =	ssyncadd.s32 $0xFFFFE700  }
0x7e: {  	[bflag:$0x0] =	sbarrier.arrive $0xFFFF  }
0x7f: {  	s26 =	simm.s32 $0x0;
	s28 =	rddreg [dreg:$0x3]  }
0x80: {  	[tilespmem:s26], [sflag:$0x1] =	stream.linear.gather [hbm4b:s28+s26], $0x278, $0x38;
	[tilespmem:$0x1F1E0] =	vst v63  }
0x81: {  	s29 =	rddreg [dreg:$0x4]  }
0x82: {  	[tilespmem:s6], [sflag:$0x1] =	stream.linear.gather [hbm4b:s29+s26], $0x278, $0x38;
	[tilespmem:$0x1F1E0] =	vst v63  }
0x83: {  	s28 =	rddreg [dreg:$0x5]  }
0x84: {  	[tilespmem:s7], [sflag:$0x1] =	stream.linear.gather [hbm4b:s28+s26], $0x278, $0x38;
	[tilespmem:$0x1F1E0] =	vst v63  }
0x85: {  	s29 =	rddreg [dreg:$0x6]  }
0x86: {  	[tilespmem:s8], [sflag:$0x1] =	stream.linear.gather [hbm4b:s29+s26], $0x278, $0x38;
	[tilespmem:$0x1F1E0] =	vst v63  }
0x87: {  	_ =	swait.ge [sflag:s10], $0x278  }
0x88: {  	[sflag:s10] =	ssyncset.done $0x0  }
0x89: {  	[sflag:s10] =	ssyncadd.s32 $0xFFFFFD88  }
0x8a: {  	_ =	swait.ge [sflag:s10], $0x278  }
0x8b: {  	[sflag:s10] =	ssyncset.done $0x0  }
0x8c: {  	[sflag:s10] =	ssyncadd.s32 $0xFFFFFD88  }
0x8d: {  	[tilespmem:s1], [sflag:$0x2] =	stream.indirect.gather [hbm4b:s3+s14], $0x10, s26, s14, $0xb8;
	[tilespmem:$0x1F1E0] =	vst v63  }
.LBB2_4:
0x8e: {  	_ =	swait.ge [sflag:s10], $0x278  }
0x8f: {  	[sflag:s10] =	ssyncset.done $0x0  }
0x90: {  	[sflag:s10] =	ssyncadd.s32 $0xFFFFFD88  }
0x91: {  	_ =	swait.ge [sflag:s10], $0x278  }
0x92: {  	[sflag:s10] =	ssyncset.done $0x0  }
0x93: {  	[sflag:s10] =	ssyncadd.s32 $0xFFFFFD88  }
0x94: {  	[tilespmem:s15], [sflag:$0x2] =	stream.indirect.gather [hbm4b:s3+s14], $0x10, s7, s14, $0xb8;
	[tilespmem:$0x1F1E0] =	vst v63  }
0x95: {  	_ =	swait.ge [sflag:s16], $0x2710  }
0x96: {  	s28 =	sadd.s32 s26, s20;
	[sflag:s16] =	ssyncset.done $0x0  }
0x97: {  	s25 =	sadd.s32 $0x9E, s28;
	[sflag:s16] =	ssyncadd.s32 $0xFFFFD8F0  }
0x98: {  	[tilespmem:s17], [sflag:$0x1] =	stream.linear.gather [hbm4b:s25+s2], $0x278, $0x38;
	[tilespmem:$0x1F1E0] =	vst v63  }
0x99: {  	s25 =	sadd.s32 s26, s21  }
0x9a: {  	s29 =	sadd.s32 $0x9E, s25  }
0x9b: {  	[tilespmem:s18], [sflag:$0x1] =	stream.linear.gather [hbm4b:s29+s2], $0x278, $0x38;
	[tilespmem:$0x1F1E0] =	vst v63  }
0x9c: {  	_ =	swait.ge [sflag:s10], $0x278  }
0x9d: {  	[sflag:s10] =	ssyncset.done $0x0  }
0x9e: {  	[sflag:s10] =	ssyncadd.s32 $0xFFFFFD88  }
0x9f: {  	_ =	swait.ge [sflag:s10], $0x278  }
0xa0: {  	[sflag:s10] =	ssyncset.done $0x0  }
0xa1: {  	[sflag:s10] =	ssyncadd.s32 $0xFFFFFD88  }
0xa2: {  	[tilespmem:s1], [sflag:$0x2] =	stream.indirect.gather [hbm4b:s3+s14], $0x10, s17, s14, $0xb8;
	[tilespmem:$0x1F1E0] =	vst v63  }
0xa3: {  	_ =	swait.ge [sflag:s16], $0x2710  }
0xa4: {  	[sflag:s16] =	ssyncset.done $0x0  }
0xa5: {  	s29 =	sadd.s32 $0xED, s28;
	[sflag:s16] =	ssyncadd.s32 $0xFFFFD8F0  }
0xa6: {  	[tilespmem:s19], [sflag:$0x1] =	stream.linear.gather [hbm4b:s29+s2], $0x278, $0x38;
	[tilespmem:$0x1F1E0] =	vst v63  }
0xa7: {  	s29 =	sadd.s32 $0xED, s25  }
0xa8: {  	[tilespmem:s22], [sflag:$0x1] =	stream.linear.gather [hbm4b:s29+s2], $0x278, $0x38;
	[tilespmem:$0x1F1E0] =	vst v63  }
0xa9: {  	_ =	swait.ge [sflag:s10], $0x278  }
0xaa: {  	[sflag:s10] =	ssyncset.done $0x0  }
0xab: {  	[sflag:s10] =	ssyncadd.s32 $0xFFFFFD88  }
0xac: {  	_ =	swait.ge [sflag:s10], $0x278  }
0xad: {  	p0 =	seq.s32 s26, $0x3024;
	[sflag:s10] =	ssyncset.done $0x0  }
.Ltmp3:
0xae: {  	[sflag:s10] =	ssyncadd.s32 $0xFFFFFD88;
	(pc) =	sbr.rel @p0 .LBB2_6-.Ltmp3, $4  }
0xaf: {  	[tilespmem:s15], [sflag:$0x2] =	stream.indirect.gather [hbm4b:s3+s14], $0x10, s19, s14, $0xb8;
	[tilespmem:$0x1F1E0] =	vst v63  }
0xb0: {  	_ =	swait.ge [sflag:s16], $0x2710  }
0xb1: {  	[sflag:s16] =	ssyncset.done $0x0  }
0xb2: {  	[sflag:s16] =	ssyncadd.s32 $0xFFFFD8F0  }
0xb3: {  	s29 =	sadd.s32 $0x13C, s28  }
0xb4: {  	[tilespmem:s2], [sflag:$0x1] =	stream.linear.gather [hbm4b:s29+s2], $0x278, $0x38;
	[tilespmem:$0x1F1E0] =	vst v63  }
0xb5: {  	s29 =	sadd.s32 $0x13C, s25  }
0xb6: {  	[tilespmem:s6], [sflag:$0x1] =	stream.linear.gather [hbm4b:s29+s2], $0x278, $0x38;
	[tilespmem:$0x1F1E0] =	vst v63  }
0xb7: {  	_ =	swait.ge [sflag:s10], $0x278  }
0xb8: {  	[sflag:s10] =	ssyncset.done $0x0  }
0xb9: {  	[sflag:s10] =	ssyncadd.s32 $0xFFFFFD88  }
0xba: {  	_ =	swait.ge [sflag:s10], $0x278  }
0xbb: {  	[sflag:s10] =	ssyncset.done $0x0  }
0xbc: {  	[sflag:s10] =	ssyncadd.s32 $0xFFFFFD88  }
0xbd: {  	[tilespmem:s1], [sflag:$0x2] =	stream.indirect.gather [hbm4b:s3+s14], $0x10, s2, s14, $0xb8;
	[tilespmem:$0x1F1E0] =	vst v63  }
0xbe: {  	_ =	swait.ge [sflag:s16], $0x2710  }
.Ltmp4:
0xbf: {  	[sflag:s16] =	ssyncset.done $0x0;
	(pc) =	sbr.rel .LBB2_4-.Ltmp4, $4  }
0xc0: {  	s29 =	sadd.s32 $0x18B, s28;
	[sflag:s16] =	ssyncadd.s32 $0xFFFFD8F0  }
0xc1: {  	[tilespmem:s7], [sflag:$0x1] =	stream.linear.gather [hbm4b:s29+s2], $0x278, $0x38;
	[tilespmem:$0x1F1E0] =	vst v63  }
0xc2: {  	s26 =	sadd.s32 $0x13C, s26;
	s29 =	sadd.s32 $0x18B, s25  }
0xc3: {  	[tilespmem:s8], [sflag:$0x1] =	stream.linear.gather [hbm4b:s29+s2], $0x278, $0x38;
	[tilespmem:$0x1F1E0] =	vst v63  }
.LBB2_6:
0xc4: {  	_ =	swait.ge [sflag:s16], $0x2710  }
0xc5: {  	[sflag:s16] =	ssyncset.done $0x0  }
0xc6: {  	[sflag:s16] =	ssyncadd.s32 $0xFFFFD8F0  }
0xc7: {  	[bflag:$0x0] =	sbarrier.arrive $0xFFFF  }
0xc8: {  	[tilespmem:s1], [sflag:$0x3] =	stream.linear.gather [spmem:s9], $0x1900, $0x38;
	[tilespmem:$0x1F1E0] =	vst v63  }
0xc9: {  	_ =	swait.ge [sflag:s5], $0x1900  }
0xca: {  	[sflag:s5] =	ssyncset.done $0x0  }
0xcb: {  	s25 =	simm.s32 $0x0;
	s26 =	rddreg [dreg:$0xe];
	[sflag:s5] =	ssyncadd.s32 $0xFFFFE700  }
0xcc: {  	[hbm4b:s26+s25] =	stream.linear.scatter [tilespmem:s1], [sflag:$0x2], $0x1900, $0x38;
	[tilespmem:$0x1F1E0] =	vst v63  }
0xcd: {  	_ = 	snop  }
0xce: {  	[tilespmem:s15], [sflag:$0x3] =	stream.linear.gather [spmem:s11], $0x1900, $0x38;
	[tilespmem:$0x1F1E0] =	vst v63  }
0xcf: {  	_ =	swait.ge [sflag:s5], $0x1900  }
0xd0: {  	[sflag:s5] =	ssyncset.done $0x0  }
0xd1: {  	s29 =	rddreg [dreg:$0xf];
	[sflag:s5] =	ssyncadd.s32 $0xFFFFE700  }
0xd2: {  	[hbm4b:s29+s25] =	stream.linear.scatter [tilespmem:s15], [sflag:$0x2], $0x1900, $0x38;
	[tilespmem:$0x1F1E0] =	vst v63  }
0xd3: {  	_ =	swait.ge [sflag:s16], $0x1900  }
0xd4: {  	[sflag:s16] =	ssyncset.done $0x0  }
0xd5: {  	s28 =	smov.u32 s13;
	s26 =	rddreg [dreg:$0x10];
	[sflag:s16] =	ssyncadd.s32 $0xFFFFE700  }
0xd6: {  	[tilespmem:s1], [sflag:$0x3] =	stream.linear.gather [spmem:s12], $0x1900, $0x38;
	[tilespmem:$0x1F1E0] =	vst v63  }
.LBB2_7:
0xd7: {  	_ =	swait.ge [sflag:s5], $0x1900  }
0xd8: {  	s29 =	sshrl.u32 s26, $0x3;
	[sflag:s5] =	ssyncset.done $0x0  }
0xd9: {  	s29 =	sadd.s32 s4, s29;
	[sflag:s5] =	ssyncadd.s32 $0xFFFFE700  }
0xda: {  	[hbm4b:s29+s2] =	stream.linear.scatter [tilespmem:s1], [sflag:$0x2], $0x1900, $0x38;
	[tilespmem:$0x1F1E0] =	vst v63  }
0xdb: {  	_ =	swait.ge [sflag:s16], $0x1900  }
0xdc: {  	[sflag:s16] =	ssyncset.done $0x0  }
0xdd: {  	[sflag:s16] =	ssyncadd.s32 $0xFFFFE700  }
0xde: {  	[tilespmem:s15], [sflag:$0x3] =	stream.linear.gather [spmem:s28], $0x1900, $0x38;
	[tilespmem:$0x1F1E0] =	vst v63  }
0xdf: {  	_ =	swait.ge [sflag:s5], $0x1900  }
0xe0: {  	p0 =	seq.s32 s25, $0x2580;
	[sflag:s5] =	ssyncset.done $0x0  }
.Ltmp5:
0xe1: {  	s29 =	sadd.s32 s25, s24;
	[sflag:s5] =	ssyncadd.s32 $0xFFFFE700;
	(pc) =	sbr.rel @p0 .LBB2_9-.Ltmp5, $4  }
0xe2: {  	[hbm4b:s29+s2] =	stream.linear.scatter [tilespmem:s15], [sflag:$0x2], $0x1900, $0x38;
	[tilespmem:$0x1F1E0] =	vst v63  }
0xe3: {  	_ =	swait.ge [sflag:s16], $0x1900  }
0xe4: {  	[sflag:s16] =	ssyncset.done $0x0  }
0xe5: {  	[sflag:s16] =	ssyncadd.s32 $0xFFFFE700  }
.Ltmp6:
0xe6: {  	(pc) =	sbr.rel .LBB2_7-.Ltmp6, $4  }
0xe7: {  	_ = 	snop  }
0xe8: {  	s29 =	sadd.s32 $0x1900, s28  }
0xe9: {  	s25 =	sadd.s32 $0x640, s25;
	s28 =	sadd.s32 $0x3200, s28;
	s26 =	sadd.s32 $0x3200, s26  }
0xea: {  	[tilespmem:s1], [sflag:$0x3] =	stream.linear.gather [spmem:s29], $0x1900, $0x38;
	[tilespmem:$0x1F1E0] =	vst v63  }
.LBB2_10:
0xeb: {  	_ =	sfence.sel $0x180000  }
0xec: {  	[bflag:$0x0] =	sbarrier.arrive $0xFFFF  }
0xed: {  	_ =	strace $0x9000004D  }
0xee: {  	s0 =	stileid.u32;
	[bflag:$0x2] =	sbarrier.arrive $0xFFFF  }
0xef: {  	p0 =	sne.s32 s0, $0x0;
	s0 =	rddreg [dreg:$0x2]  }
0xf0: {  	s0 =	sadd.s32 @!p0 $0x100000, s0  }
0xf1: {  	[sflag:s0] =	ssyncadd.tile.s32 @!p0 $0x1;
	_ =	shalt  }
.Lfunc_end2:
_tile_overlayer_lowered:
.L_overlay_start_2:
0xf2: {  	(tag) =	ssettag $0x2  }
0xf3: {  	s0 =	rddreg [dreg:$0x0];
	s2 =	stileid.u32  }
0xf4: {  	s1 =	rddreg [dreg:$0x1];
	p0 =	sne.s32 s2, $0x0  }
0xf5: {  	s3 =	rddreg [dreg:$0x2];
	[bflag:$0x3] =	sbarrier.arrive $0xFFFF;
	s2 =	simm.s32 @!p0 $0x1C04  }
0xf6: {  	[timem:s3], [sflag:s2] =	dma.local @!p0 [hbm:s0], s1  }
0xf7: {  	s0 =	simm.s32 @!p0 $0x4  }
0xf8: {  	_ =	swait.ge @!p0 [sflag:s0], s1  }
0xf9: {  	s1 =	ssub.s32 @!p0 $0x0, s1;
	[sflag:s0] =	ssyncset.done @!p0 $0x0  }
0xfa: {  	[sflag:s0] =	ssyncadd.s32 @!p0 s1  }
0xfb: {  	[bflag:$0x3] =	sbarrier.arrive $0xFFFF  }
0xfc: {  	_ =	shalt  }

// kernel: kernel.21.cloned.1.call-start
scs
__scs_entry_jumppad:
0x0: {  	(pc) =	sbr.rel $0x88, $3  }
0x1: {  	(tag) =	ssettag $0x0;
	lr =	simm.s32 $0x1  }
0x2: {  	[smem:$0x3F90] =	sst lr;
	_ =	strace $0xD0000000  }
0x3: {  	_ = 	snop  }
0x4: {  	_ = 	snop  }
0x5: {  	_ = 	snop  }
0x6: {  	_ = 	snop  }
0x7: {  	_ = 	snop  }
__scs_overlays_trampoline_lowered:
0x8: {  	[smem:$0x3F9F] =	sst s0  }
0x9: {  	[smem:$0x3FA0] =	sst s1  }
0xa: {  	[smem:$0x3FA1] =	sst s2  }
0xb: {  	[smem:$0x3FA2] =	sst s3  }
0xc: {  	[smem:$0x3FA3] =	sst s4  }
0xd: {  	[smem:$0x3FA4] =	sst s5  }
0xe: {  	[smem:$0x3FA5] =	sst s6  }
0xf: {  	[smem:$0x3FA6] =	sst s7  }
0x10: {  	[smem:$0x3FA7] =	sst s8  }
0x11: {  	[smem:$0x3FA8] =	sst s9;
	s0 =	simm.s32 @!p0 $0x0  }
0x12: {  	s1 =	sld [smem:$0x3F8E];
	s0 =	simm.s32 @p0 $0x1  }
0x13: {  	[smem:$0x3FA9] =	sst s0;
	s0 =	simm.s32 @!p1 $0x0  }
0x14: {  	s2 =	sld [smem:$0x3F8D];
	s0 =	simm.s32 @p1 $0x1  }
0x15: {  	[smem:$0x3FAA] =	sst s0;
	s0 =	simm.s32 @!p2 $0x0  }
0x16: {  	s3 =	sld [smem:$0x3FDB];
	s0 =	simm.s32 @p2 $0x1  }
0x17: {  	s4 =	simm.s32 $0x1BF5;
	[smem:$0x3FAC] =	sst s0  }
0x18: {  	s0 =	sld [smem:$0x3F8F];
	_ =	swait.ge [sflag:s4], $0x0  }
0x19: {  	s7 =	sld [smem:$0x3F90]  }
0x1a: {  	s8 =	sadd.s32 $0xFFFFE003, lr  }
0x1b: {  	s9 =	sadd.s32 $0xFFFFFEF7, lr;
	s5 =	simm.s32 $0xFFFFFFFF;
	p2 =	slt.u32 s8, $0xFFFFF086  }
0x1c: {  	p1 =	slt.u32 s9, $0xF7A;
	s5 =	simm.s32 @!p2 $0x0  }
0x1d: {  	s5 =	simm.s32 @p1 $0x1;
	p0 =	seq.s32 s7, s2  }
0x1e: {  	s7 =	smul.u32 @!p0 $0xF7A, s2;
	p2 =	seq.s32 @!p0 s5, $0x0  }
0x1f: {  	s9 =	smul.u32 $0xF7A, s1;
	s8 =	simm.s32 @!p0 $0x1BF5;
	p2 =	por !p2, p0  }
0x20: {  	[sflag:s8] =	ssyncset.s32 @!p0 $0xFFFFF086;
	s6 =	sadd.s32 @!p0 s3, s7;
	s7 =	simm.s32 @!p0 $0x108  }
0x21: {  	s3 =	sadd.s32 s3, s9;
	s6 =	sadd.s32 @!p0 $0x88, s6;
	s7 =	simm.s32 @p2 $0x1082  }
0x22: {  	[simem:s7], [sflag:s8] =	dma.local @!p0 [hbm:s6], $0xF7A  }
0x23: {  	s9 =	sor.u32 $0xD0000000, s2;
	s6 =	simm.s32 $0x108;
	_ =	swait.ge @!p0 [sflag:s8], $0x0  }
0x24: {  	s3 =	sadd.s32 $0x88, s3;
	s6 =	simm.s32 @!p1 $0x1082;
	[sflag:s4] =	ssyncset.s32 $0xFFFFF086  }
0x25: {  	[simem:s6], [sflag:s4] =	dma.local [hbm:s3], $0xF7A  }
0x26: {  	[smem:$0x3F90] =	sst s1;
	(tag) =	ssettag s2;
	_ =	strace s9  }
0x27: {  	s1 =	sld [smem:$0x3FA0]  }
0x28: {  	s2 =	sld [smem:$0x3FA1]  }
0x29: {  	s4 =	sld [smem:$0x3FA3]  }
0x2a: {  	p0 =	seq.s32 s5, $0x0;
	s5 =	sld [smem:$0x3FA4]  }
0x2b: {  	s6 =	sld [smem:$0x3FA5]  }
0x2c: {  	s7 =	sld [smem:$0x3FA6]  }
0x2d: {  	s3 =	simm.s32 $0x108;
	s8 =	sld [smem:$0x3FA7]  }
0x2e: {  	s3 =	simm.s32 @!p0 $0x1082;
	s9 =	sld [smem:$0x3FA8]  }
0x2f: {  	lr =	sadd.s32 s0, s3;
	s0 =	sld [smem:$0x3F9F]  }
0x30: {  	s3 =	sld [smem:$0x3FA2]  }
0x31: {  	[smem:$0x3FAB] =	sst s10  }
0x32: {  	s10 =	sld [smem:$0x3FA9];
	_ =	sdelay $0x3  }
0x33: {  	p0 =	seq.s32 s10, $0x1;
	s10 =	sld [smem:$0x3FAB];
	_ =	sdelay $0x3  }
0x34: {  	[smem:$0x3FAB] =	sst s10  }
0x35: {  	s10 =	sld [smem:$0x3FAA];
	_ =	sdelay $0x3  }
0x36: {  	p1 =	seq.s32 s10, $0x1;
	s10 =	sld [smem:$0x3FAB];
	_ =	sdelay $0x3  }
0x37: {  	[smem:$0x3FAB] =	sst s10  }
0x38: {  	s10 =	sld [smem:$0x3FAC]  }
0x39: {  	_ = 	snop;
	(pc) =	sbr.ind lr, $3  }
0x3a: {  	_ = 	snop  }
0x3b: {  	_ = 	snop  }
0x3c: {  	p2 =	seq.s32 s10, $0x1;
	s10 =	sld [smem:$0x3FAB]  }
0x3d: {  	_ =	shalt  }
0x3e: {  	_ =	shalt  }
0x3f: {  	_ =	shalt  }
0x40: {  	_ =	shalt  }
0x41: {  	_ =	shalt  }
0x42: {  	_ =	shalt  }
0x43: {  	_ =	shalt  }
0x44: {  	_ =	shalt  }
0x45: {  	_ =	shalt  }
0x46: {  	_ =	shalt  }
0x47: {  	_ =	shalt  }
0x48: {  	_ =	shalt  }
0x49: {  	_ =	shalt  }
0x4a: {  	_ =	shalt  }
0x4b: {  	_ =	shalt  }
0x4c: {  	_ =	shalt  }
0x4d: {  	_ =	shalt  }
0x4e: {  	_ =	shalt  }
0x4f: {  	_ =	shalt  }
0x50: {  	_ =	shalt  }
0x51: {  	_ =	shalt  }
0x52: {  	_ =	shalt  }
0x53: {  	_ =	shalt  }
0x54: {  	_ =	shalt  }
0x55: {  	_ =	shalt  }
0x56: {  	_ =	shalt  }
0x57: {  	_ =	shalt  }
0x58: {  	_ =	shalt  }
0x59: {  	_ =	shalt  }
0x5a: {  	_ =	shalt  }
0x5b: {  	_ =	shalt  }
0x5c: {  	_ =	shalt  }
0x5d: {  	_ =	shalt  }
0x5e: {  	_ =	shalt  }
0x5f: {  	_ =	shalt  }
0x60: {  	_ =	shalt  }
0x61: {  	_ =	shalt  }
0x62: {  	_ =	shalt  }
0x63: {  	_ =	shalt  }
0x64: {  	_ =	shalt  }
0x65: {  	_ =	shalt  }
0x66: {  	_ =	shalt  }
0x67: {  	_ =	shalt  }
0x68: {  	_ =	shalt  }
0x69: {  	_ =	shalt  }
0x6a: {  	_ =	shalt  }
0x6b: {  	_ =	shalt  }
0x6c: {  	_ =	shalt  }
0x6d: {  	_ =	shalt  }
0x6e: {  	_ =	shalt  }
0x6f: {  	_ =	shalt  }
0x70: {  	_ =	shalt  }
0x71: {  	_ =	shalt  }
0x72: {  	_ =	shalt  }
0x73: {  	_ =	shalt  }
0x74: {  	_ =	shalt  }
0x75: {  	_ =	shalt  }
0x76: {  	_ =	shalt  }
0x77: {  	_ =	shalt  }
0x78: {  	_ =	shalt  }
0x79: {  	_ =	shalt  }
0x7a: {  	_ =	shalt  }
0x7b: {  	_ =	shalt  }
0x7c: {  	_ =	shalt  }
0x7d: {  	_ =	shalt  }
0x7e: {  	_ =	shalt  }
0x7f: {  	_ =	shalt  }
0x80: {  	_ =	shalt  }
0x81: {  	_ =	shalt  }
0x82: {  	_ =	shalt  }
0x83: {  	_ =	shalt  }
0x84: {  	_ =	shalt  }
0x85: {  	_ =	shalt  }
0x86: {  	_ =	shalt  }
0x87: {  	_ =	shalt  }
.Lfunc_end0:
.L_simem_size_0:
called_computation.3_lowered:
.L_overlay_start_0:
0x88: {  	s2 =	sld [smem:$0x3FD9]  }
0x89: {  	s3 =	sld [smem:$0x3FFE];
	_ =	sdelay $0x1  }
0x8a: {  	s1 =	srdreg.scid  }
0x8b: {  	s0 =	sand.u32 $0x1, s1  }
0x8c: {  	s16 =	sshll.u32 s0, $0xA;
	s2 =	sadd.s32 s3, s2  }
0x8d: {  	s2 =	sadd.s32 s2, s16  }
0x8e: {  	[smem:$0x3FB7] =	sst s2  }
0x8f: {  	_ = 	snop  }
0x90: {  	(tm) =	ssettm $0x1  }
0x91: {  	s17 =	sld [smem:$0x3FFB];
	_ =	sdelay $0x3  }
0x92: {  	_ =	strace s17  }
0x93: {  	s2 =	sld [smem:$0x3FFC];
	_ =	sdelay $0x3  }
0x94: {  	_ =	strace s2  }
0x95: {  	s2 =	sld [smem:$0x3FFD];
	_ =	sdelay $0x3  }
0x96: {  	_ =	strace s2  }
0x97: {  	_ =	strace $0x8FFFFFFF  }
0x98: {  	s18 =	sld [smem:$0x3FDB];
	_ =	sdelay $0x1  }
0x99: {  	s19 =	simm.s32 $_scs_section_size  }
0x9a: {  	s4 =	simm.s32 $_size__tile_overlayer_lowered;
	s5 =	simm.s32 $_tile_overlayer_lowered  }
0x9b: {  	s22 =	simm.s32 $0x1BFF;
	s21 =	sshll.u32 s5, $0x1;
	s2 =	sadd.s32 s19, s18  }
0x9c: {  	s6 =	simm.s32 $0x0;
	s20 =	sshll.u32 s4, $0x1;
	s4 =	sadd.s32 s21, s2  }
0x9d: {  	[timem:s6], [sflag:s22] =	dma.local [hbm:s4], s20  }
0x9e: {  	_ =	swait.ge [sflag:s22], s20  }
0x9f: {  	s3 =	ssub.s32 $0x0, s20;
	[sflag:s22] =	ssyncset.done $0x0  }
0xa0: {  	[sflag:s22] =	ssyncadd.s32 s3;
	_ =	sdelay $0x1  }
0xa1: {  	s23 =	simm.s32 $0x1B8B  }
0xa2: {  	_ =	swait.ge [sflag:s23], $0x1  }
0xa3: {  	[sflag:s23] =	ssyncset.done $0x0  }
0xa4: {  	s25 =	simm.s32 $0x1B8E;
	s24 =	sld [smem:$0x3FFE];
	[sflag:s23] =	ssyncadd.s32 $0xFFFFFFFF  }
0xa5: {  	s26 =	simm.s32 $execute0_lowered;
	[smem:$0x3FD2] =	sst s25  }
0xa6: {  	s4 =	sshll.u32 s26, $0x1;
	_ =	strace $0x8000004F;
	[dreg:$0x1] =	wrdreg $0xFFFFFFFF  }
0xa7: {  	s28 =	simm.s32 $_size_execute0_lowered;
	s2 =	sadd.s32 s2, s4;
	[dreg:$0x0] =	wrdreg $0x0  }
0xa8: {  	s4 =	sshll.u32 s28, $0x1;
	[dreg:$0x2] =	wrdreg s2  }
0xa9: {  	[dreg:$0x3] =	wrdreg s4  }
0xaa: {  	[dreg:$0x4] =	wrdreg $0xC0  }
0xab: {  	_ =	task [dreg:s6], $0x5FFFF  }
0xac: {  	[dreg:$0x1] =	wrdreg $0xFFFFFFFF  }
0xad: {  	[dreg:$0x0] =	wrdreg $0x60  }
0xae: {  	[dreg:$0x2] =	wrdreg s24  }
0xaf: {  	[dreg:$0x3] =	wrdreg $0x61E00  }
0xb0: {  	[dreg:$0x4] =	wrdreg $0x9  }
0xb1: {  	_ =	task.clear_ibuf [dreg:s6], $0x5FFFF;
	_ =	strace $0x9000004F  }
0xb2: {  	s29 =	simm.s32 $0x9;
	_ =	strace $0x80000051  }
0xb3: {  	_ =	swait.ge [sflag:s29], $0x1  }
0xb4: {  	[sflag:s29] =	ssyncadd.s32 $0xFFFFFFFF  }
0xb5: {  	_ =	strace $0x90000051  }
0xb6: {  	_ =	sfence  }
0xb7: {  	s30 =	sld [smem:$0x0];
	_ =	sdelay $0x2  }
0xb8: {  	s31 =	sshll.u32 s1, $0xD;
	s1 =	sshrl.u32 s1, $0x2  }
0xb9: {  	s3 =	sand.u32 $0x4000, s31;
	s1 =	sadd.s32 s1, s30  }
0xba: {  	s0 =	sor.u32 s3, s0;
	s1 =	sshll.u32 s1, $0x11  }
0xbb: {  	s0 =	sor.u32 s1, s0  }
0xbc: {  	s0 =	sadd.s32 $0x8F2B, s0  }
0xbd: {  	[sflag:s0] =	ssyncadd.remote.s32 $0x1  }
0xbe: {  	_ =	sfence.sel $0xFFFF  }
0xbf: {  	[dreg:$0x0] =	wrdreg $0xFFFFFFFF;
	(pc) =	sbr.abs _section_cstart, $3  }
0xc0: {  	[dreg:$0x1] =	wrdreg $0xFFFFFFFF  }
0xc1: {  	_ =	task.clear_ibuf [dreg:s6], $0x2FFFF;
	_ =	strace $0x9FFFFFFF  }
0xc2: {  	(tm) =	ssettm $0x7FFFFFFF  }
0xc3: {  	_ =	shalt  }
tec
execute0_lowered:
.L_overlay_start_1:
0x0: {  	(tag) =	ssettag $0x1  }
0x1: {  	s0 =	rddreg [dreg:$0x0]  }
0x2: {  	s1 =	rddreg [dreg:$0x1];
	s14 =	stileid.u32  }
0x3: {  	s2 =	simm.s32 $0x0;
	s3 =	srdreg.scid;
	s24 =	smul.u32 $0x64000, s14  }
0x4: {  	[smem:$0x7FF] =	sst s2;
	s5 =	sand.u32 $0x1, s3;
	s28 =	smul.u32 $0x19000, s14  }
0x5: {  	s4 =	sshll.u32 s14, $0x1;
	s3 =	sadd.s32 $0x12EE00, s0;
	s21 =	smul.u32 $0x62C0, s14  }
0x6: {  	s6 =	sadd.s32 $0xCC200, s0;
	s8 =	sadd.s32 $0x6600, s0;
	s29 =	smul.u32 $0x190000, s5  }
0x7: {  	s7 =	sor.u32 s5, s4;
	s9 =	ssub.s32 $0x2, s5;
	s5 =	smul.u32 $0x3160, s5  }
0x8: {  	s14 =	simm.s32 $0x271;
	_ =	strace $0x80000050;
	s10 =	smul.u32 $0x18B00, s7  }
0x9: {  	s4 =	sadd.s32 $0x1C4E00, s0;
	s22 =	sshrl.u32 s9, $0x1;
	s7 =	smul.u32 $0x3160, s7  }
0xa: {  	s26 =	sshrl.u32 s24, $0x2;
	s15 =	sadd.s32 $0x1900, s28;
	s12 =	sadd.s32 s1, s28  }
0xb: {  	s0 =	ssub.s32 s9, s22;
	s12 =	sadd.s32 $0x3200, s12;
	s11 =	sadd.s32 s6, s7  }
0xc: {  	s23 =	sadd.s32 $0x278, s10;
	s7 =	sadd.s32 s8, s7;
	[dreg:$0x3] =	wrdreg s11  }
0xd: {  	s0 =	smax.u32 s0, $0x1;
	s10 =	sadd.s32 s29, s28;
	[dreg:$0x4] =	wrdreg s7  }
0xe: {  	s25 =	sshrl.u32 s23, $0x3;
	[dreg:$0x7] =	wrdreg s0;
	s11 =	sadd.s32 s15, s1  }
0xf: {  	s0 =	sadd.s32 s29, s15;
	s23 =	sadd.s32 $0x4B00, s10;
	s24 =	sshrl.u32 s10, $0x3  }
0x10: {  	s15 =	simm.s32 $0x3AD0;
	s9 =	sadd.s32 s6, s25;
	s7 =	sadd.s32 s8, s25  }
0x11: {  	s6 =	sadd.s32 s21, s6;
	s0 =	sshrl.u32 s0, $0x3;
	[dreg:$0x5] =	wrdreg s9  }
0x12: {  	s25 =	sadd.s32 $0x3200, s10;
	s10 =	simm.s32 $0x1;
	[dreg:$0x6] =	wrdreg s7  }
0x13: {  	s9 =	sadd.s32 s26, s1;
	s1 =	sadd.s32 s21, s8;
	s0 =	sadd.s32 s4, s0  }
0x14: {  	[dreg:$0x10] =	wrdreg s25;
	s7 =	simm.s32 $0x278;
	s8 =	simm.s32 $0xC58  }
0x15: {  	s13 =	sadd.s32 $0x4B00, s9;
	s16 =	sadd.s32 $0x6400, s9;
	[dreg:$0xf] =	wrdreg s0  }
0x16: {  	s17 =	sadd.s32 $0x7D00, s9;
	s18 =	sadd.s32 $0x9600, s9;
	[dreg:$0x8] =	wrdreg s16  }
0x17: {  	s19 =	sadd.s32 $0xAF00, s9;
	s20 =	sadd.s32 $0xC800, s9;
	[dreg:$0x9] =	wrdreg s17  }
0x18: {  	s22 =	sadd.s32 $0xE100, s9;
	s21 =	sadd.s32 s5, s1;
	[dreg:$0xa] =	wrdreg s18  }
0x19: {  	s1 =	sshrl.u32 s23, $0x3;
	s26 =	sadd.s32 $0xFA00, s9;
	[dreg:$0xb] =	wrdreg s19  }
0x1a: {  	s28 =	sadd.s32 $0x11300, s9;
	s29 =	sadd.s32 $0x12C00, s9;
	[dreg:$0xc] =	wrdreg s20  }
0x1b: {  	s30 =	sadd.s32 $0x14500, s9;
	s31 =	sadd.s32 $0x15E00, s9;
	[dreg:$0xd] =	wrdreg s22  }
0x1c: {  	s0 =	sadd.s32 $0x17700, s9;
	s23 =	simm.s32 $0x0;
	[dreg:$0x11] =	wrdreg s26  }
.Ltmp0:
0x1d: {  	s20 =	sadd.s32 s5, s6;
	[dreg:$0x12] =	wrdreg s28;
	(pc) =	sbr.rel .LBB2_1-.Ltmp0, $4  }
0x1e: {  	s5 =	sadd.s32 s4, s24;
	s24 =	sadd.s32 s1, s4;
	[dreg:$0x13] =	wrdreg s29  }
0x1f: {  	s1 =	simm.s32 $0x13C0;
	s6 =	simm.s32 $0x9E0;
	s16 =	simm.s32 $0x2  }
0x20: {  	s17 =	simm.s32 $0x4F0;
	s18 =	simm.s32 $0xED0;
	s19 =	simm.s32 $0x768  }
0x21: {  	v0 =	vimm.f32 $0.0e+00;
	s22 =	simm.s32 $0x1148;
	[dreg:$0xe] =	wrdreg s5;
	s5 =	simm.s32 $0x3  }
.LBB2_9:
0x22: {  	_ =	swait.ge [sflag:s16], $0x1900  }
0x23: {  	s23 =	sadd.s32 $0x1, s23;
	s25 =	rddreg [dreg:$0x7]  }
0x24: {  	p0 =	sne.s32 s23, s25  }
.Ltmp1:
0x25: {  	_ = 	snop;
	(pc) =	sbr.rel @!p0 .LBB2_10-.Ltmp1, $3  }
0x26: {  	_ =	sdelay $0x1  }
0x27: {  	[sflag:s16] =	ssyncset.done $0x0  }
0x28: {  	[sflag:s16] =	ssyncadd.s32 $0xFFFFE700  }
.LBB2_1:
0x29: {  	s25 =	simm.s32 $0x40;
	s26 =	simm.s32 $0x0  }
.LBB2_2:
0x2a: {  	p0 =	sne.s32 s25, $0x63C0;
	[tilespmem:s26+$0x13C0] =	vst v0;
	s26 =	smov.u32 s25;
	s25 =	sadd.s32 $0x40, s25  }
.Ltmp2:
0x2b: {  	(pc) =	sbr.rel @p0 .LBB2_2-.Ltmp2, $2  }
0x2c: {  	_ =	sdelay $0x2  }
0x2d: {  	s26 =	sshra.s32 s26, $0x2  }
0x2e: {  	[tilespmem:s26+$0x13C0] =	vst v0  }
0x2f: {  	[spmem:s9] =	stream.linear.scatter [tilespmem:s1], [sflag:$0x3], $0x1900, $0x38;
	[tilespmem:$0x1F1E0] =	vst v63  }
0x30: {  	_ = 	snop  }
0x31: {  	[spmem:s11] =	stream.linear.scatter [tilespmem:s1], [sflag:$0x3], $0x1900, $0x38;
	[tilespmem:$0x1F1E0] =	vst v63  }
0x32: {  	_ = 	snop  }
0x33: {  	[spmem:s12] =	stream.linear.scatter [tilespmem:s1], [sflag:$0x3], $0x1900, $0x38;
	[tilespmem:$0x1F1E0] =	vst v63  }
0x34: {  	_ = 	snop  }
0x35: {  	[spmem:s13] =	stream.linear.scatter [tilespmem:s1], [sflag:$0x3], $0x1900, $0x38;
	[tilespmem:$0x1F1E0] =	vst v63  }
0x36: {  	s25 =	rddreg [dreg:$0x8]  }
0x37: {  	[spmem:s25] =	stream.linear.scatter [tilespmem:s1], [sflag:$0x3], $0x1900, $0x38;
	[tilespmem:$0x1F1E0] =	vst v63  }
0x38: {  	s29 =	rddreg [dreg:$0x9]  }
0x39: {  	[spmem:s29] =	stream.linear.scatter [tilespmem:s1], [sflag:$0x3], $0x1900, $0x38;
	[tilespmem:$0x1F1E0] =	vst v63  }
0x3a: {  	s26 =	rddreg [dreg:$0xa]  }
0x3b: {  	[spmem:s26] =	stream.linear.scatter [tilespmem:s1], [sflag:$0x3], $0x1900, $0x38;
	[tilespmem:$0x1F1E0] =	vst v63  }
0x3c: {  	s28 =	rddreg [dreg:$0xb]  }
0x3d: {  	[spmem:s28] =	stream.linear.scatter [tilespmem:s1], [sflag:$0x3], $0x1900, $0x38;
	[tilespmem:$0x1F1E0] =	vst v63  }
0x3e: {  	s29 =	rddreg [dreg:$0xc]  }
0x3f: {  	[spmem:s29] =	stream.linear.scatter [tilespmem:s1], [sflag:$0x3], $0x1900, $0x38;
	[tilespmem:$0x1F1E0] =	vst v63  }
0x40: {  	s26 =	rddreg [dreg:$0xd]  }
0x41: {  	[spmem:s26] =	stream.linear.scatter [tilespmem:s1], [sflag:$0x3], $0x1900, $0x38;
	[tilespmem:$0x1F1E0] =	vst v63  }
0x42: {  	s28 =	rddreg [dreg:$0x11]  }
0x43: {  	[spmem:s28] =	stream.linear.scatter [tilespmem:s1], [sflag:$0x3], $0x1900, $0x38;
	[tilespmem:$0x1F1E0] =	vst v63  }
0x44: {  	s29 =	rddreg [dreg:$0x12]  }
0x45: {  	[spmem:s29] =	stream.linear.scatter [tilespmem:s1], [sflag:$0x3], $0x1900, $0x38;
	[tilespmem:$0x1F1E0] =	vst v63  }
0x46: {  	s26 =	rddreg [dreg:$0x13]  }
0x47: {  	[spmem:s26] =	stream.linear.scatter [tilespmem:s1], [sflag:$0x3], $0x1900, $0x38;
	[tilespmem:$0x1F1E0] =	vst v63  }
0x48: {  	_ = 	snop  }
0x49: {  	[spmem:s30] =	stream.linear.scatter [tilespmem:s1], [sflag:$0x3], $0x1900, $0x38;
	[tilespmem:$0x1F1E0] =	vst v63  }
0x4a: {  	_ = 	snop  }
0x4b: {  	[spmem:s31] =	stream.linear.scatter [tilespmem:s1], [sflag:$0x3], $0x1900, $0x38;
	[tilespmem:$0x1F1E0] =	vst v63  }
0x4c: {  	_ = 	snop  }
0x4d: {  	[spmem:s0] =	stream.linear.scatter [tilespmem:s1], [sflag:$0x3], $0x1900, $0x38;
	[tilespmem:$0x1F1E0] =	vst v63  }
0x4e: {  	_ =	swait.ge [sflag:s5], $0x1900  }
0x4f: {  	[sflag:s5] =	ssyncset.done $0x0  }
0x50: {  	[sflag:s5] =	ssyncadd.s32 $0xFFFFE700  }
0x51: {  	_ =	swait.ge [sflag:s5], $0x1900  }
0x52: {  	[sflag:s5] =	ssyncset.done $0x0  }
0x53: {  	[sflag:s5] =	ssyncadd.s32 $0xFFFFE700  }
0x54: {  	_ =	swait.ge [sflag:s5], $0x1900  }
0x55: {  	[sflag:s5] =	ssyncset.done $0x0  }
0x56: {  	[sflag:s5] =	ssyncadd.s32 $0xFFFFE700  }
0x57: {  	_ =	swait.ge [sflag:s5], $0x1900  }
0x58: {  	[sflag:s5] =	ssyncset.done $0x0  }
0x59: {  	[sflag:s5] =	ssyncadd.s32 $0xFFFFE700  }
0x5a: {  	_ =	swait.ge [sflag:s5], $0x1900  }
0x5b: {  	[sflag:s5] =	ssyncset.done $0x0  }
0x5c: {  	[sflag:s5] =	ssyncadd.s32 $0xFFFFE700  }
0x5d: {  	_ =	swait.ge [sflag:s5], $0x1900  }
0x5e: {  	[sflag:s5] =	ssyncset.done $0x0  }
0x5f: {  	[sflag:s5] =	ssyncadd.s32 $0xFFFFE700  }
0x60: {  	_ =	swait.ge [sflag:s5], $0x1900  }
0x61: {  	[sflag:s5] =	ssyncset.done $0x0  }
0x62: {  	[sflag:s5] =	ssyncadd.s32 $0xFFFFE700  }
0x63: {  	_ =	swait.ge [sflag:s5], $0x1900  }
0x64: {  	[sflag:s5] =	ssyncset.done $0x0  }
0x65: {  	[sflag:s5] =	ssyncadd.s32 $0xFFFFE700  }
0x66: {  	_ =	swait.ge [sflag:s5], $0x1900  }
0x67: {  	[sflag:s5] =	ssyncset.done $0x0  }
0x68: {  	[sflag:s5] =	ssyncadd.s32 $0xFFFFE700  }
0x69: {  	_ =	swait.ge [sflag:s5], $0x1900  }
0x6a: {  	[sflag:s5] =	ssyncset.done $0x0  }
0x6b: {  	[sflag:s5] =	ssyncadd.s32 $0xFFFFE700  }
0x6c: {  	_ =	swait.ge [sflag:s5], $0x1900  }
0x6d: {  	[sflag:s5] =	ssyncset.done $0x0  }
0x6e: {  	[sflag:s5] =	ssyncadd.s32 $0xFFFFE700  }
0x6f: {  	_ =	swait.ge [sflag:s5], $0x1900  }
0x70: {  	[sflag:s5] =	ssyncset.done $0x0  }
0x71: {  	[sflag:s5] =	ssyncadd.s32 $0xFFFFE700  }
0x72: {  	_ =	swait.ge [sflag:s5], $0x1900  }
0x73: {  	[sflag:s5] =	ssyncset.done $0x0  }
0x74: {  	[sflag:s5] =	ssyncadd.s32 $0xFFFFE700  }
0x75: {  	_ =	swait.ge [sflag:s5], $0x1900  }
0x76: {  	[sflag:s5] =	ssyncset.done $0x0  }
0x77: {  	[sflag:s5] =	ssyncadd.s32 $0xFFFFE700  }
0x78: {  	_ =	swait.ge [sflag:s5], $0x1900  }
0x79: {  	[sflag:s5] =	ssyncset.done $0x0  }
0x7a: {  	[sflag:s5] =	ssyncadd.s32 $0xFFFFE700  }
0x7b: {  	_ =	swait.ge [sflag:s5], $0x1900  }
0x7c: {  	[sflag:s5] =	ssyncset.done $0x0  }
0x7d: {  	[sflag:s5] =	ssyncadd.s32 $0xFFFFE700  }
0x7e: {  	[bflag:$0x0] =	sbarrier.arrive $0xFFFF  }
0x7f: {  	s26 =	simm.s32 $0x0;
	s28 =	rddreg [dreg:$0x3]  }
0x80: {  	[tilespmem:s26], [sflag:$0x1] =	stream.linear.gather [hbm4b:s28+s26], $0x278, $0x38;
	[tilespmem:$0x1F1E0] =	vst v63  }
0x81: {  	s29 =	rddreg [dreg:$0x4]  }
0x82: {  	[tilespmem:s6], [sflag:$0x1] =	stream.linear.gather [hbm4b:s29+s26], $0x278, $0x38;
	[tilespmem:$0x1F1E0] =	vst v63  }
0x83: {  	s28 =	rddreg [dreg:$0x5]  }
0x84: {  	[tilespmem:s7], [sflag:$0x1] =	stream.linear.gather [hbm4b:s28+s26], $0x278, $0x38;
	[tilespmem:$0x1F1E0] =	vst v63  }
0x85: {  	s29 =	rddreg [dreg:$0x6]  }
0x86: {  	[tilespmem:s8], [sflag:$0x1] =	stream.linear.gather [hbm4b:s29+s26], $0x278, $0x38;
	[tilespmem:$0x1F1E0] =	vst v63  }
0x87: {  	_ =	swait.ge [sflag:s10], $0x278  }
0x88: {  	[sflag:s10] =	ssyncset.done $0x0  }
0x89: {  	[sflag:s10] =	ssyncadd.s32 $0xFFFFFD88  }
0x8a: {  	_ =	swait.ge [sflag:s10], $0x278  }
0x8b: {  	[sflag:s10] =	ssyncset.done $0x0  }
0x8c: {  	[sflag:s10] =	ssyncadd.s32 $0xFFFFFD88  }
0x8d: {  	[tilespmem:s1], [sflag:$0x2] =	stream.indirect.gather [hbm4b:s3+s14], $0x10, s26, s14, $0xb8;
	[tilespmem:$0x1F1E0] =	vst v63  }
.LBB2_4:
0x8e: {  	_ =	swait.ge [sflag:s10], $0x278  }
0x8f: {  	[sflag:s10] =	ssyncset.done $0x0  }
0x90: {  	[sflag:s10] =	ssyncadd.s32 $0xFFFFFD88  }
0x91: {  	_ =	swait.ge [sflag:s10], $0x278  }
0x92: {  	[sflag:s10] =	ssyncset.done $0x0  }
0x93: {  	[sflag:s10] =	ssyncadd.s32 $0xFFFFFD88  }
0x94: {  	[tilespmem:s15], [sflag:$0x2] =	stream.indirect.gather [hbm4b:s3+s14], $0x10, s7, s14, $0xb8;
	[tilespmem:$0x1F1E0] =	vst v63  }
0x95: {  	_ =	swait.ge [sflag:s16], $0x2710  }
0x96: {  	s28 =	sadd.s32 s26, s20;
	[sflag:s16] =	ssyncset.done $0x0  }
0x97: {  	s25 =	sadd.s32 $0x9E, s28;
	[sflag:s16] =	ssyncadd.s32 $0xFFFFD8F0  }
0x98: {  	[tilespmem:s17], [sflag:$0x1] =	stream.linear.gather [hbm4b:s25+s2], $0x278, $0x38;
	[tilespmem:$0x1F1E0] =	vst v63  }
0x99: {  	s25 =	sadd.s32 s26, s21  }
0x9a: {  	s29 =	sadd.s32 $0x9E, s25  }
0x9b: {  	[tilespmem:s18], [sflag:$0x1] =	stream.linear.gather [hbm4b:s29+s2], $0x278, $0x38;
	[tilespmem:$0x1F1E0] =	vst v63  }
0x9c: {  	_ =	swait.ge [sflag:s10], $0x278  }
0x9d: {  	[sflag:s10] =	ssyncset.done $0x0  }
0x9e: {  	[sflag:s10] =	ssyncadd.s32 $0xFFFFFD88  }
0x9f: {  	_ =	swait.ge [sflag:s10], $0x278  }
0xa0: {  	[sflag:s10] =	ssyncset.done $0x0  }
0xa1: {  	[sflag:s10] =	ssyncadd.s32 $0xFFFFFD88  }
0xa2: {  	[tilespmem:s1], [sflag:$0x2] =	stream.indirect.gather [hbm4b:s3+s14], $0x10, s17, s14, $0xb8;
	[tilespmem:$0x1F1E0] =	vst v63  }
0xa3: {  	_ =	swait.ge [sflag:s16], $0x2710  }
0xa4: {  	[sflag:s16] =	ssyncset.done $0x0  }
0xa5: {  	s29 =	sadd.s32 $0xED, s28;
	[sflag:s16] =	ssyncadd.s32 $0xFFFFD8F0  }
0xa6: {  	[tilespmem:s19], [sflag:$0x1] =	stream.linear.gather [hbm4b:s29+s2], $0x278, $0x38;
	[tilespmem:$0x1F1E0] =	vst v63  }
0xa7: {  	s29 =	sadd.s32 $0xED, s25  }
0xa8: {  	[tilespmem:s22], [sflag:$0x1] =	stream.linear.gather [hbm4b:s29+s2], $0x278, $0x38;
	[tilespmem:$0x1F1E0] =	vst v63  }
0xa9: {  	_ =	swait.ge [sflag:s10], $0x278  }
0xaa: {  	[sflag:s10] =	ssyncset.done $0x0  }
0xab: {  	[sflag:s10] =	ssyncadd.s32 $0xFFFFFD88  }
0xac: {  	_ =	swait.ge [sflag:s10], $0x278  }
0xad: {  	p0 =	seq.s32 s26, $0x3024;
	[sflag:s10] =	ssyncset.done $0x0  }
.Ltmp3:
0xae: {  	[sflag:s10] =	ssyncadd.s32 $0xFFFFFD88;
	(pc) =	sbr.rel @p0 .LBB2_6-.Ltmp3, $4  }
0xaf: {  	[tilespmem:s15], [sflag:$0x2] =	stream.indirect.gather [hbm4b:s3+s14], $0x10, s19, s14, $0xb8;
	[tilespmem:$0x1F1E0] =	vst v63  }
0xb0: {  	_ =	swait.ge [sflag:s16], $0x2710  }
0xb1: {  	[sflag:s16] =	ssyncset.done $0x0  }
0xb2: {  	[sflag:s16] =	ssyncadd.s32 $0xFFFFD8F0  }
0xb3: {  	s29 =	sadd.s32 $0x13C, s28  }
0xb4: {  	[tilespmem:s2], [sflag:$0x1] =	stream.linear.gather [hbm4b:s29+s2], $0x278, $0x38;
	[tilespmem:$0x1F1E0] =	vst v63  }
0xb5: {  	s29 =	sadd.s32 $0x13C, s25  }
0xb6: {  	[tilespmem:s6], [sflag:$0x1] =	stream.linear.gather [hbm4b:s29+s2], $0x278, $0x38;
	[tilespmem:$0x1F1E0] =	vst v63  }
0xb7: {  	_ =	swait.ge [sflag:s10], $0x278  }
0xb8: {  	[sflag:s10] =	ssyncset.done $0x0  }
0xb9: {  	[sflag:s10] =	ssyncadd.s32 $0xFFFFFD88  }
0xba: {  	_ =	swait.ge [sflag:s10], $0x278  }
0xbb: {  	[sflag:s10] =	ssyncset.done $0x0  }
0xbc: {  	[sflag:s10] =	ssyncadd.s32 $0xFFFFFD88  }
0xbd: {  	[tilespmem:s1], [sflag:$0x2] =	stream.indirect.gather [hbm4b:s3+s14], $0x10, s2, s14, $0xb8;
	[tilespmem:$0x1F1E0] =	vst v63  }
0xbe: {  	_ =	swait.ge [sflag:s16], $0x2710  }
.Ltmp4:
0xbf: {  	[sflag:s16] =	ssyncset.done $0x0;
	(pc) =	sbr.rel .LBB2_4-.Ltmp4, $4  }
0xc0: {  	s29 =	sadd.s32 $0x18B, s28;
	[sflag:s16] =	ssyncadd.s32 $0xFFFFD8F0  }
0xc1: {  	[tilespmem:s7], [sflag:$0x1] =	stream.linear.gather [hbm4b:s29+s2], $0x278, $0x38;
	[tilespmem:$0x1F1E0] =	vst v63  }
0xc2: {  	s26 =	sadd.s32 $0x13C, s26;
	s29 =	sadd.s32 $0x18B, s25  }
0xc3: {  	[tilespmem:s8], [sflag:$0x1] =	stream.linear.gather [hbm4b:s29+s2], $0x278, $0x38;
	[tilespmem:$0x1F1E0] =	vst v63  }
.LBB2_6:
0xc4: {  	_ =	swait.ge [sflag:s16], $0x2710  }
0xc5: {  	[sflag:s16] =	ssyncset.done $0x0  }
0xc6: {  	[sflag:s16] =	ssyncadd.s32 $0xFFFFD8F0  }
0xc7: {  	[bflag:$0x0] =	sbarrier.arrive $0xFFFF  }
0xc8: {  	[tilespmem:s1], [sflag:$0x3] =	stream.linear.gather [spmem:s9], $0x1900, $0x38;
	[tilespmem:$0x1F1E0] =	vst v63  }
0xc9: {  	_ =	swait.ge [sflag:s5], $0x1900  }
0xca: {  	[sflag:s5] =	ssyncset.done $0x0  }
0xcb: {  	s25 =	simm.s32 $0x0;
	s26 =	rddreg [dreg:$0xe];
	[sflag:s5] =	ssyncadd.s32 $0xFFFFE700  }
0xcc: {  	[hbm4b:s26+s25] =	stream.linear.scatter [tilespmem:s1], [sflag:$0x2], $0x1900, $0x38;
	[tilespmem:$0x1F1E0] =	vst v63  }
0xcd: {  	_ = 	snop  }
0xce: {  	[tilespmem:s15], [sflag:$0x3] =	stream.linear.gather [spmem:s11], $0x1900, $0x38;
	[tilespmem:$0x1F1E0] =	vst v63  }
0xcf: {  	_ =	swait.ge [sflag:s5], $0x1900  }
0xd0: {  	[sflag:s5] =	ssyncset.done $0x0  }
0xd1: {  	s29 =	rddreg [dreg:$0xf];
	[sflag:s5] =	ssyncadd.s32 $0xFFFFE700  }
0xd2: {  	[hbm4b:s29+s25] =	stream.linear.scatter [tilespmem:s15], [sflag:$0x2], $0x1900, $0x38;
	[tilespmem:$0x1F1E0] =	vst v63  }
0xd3: {  	_ =	swait.ge [sflag:s16], $0x1900  }
0xd4: {  	[sflag:s16] =	ssyncset.done $0x0  }
0xd5: {  	s28 =	smov.u32 s13;
	s26 =	rddreg [dreg:$0x10];
	[sflag:s16] =	ssyncadd.s32 $0xFFFFE700  }
0xd6: {  	[tilespmem:s1], [sflag:$0x3] =	stream.linear.gather [spmem:s12], $0x1900, $0x38;
	[tilespmem:$0x1F1E0] =	vst v63  }
.LBB2_7:
0xd7: {  	_ =	swait.ge [sflag:s5], $0x1900  }
0xd8: {  	s29 =	sshrl.u32 s26, $0x3;
	[sflag:s5] =	ssyncset.done $0x0  }
0xd9: {  	s29 =	sadd.s32 s4, s29;
	[sflag:s5] =	ssyncadd.s32 $0xFFFFE700  }
0xda: {  	[hbm4b:s29+s2] =	stream.linear.scatter [tilespmem:s1], [sflag:$0x2], $0x1900, $0x38;
	[tilespmem:$0x1F1E0] =	vst v63  }
0xdb: {  	_ =	swait.ge [sflag:s16], $0x1900  }
0xdc: {  	[sflag:s16] =	ssyncset.done $0x0  }
0xdd: {  	[sflag:s16] =	ssyncadd.s32 $0xFFFFE700  }
0xde: {  	[tilespmem:s15], [sflag:$0x3] =	stream.linear.gather [spmem:s28], $0x1900, $0x38;
	[tilespmem:$0x1F1E0] =	vst v63  }
0xdf: {  	_ =	swait.ge [sflag:s5], $0x1900  }
0xe0: {  	p0 =	seq.s32 s25, $0x2580;
	[sflag:s5] =	ssyncset.done $0x0  }
.Ltmp5:
0xe1: {  	s29 =	sadd.s32 s25, s24;
	[sflag:s5] =	ssyncadd.s32 $0xFFFFE700;
	(pc) =	sbr.rel @p0 .LBB2_9-.Ltmp5, $4  }
0xe2: {  	[hbm4b:s29+s2] =	stream.linear.scatter [tilespmem:s15], [sflag:$0x2], $0x1900, $0x38;
	[tilespmem:$0x1F1E0] =	vst v63  }
0xe3: {  	_ =	swait.ge [sflag:s16], $0x1900  }
0xe4: {  	[sflag:s16] =	ssyncset.done $0x0  }
0xe5: {  	[sflag:s16] =	ssyncadd.s32 $0xFFFFE700  }
.Ltmp6:
0xe6: {  	(pc) =	sbr.rel .LBB2_7-.Ltmp6, $4  }
0xe7: {  	_ = 	snop  }
0xe8: {  	s29 =	sadd.s32 $0x1900, s28  }
0xe9: {  	s25 =	sadd.s32 $0x640, s25;
	s28 =	sadd.s32 $0x3200, s28;
	s26 =	sadd.s32 $0x3200, s26  }
0xea: {  	[tilespmem:s1], [sflag:$0x3] =	stream.linear.gather [spmem:s29], $0x1900, $0x38;
	[tilespmem:$0x1F1E0] =	vst v63  }
.LBB2_10:
0xeb: {  	_ =	sfence.sel $0x180000  }
0xec: {  	[bflag:$0x0] =	sbarrier.arrive $0xFFFF  }
0xed: {  	_ =	strace $0x90000050  }
0xee: {  	s0 =	stileid.u32;
	[bflag:$0x2] =	sbarrier.arrive $0xFFFF  }
0xef: {  	p0 =	sne.s32 s0, $0x0;
	s0 =	rddreg [dreg:$0x2]  }
0xf0: {  	s0 =	sadd.s32 @!p0 $0x100000, s0  }
0xf1: {  	[sflag:s0] =	ssyncadd.tile.s32 @!p0 $0x1;
	_ =	shalt  }
.Lfunc_end2:
_tile_overlayer_lowered:
.L_overlay_start_2:
0xf2: {  	(tag) =	ssettag $0x2  }
0xf3: {  	s0 =	rddreg [dreg:$0x0];
	s2 =	stileid.u32  }
0xf4: {  	s1 =	rddreg [dreg:$0x1];
	p0 =	sne.s32 s2, $0x0  }
0xf5: {  	s3 =	rddreg [dreg:$0x2];
	[bflag:$0x3] =	sbarrier.arrive $0xFFFF;
	s2 =	simm.s32 @!p0 $0x1C04  }
0xf6: {  	[timem:s3], [sflag:s2] =	dma.local @!p0 [hbm:s0], s1  }
0xf7: {  	s0 =	simm.s32 @!p0 $0x4  }
0xf8: {  	_ =	swait.ge @!p0 [sflag:s0], s1  }
0xf9: {  	s1 =	ssub.s32 @!p0 $0x0, s1;
	[sflag:s0] =	ssyncset.done @!p0 $0x0  }
0xfa: {  	[sflag:s0] =	ssyncadd.s32 @!p0 s1  }
0xfb: {  	[bflag:$0x3] =	sbarrier.arrive $0xFFFF  }
0xfc: {  	_ =	shalt  }

</sc_bundles>
